<compile_context>
chip_gen: v7x
topology: tpu7x:2x2x1
jax: 0.10.2.dev20260603
libtpu: 0.0.44.dev20260713+nightly
codegen_flags: <defaults>
</compile_context>

<pallas_src>
import functools

import jax
import jax.numpy as jnp
from jax import lax
from jax.experimental import pallas as pl
from jax.experimental.pallas import tpu as pltpu
from jax.experimental.pallas import tpu_sc as plsc

N = 10000
E = 320000
D = 128
NS = 16
NC = 2
NPAD = 10240
WSEG = NPAD // NS
ECH = 128
NCHP = 2560
EPAD = NCHP * ECH
NB = NCHP // NS
RPW = NPAD // NS
KB = 8
NGRP = NCHP // KB
GSUB = NGRP // NS

_MESH = plsc.VectorSubcoreMesh(
    core_axis_name="c", subcore_axis_name="s", num_cores=NC, num_subcores=NS)


def _deg_body(s0, d0, s1, d1, ones_hbm, zeros_hbm, deg_out,
              dout_sh, din_sh, ones_v, six0, six1, dix0, dix1,
              ls0, ls1, as0, as1):
    c = lax.axis_index("c")
    s = lax.axis_index("s")
    seg = pl.ds(s * WSEG, WSEG)
    pltpu.sync_copy(zeros_hbm, dout_sh.at[seg])
    pltpu.sync_copy(zeros_hbm, din_sh.at[seg])
    pltpu.sync_copy(ones_hbm, ones_v)
    plsc.subcore_barrier()

    def run(src_hbm, dst_hbm):
        sixs = (six0, six1)
        dixs = (dix0, dix1)
        lsems = (ls0, ls1)
        asems = (as0, as1)

        def load(i, p):
            g = s + i * NS
            pltpu.async_copy(src_hbm.at[pl.ds(g * KB, KB)], sixs[p], lsems[p])
            pltpu.async_copy(dst_hbm.at[pl.ds(g * KB, KB)], dixs[p], lsems[p])

        def wait_load(p):
            for _ in range(2):
                pltpu.make_async_copy(src_hbm.at[pl.ds(0, KB)], sixs[p],
                                      lsems[p]).wait()

        def fire(p):
            for k in range(KB):
                pltpu.async_copy(ones_v, dout_sh.at[sixs[p].at[k]], asems[p],
                                 add=True)
                pltpu.async_copy(ones_v, din_sh.at[dixs[p].at[k]], asems[p],
                                 add=True)

        def drain(p):
            for _ in range(2 * KB):
                pltpu.make_async_copy(ones_v, dout_sh.at[pl.ds(0, ECH)],
                                      asems[p]).wait()

        load(0, 0)
        load(1, 1)

        def body(i, carry):
            t0 = 2 * i
            wait_load(0)
            fire(0)
            wait_load(1)
            fire(1)
            drain(0)

            @pl.when(t0 + 2 < GSUB)
            def _():
                load(t0 + 2, 0)

            drain(1)

            @pl.when(t0 + 3 < GSUB)
            def _():
                load(t0 + 3, 1)

            return carry

        lax.fori_loop(0, GSUB // 2, body, 0)

    @pl.when(c == 0)
    def _():
        run(s0, d0)

    @pl.when(c == 1)
    def _():
        run(s1, d1)

    plsc.subcore_barrier()

    @pl.when(c == 0)
    def _():
        pltpu.sync_copy(dout_sh.at[seg], deg_out.at[0, seg])
        pltpu.sync_copy(din_sh.at[seg], deg_out.at[1, seg])

    @pl.when(c == 1)
    def _():
        pltpu.sync_copy(dout_sh.at[seg], deg_out.at[2, seg])
        pltpu.sync_copy(din_sh.at[seg], deg_out.at[3, seg])


@functools.partial(
    pl.kernel,
    out_type=jax.ShapeDtypeStruct((4, NPAD), jnp.float32),
    mesh=_MESH,
    scratch_types=[
        pltpu.VMEM_SHARED((NPAD,), jnp.float32),
        pltpu.VMEM_SHARED((NPAD,), jnp.float32),
        pltpu.VMEM((ECH,), jnp.float32),
        pltpu.VMEM((KB, ECH), jnp.int32),
        pltpu.VMEM((KB, ECH), jnp.int32),
        pltpu.VMEM((KB, ECH), jnp.int32),
        pltpu.VMEM((KB, ECH), jnp.int32),
        pltpu.SemaphoreType.DMA,
        pltpu.SemaphoreType.DMA,
        pltpu.SemaphoreType.DMA,
        pltpu.SemaphoreType.DMA,
    ],
)
def _deg_call(*args):
    _deg_body(*args)


def _agg_body(h0, h1, s0, d0, s1, d1, z_hbm, agg_out,
              agg_sh, sidx, didx, rows, gs0, gs1, lsa, lsb, ss0, ss1):
    c = lax.axis_index("c")
    s = lax.axis_index("s")
    seg = pl.ds(s * RPW, RPW)
    pltpu.sync_copy(z_hbm, agg_sh.at[seg])
    plsc.subcore_barrier()

    def run(h_hbm, src_hbm, dst_hbm):
        gsems = (gs0, gs1)

        def load_idx(t, q, lsem):
            j = s + t * NS
            pltpu.async_copy(src_hbm.at[j], sidx.at[q], lsem)
            pltpu.async_copy(dst_hbm.at[j], didx.at[q], lsem)

        def drain_idx(lsem):
            for _ in range(4):
                pltpu.make_async_copy(src_hbm.at[0], sidx.at[0], lsem).wait()

        def start_gather(q, p):
            pltpu.async_copy(h_hbm.at[sidx.at[q]], rows.at[p], gsems[p])

        def wait_gather(p):
            pltpu.make_async_copy(h_hbm.at[pl.ds(0, ECH)], rows.at[p],
                                  gsems[p]).wait()

        ssems = (ss0, ss1)

        def start_add(p, q):
            pltpu.async_copy(rows.at[p], agg_sh.at[didx.at[q]], ssems[p],
                             add=True)

        def wait_add(p):
            pltpu.make_async_copy(rows.at[p], agg_sh.at[pl.ds(0, ECH)],
                                  ssems[p]).wait()

        for q in range(4):
            jq = s + q * NS
            pltpu.sync_copy(src_hbm.at[jq], sidx.at[q])
            pltpu.sync_copy(dst_hbm.at[jq], didx.at[q])
        start_gather(0, 0)
        start_gather(1, 1)

        def body(i, carry):
            c0 = 4 * i

            @pl.when(c0 > 0)
            def _():
                drain_idx(lsb)

            wait_gather(0)
            start_add(0, 0)
            wait_gather(1)
            start_add(1, 1)
            wait_add(0)
            start_gather(2, 0)
            wait_add(1)
            start_gather(3, 1)

            @pl.when(c0 + 4 < NB)
            def _():
                load_idx(c0 + 4, 0, lsa)
                load_idx(c0 + 5, 1, lsa)

            wait_gather(0)
            start_add(0, 2)
            wait_gather(1)
            start_add(1, 3)
            wait_add(0)

            @pl.when(c0 + 4 < NB)
            def _():
                drain_idx(lsa)
                start_gather(0, 0)

            wait_add(1)

            @pl.when(c0 + 5 < NB)
            def _():
                start_gather(1, 1)

            @pl.when(c0 + 6 < NB)
            def _():
                load_idx(c0 + 6, 2, lsb)
                load_idx(c0 + 7, 3, lsb)

            return carry

        lax.fori_loop(0, NB // 4, body, 0)

    @pl.when(c == 0)
    def _():
        run(h0, s0, d0)

    @pl.when(c == 1)
    def _():
        run(h1, s1, d1)

    plsc.subcore_barrier()

    @pl.when(c == 0)
    def _():
        pltpu.sync_copy(agg_sh.at[seg], agg_out.at[0, seg])

    @pl.when(c == 1)
    def _():
        pltpu.sync_copy(agg_sh.at[seg], agg_out.at[1, seg])


@functools.partial(
    pl.kernel,
    out_type=jax.ShapeDtypeStruct((2, NPAD, D), jnp.float32),
    mesh=_MESH,
    scratch_types=[
        pltpu.VMEM_SHARED((NPAD, D), jnp.float32),
        pltpu.VMEM((4, ECH), jnp.int32),
        pltpu.VMEM((4, ECH), jnp.int32),
        pltpu.VMEM((2, ECH, D), jnp.float32),
        pltpu.SemaphoreType.DMA,
        pltpu.SemaphoreType.DMA,
        pltpu.SemaphoreType.DMA,
        pltpu.SemaphoreType.DMA,
        pltpu.SemaphoreType.DMA,
        pltpu.SemaphoreType.DMA,
    ],
)
def _agg_call(*args):
    _agg_body(*args)


_RB = 1000
_RBH = 1280


def _h_body(x_ref, w0_ref, w1_ref, r0_ref, r1_ref, h0_ref, h1_ref):
    xb = x_ref[...]
    h0_ref[...] = jnp.dot(xb, w0_ref[...],
                          preferred_element_type=jnp.float32) * r0_ref[...]
    h1_ref[...] = jnp.dot(xb, w1_ref[...],
                          preferred_element_type=jnp.float32) * r1_ref[...]


def _h_call(x, w0, w1, r0c, r1c):
    grid = (NPAD // _RBH,)
    blk = pl.BlockSpec((_RBH, D), lambda i: (i, 0))
    wblk = pl.BlockSpec((D, D), lambda i: (0, 0))
    cblk = pl.BlockSpec((_RBH, 1), lambda i: (i, 0))
    return pl.pallas_call(
        _h_body,
        grid=grid,
        in_specs=[blk, wblk, wblk, cblk, cblk],
        out_specs=[blk, blk],
        out_shape=[jax.ShapeDtypeStruct((NPAD, D), jnp.float32)] * 2,
    )(x, w0, w1, r0c, r1c)


def _fin_body(a0_ref, a1_ref, r0_ref, r1_ref, b0_ref, b1_ref, o_ref):
    o_ref[...] = 0.5 * ((a0_ref[...] * r0_ref[...] + b0_ref[...])
                        + (a1_ref[...] * r1_ref[...] + b1_ref[...]))


def _fin_call(a0, a1, r0c, r1c, b0, b1):
    grid = (N // _RB,)
    blk = pl.BlockSpec((_RB, D), lambda i: (i, 0))
    cblk = pl.BlockSpec((_RB, 1), lambda i: (i, 0))
    bblk = pl.BlockSpec((1, D), lambda i: (0, 0))
    return pl.pallas_call(
        _fin_body,
        grid=grid,
        in_specs=[blk, blk, cblk, cblk, bblk, bblk],
        out_specs=blk,
        out_shape=jax.ShapeDtypeStruct((N, D), jnp.float32),
    )(a0, a1, r0c, r1c, b0, b1)


def kernel(x, edge_index_0, edge_index_1, W0, b0, W1, b1):
    pad = (jnp.arange(EPAD - E, dtype=jnp.int32) % (NPAD - N)) + N
    s0 = jnp.concatenate([edge_index_0[0], pad]).reshape(NCHP, ECH)
    d0 = jnp.concatenate([edge_index_0[1], pad]).reshape(NCHP, ECH)
    s1 = jnp.concatenate([edge_index_1[0], pad]).reshape(NCHP, ECH)
    d1 = jnp.concatenate([edge_index_1[1], pad]).reshape(NCHP, ECH)
    xp = jnp.zeros((NPAD, D), jnp.float32).at[:N].set(x)
    ones_hbm = jnp.ones((ECH,), jnp.float32)
    zeros_hbm = jnp.zeros((WSEG,), jnp.float32)
    z_hbm = jnp.zeros((RPW, D), jnp.float32)

    deg = _deg_call(s0, d0, s1, d1, ones_hbm, zeros_hbm)
    r = lax.rsqrt(jnp.maximum(deg, 1.0))
    rout0 = r[0].reshape(NPAD, 1)
    rout1 = r[2].reshape(NPAD, 1)
    rin0 = r[1, :N].reshape(N, 1)
    rin1 = r[3, :N].reshape(N, 1)

    h0, h1 = _h_call(xp, W0, W1, rout0, rout1)
    agg = _agg_call(h0, h1, s0, d0, s1, d1, z_hbm)
    return _fin_call(agg[0], agg[1], rin0, rin1,
                     b0.reshape(1, D), b1.reshape(1, D))

# --- scband reference (transcript-rebuilt; emitter-appended) ---
"""Pipeline reference for scband-meta-path-encoder-3444563771401 (READ-ONLY COPY).

The authoritative reference and input builder live on the scoring server;
editing this copy changes nothing except your own understanding.
"""

import jax, jax.numpy as jnp
import numpy as np

N = 10000
E = 320000
D_IN = 128
D_OUT = 128


def setup_inputs(seed: int = 0) -> dict:
    key = jax.random.key(seed)
    ks = jax.random.split(key, 8)
    x = jax.random.normal(ks[0], (N, D_IN), dtype=jnp.float32)
    edge_index_0 = jax.random.randint(ks[1], (2, E), 0, N, dtype=jnp.int32)
    edge_index_1 = jax.random.randint(ks[2], (2, E), 0, N, dtype=jnp.int32)
    # GraphConv parameters for each of the 2 metapath-reachable graphs
    W0 = jax.random.normal(ks[3], (D_IN, D_OUT), dtype=jnp.float32) * (1.0 / np.sqrt(D_IN))
    b0 = jnp.zeros((D_OUT,), dtype=jnp.float32)
    W1 = jax.random.normal(ks[4], (D_IN, D_OUT), dtype=jnp.float32) * (1.0 / np.sqrt(D_IN))
    b1 = jnp.zeros((D_OUT,), dtype=jnp.float32)
    return {"x": x, "edge_index_0": edge_index_0, "edge_index_1": edge_index_1,
            "W0": W0, "b0": b0, "W1": W1, "b1": b1}


def _graph_conv(x, src, dst, W, b):
    # DGL GraphConv with norm='both': h = D_in^{-1/2} A (D_out^{-1/2} (X W)) + b
    deg_out = jnp.maximum(jnp.bincount(src, length=N).astype(x.dtype), 1.0)
    deg_in = jnp.maximum(jnp.bincount(dst, length=N).astype(x.dtype), 1.0)
    xw = x @ W
    h = xw * jax.lax.rsqrt(deg_out)[:, None]
    msg = jnp.take(h, src, axis=0)
    agg = jnp.zeros((N, xw.shape[1]), dtype=x.dtype).at[dst].add(msg)
    return agg * jax.lax.rsqrt(deg_in)[:, None] + b


def reference(x, edge_index_0, edge_index_1, W0, b0, W1, b1):
    # Both metapath-reachable graphs live on the same (single) node type, so the
    # per-ntype mean over metapath embeddings is the mean of the two conv outputs.
    h0 = _graph_conv(x, edge_index_0[0], edge_index_0[1], W0, b0)
    h1 = _graph_conv(x, edge_index_1[0], edge_index_1[1], W1, b1)
    return (h0 + h1) * 0.5

if __name__ == "__main__":
    import jax
    _d = setup_inputs()
    print(jax.jit(kernel)(*tuple(_d.values())))

</pallas_src>

<mosaic_0001>
#map = affine_map<(d0, d1) -> (0, 0)>
#map1 = affine_map<(d0, d1) -> (0)>
module attributes {stable_mosaic.version = 14 : i64} {
  func.func @_deg_call(%arg0: i32, %arg1: i32, %arg2: memref<2560x128xi32, #tpu.memory_space<hbm>>, %arg3: memref<2560x128xi32, #tpu.memory_space<hbm>>, %arg4: memref<2560x128xi32, #tpu.memory_space<hbm>>, %arg5: memref<2560x128xi32, #tpu.memory_space<hbm>>, %arg6: memref<128xf32, #tpu.memory_space<hbm>>, %arg7: memref<640xf32, #tpu.memory_space<hbm>>, %arg8: memref<4x10240xf32, #tpu.memory_space<hbm>>, %arg9: memref<10240xf32, #tpu.memory_space<vmem_shared>>, %arg10: memref<10240xf32, #tpu.memory_space<vmem_shared>>, %arg11: memref<128xf32, #tpu.memory_space<vmem>>, %arg12: memref<8x128xi32, #tpu.memory_space<vmem>>, %arg13: memref<8x128xi32, #tpu.memory_space<vmem>>, %arg14: memref<8x128xi32, #tpu.memory_space<vmem>>, %arg15: memref<8x128xi32, #tpu.memory_space<vmem>>, %arg16: memref<!tpu.dma_semaphore, #tpu.memory_space<semaphore_mem>>, %arg17: memref<!tpu.dma_semaphore, #tpu.memory_space<semaphore_mem>>, %arg18: memref<!tpu.dma_semaphore, #tpu.memory_space<semaphore_mem>>, %arg19: memref<!tpu.dma_semaphore, #tpu.memory_space<semaphore_mem>>) attributes {dimension_semantics = [#tpu.dimension_semantics<core_parallel>, #tpu.dimension_semantics<subcore_parallel>], iteration_bounds = array<i64: 2, 16>, scalar_prefetch = 0 : i64, scratch_operands = 11 : i64, tpu.core_type = #tpu.core_type<sc_vector_subcore>, window_params = [{transform_indices = #map}, {transform_indices = #map}, {transform_indices = #map}, {transform_indices = #map}, {transform_indices = #map1}, {transform_indices = #map1}, {transform_indices = #map}]} {
    %mul3A = arith.constant 640 : i32
    %mul3A_0 = arith.muli %arg1, %mul3A : i32
    "tpu.region"() ({
      %run_scoped3A = tpu.sem_alloc : memref<!tpu.dma_semaphore, #tpu.memory_space<semaphore_mem>>
      %dma_start3A = tpu.memref_slice %arg9[%mul3A_0] : memref<10240xf32, #tpu.memory_space<vmem_shared>> -> memref<640xf32, #tpu.memory_space<vmem_shared>>
      tpu.enqueue_dma source(%arg7 : memref<640xf32, #tpu.memory_space<hbm>>) target(%dma_start3A : memref<640xf32, #tpu.memory_space<vmem_shared>>) target_semaphore(%run_scoped3A : memref<!tpu.dma_semaphore, #tpu.memory_space<semaphore_mem>>)
      %dma_wait3A = tpu.memref_slice %arg9[%mul3A_0] : memref<10240xf32, #tpu.memory_space<vmem_shared>> -> memref<640xf32, #tpu.memory_space<vmem_shared>>
      tpu.wait_dma2 semaphore(%run_scoped3A : memref<!tpu.dma_semaphore, #tpu.memory_space<semaphore_mem>>) src(%arg7 : memref<640xf32, #tpu.memory_space<hbm>>) dst(%dma_wait3A : memref<640xf32, #tpu.memory_space<vmem_shared>>)
      tpu.yield
    }) : () -> ()
    "tpu.region"() ({
      %run_scoped3A = tpu.sem_alloc : memref<!tpu.dma_semaphore, #tpu.memory_space<semaphore_mem>>
      %dma_start3A = tpu.memref_slice %arg10[%mul3A_0] : memref<10240xf32, #tpu.memory_space<vmem_shared>> -> memref<640xf32, #tpu.memory_space<vmem_shared>>
      tpu.enqueue_dma source(%arg7 : memref<640xf32, #tpu.memory_space<hbm>>) target(%dma_start3A : memref<640xf32, #tpu.memory_space<vmem_shared>>) target_semaphore(%run_scoped3A : memref<!tpu.dma_semaphore, #tpu.memory_space<semaphore_mem>>)
      %dma_wait3A = tpu.memref_slice %arg10[%mul3A_0] : memref<10240xf32, #tpu.memory_space<vmem_shared>> -> memref<640xf32, #tpu.memory_space<vmem_shared>>
      tpu.wait_dma2 semaphore(%run_scoped3A : memref<!tpu.dma_semaphore, #tpu.memory_space<semaphore_mem>>) src(%arg7 : memref<640xf32, #tpu.memory_space<hbm>>) dst(%dma_wait3A : memref<640xf32, #tpu.memory_space<vmem_shared>>)
      tpu.yield
    }) : () -> ()
    "tpu.region"() ({
      %run_scoped3A = tpu.sem_alloc : memref<!tpu.dma_semaphore, #tpu.memory_space<semaphore_mem>>
      tpu.enqueue_dma source(%arg6 : memref<128xf32, #tpu.memory_space<hbm>>) target(%arg11 : memref<128xf32, #tpu.memory_space<vmem>>) target_semaphore(%run_scoped3A : memref<!tpu.dma_semaphore, #tpu.memory_space<semaphore_mem>>)
      tpu.wait_dma2 semaphore(%run_scoped3A : memref<!tpu.dma_semaphore, #tpu.memory_space<semaphore_mem>>) src(%arg6 : memref<128xf32, #tpu.memory_space<hbm>>) dst(%arg11 : memref<128xf32, #tpu.memory_space<vmem>>)
      tpu.yield
    }) : () -> ()
    %barrier3A = arith.constant 0 : index
    tpu.barrier barrier_id(%barrier3A)
    %eq3A = arith.constant 0 : i32
    %eq3A_1 = arith.cmpi eq, %arg0, %eq3A : i32
    %convert_element_type3A = arith.extui %eq3A_1 : i1 to i32
    %cond3A = arith.constant 0 : i32
    %cond3A_2 = arith.cmpi ne, %convert_element_type3A, %cond3A : i32
    scf.if %cond3A_2 {
      %add3A = arith.constant 0 : i32
      %add3A_19 = arith.addi %arg1, %add3A : i32
      %mul3A_20 = arith.constant 8 : i32
      %mul3A_21 = arith.muli %add3A_19, %mul3A_20 : i32
      %dma_start3A = arith.constant 0 : i32
      %dma_start3A_22 = tpu.memref_slice %arg2[%mul3A_21, %dma_start3A] : memref<2560x128xi32, #tpu.memory_space<hbm>> -> memref<8x128xi32, #tpu.memory_space<hbm>>
      %dma_start3A_23 = arith.constant 0 : i32
      %dma_start3A_24 = tpu.memref_slice %arg2[%mul3A_21, %dma_start3A_23] : memref<2560x128xi32, #tpu.memory_space<hbm>> -> memref<8x128xi32, #tpu.memory_space<hbm>>
      tpu.enqueue_dma source(%dma_start3A_24 : memref<8x128xi32, #tpu.memory_space<hbm>>) target(%arg12 : memref<8x128xi32, #tpu.memory_space<vmem>>) target_semaphore(%arg16 : memref<!tpu.dma_semaphore, #tpu.memory_space<semaphore_mem>>)
      %mul3A_25 = arith.constant 8 : i32
      %mul3A_26 = arith.muli %add3A_19, %mul3A_25 : i32
      %dma_start3A_27 = arith.constant 0 : i32
      %dma_start3A_28 = tpu.memref_slice %arg3[%mul3A_26, %dma_start3A_27] : memref<2560x128xi32, #tpu.memory_space<hbm>> -> memref<8x128xi32, #tpu.memory_space<hbm>>
      %dma_start3A_29 = arith.constant 0 : i32
      %dma_start3A_30 = tpu.memref_slice %arg3[%mul3A_26, %dma_start3A_29] : memref<2560x128xi32, #tpu.memory_space<hbm>> -> memref<8x128xi32, #tpu.memory_space<hbm>>
      tpu.enqueue_dma source(%dma_start3A_30 : memref<8x128xi32, #tpu.memory_space<hbm>>) target(%arg14 : memref<8x128xi32, #tpu.memory_space<vmem>>) target_semaphore(%arg16 : memref<!tpu.dma_semaphore, #tpu.memory_space<semaphore_mem>>)
      %add3A_31 = arith.constant 16 : i32
      %add3A_32 = arith.addi %arg1, %add3A_31 : i32
      %mul3A_33 = arith.constant 8 : i32
      %mul3A_34 = arith.muli %add3A_32, %mul3A_33 : i32
      %dma_start3A_35 = arith.constant 0 : i32
      %dma_start3A_36 = tpu.memref_slice %arg2[%mul3A_34, %dma_start3A_35] : memref<2560x128xi32, #tpu.memory_space<hbm>> -> memref<8x128xi32, #tpu.memory_space<hbm>>
      %dma_start3A_37 = arith.constant 0 : i32
      %dma_start3A_38 = tpu.memref_slice %arg2[%mul3A_34, %dma_start3A_37] : memref<2560x128xi32, #tpu.memory_space<hbm>> -> memref<8x128xi32, #tpu.memory_space<hbm>>
      tpu.enqueue_dma source(%dma_start3A_38 : memref<8x128xi32, #tpu.memory_space<hbm>>) target(%arg13 : memref<8x128xi32, #tpu.memory_space<vmem>>) target_semaphore(%arg17 : memref<!tpu.dma_semaphore, #tpu.memory_space<semaphore_mem>>)
      %mul3A_39 = arith.constant 8 : i32
      %mul3A_40 = arith.muli %add3A_32, %mul3A_39 : i32
      %dma_start3A_41 = arith.constant 0 : i32
      %dma_start3A_42 = tpu.memref_slice %arg3[%mul3A_40, %dma_start3A_41] : memref<2560x128xi32, #tpu.memory_space<hbm>> -> memref<8x128xi32, #tpu.memory_space<hbm>>
      %dma_start3A_43 = arith.constant 0 : i32
      %dma_start3A_44 = tpu.memref_slice %arg3[%mul3A_40, %dma_start3A_43] : memref<2560x128xi32, #tpu.memory_space<hbm>> -> memref<8x128xi32, #tpu.memory_space<hbm>>
      tpu.enqueue_dma source(%dma_start3A_44 : memref<8x128xi32, #tpu.memory_space<hbm>>) target(%arg15 : memref<8x128xi32, #tpu.memory_space<vmem>>) target_semaphore(%arg17 : memref<!tpu.dma_semaphore, #tpu.memory_space<semaphore_mem>>)
      %scan3A = arith.constant 0 : i32
      %scan3A_45 = arith.constant 0 : i32
      %scan3A_46 = arith.constant 10 : i32
      %scan3A_47 = arith.addi %scan3A_45, %scan3A_46 : i32
      %scan3A_48 = arith.constant 1 : i32
      scf.for %scan3A_50 = %scan3A_45 to %scan3A_47 step %scan3A_48  : i32 {
        %mul3A_51 = arith.constant 2 : i32
        %mul3A_52 = arith.muli %mul3A_51, %scan3A_50 : i32
        %dma_wait3A = arith.constant 0 : i32
        %dma_wait3A_53 = arith.constant 0 : i32
        %dma_wait3A_54 = tpu.memref_slice %arg2[%dma_wait3A, %dma_wait3A_53] : memref<2560x128xi32, #tpu.memory_space<hbm>> -> memref<8x128xi32, #tpu.memory_space<hbm>>
        %dma_wait3A_55 = arith.constant 0 : i32
        %dma_wait3A_56 = arith.constant 0 : i32
        %dma_wait3A_57 = tpu.memref_slice %arg2[%dma_wait3A_55, %dma_wait3A_56] : memref<2560x128xi32, #tpu.memory_space<hbm>> -> memref<8x128xi32, #tpu.memory_space<hbm>>
        tpu.wait_dma2 semaphore(%arg16 : memref<!tpu.dma_semaphore, #tpu.memory_space<semaphore_mem>>) src(%dma_wait3A_57 : memref<8x128xi32, #tpu.memory_space<hbm>>) dst(%arg12 : memref<8x128xi32, #tpu.memory_space<vmem>>)
        %dma_wait3A_58 = arith.constant 0 : i32
        %dma_wait3A_59 = arith.constant 0 : i32
        %dma_wait3A_60 = tpu.memref_slice %arg2[%dma_wait3A_58, %dma_wait3A_59] : memref<2560x128xi32, #tpu.memory_space<hbm>> -> memref<8x128xi32, #tpu.memory_space<hbm>>
        %dma_wait3A_61 = arith.constant 0 : i32
        %dma_wait3A_62 = arith.constant 0 : i32
        %dma_wait3A_63 = tpu.memref_slice %arg2[%dma_wait3A_61, %dma_wait3A_62] : memref<2560x128xi32, #tpu.memory_space<hbm>> -> memref<8x128xi32, #tpu.memory_space<hbm>>
        tpu.wait_dma2 semaphore(%arg16 : memref<!tpu.dma_semaphore, #tpu.memory_space<semaphore_mem>>) src(%dma_wait3A_63 : memref<8x128xi32, #tpu.memory_space<hbm>>) dst(%arg12 : memref<8x128xi32, #tpu.memory_space<vmem>>)
        %dma_start3A_64 = arith.constant 0 : i32
        %dma_start3A_65 = arith.constant 0 : i32
        %dma_start3A_66 = tpu.memref_slice %arg12[%dma_start3A_64, %dma_start3A_65] : memref<8x128xi32, #tpu.memory_space<vmem>> -> memref<1x128xi32, #tpu.memory_space<vmem>>
        %dma_start3A_67 = tpu.memref_squeeze %dma_start3A_66 : memref<1x128xi32, #tpu.memory_space<vmem>> -> memref<128xi32, #tpu.memory_space<vmem>>
        %dma_start3A_68 = arith.constant 0 : i32
        %dma_start3A_69 = tpu.memref_slice %arg9[%dma_start3A_68] : memref<10240xf32, #tpu.memory_space<vmem_shared>> -> memref<10240xf32, #tpu.memory_space<vmem_shared>>
        tpu.enqueue_indirect_dma source(%arg11 : memref<128xf32, #tpu.memory_space<vmem>>) target(%dma_start3A_69 : memref<10240xf32, #tpu.memory_space<vmem_shared>>) offsets(%dma_start3A_67 : memref<128xi32, #tpu.memory_space<vmem>>) semaphore(%arg18 : memref<!tpu.dma_semaphore, #tpu.memory_space<semaphore_mem>>) {add = true}
        %dma_start3A_70 = arith.constant 0 : i32
        %dma_start3A_71 = arith.constant 0 : i32
        %dma_start3A_72 = tpu.memref_slice %arg14[%dma_start3A_70, %dma_start3A_71] : memref<8x128xi32, #tpu.memory_space<vmem>> -> memref<1x128xi32, #tpu.memory_space<vmem>>
        %dma_start3A_73 = tpu.memref_squeeze %dma_start3A_72 : memref<1x128xi32, #tpu.memory_space<vmem>> -> memref<128xi32, #tpu.memory_space<vmem>>
        %dma_start3A_74 = arith.constant 0 : i32
        %dma_start3A_75 = tpu.memref_slice %arg10[%dma_start3A_74] : memref<10240xf32, #tpu.memory_space<vmem_shared>> -> memref<10240xf32, #tpu.memory_space<vmem_shared>>
        tpu.enqueue_indirect_dma source(%arg11 : memref<128xf32, #tpu.memory_space<vmem>>) target(%dma_start3A_75 : memref<10240xf32, #tpu.memory_space<vmem_shared>>) offsets(%dma_start3A_73 : memref<128xi32, #tpu.memory_space<vmem>>) semaphore(%arg18 : memref<!tpu.dma_semaphore, #tpu.memory_space<semaphore_mem>>) {add = true}
        %dma_start3A_76 = arith.constant 1 : i32
        %dma_start3A_77 = arith.constant 0 : i32
        %dma_start3A_78 = tpu.memref_slice %arg12[%dma_start3A_76, %dma_start3A_77] : memref<8x128xi32, #tpu.memory_space<vmem>> -> memref<1x128xi32, #tpu.memory_space<vmem>>
        %dma_start3A_79 = tpu.memref_squeeze %dma_start3A_78 : memref<1x128xi32, #tpu.memory_space<vmem>> -> memref<128xi32, #tpu.memory_space<vmem>>
        %dma_start3A_80 = arith.constant 0 : i32
        %dma_start3A_81 = tpu.memref_slice %arg9[%dma_start3A_80] : memref<10240xf32, #tpu.memory_space<vmem_shared>> -> memref<10240xf32, #tpu.memory_space<vmem_shared>>
        tpu.enqueue_indirect_dma source(%arg11 : memref<128xf32, #tpu.memory_space<vmem>>) target(%dma_start3A_81 : memref<10240xf32, #tpu.memory_space<vmem_shared>>) offsets(%dma_start3A_79 : memref<128xi32, #tpu.memory_space<vmem>>) semaphore(%arg18 : memref<!tpu.dma_semaphore, #tpu.memory_space<semaphore_mem>>) {add = true}
        %dma_start3A_82 = arith.constant 1 : i32
        %dma_start3A_83 = arith.constant 0 : i32
        %dma_start3A_84 = tpu.memref_slice %arg14[%dma_start3A_82, %dma_start3A_83] : memref<8x128xi32, #tpu.memory_space<vmem>> -> memref<1x128xi32, #tpu.memory_space<vmem>>
        %dma_start3A_85 = tpu.memref_squeeze %dma_start3A_84 : memref<1x128xi32, #tpu.memory_space<vmem>> -> memref<128xi32, #tpu.memory_space<vmem>>
        %dma_start3A_86 = arith.constant 0 : i32
        %dma_start3A_87 = tpu.memref_slice %arg10[%dma_start3A_86] : memref<10240xf32, #tpu.memory_space<vmem_shared>> -> memref<10240xf32, #tpu.memory_space<vmem_shared>>
        tpu.enqueue_indirect_dma source(%arg11 : memref<128xf32, #tpu.memory_space<vmem>>) target(%dma_start3A_87 : memref<10240xf32, #tpu.memory_space<vmem_shared>>) offsets(%dma_start3A_85 : memref<128xi32, #tpu.memory_space<vmem>>) semaphore(%arg18 : memref<!tpu.dma_semaphore, #tpu.memory_space<semaphore_mem>>) {add = true}
        %dma_start3A_88 = arith.constant 2 : i32
        %dma_start3A_89 = arith.constant 0 : i32
        %dma_start3A_90 = tpu.memref_slice %arg12[%dma_start3A_88, %dma_start3A_89] : memref<8x128xi32, #tpu.memory_space<vmem>> -> memref<1x128xi32, #tpu.memory_space<vmem>>
        %dma_start3A_91 = tpu.memref_squeeze %dma_start3A_90 : memref<1x128xi32, #tpu.memory_space<vmem>> -> memref<128xi32, #tpu.memory_space<vmem>>
        %dma_start3A_92 = arith.constant 0 : i32
        %dma_start3A_93 = tpu.memref_slice %arg9[%dma_start3A_92] : memref<10240xf32, #tpu.memory_space<vmem_shared>> -> memref<10240xf32, #tpu.memory_space<vmem_shared>>
        tpu.enqueue_indirect_dma source(%arg11 : memref<128xf32, #tpu.memory_space<vmem>>) target(%dma_start3A_93 : memref<10240xf32, #tpu.memory_space<vmem_shared>>) offsets(%dma_start3A_91 : memref<128xi32, #tpu.memory_space<vmem>>) semaphore(%arg18 : memref<!tpu.dma_semaphore, #tpu.memory_space<semaphore_mem>>) {add = true}
        %dma_start3A_94 = arith.constant 2 : i32
        %dma_start3A_95 = arith.constant 0 : i32
        %dma_start3A_96 = tpu.memref_slice %arg14[%dma_start3A_94, %dma_start3A_95] : memref<8x128xi32, #tpu.memory_space<vmem>> -> memref<1x128xi32, #tpu.memory_space<vmem>>
        %dma_start3A_97 = tpu.memref_squeeze %dma_start3A_96 : memref<1x128xi32, #tpu.memory_space<vmem>> -> memref<128xi32, #tpu.memory_space<vmem>>
        %dma_start3A_98 = arith.constant 0 : i32
        %dma_start3A_99 = tpu.memref_slice %arg10[%dma_start3A_98] : memref<10240xf32, #tpu.memory_space<vmem_shared>> -> memref<10240xf32, #tpu.memory_space<vmem_shared>>
        tpu.enqueue_indirect_dma source(%arg11 : memref<128xf32, #tpu.memory_space<vmem>>) target(%dma_start3A_99 : memref<10240xf32, #tpu.memory_space<vmem_shared>>) offsets(%dma_start3A_97 : memref<128xi32, #tpu.memory_space<vmem>>) semaphore(%arg18 : memref<!tpu.dma_semaphore, #tpu.memory_space<semaphore_mem>>) {add = true}
        %dma_start3A_100 = arith.constant 3 : i32
        %dma_start3A_101 = arith.constant 0 : i32
        %dma_start3A_102 = tpu.memref_slice %arg12[%dma_start3A_100, %dma_start3A_101] : memref<8x128xi32, #tpu.memory_space<vmem>> -> memref<1x128xi32, #tpu.memory_space<vmem>>
        %dma_start3A_103 = tpu.memref_squeeze %dma_start3A_102 : memref<1x128xi32, #tpu.memory_space<vmem>> -> memref<128xi32, #tpu.memory_space<vmem>>
        %dma_start3A_104 = arith.constant 0 : i32
        %dma_start3A_105 = tpu.memref_slice %arg9[%dma_start3A_104] : memref<10240xf32, #tpu.memory_space<vmem_shared>> -> memref<10240xf32, #tpu.memory_space<vmem_shared>>
        tpu.enqueue_indirect_dma source(%arg11 : memref<128xf32, #tpu.memory_space<vmem>>) target(%dma_start3A_105 : memref<10240xf32, #tpu.memory_space<vmem_shared>>) offsets(%dma_start3A_103 : memref<128xi32, #tpu.memory_space<vmem>>) semaphore(%arg18 : memref<!tpu.dma_semaphore, #tpu.memory_space<semaphore_mem>>) {add = true}
        %dma_start3A_106 = arith.constant 3 : i32
        %dma_start3A_107 = arith.constant 0 : i32
        %dma_start3A_108 = tpu.memref_slice %arg14[%dma_start3A_106, %dma_start3A_107] : memref<8x128xi32, #tpu.memory_space<vmem>> -> memref<1x128xi32, #tpu.memory_space<vmem>>
        %dma_start3A_109 = tpu.memref_squeeze %dma_start3A_108 : memref<1x128xi32, #tpu.memory_space<vmem>> -> memref<128xi32, #tpu.memory_space<vmem>>
        %dma_start3A_110 = arith.constant 0 : i32
        %dma_start3A_111 = tpu.memref_slice %arg10[%dma_start3A_110] : memref<10240xf32, #tpu.memory_space<vmem_shared>> -> memref<10240xf32, #tpu.memory_space<vmem_shared>>
        tpu.enqueue_indirect_dma source(%arg11 : memref<128xf32, #tpu.memory_space<vmem>>) target(%dma_start3A_111 : memref<10240xf32, #tpu.memory_space<vmem_shared>>) offsets(%dma_start3A_109 : memref<128xi32, #tpu.memory_space<vmem>>) semaphore(%arg18 : memref<!tpu.dma_semaphore, #tpu.memory_space<semaphore_mem>>) {add = true}
        %dma_start3A_112 = arith.constant 4 : i32
        %dma_start3A_113 = arith.constant 0 : i32
        %dma_start3A_114 = tpu.memref_slice %arg12[%dma_start3A_112, %dma_start3A_113] : memref<8x128xi32, #tpu.memory_space<vmem>> -> memref<1x128xi32, #tpu.memory_space<vmem>>
        %dma_start3A_115 = tpu.memref_squeeze %dma_start3A_114 : memref<1x128xi32, #tpu.memory_space<vmem>> -> memref<128xi32, #tpu.memory_space<vmem>>
        %dma_start3A_116 = arith.constant 0 : i32
        %dma_start3A_117 = tpu.memref_slice %arg9[%dma_start3A_116] : memref<10240xf32, #tpu.memory_space<vmem_shared>> -> memref<10240xf32, #tpu.memory_space<vmem_shared>>
        tpu.enqueue_indirect_dma source(%arg11 : memref<128xf32, #tpu.memory_space<vmem>>) target(%dma_start3A_117 : memref<10240xf32, #tpu.memory_space<vmem_shared>>) offsets(%dma_start3A_115 : memref<128xi32, #tpu.memory_space<vmem>>) semaphore(%arg18 : memref<!tpu.dma_semaphore, #tpu.memory_space<semaphore_mem>>) {add = true}
        %dma_start3A_118 = arith.constant 4 : i32
        %dma_start3A_119 = arith.constant 0 : i32
        %dma_start3A_120 = tpu.memref_slice %arg14[%dma_start3A_118, %dma_start3A_119] : memref<8x128xi32, #tpu.memory_space<vmem>> -> memref<1x128xi32, #tpu.memory_space<vmem>>
        %dma_start3A_121 = tpu.memref_squeeze %dma_start3A_120 : memref<1x128xi32, #tpu.memory_space<vmem>> -> memref<128xi32, #tpu.memory_space<vmem>>
        %dma_start3A_122 = arith.constant 0 : i32
        %dma_start3A_123 = tpu.memref_slice %arg10[%dma_start3A_122] : memref<10240xf32, #tpu.memory_space<vmem_shared>> -> memref<10240xf32, #tpu.memory_space<vmem_shared>>
        tpu.enqueue_indirect_dma source(%arg11 : memref<128xf32, #tpu.memory_space<vmem>>) target(%dma_start3A_123 : memref<10240xf32, #tpu.memory_space<vmem_shared>>) offsets(%dma_start3A_121 : memref<128xi32, #tpu.memory_space<vmem>>) semaphore(%arg18 : memref<!tpu.dma_semaphore, #tpu.memory_space<semaphore_mem>>) {add = true}
        %dma_start3A_124 = arith.constant 5 : i32
        %dma_start3A_125 = arith.constant 0 : i32
        %dma_start3A_126 = tpu.memref_slice %arg12[%dma_start3A_124, %dma_start3A_125] : memref<8x128xi32, #tpu.memory_space<vmem>> -> memref<1x128xi32, #tpu.memory_space<vmem>>
        %dma_start3A_127 = tpu.memref_squeeze %dma_start3A_126 : memref<1x128xi32, #tpu.memory_space<vmem>> -> memref<128xi32, #tpu.memory_space<vmem>>
        %dma_start3A_128 = arith.constant 0 : i32
        %dma_start3A_129 = tpu.memref_slice %arg9[%dma_start3A_128] : memref<10240xf32, #tpu.memory_space<vmem_shared>> -> memref<10240xf32, #tpu.memory_space<vmem_shared>>
        tpu.enqueue_indirect_dma source(%arg11 : memref<128xf32, #tpu.memory_space<vmem>>) target(%dma_start3A_129 : memref<10240xf32, #tpu.memory_space<vmem_shared>>) offsets(%dma_start3A_127 : memref<128xi32, #tpu.memory_space<vmem>>) semaphore(%arg18 : memref<!tpu.dma_semaphore, #tpu.memory_space<semaphore_mem>>) {add = true}
        %dma_start3A_130 = arith.constant 5 : i32
        %dma_start3A_131 = arith.constant 0 : i32
        %dma_start3A_132 = tpu.memref_slice %arg14[%dma_start3A_130, %dma_start3A_131] : memref<8x128xi32, #tpu.memory_space<vmem>> -> memref<1x128xi32, #tpu.memory_space<vmem>>
        %dma_start3A_133 = tpu.memref_squeeze %dma_start3A_132 : memref<1x128xi32, #tpu.memory_space<vmem>> -> memref<128xi32, #tpu.memory_space<vmem>>
        %dma_start3A_134 = arith.constant 0 : i32
        %dma_start3A_135 = tpu.memref_slice %arg10[%dma_start3A_134] : memref<10240xf32, #tpu.memory_space<vmem_shared>> -> memref<10240xf32, #tpu.memory_space<vmem_shared>>
        tpu.enqueue_indirect_dma source(%arg11 : memref<128xf32, #tpu.memory_space<vmem>>) target(%dma_start3A_135 : memref<10240xf32, #tpu.memory_space<vmem_shared>>) offsets(%dma_start3A_133 : memref<128xi32, #tpu.memory_space<vmem>>) semaphore(%arg18 : memref<!tpu.dma_semaphore, #tpu.memory_space<semaphore_mem>>) {add = true}
        %dma_start3A_136 = arith.constant 6 : i32
        %dma_start3A_137 = arith.constant 0 : i32
        %dma_start3A_138 = tpu.memref_slice %arg12[%dma_start3A_136, %dma_start3A_137] : memref<8x128xi32, #tpu.memory_space<vmem>> -> memref<1x128xi32, #tpu.memory_space<vmem>>
        %dma_start3A_139 = tpu.memref_squeeze %dma_start3A_138 : memref<1x128xi32, #tpu.memory_space<vmem>> -> memref<128xi32, #tpu.memory_space<vmem>>
        %dma_start3A_140 = arith.constant 0 : i32
        %dma_start3A_141 = tpu.memref_slice %arg9[%dma_start3A_140] : memref<10240xf32, #tpu.memory_space<vmem_shared>> -> memref<10240xf32, #tpu.memory_space<vmem_shared>>
        tpu.enqueue_indirect_dma source(%arg11 : memref<128xf32, #tpu.memory_space<vmem>>) target(%dma_start3A_141 : memref<10240xf32, #tpu.memory_space<vmem_shared>>) offsets(%dma_start3A_139 : memref<128xi32, #tpu.memory_space<vmem>>) semaphore(%arg18 : memref<!tpu.dma_semaphore, #tpu.memory_space<semaphore_mem>>) {add = true}
        %dma_start3A_142 = arith.constant 6 : i32
        %dma_start3A_143 = arith.constant 0 : i32
        %dma_start3A_144 = tpu.memref_slice %arg14[%dma_start3A_142, %dma_start3A_143] : memref<8x128xi32, #tpu.memory_space<vmem>> -> memref<1x128xi32, #tpu.memory_space<vmem>>
        %dma_start3A_145 = tpu.memref_squeeze %dma_start3A_144 : memref<1x128xi32, #tpu.memory_space<vmem>> -> memref<128xi32, #tpu.memory_space<vmem>>
        %dma_start3A_146 = arith.constant 0 : i32
        %dma_start3A_147 = tpu.memref_slice %arg10[%dma_start3A_146] : memref<10240xf32, #tpu.memory_space<vmem_shared>> -> memref<10240xf32, #tpu.memory_space<vmem_shared>>
        tpu.enqueue_indirect_dma source(%arg11 : memref<128xf32, #tpu.memory_space<vmem>>) target(%dma_start3A_147 : memref<10240xf32, #tpu.memory_space<vmem_shared>>) offsets(%dma_start3A_145 : memref<128xi32, #tpu.memory_space<vmem>>) semaphore(%arg18 : memref<!tpu.dma_semaphore, #tpu.memory_space<semaphore_mem>>) {add = true}
        %dma_start3A_148 = arith.constant 7 : i32
        %dma_start3A_149 = arith.constant 0 : i32
        %dma_start3A_150 = tpu.memref_slice %arg12[%dma_start3A_148, %dma_start3A_149] : memref<8x128xi32, #tpu.memory_space<vmem>> -> memref<1x128xi32, #tpu.memory_space<vmem>>
        %dma_start3A_151 = tpu.memref_squeeze %dma_start3A_150 : memref<1x128xi32, #tpu.memory_space<vmem>> -> memref<128xi32, #tpu.memory_space<vmem>>
        %dma_start3A_152 = arith.constant 0 : i32
        %dma_start3A_153 = tpu.memref_slice %arg9[%dma_start3A_152] : memref<10240xf32, #tpu.memory_space<vmem_shared>> -> memref<10240xf32, #tpu.memory_space<vmem_shared>>
        tpu.enqueue_indirect_dma source(%arg11 : memref<128xf32, #tpu.memory_space<vmem>>) target(%dma_start3A_153 : memref<10240xf32, #tpu.memory_space<vmem_shared>>) offsets(%dma_start3A_151 : memref<128xi32, #tpu.memory_space<vmem>>) semaphore(%arg18 : memref<!tpu.dma_semaphore, #tpu.memory_space<semaphore_mem>>) {add = true}
        %dma_start3A_154 = arith.constant 7 : i32
        %dma_start3A_155 = arith.constant 0 : i32
        %dma_start3A_156 = tpu.memref_slice %arg14[%dma_start3A_154, %dma_start3A_155] : memref<8x128xi32, #tpu.memory_space<vmem>> -> memref<1x128xi32, #tpu.memory_space<vmem>>
        %dma_start3A_157 = tpu.memref_squeeze %dma_start3A_156 : memref<1x128xi32, #tpu.memory_space<vmem>> -> memref<128xi32, #tpu.memory_space<vmem>>
        %dma_start3A_158 = arith.constant 0 : i32
        %dma_start3A_159 = tpu.memref_slice %arg10[%dma_start3A_158] : memref<10240xf32, #tpu.memory_space<vmem_shared>> -> memref<10240xf32, #tpu.memory_space<vmem_shared>>
        tpu.enqueue_indirect_dma source(%arg11 : memref<128xf32, #tpu.memory_space<vmem>>) target(%dma_start3A_159 : memref<10240xf32, #tpu.memory_space<vmem_shared>>) offsets(%dma_start3A_157 : memref<128xi32, #tpu.memory_space<vmem>>) semaphore(%arg18 : memref<!tpu.dma_semaphore, #tpu.memory_space<semaphore_mem>>) {add = true}
        %dma_wait3A_160 = arith.constant 0 : i32
        %dma_wait3A_161 = arith.constant 0 : i32
        %dma_wait3A_162 = tpu.memref_slice %arg2[%dma_wait3A_160, %dma_wait3A_161] : memref<2560x128xi32, #tpu.memory_space<hbm>> -> memref<8x128xi32, #tpu.memory_space<hbm>>
        %dma_wait3A_163 = arith.constant 0 : i32
        %dma_wait3A_164 = arith.constant 0 : i32
        %dma_wait3A_165 = tpu.memref_slice %arg2[%dma_wait3A_163, %dma_wait3A_164] : memref<2560x128xi32, #tpu.memory_space<hbm>> -> memref<8x128xi32, #tpu.memory_space<hbm>>
        tpu.wait_dma2 semaphore(%arg17 : memref<!tpu.dma_semaphore, #tpu.memory_space<semaphore_mem>>) src(%dma_wait3A_165 : memref<8x128xi32, #tpu.memory_space<hbm>>) dst(%arg13 : memref<8x128xi32, #tpu.memory_space<vmem>>)
        %dma_wait3A_166 = arith.constant 0 : i32
        %dma_wait3A_167 = arith.constant 0 : i32
        %dma_wait3A_168 = tpu.memref_slice %arg2[%dma_wait3A_166, %dma_wait3A_167] : memref<2560x128xi32, #tpu.memory_space<hbm>> -> memref<8x128xi32, #tpu.memory_space<hbm>>
        %dma_wait3A_169 = arith.constant 0 : i32
        %dma_wait3A_170 = arith.constant 0 : i32
        %dma_wait3A_171 = tpu.memref_slice %arg2[%dma_wait3A_169, %dma_wait3A_170] : memref<2560x128xi32, #tpu.memory_space<hbm>> -> memref<8x128xi32, #tpu.memory_space<hbm>>
        tpu.wait_dma2 semaphore(%arg17 : memref<!tpu.dma_semaphore, #tpu.memory_space<semaphore_mem>>) src(%dma_wait3A_171 : memref<8x128xi32, #tpu.memory_space<hbm>>) dst(%arg13 : memref<8x128xi32, #tpu.memory_space<vmem>>)
        %dma_start3A_172 = arith.constant 0 : i32
        %dma_start3A_173 = arith.constant 0 : i32
        %dma_start3A_174 = tpu.memref_slice %arg13[%dma_start3A_172, %dma_start3A_173] : memref<8x128xi32, #tpu.memory_space<vmem>> -> memref<1x128xi32, #tpu.memory_space<vmem>>
        %dma_start3A_175 = tpu.memref_squeeze %dma_start3A_174 : memref<1x128xi32, #tpu.memory_space<vmem>> -> memref<128xi32, #tpu.memory_space<vmem>>
        %dma_start3A_176 = arith.constant 0 : i32
        %dma_start3A_177 = tpu.memref_slice %arg9[%dma_start3A_176] : memref<10240xf32, #tpu.memory_space<vmem_shared>> -> memref<10240xf32, #tpu.memory_space<vmem_shared>>
        tpu.enqueue_indirect_dma source(%arg11 : memref<128xf32, #tpu.memory_space<vmem>>) target(%dma_start3A_177 : memref<10240xf32, #tpu.memory_space<vmem_shared>>) offsets(%dma_start3A_175 : memref<128xi32, #tpu.memory_space<vmem>>) semaphore(%arg19 : memref<!tpu.dma_semaphore, #tpu.memory_space<semaphore_mem>>) {add = true}
        %dma_start3A_178 = arith.constant 0 : i32
        %dma_start3A_179 = arith.constant 0 : i32
        %dma_start3A_180 = tpu.memref_slice %arg15[%dma_start3A_178, %dma_start3A_179] : memref<8x128xi32, #tpu.memory_space<vmem>> -> memref<1x128xi32, #tpu.memory_space<vmem>>
        %dma_start3A_181 = tpu.memref_squeeze %dma_start3A_180 : memref<1x128xi32, #tpu.memory_space<vmem>> -> memref<128xi32, #tpu.memory_space<vmem>>
        %dma_start3A_182 = arith.constant 0 : i32
        %dma_start3A_183 = tpu.memref_slice %arg10[%dma_start3A_182] : memref<10240xf32, #tpu.memory_space<vmem_shared>> -> memref<10240xf32, #tpu.memory_space<vmem_shared>>
        tpu.enqueue_indirect_dma source(%arg11 : memref<128xf32, #tpu.memory_space<vmem>>) target(%dma_start3A_183 : memref<10240xf32, #tpu.memory_space<vmem_shared>>) offsets(%dma_start3A_181 : memref<128xi32, #tpu.memory_space<vmem>>) semaphore(%arg19 : memref<!tpu.dma_semaphore, #tpu.memory_space<semaphore_mem>>) {add = true}
        %dma_start3A_184 = arith.constant 1 : i32
        %dma_start3A_185 = arith.constant 0 : i32
        %dma_start3A_186 = tpu.memref_slice %arg13[%dma_start3A_184, %dma_start3A_185] : memref<8x128xi32, #tpu.memory_space<vmem>> -> memref<1x128xi32, #tpu.memory_space<vmem>>
        %dma_start3A_187 = tpu.memref_squeeze %dma_start3A_186 : memref<1x128xi32, #tpu.memory_space<vmem>> -> memref<128xi32, #tpu.memory_space<vmem>>
        %dma_start3A_188 = arith.constant 0 : i32
        %dma_start3A_189 = tpu.memref_slice %arg9[%dma_start3A_188] : memref<10240xf32, #tpu.memory_space<vmem_shared>> -> memref<10240xf32, #tpu.memory_space<vmem_shared>>
        tpu.enqueue_indirect_dma source(%arg11 : memref<128xf32, #tpu.memory_space<vmem>>) target(%dma_start3A_189 : memref<10240xf32, #tpu.memory_space<vmem_shared>>) offsets(%dma_start3A_187 : memref<128xi32, #tpu.memory_space<vmem>>) semaphore(%arg19 : memref<!tpu.dma_semaphore, #tpu.memory_space<semaphore_mem>>) {add = true}
        %dma_start3A_190 = arith.constant 1 : i32
        %dma_start3A_191 = arith.constant 0 : i32
        %dma_start3A_192 = tpu.memref_slice %arg15[%dma_start3A_190, %dma_start3A_191] : memref<8x128xi32, #tpu.memory_space<vmem>> -> memref<1x128xi32, #tpu.memory_space<vmem>>
        %dma_start3A_193 = tpu.memref_squeeze %dma_start3A_192 : memref<1x128xi32, #tpu.memory_space<vmem>> -> memref<128xi32, #tpu.memory_space<vmem>>
        %dma_start3A_194 = arith.constant 0 : i32
        %dma_start3A_195 = tpu.memref_slice %arg10[%dma_start3A_194] : memref<10240xf32, #tpu.memory_space<vmem_shared>> -> memref<10240xf32, #tpu.memory_space<vmem_shared>>
        tpu.enqueue_indirect_dma source(%arg11 : memref<128xf32, #tpu.memory_space<vmem>>) target(%dma_start3A_195 : memref<10240xf32, #tpu.memory_space<vmem_shared>>) offsets(%dma_start3A_193 : memref<128xi32, #tpu.memory_space<vmem>>) semaphore(%arg19 : memref<!tpu.dma_semaphore, #tpu.memory_space<semaphore_mem>>) {add = true}
        %dma_start3A_196 = arith.constant 2 : i32
        %dma_start3A_197 = arith.constant 0 : i32
        %dma_start3A_198 = tpu.memref_slice %arg13[%dma_start3A_196, %dma_start3A_197] : memref<8x128xi32, #tpu.memory_space<vmem>> -> memref<1x128xi32, #tpu.memory_space<vmem>>
        %dma_start3A_199 = tpu.memref_squeeze %dma_start3A_198 : memref<1x128xi32, #tpu.memory_space<vmem>> -> memref<128xi32, #tpu.memory_space<vmem>>
        %dma_start3A_200 = arith.constant 0 : i32
        %dma_start3A_201 = tpu.memref_slice %arg9[%dma_start3A_200] : memref<10240xf32, #tpu.memory_space<vmem_shared>> -> memref<10240xf32, #tpu.memory_space<vmem_shared>>
        tpu.enqueue_indirect_dma source(%arg11 : memref<128xf32, #tpu.memory_space<vmem>>) target(%dma_start3A_201 : memref<10240xf32, #tpu.memory_space<vmem_shared>>) offsets(%dma_start3A_199 : memref<128xi32, #tpu.memory_space<vmem>>) semaphore(%arg19 : memref<!tpu.dma_semaphore, #tpu.memory_space<semaphore_mem>>) {add = true}
        %dma_start3A_202 = arith.constant 2 : i32
        %dma_start3A_203 = arith.constant 0 : i32
        %dma_start3A_204 = tpu.memref_slice %arg15[%dma_start3A_202, %dma_start3A_203] : memref<8x128xi32, #tpu.memory_space<vmem>> -> memref<1x128xi32, #tpu.memory_space<vmem>>
        %dma_start3A_205 = tpu.memref_squeeze %dma_start3A_204 : memref<1x128xi32, #tpu.memory_space<vmem>> -> memref<128xi32, #tpu.memory_space<vmem>>
        %dma_start3A_206 = arith.constant 0 : i32
        %dma_start3A_207 = tpu.memref_slice %arg10[%dma_start3A_206] : memref<10240xf32, #tpu.memory_space<vmem_shared>> -> memref<10240xf32, #tpu.memory_space<vmem_shared>>
        tpu.enqueue_indirect_dma source(%arg11 : memref<128xf32, #tpu.memory_space<vmem>>) target(%dma_start3A_207 : memref<10240xf32, #tpu.memory_space<vmem_shared>>) offsets(%dma_start3A_205 : memref<128xi32, #tpu.memory_space<vmem>>) semaphore(%arg19 : memref<!tpu.dma_semaphore, #tpu.memory_space<semaphore_mem>>) {add = true}
        %dma_start3A_208 = arith.constant 3 : i32
        %dma_start3A_209 = arith.constant 0 : i32
        %dma_start3A_210 = tpu.memref_slice %arg13[%dma_start3A_208, %dma_start3A_209] : memref<8x128xi32, #tpu.memory_space<vmem>> -> memref<1x128xi32, #tpu.memory_space<vmem>>
        %dma_start3A_211 = tpu.memref_squeeze %dma_start3A_210 : memref<1x128xi32, #tpu.memory_space<vmem>> -> memref<128xi32, #tpu.memory_space<vmem>>
        %dma_start3A_212 = arith.constant 0 : i32
        %dma_start3A_213 = tpu.memref_slice %arg9[%dma_start3A_212] : memref<10240xf32, #tpu.memory_space<vmem_shared>> -> memref<10240xf32, #tpu.memory_space<vmem_shared>>
        tpu.enqueue_indirect_dma source(%arg11 : memref<128xf32, #tpu.memory_space<vmem>>) target(%dma_start3A_213 : memref<10240xf32, #tpu.memory_space<vmem_shared>>) offsets(%dma_start3A_211 : memref<128xi32, #tpu.memory_space<vmem>>) semaphore(%arg19 : memref<!tpu.dma_semaphore, #tpu.memory_space<semaphore_mem>>) {add = true}
        %dma_start3A_214 = arith.constant 3 : i32
        %dma_start3A_215 = arith.constant 0 : i32
        %dma_start3A_216 = tpu.memref_slice %arg15[%dma_start3A_214, %dma_start3A_215] : memref<8x128xi32, #tpu.memory_space<vmem>> -> memref<1x128xi32, #tpu.memory_space<vmem>>
        %dma_start3A_217 = tpu.memref_squeeze %dma_start3A_216 : memref<1x128xi32, #tpu.memory_space<vmem>> -> memref<128xi32, #tpu.memory_space<vmem>>
        %dma_start3A_218 = arith.constant 0 : i32
        %dma_start3A_219 = tpu.memref_slice %arg10[%dma_start3A_218] : memref<10240xf32, #tpu.memory_space<vmem_shared>> -> memref<10240xf32, #tpu.memory_space<vmem_shared>>
        tpu.enqueue_indirect_dma source(%arg11 : memref<128xf32, #tpu.memory_space<vmem>>) target(%dma_start3A_219 : memref<10240xf32, #tpu.memory_space<vmem_shared>>) offsets(%dma_start3A_217 : memref<128xi32, #tpu.memory_space<vmem>>) semaphore(%arg19 : memref<!tpu.dma_semaphore, #tpu.memory_space<semaphore_mem>>) {add = true}
        %dma_start3A_220 = arith.constant 4 : i32
        %dma_start3A_221 = arith.constant 0 : i32
        %dma_start3A_222 = tpu.memref_slice %arg13[%dma_start3A_220, %dma_start3A_221] : memref<8x128xi32, #tpu.memory_space<vmem>> -> memref<1x128xi32, #tpu.memory_space<vmem>>
        %dma_start3A_223 = tpu.memref_squeeze %dma_start3A_222 : memref<1x128xi32, #tpu.memory_space<vmem>> -> memref<128xi32, #tpu.memory_space<vmem>>
        %dma_start3A_224 = arith.constant 0 : i32
        %dma_start3A_225 = tpu.memref_slice %arg9[%dma_start3A_224] : memref<10240xf32, #tpu.memory_space<vmem_shared>> -> memref<10240xf32, #tpu.memory_space<vmem_shared>>
        tpu.enqueue_indirect_dma source(%arg11 : memref<128xf32, #tpu.memory_space<vmem>>) target(%dma_start3A_225 : memref<10240xf32, #tpu.memory_space<vmem_shared>>) offsets(%dma_start3A_223 : memref<128xi32, #tpu.memory_space<vmem>>) semaphore(%arg19 : memref<!tpu.dma_semaphore, #tpu.memory_space<semaphore_mem>>) {add = true}
        %dma_start3A_226 = arith.constant 4 : i32
        %dma_start3A_227 = arith.constant 0 : i32
        %dma_start3A_228 = tpu.memref_slice %arg15[%dma_start3A_226, %dma_start3A_227] : memref<8x128xi32, #tpu.memory_space<vmem>> -> memref<1x128xi32, #tpu.memory_space<vmem>>
        %dma_start3A_229 = tpu.memref_squeeze %dma_start3A_228 : memref<1x128xi32, #tpu.memory_space<vmem>> -> memref<128xi32, #tpu.memory_space<vmem>>
        %dma_start3A_230 = arith.constant 0 : i32
        %dma_start3A_231 = tpu.memref_slice %arg10[%dma_start3A_230] : memref<10240xf32, #tpu.memory_space<vmem_shared>> -> memref<10240xf32, #tpu.memory_space<vmem_shared>>
        tpu.enqueue_indirect_dma source(%arg11 : memref<128xf32, #tpu.memory_space<vmem>>) target(%dma_start3A_231 : memref<10240xf32, #tpu.memory_space<vmem_shared>>) offsets(%dma_start3A_229 : memref<128xi32, #tpu.memory_space<vmem>>) semaphore(%arg19 : memref<!tpu.dma_semaphore, #tpu.memory_space<semaphore_mem>>) {add = true}
        %dma_start3A_232 = arith.constant 5 : i32
        %dma_start3A_233 = arith.constant 0 : i32
        %dma_start3A_234 = tpu.memref_slice %arg13[%dma_start3A_232, %dma_start3A_233] : memref<8x128xi32, #tpu.memory_space<vmem>> -> memref<1x128xi32, #tpu.memory_space<vmem>>
        %dma_start3A_235 = tpu.memref_squeeze %dma_start3A_234 : memref<1x128xi32, #tpu.memory_space<vmem>> -> memref<128xi32, #tpu.memory_space<vmem>>
        %dma_start3A_236 = arith.constant 0 : i32
        %dma_start3A_237 = tpu.memref_slice %arg9[%dma_start3A_236] : memref<10240xf32, #tpu.memory_space<vmem_shared>> -> memref<10240xf32, #tpu.memory_space<vmem_shared>>
        tpu.enqueue_indirect_dma source(%arg11 : memref<128xf32, #tpu.memory_space<vmem>>) target(%dma_start3A_237 : memref<10240xf32, #tpu.memory_space<vmem_shared>>) offsets(%dma_start3A_235 : memref<128xi32, #tpu.memory_space<vmem>>) semaphore(%arg19 : memref<!tpu.dma_semaphore, #tpu.memory_space<semaphore_mem>>) {add = true}
        %dma_start3A_238 = arith.constant 5 : i32
        %dma_start3A_239 = arith.constant 0 : i32
        %dma_start3A_240 = tpu.memref_slice %arg15[%dma_start3A_238, %dma_start3A_239] : memref<8x128xi32, #tpu.memory_space<vmem>> -> memref<1x128xi32, #tpu.memory_space<vmem>>
        %dma_start3A_241 = tpu.memref_squeeze %dma_start3A_240 : memref<1x128xi32, #tpu.memory_space<vmem>> -> memref<128xi32, #tpu.memory_space<vmem>>
        %dma_start3A_242 = arith.constant 0 : i32
        %dma_start3A_243 = tpu.memref_slice %arg10[%dma_start3A_242] : memref<10240xf32, #tpu.memory_space<vmem_shared>> -> memref<10240xf32, #tpu.memory_space<vmem_shared>>
        tpu.enqueue_indirect_dma source(%arg11 : memref<128xf32, #tpu.memory_space<vmem>>) target(%dma_start3A_243 : memref<10240xf32, #tpu.memory_space<vmem_shared>>) offsets(%dma_start3A_241 : memref<128xi32, #tpu.memory_space<vmem>>) semaphore(%arg19 : memref<!tpu.dma_semaphore, #tpu.memory_space<semaphore_mem>>) {add = true}
        %dma_start3A_244 = arith.constant 6 : i32
        %dma_start3A_245 = arith.constant 0 : i32
        %dma_start3A_246 = tpu.memref_slice %arg13[%dma_start3A_244, %dma_start3A_245] : memref<8x128xi32, #tpu.memory_space<vmem>> -> memref<1x128xi32, #tpu.memory_space<vmem>>
        %dma_start3A_247 = tpu.memref_squeeze %dma_start3A_246 : memref<1x128xi32, #tpu.memory_space<vmem>> -> memref<128xi32, #tpu.memory_space<vmem>>
        %dma_start3A_248 = arith.constant 0 : i32
        %dma_start3A_249 = tpu.memref_slice %arg9[%dma_start3A_248] : memref<10240xf32, #tpu.memory_space<vmem_shared>> -> memref<10240xf32, #tpu.memory_space<vmem_shared>>
        tpu.enqueue_indirect_dma source(%arg11 : memref<128xf32, #tpu.memory_space<vmem>>) target(%dma_start3A_249 : memref<10240xf32, #tpu.memory_space<vmem_shared>>) offsets(%dma_start3A_247 : memref<128xi32, #tpu.memory_space<vmem>>) semaphore(%arg19 : memref<!tpu.dma_semaphore, #tpu.memory_space<semaphore_mem>>) {add = true}
        %dma_start3A_250 = arith.constant 6 : i32
        %dma_start3A_251 = arith.constant 0 : i32
        %dma_start3A_252 = tpu.memref_slice %arg15[%dma_start3A_250, %dma_start3A_251] : memref<8x128xi32, #tpu.memory_space<vmem>> -> memref<1x128xi32, #tpu.memory_space<vmem>>
        %dma_start3A_253 = tpu.memref_squeeze %dma_start3A_252 : memref<1x128xi32, #tpu.memory_space<vmem>> -> memref<128xi32, #tpu.memory_space<vmem>>
        %dma_start3A_254 = arith.constant 0 : i32
        %dma_start3A_255 = tpu.memref_slice %arg10[%dma_start3A_254] : memref<10240xf32, #tpu.memory_space<vmem_shared>> -> memref<10240xf32, #tpu.memory_space<vmem_shared>>
        tpu.enqueue_indirect_dma source(%arg11 : memref<128xf32, #tpu.memory_space<vmem>>) target(%dma_start3A_255 : memref<10240xf32, #tpu.memory_space<vmem_shared>>) offsets(%dma_start3A_253 : memref<128xi32, #tpu.memory_space<vmem>>) semaphore(%arg19 : memref<!tpu.dma_semaphore, #tpu.memory_space<semaphore_mem>>) {add = true}
        %dma_start3A_256 = arith.constant 7 : i32
        %dma_start3A_257 = arith.constant 0 : i32
        %dma_start3A_258 = tpu.memref_slice %arg13[%dma_start3A_256, %dma_start3A_257] : memref<8x128xi32, #tpu.memory_space<vmem>> -> memref<1x128xi32, #tpu.memory_space<vmem>>
        %dma_start3A_259 = tpu.memref_squeeze %dma_start3A_258 : memref<1x128xi32, #tpu.memory_space<vmem>> -> memref<128xi32, #tpu.memory_space<vmem>>
        %dma_start3A_260 = arith.constant 0 : i32
        %dma_start3A_261 = tpu.memref_slice %arg9[%dma_start3A_260] : memref<10240xf32, #tpu.memory_space<vmem_shared>> -> memref<10240xf32, #tpu.memory_space<vmem_shared>>
        tpu.enqueue_indirect_dma source(%arg11 : memref<128xf32, #tpu.memory_space<vmem>>) target(%dma_start3A_261 : memref<10240xf32, #tpu.memory_space<vmem_shared>>) offsets(%dma_start3A_259 : memref<128xi32, #tpu.memory_space<vmem>>) semaphore(%arg19 : memref<!tpu.dma_semaphore, #tpu.memory_space<semaphore_mem>>) {add = true}
        %dma_start3A_262 = arith.constant 7 : i32
        %dma_start3A_263 = arith.constant 0 : i32
        %dma_start3A_264 = tpu.memref_slice %arg15[%dma_start3A_262, %dma_start3A_263] : memref<8x128xi32, #tpu.memory_space<vmem>> -> memref<1x128xi32, #tpu.memory_space<vmem>>
        %dma_start3A_265 = tpu.memref_squeeze %dma_start3A_264 : memref<1x128xi32, #tpu.memory_space<vmem>> -> memref<128xi32, #tpu.memory_space<vmem>>
        %dma_start3A_266 = arith.constant 0 : i32
        %dma_start3A_267 = tpu.memref_slice %arg10[%dma_start3A_266] : memref<10240xf32, #tpu.memory_space<vmem_shared>> -> memref<10240xf32, #tpu.memory_space<vmem_shared>>
        tpu.enqueue_indirect_dma source(%arg11 : memref<128xf32, #tpu.memory_space<vmem>>) target(%dma_start3A_267 : memref<10240xf32, #tpu.memory_space<vmem_shared>>) offsets(%dma_start3A_265 : memref<128xi32, #tpu.memory_space<vmem>>) semaphore(%arg19 : memref<!tpu.dma_semaphore, #tpu.memory_space<semaphore_mem>>) {add = true}
        %dma_wait3A_268 = arith.constant 0 : i32
        %dma_wait3A_269 = tpu.memref_slice %arg9[%dma_wait3A_268] : memref<10240xf32, #tpu.memory_space<vmem_shared>> -> memref<128xf32, #tpu.memory_space<vmem_shared>>
        %dma_wait3A_270 = arith.constant 0 : i32
        %dma_wait3A_271 = tpu.memref_slice %arg9[%dma_wait3A_270] : memref<10240xf32, #tpu.memory_space<vmem_shared>> -> memref<128xf32, #tpu.memory_space<vmem_shared>>
        tpu.wait_dma2 semaphore(%arg18 : memref<!tpu.dma_semaphore, #tpu.memory_space<semaphore_mem>>) src(%arg11 : memref<128xf32, #tpu.memory_space<vmem>>) dst(%dma_wait3A_271 : memref<128xf32, #tpu.memory_space<vmem_shared>>)
        %dma_wait3A_272 = arith.constant 0 : i32
        %dma_wait3A_273 = tpu.memref_slice %arg9[%dma_wait3A_272] : memref<10240xf32, #tpu.memory_space<vmem_shared>> -> memref<128xf32, #tpu.memory_space<vmem_shared>>
        %dma_wait3A_274 = arith.constant 0 : i32
        %dma_wait3A_275 = tpu.memref_slice %arg9[%dma_wait3A_274] : memref<10240xf32, #tpu.memory_space<vmem_shared>> -> memref<128xf32, #tpu.memory_space<vmem_shared>>
        tpu.wait_dma2 semaphore(%arg18 : memref<!tpu.dma_semaphore, #tpu.memory_space<semaphore_mem>>) src(%arg11 : memref<128xf32, #tpu.memory_space<vmem>>) dst(%dma_wait3A_275 : memref<128xf32, #tpu.memory_space<vmem_shared>>)
        %dma_wait3A_276 = arith.constant 0 : i32
        %dma_wait3A_277 = tpu.memref_slice %arg9[%dma_wait3A_276] : memref<10240xf32, #tpu.memory_space<vmem_shared>> -> memref<128xf32, #tpu.memory_space<vmem_shared>>
        %dma_wait3A_278 = arith.constant 0 : i32
        %dma_wait3A_279 = tpu.memref_slice %arg9[%dma_wait3A_278] : memref<10240xf32, #tpu.memory_space<vmem_shared>> -> memref<128xf32, #tpu.memory_space<vmem_shared>>
        tpu.wait_dma2 semaphore(%arg18 : memref<!tpu.dma_semaphore, #tpu.memory_space<semaphore_mem>>) src(%arg11 : memref<128xf32, #tpu.memory_space<vmem>>) dst(%dma_wait3A_279 : memref<128xf32, #tpu.memory_space<vmem_shared>>)
        %dma_wait3A_280 = arith.constant 0 : i32
        %dma_wait3A_281 = tpu.memref_slice %arg9[%dma_wait3A_280] : memref<10240xf32, #tpu.memory_space<vmem_shared>> -> memref<128xf32, #tpu.memory_space<vmem_shared>>
        %dma_wait3A_282 = arith.constant 0 : i32
        %dma_wait3A_283 = tpu.memref_slice %arg9[%dma_wait3A_282] : memref<10240xf32, #tpu.memory_space<vmem_shared>> -> memref<128xf32, #tpu.memory_space<vmem_shared>>
        tpu.wait_dma2 semaphore(%arg18 : memref<!tpu.dma_semaphore, #tpu.memory_space<semaphore_mem>>) src(%arg11 : memref<128xf32, #tpu.memory_space<vmem>>) dst(%dma_wait3A_283 : memref<128xf32, #tpu.memory_space<vmem_shared>>)
        %dma_wait3A_284 = arith.constant 0 : i32
        %dma_wait3A_285 = tpu.memref_slice %arg9[%dma_wait3A_284] : memref<10240xf32, #tpu.memory_space<vmem_shared>> -> memref<128xf32, #tpu.memory_space<vmem_shared>>
        %dma_wait3A_286 = arith.constant 0 : i32
        %dma_wait3A_287 = tpu.memref_slice %arg9[%dma_wait3A_286] : memref<10240xf32, #tpu.memory_space<vmem_shared>> -> memref<128xf32, #tpu.memory_space<vmem_shared>>
        tpu.wait_dma2 semaphore(%arg18 : memref<!tpu.dma_semaphore, #tpu.memory_space<semaphore_mem>>) src(%arg11 : memref<128xf32, #tpu.memory_space<vmem>>) dst(%dma_wait3A_287 : memref<128xf32, #tpu.memory_space<vmem_shared>>)
        %dma_wait3A_288 = arith.constant 0 : i32
        %dma_wait3A_289 = tpu.memref_slice %arg9[%dma_wait3A_288] : memref<10240xf32, #tpu.memory_space<vmem_shared>> -> memref<128xf32, #tpu.memory_space<vmem_shared>>
        %dma_wait3A_290 = arith.constant 0 : i32
        %dma_wait3A_291 = tpu.memref_slice %arg9[%dma_wait3A_290] : memref<10240xf32, #tpu.memory_space<vmem_shared>> -> memref<128xf32, #tpu.memory_space<vmem_shared>>
        tpu.wait_dma2 semaphore(%arg18 : memref<!tpu.dma_semaphore, #tpu.memory_space<semaphore_mem>>) src(%arg11 : memref<128xf32, #tpu.memory_space<vmem>>) dst(%dma_wait3A_291 : memref<128xf32, #tpu.memory_space<vmem_shared>>)
        %dma_wait3A_292 = arith.constant 0 : i32
        %dma_wait3A_293 = tpu.memref_slice %arg9[%dma_wait3A_292] : memref<10240xf32, #tpu.memory_space<vmem_shared>> -> memref<128xf32, #tpu.memory_space<vmem_shared>>
        %dma_wait3A_294 = arith.constant 0 : i32
        %dma_wait3A_295 = tpu.memref_slice %arg9[%dma_wait3A_294] : memref<10240xf32, #tpu.memory_space<vmem_shared>> -> memref<128xf32, #tpu.memory_space<vmem_shared>>
        tpu.wait_dma2 semaphore(%arg18 : memref<!tpu.dma_semaphore, #tpu.memory_space<semaphore_mem>>) src(%arg11 : memref<128xf32, #tpu.memory_space<vmem>>) dst(%dma_wait3A_295 : memref<128xf32, #tpu.memory_space<vmem_shared>>)
        %dma_wait3A_296 = arith.constant 0 : i32
        %dma_wait3A_297 = tpu.memref_slice %arg9[%dma_wait3A_296] : memref<10240xf32, #tpu.memory_space<vmem_shared>> -> memref<128xf32, #tpu.memory_space<vmem_shared>>
        %dma_wait3A_298 = arith.constant 0 : i32
        %dma_wait3A_299 = tpu.memref_slice %arg9[%dma_wait3A_298] : memref<10240xf32, #tpu.memory_space<vmem_shared>> -> memref<128xf32, #tpu.memory_space<vmem_shared>>
        tpu.wait_dma2 semaphore(%arg18 : memref<!tpu.dma_semaphore, #tpu.memory_space<semaphore_mem>>) src(%arg11 : memref<128xf32, #tpu.memory_space<vmem>>) dst(%dma_wait3A_299 : memref<128xf32, #tpu.memory_space<vmem_shared>>)
        %dma_wait3A_300 = arith.constant 0 : i32
        %dma_wait3A_301 = tpu.memref_slice %arg9[%dma_wait3A_300] : memref<10240xf32, #tpu.memory_space<vmem_shared>> -> memref<128xf32, #tpu.memory_space<vmem_shared>>
        %dma_wait3A_302 = arith.constant 0 : i32
        %dma_wait3A_303 = tpu.memref_slice %arg9[%dma_wait3A_302] : memref<10240xf32, #tpu.memory_space<vmem_shared>> -> memref<128xf32, #tpu.memory_space<vmem_shared>>
        tpu.wait_dma2 semaphore(%arg18 : memref<!tpu.dma_semaphore, #tpu.memory_space<semaphore_mem>>) src(%arg11 : memref<128xf32, #tpu.memory_space<vmem>>) dst(%dma_wait3A_303 : memref<128xf32, #tpu.memory_space<vmem_shared>>)
        %dma_wait3A_304 = arith.constant 0 : i32
        %dma_wait3A_305 = tpu.memref_slice %arg9[%dma_wait3A_304] : memref<10240xf32, #tpu.memory_space<vmem_shared>> -> memref<128xf32, #tpu.memory_space<vmem_shared>>
        %dma_wait3A_306 = arith.constant 0 : i32
        %dma_wait3A_307 = tpu.memref_slice %arg9[%dma_wait3A_306] : memref<10240xf32, #tpu.memory_space<vmem_shared>> -> memref<128xf32, #tpu.memory_space<vmem_shared>>
        tpu.wait_dma2 semaphore(%arg18 : memref<!tpu.dma_semaphore, #tpu.memory_space<semaphore_mem>>) src(%arg11 : memref<128xf32, #tpu.memory_space<vmem>>) dst(%dma_wait3A_307 : memref<128xf32, #tpu.memory_space<vmem_shared>>)
        %dma_wait3A_308 = arith.constant 0 : i32
        %dma_wait3A_309 = tpu.memref_slice %arg9[%dma_wait3A_308] : memref<10240xf32, #tpu.memory_space<vmem_shared>> -> memref<128xf32, #tpu.memory_space<vmem_shared>>
        %dma_wait3A_310 = arith.constant 0 : i32
        %dma_wait3A_311 = tpu.memref_slice %arg9[%dma_wait3A_310] : memref<10240xf32, #tpu.memory_space<vmem_shared>> -> memref<128xf32, #tpu.memory_space<vmem_shared>>
        tpu.wait_dma2 semaphore(%arg18 : memref<!tpu.dma_semaphore, #tpu.memory_space<semaphore_mem>>) src(%arg11 : memref<128xf32, #tpu.memory_space<vmem>>) dst(%dma_wait3A_311 : memref<128xf32, #tpu.memory_space<vmem_shared>>)
        %dma_wait3A_312 = arith.constant 0 : i32
        %dma_wait3A_313 = tpu.memref_slice %arg9[%dma_wait3A_312] : memref<10240xf32, #tpu.memory_space<vmem_shared>> -> memref<128xf32, #tpu.memory_space<vmem_shared>>
        %dma_wait3A_314 = arith.constant 0 : i32
        %dma_wait3A_315 = tpu.memref_slice %arg9[%dma_wait3A_314] : memref<10240xf32, #tpu.memory_space<vmem_shared>> -> memref<128xf32, #tpu.memory_space<vmem_shared>>
        tpu.wait_dma2 semaphore(%arg18 : memref<!tpu.dma_semaphore, #tpu.memory_space<semaphore_mem>>) src(%arg11 : memref<128xf32, #tpu.memory_space<vmem>>) dst(%dma_wait3A_315 : memref<128xf32, #tpu.memory_space<vmem_shared>>)
        %dma_wait3A_316 = arith.constant 0 : i32
        %dma_wait3A_317 = tpu.memref_slice %arg9[%dma_wait3A_316] : memref<10240xf32, #tpu.memory_space<vmem_shared>> -> memref<128xf32, #tpu.memory_space<vmem_shared>>
        %dma_wait3A_318 = arith.constant 0 : i32
        %dma_wait3A_319 = tpu.memref_slice %arg9[%dma_wait3A_318] : memref<10240xf32, #tpu.memory_space<vmem_shared>> -> memref<128xf32, #tpu.memory_space<vmem_shared>>
        tpu.wait_dma2 semaphore(%arg18 : memref<!tpu.dma_semaphore, #tpu.memory_space<semaphore_mem>>) src(%arg11 : memref<128xf32, #tpu.memory_space<vmem>>) dst(%dma_wait3A_319 : memref<128xf32, #tpu.memory_space<vmem_shared>>)
        %dma_wait3A_320 = arith.constant 0 : i32
        %dma_wait3A_321 = tpu.memref_slice %arg9[%dma_wait3A_320] : memref<10240xf32, #tpu.memory_space<vmem_shared>> -> memref<128xf32, #tpu.memory_space<vmem_shared>>
        %dma_wait3A_322 = arith.constant 0 : i32
        %dma_wait3A_323 = tpu.memref_slice %arg9[%dma_wait3A_322] : memref<10240xf32, #tpu.memory_space<vmem_shared>> -> memref<128xf32, #tpu.memory_space<vmem_shared>>
        tpu.wait_dma2 semaphore(%arg18 : memref<!tpu.dma_semaphore, #tpu.memory_space<semaphore_mem>>) src(%arg11 : memref<128xf32, #tpu.memory_space<vmem>>) dst(%dma_wait3A_323 : memref<128xf32, #tpu.memory_space<vmem_shared>>)
        %dma_wait3A_324 = arith.constant 0 : i32
        %dma_wait3A_325 = tpu.memref_slice %arg9[%dma_wait3A_324] : memref<10240xf32, #tpu.memory_space<vmem_shared>> -> memref<128xf32, #tpu.memory_space<vmem_shared>>
        %dma_wait3A_326 = arith.constant 0 : i32
        %dma_wait3A_327 = tpu.memref_slice %arg9[%dma_wait3A_326] : memref<10240xf32, #tpu.memory_space<vmem_shared>> -> memref<128xf32, #tpu.memory_space<vmem_shared>>
        tpu.wait_dma2 semaphore(%arg18 : memref<!tpu.dma_semaphore, #tpu.memory_space<semaphore_mem>>) src(%arg11 : memref<128xf32, #tpu.memory_space<vmem>>) dst(%dma_wait3A_327 : memref<128xf32, #tpu.memory_space<vmem_shared>>)
        %dma_wait3A_328 = arith.constant 0 : i32
        %dma_wait3A_329 = tpu.memref_slice %arg9[%dma_wait3A_328] : memref<10240xf32, #tpu.memory_space<vmem_shared>> -> memref<128xf32, #tpu.memory_space<vmem_shared>>
        %dma_wait3A_330 = arith.constant 0 : i32
        %dma_wait3A_331 = tpu.memref_slice %arg9[%dma_wait3A_330] : memref<10240xf32, #tpu.memory_space<vmem_shared>> -> memref<128xf32, #tpu.memory_space<vmem_shared>>
        tpu.wait_dma2 semaphore(%arg18 : memref<!tpu.dma_semaphore, #tpu.memory_space<semaphore_mem>>) src(%arg11 : memref<128xf32, #tpu.memory_space<vmem>>) dst(%dma_wait3A_331 : memref<128xf32, #tpu.memory_space<vmem_shared>>)
        %add3A_332 = arith.constant 2 : i32
        %add3A_333 = arith.addi %mul3A_52, %add3A_332 : i32
        %lt3A = arith.constant 20 : i32
        %lt3A_334 = arith.cmpi slt, %add3A_333, %lt3A : i32
        %convert_element_type3A_335 = arith.extui %lt3A_334 : i1 to i32
        %cond3A_336 = arith.constant 0 : i32
        %cond3A_337 = arith.cmpi ne, %convert_element_type3A_335, %cond3A_336 : i32
        scf.if %cond3A_337 {
          %add3A_409 = arith.constant 2 : i32
          %add3A_410 = arith.addi %mul3A_52, %add3A_409 : i32
          %mul3A_411 = arith.constant 16 : i32
          %mul3A_412 = arith.muli %add3A_410, %mul3A_411 : i32
          %add3A_413 = arith.addi %arg1, %mul3A_412 : i32
          %mul3A_414 = arith.constant 8 : i32
          %mul3A_415 = arith.muli %add3A_413, %mul3A_414 : i32
          %dma_start3A_416 = arith.constant 0 : i32
          %dma_start3A_417 = tpu.memref_slice %arg2[%mul3A_415, %dma_start3A_416] : memref<2560x128xi32, #tpu.memory_space<hbm>> -> memref<8x128xi32, #tpu.memory_space<hbm>>
          %dma_start3A_418 = arith.constant 0 : i32
          %dma_start3A_419 = tpu.memref_slice %arg2[%mul3A_415, %dma_start3A_418] : memref<2560x128xi32, #tpu.memory_space<hbm>> -> memref<8x128xi32, #tpu.memory_space<hbm>>
          tpu.enqueue_dma source(%dma_start3A_419 : memref<8x128xi32, #tpu.memory_space<hbm>>) target(%arg12 : memref<8x128xi32, #tpu.memory_space<vmem>>) target_semaphore(%arg16 : memref<!tpu.dma_semaphore, #tpu.memory_space<semaphore_mem>>)
          %mul3A_420 = arith.constant 8 : i32
          %mul3A_421 = arith.muli %add3A_413, %mul3A_420 : i32
          %dma_start3A_422 = arith.constant 0 : i32
          %dma_start3A_423 = tpu.memref_slice %arg3[%mul3A_421, %dma_start3A_422] : memref<2560x128xi32, #tpu.memory_space<hbm>> -> memref<8x128xi32, #tpu.memory_space<hbm>>
          %dma_start3A_424 = arith.constant 0 : i32
          %dma_start3A_425 = tpu.memref_slice %arg3[%mul3A_421, %dma_start3A_424] : memref<2560x128xi32, #tpu.memory_space<hbm>> -> memref<8x128xi32, #tpu.memory_space<hbm>>
          tpu.enqueue_dma source(%dma_start3A_425 : memref<8x128xi32, #tpu.memory_space<hbm>>) target(%arg14 : memref<8x128xi32, #tpu.memory_space<vmem>>) target_semaphore(%arg16 : memref<!tpu.dma_semaphore, #tpu.memory_space<semaphore_mem>>)
        } else {
        }
        %dma_wait3A_338 = arith.constant 0 : i32
        %dma_wait3A_339 = tpu.memref_slice %arg9[%dma_wait3A_338] : memref<10240xf32, #tpu.memory_space<vmem_shared>> -> memref<128xf32, #tpu.memory_space<vmem_shared>>
        %dma_wait3A_340 = arith.constant 0 : i32
        %dma_wait3A_341 = tpu.memref_slice %arg9[%dma_wait3A_340] : memref<10240xf32, #tpu.memory_space<vmem_shared>> -> memref<128xf32, #tpu.memory_space<vmem_shared>>
        tpu.wait_dma2 semaphore(%arg19 : memref<!tpu.dma_semaphore, #tpu.memory_space<semaphore_mem>>) src(%arg11 : memref<128xf32, #tpu.memory_space<vmem>>) dst(%dma_wait3A_341 : memref<128xf32, #tpu.memory_space<vmem_shared>>)
        %dma_wait3A_342 = arith.constant 0 : i32
        %dma_wait3A_343 = tpu.memref_slice %arg9[%dma_wait3A_342] : memref<10240xf32, #tpu.memory_space<vmem_shared>> -> memref<128xf32, #tpu.memory_space<vmem_shared>>
        %dma_wait3A_344 = arith.constant 0 : i32
        %dma_wait3A_345 = tpu.memref_slice %arg9[%dma_wait3A_344] : memref<10240xf32, #tpu.memory_space<vmem_shared>> -> memref<128xf32, #tpu.memory_space<vmem_shared>>
        tpu.wait_dma2 semaphore(%arg19 : memref<!tpu.dma_semaphore, #tpu.memory_space<semaphore_mem>>) src(%arg11 : memref<128xf32, #tpu.memory_space<vmem>>) dst(%dma_wait3A_345 : memref<128xf32, #tpu.memory_space<vmem_shared>>)
        %dma_wait3A_346 = arith.constant 0 : i32
        %dma_wait3A_347 = tpu.memref_slice %arg9[%dma_wait3A_346] : memref<10240xf32, #tpu.memory_space<vmem_shared>> -> memref<128xf32, #tpu.memory_space<vmem_shared>>
        %dma_wait3A_348 = arith.constant 0 : i32
        %dma_wait3A_349 = tpu.memref_slice %arg9[%dma_wait3A_348] : memref<10240xf32, #tpu.memory_space<vmem_shared>> -> memref<128xf32, #tpu.memory_space<vmem_shared>>
        tpu.wait_dma2 semaphore(%arg19 : memref<!tpu.dma_semaphore, #tpu.memory_space<semaphore_mem>>) src(%arg11 : memref<128xf32, #tpu.memory_space<vmem>>) dst(%dma_wait3A_349 : memref<128xf32, #tpu.memory_space<vmem_shared>>)
        %dma_wait3A_350 = arith.constant 0 : i32
        %dma_wait3A_351 = tpu.memref_slice %arg9[%dma_wait3A_350] : memref<10240xf32, #tpu.memory_space<vmem_shared>> -> memref<128xf32, #tpu.memory_space<vmem_shared>>
        %dma_wait3A_352 = arith.constant 0 : i32
        %dma_wait3A_353 = tpu.memref_slice %arg9[%dma_wait3A_352] : memref<10240xf32, #tpu.memory_space<vmem_shared>> -> memref<128xf32, #tpu.memory_space<vmem_shared>>
        tpu.wait_dma2 semaphore(%arg19 : memref<!tpu.dma_semaphore, #tpu.memory_space<semaphore_mem>>) src(%arg11 : memref<128xf32, #tpu.memory_space<vmem>>) dst(%dma_wait3A_353 : memref<128xf32, #tpu.memory_space<vmem_shared>>)
        %dma_wait3A_354 = arith.constant 0 : i32
        %dma_wait3A_355 = tpu.memref_slice %arg9[%dma_wait3A_354] : memref<10240xf32, #tpu.memory_space<vmem_shared>> -> memref<128xf32, #tpu.memory_space<vmem_shared>>
        %dma_wait3A_356 = arith.constant 0 : i32
        %dma_wait3A_357 = tpu.memref_slice %arg9[%dma_wait3A_356] : memref<10240xf32, #tpu.memory_space<vmem_shared>> -> memref<128xf32, #tpu.memory_space<vmem_shared>>
        tpu.wait_dma2 semaphore(%arg19 : memref<!tpu.dma_semaphore, #tpu.memory_space<semaphore_mem>>) src(%arg11 : memref<128xf32, #tpu.memory_space<vmem>>) dst(%dma_wait3A_357 : memref<128xf32, #tpu.memory_space<vmem_shared>>)
        %dma_wait3A_358 = arith.constant 0 : i32
        %dma_wait3A_359 = tpu.memref_slice %arg9[%dma_wait3A_358] : memref<10240xf32, #tpu.memory_space<vmem_shared>> -> memref<128xf32, #tpu.memory_space<vmem_shared>>
        %dma_wait3A_360 = arith.constant 0 : i32
        %dma_wait3A_361 = tpu.memref_slice %arg9[%dma_wait3A_360] : memref<10240xf32, #tpu.memory_space<vmem_shared>> -> memref<128xf32, #tpu.memory_space<vmem_shared>>
        tpu.wait_dma2 semaphore(%arg19 : memref<!tpu.dma_semaphore, #tpu.memory_space<semaphore_mem>>) src(%arg11 : memref<128xf32, #tpu.memory_space<vmem>>) dst(%dma_wait3A_361 : memref<128xf32, #tpu.memory_space<vmem_shared>>)
        %dma_wait3A_362 = arith.constant 0 : i32
        %dma_wait3A_363 = tpu.memref_slice %arg9[%dma_wait3A_362] : memref<10240xf32, #tpu.memory_space<vmem_shared>> -> memref<128xf32, #tpu.memory_space<vmem_shared>>
        %dma_wait3A_364 = arith.constant 0 : i32
        %dma_wait3A_365 = tpu.memref_slice %arg9[%dma_wait3A_364] : memref<10240xf32, #tpu.memory_space<vmem_shared>> -> memref<128xf32, #tpu.memory_space<vmem_shared>>
        tpu.wait_dma2 semaphore(%arg19 : memref<!tpu.dma_semaphore, #tpu.memory_space<semaphore_mem>>) src(%arg11 : memref<128xf32, #tpu.memory_space<vmem>>) dst(%dma_wait3A_365 : memref<128xf32, #tpu.memory_space<vmem_shared>>)
        %dma_wait3A_366 = arith.constant 0 : i32
        %dma_wait3A_367 = tpu.memref_slice %arg9[%dma_wait3A_366] : memref<10240xf32, #tpu.memory_space<vmem_shared>> -> memref<128xf32, #tpu.memory_space<vmem_shared>>
        %dma_wait3A_368 = arith.constant 0 : i32
        %dma_wait3A_369 = tpu.memref_slice %arg9[%dma_wait3A_368] : memref<10240xf32, #tpu.memory_space<vmem_shared>> -> memref<128xf32, #tpu.memory_space<vmem_shared>>
        tpu.wait_dma2 semaphore(%arg19 : memref<!tpu.dma_semaphore, #tpu.memory_space<semaphore_mem>>) src(%arg11 : memref<128xf32, #tpu.memory_space<vmem>>) dst(%dma_wait3A_369 : memref<128xf32, #tpu.memory_space<vmem_shared>>)
        %dma_wait3A_370 = arith.constant 0 : i32
        %dma_wait3A_371 = tpu.memref_slice %arg9[%dma_wait3A_370] : memref<10240xf32, #tpu.memory_space<vmem_shared>> -> memref<128xf32, #tpu.memory_space<vmem_shared>>
        %dma_wait3A_372 = arith.constant 0 : i32
        %dma_wait3A_373 = tpu.memref_slice %arg9[%dma_wait3A_372] : memref<10240xf32, #tpu.memory_space<vmem_shared>> -> memref<128xf32, #tpu.memory_space<vmem_shared>>
        tpu.wait_dma2 semaphore(%arg19 : memref<!tpu.dma_semaphore, #tpu.memory_space<semaphore_mem>>) src(%arg11 : memref<128xf32, #tpu.memory_space<vmem>>) dst(%dma_wait3A_373 : memref<128xf32, #tpu.memory_space<vmem_shared>>)
        %dma_wait3A_374 = arith.constant 0 : i32
        %dma_wait3A_375 = tpu.memref_slice %arg9[%dma_wait3A_374] : memref<10240xf32, #tpu.memory_space<vmem_shared>> -> memref<128xf32, #tpu.memory_space<vmem_shared>>
        %dma_wait3A_376 = arith.constant 0 : i32
        %dma_wait3A_377 = tpu.memref_slice %arg9[%dma_wait3A_376] : memref<10240xf32, #tpu.memory_space<vmem_shared>> -> memref<128xf32, #tpu.memory_space<vmem_shared>>
        tpu.wait_dma2 semaphore(%arg19 : memref<!tpu.dma_semaphore, #tpu.memory_space<semaphore_mem>>) src(%arg11 : memref<128xf32, #tpu.memory_space<vmem>>) dst(%dma_wait3A_377 : memref<128xf32, #tpu.memory_space<vmem_shared>>)
        %dma_wait3A_378 = arith.constant 0 : i32
        %dma_wait3A_379 = tpu.memref_slice %arg9[%dma_wait3A_378] : memref<10240xf32, #tpu.memory_space<vmem_shared>> -> memref<128xf32, #tpu.memory_space<vmem_shared>>
        %dma_wait3A_380 = arith.constant 0 : i32
        %dma_wait3A_381 = tpu.memref_slice %arg9[%dma_wait3A_380] : memref<10240xf32, #tpu.memory_space<vmem_shared>> -> memref<128xf32, #tpu.memory_space<vmem_shared>>
        tpu.wait_dma2 semaphore(%arg19 : memref<!tpu.dma_semaphore, #tpu.memory_space<semaphore_mem>>) src(%arg11 : memref<128xf32, #tpu.memory_space<vmem>>) dst(%dma_wait3A_381 : memref<128xf32, #tpu.memory_space<vmem_shared>>)
        %dma_wait3A_382 = arith.constant 0 : i32
        %dma_wait3A_383 = tpu.memref_slice %arg9[%dma_wait3A_382] : memref<10240xf32, #tpu.memory_space<vmem_shared>> -> memref<128xf32, #tpu.memory_space<vmem_shared>>
        %dma_wait3A_384 = arith.constant 0 : i32
        %dma_wait3A_385 = tpu.memref_slice %arg9[%dma_wait3A_384] : memref<10240xf32, #tpu.memory_space<vmem_shared>> -> memref<128xf32, #tpu.memory_space<vmem_shared>>
        tpu.wait_dma2 semaphore(%arg19 : memref<!tpu.dma_semaphore, #tpu.memory_space<semaphore_mem>>) src(%arg11 : memref<128xf32, #tpu.memory_space<vmem>>) dst(%dma_wait3A_385 : memref<128xf32, #tpu.memory_space<vmem_shared>>)
        %dma_wait3A_386 = arith.constant 0 : i32
        %dma_wait3A_387 = tpu.memref_slice %arg9[%dma_wait3A_386] : memref<10240xf32, #tpu.memory_space<vmem_shared>> -> memref<128xf32, #tpu.memory_space<vmem_shared>>
        %dma_wait3A_388 = arith.constant 0 : i32
        %dma_wait3A_389 = tpu.memref_slice %arg9[%dma_wait3A_388] : memref<10240xf32, #tpu.memory_space<vmem_shared>> -> memref<128xf32, #tpu.memory_space<vmem_shared>>
        tpu.wait_dma2 semaphore(%arg19 : memref<!tpu.dma_semaphore, #tpu.memory_space<semaphore_mem>>) src(%arg11 : memref<128xf32, #tpu.memory_space<vmem>>) dst(%dma_wait3A_389 : memref<128xf32, #tpu.memory_space<vmem_shared>>)
        %dma_wait3A_390 = arith.constant 0 : i32
        %dma_wait3A_391 = tpu.memref_slice %arg9[%dma_wait3A_390] : memref<10240xf32, #tpu.memory_space<vmem_shared>> -> memref<128xf32, #tpu.memory_space<vmem_shared>>
        %dma_wait3A_392 = arith.constant 0 : i32
        %dma_wait3A_393 = tpu.memref_slice %arg9[%dma_wait3A_392] : memref<10240xf32, #tpu.memory_space<vmem_shared>> -> memref<128xf32, #tpu.memory_space<vmem_shared>>
        tpu.wait_dma2 semaphore(%arg19 : memref<!tpu.dma_semaphore, #tpu.memory_space<semaphore_mem>>) src(%arg11 : memref<128xf32, #tpu.memory_space<vmem>>) dst(%dma_wait3A_393 : memref<128xf32, #tpu.memory_space<vmem_shared>>)
        %dma_wait3A_394 = arith.constant 0 : i32
        %dma_wait3A_395 = tpu.memref_slice %arg9[%dma_wait3A_394] : memref<10240xf32, #tpu.memory_space<vmem_shared>> -> memref<128xf32, #tpu.memory_space<vmem_shared>>
        %dma_wait3A_396 = arith.constant 0 : i32
        %dma_wait3A_397 = tpu.memref_slice %arg9[%dma_wait3A_396] : memref<10240xf32, #tpu.memory_space<vmem_shared>> -> memref<128xf32, #tpu.memory_space<vmem_shared>>
        tpu.wait_dma2 semaphore(%arg19 : memref<!tpu.dma_semaphore, #tpu.memory_space<semaphore_mem>>) src(%arg11 : memref<128xf32, #tpu.memory_space<vmem>>) dst(%dma_wait3A_397 : memref<128xf32, #tpu.memory_space<vmem_shared>>)
        %dma_wait3A_398 = arith.constant 0 : i32
        %dma_wait3A_399 = tpu.memref_slice %arg9[%dma_wait3A_398] : memref<10240xf32, #tpu.memory_space<vmem_shared>> -> memref<128xf32, #tpu.memory_space<vmem_shared>>
        %dma_wait3A_400 = arith.constant 0 : i32
        %dma_wait3A_401 = tpu.memref_slice %arg9[%dma_wait3A_400] : memref<10240xf32, #tpu.memory_space<vmem_shared>> -> memref<128xf32, #tpu.memory_space<vmem_shared>>
        tpu.wait_dma2 semaphore(%arg19 : memref<!tpu.dma_semaphore, #tpu.memory_space<semaphore_mem>>) src(%arg11 : memref<128xf32, #tpu.memory_space<vmem>>) dst(%dma_wait3A_401 : memref<128xf32, #tpu.memory_space<vmem_shared>>)
        %add3A_402 = arith.constant 3 : i32
        %add3A_403 = arith.addi %mul3A_52, %add3A_402 : i32
        %lt3A_404 = arith.constant 20 : i32
        %lt3A_405 = arith.cmpi slt, %add3A_403, %lt3A_404 : i32
        %convert_element_type3A_406 = arith.extui %lt3A_405 : i1 to i32
        %cond3A_407 = arith.constant 0 : i32
        %cond3A_408 = arith.cmpi ne, %convert_element_type3A_406, %cond3A_407 : i32
        scf.if %cond3A_408 {
          %add3A_409 = arith.constant 3 : i32
          %add3A_410 = arith.addi %mul3A_52, %add3A_409 : i32
          %mul3A_411 = arith.constant 16 : i32
          %mul3A_412 = arith.muli %add3A_410, %mul3A_411 : i32
          %add3A_413 = arith.addi %arg1, %mul3A_412 : i32
          %mul3A_414 = arith.constant 8 : i32
          %mul3A_415 = arith.muli %add3A_413, %mul3A_414 : i32
          %dma_start3A_416 = arith.constant 0 : i32
          %dma_start3A_417 = tpu.memref_slice %arg2[%mul3A_415, %dma_start3A_416] : memref<2560x128xi32, #tpu.memory_space<hbm>> -> memref<8x128xi32, #tpu.memory_space<hbm>>
          %dma_start3A_418 = arith.constant 0 : i32
          %dma_start3A_419 = tpu.memref_slice %arg2[%mul3A_415, %dma_start3A_418] : memref<2560x128xi32, #tpu.memory_space<hbm>> -> memref<8x128xi32, #tpu.memory_space<hbm>>
          tpu.enqueue_dma source(%dma_start3A_419 : memref<8x128xi32, #tpu.memory_space<hbm>>) target(%arg13 : memref<8x128xi32, #tpu.memory_space<vmem>>) target_semaphore(%arg17 : memref<!tpu.dma_semaphore, #tpu.memory_space<semaphore_mem>>)
          %mul3A_420 = arith.constant 8 : i32
          %mul3A_421 = arith.muli %add3A_413, %mul3A_420 : i32
          %dma_start3A_422 = arith.constant 0 : i32
          %dma_start3A_423 = tpu.memref_slice %arg3[%mul3A_421, %dma_start3A_422] : memref<2560x128xi32, #tpu.memory_space<hbm>> -> memref<8x128xi32, #tpu.memory_space<hbm>>
          %dma_start3A_424 = arith.constant 0 : i32
          %dma_start3A_425 = tpu.memref_slice %arg3[%mul3A_421, %dma_start3A_424] : memref<2560x128xi32, #tpu.memory_space<hbm>> -> memref<8x128xi32, #tpu.memory_space<hbm>>
          tpu.enqueue_dma source(%dma_start3A_425 : memref<8x128xi32, #tpu.memory_space<hbm>>) target(%arg15 : memref<8x128xi32, #tpu.memory_space<vmem>>) target_semaphore(%arg17 : memref<!tpu.dma_semaphore, #tpu.memory_space<semaphore_mem>>)
        } else {
        }
      }
      %scan3A_49 = arith.constant 10 : i32
    } else {
    }
    %eq3A_3 = arith.constant 1 : i32
    %eq3A_4 = arith.cmpi eq, %arg0, %eq3A_3 : i32
    %convert_element_type3A_5 = arith.extui %eq3A_4 : i1 to i32
    %cond3A_6 = arith.constant 0 : i32
    %cond3A_7 = arith.cmpi ne, %convert_element_type3A_5, %cond3A_6 : i32
    scf.if %cond3A_7 {
      %add3A = arith.constant 0 : i32
      %add3A_19 = arith.addi %arg1, %add3A : i32
      %mul3A_20 = arith.constant 8 : i32
      %mul3A_21 = arith.muli %add3A_19, %mul3A_20 : i32
      %dma_start3A = arith.constant 0 : i32
      %dma_start3A_22 = tpu.memref_slice %arg4[%mul3A_21, %dma_start3A] : memref<2560x128xi32, #tpu.memory_space<hbm>> -> memref<8x128xi32, #tpu.memory_space<hbm>>
      %dma_start3A_23 = arith.constant 0 : i32
      %dma_start3A_24 = tpu.memref_slice %arg4[%mul3A_21, %dma_start3A_23] : memref<2560x128xi32, #tpu.memory_space<hbm>> -> memref<8x128xi32, #tpu.memory_space<hbm>>
      tpu.enqueue_dma source(%dma_start3A_24 : memref<8x128xi32, #tpu.memory_space<hbm>>) target(%arg12 : memref<8x128xi32, #tpu.memory_space<vmem>>) target_semaphore(%arg16 : memref<!tpu.dma_semaphore, #tpu.memory_space<semaphore_mem>>)
      %mul3A_25 = arith.constant 8 : i32
      %mul3A_26 = arith.muli %add3A_19, %mul3A_25 : i32
      %dma_start3A_27 = arith.constant 0 : i32
      %dma_start3A_28 = tpu.memref_slice %arg5[%mul3A_26, %dma_start3A_27] : memref<2560x128xi32, #tpu.memory_space<hbm>> -> memref<8x128xi32, #tpu.memory_space<hbm>>
      %dma_start3A_29 = arith.constant 0 : i32
      %dma_start3A_30 = tpu.memref_slice %arg5[%mul3A_26, %dma_start3A_29] : memref<2560x128xi32, #tpu.memory_space<hbm>> -> memref<8x128xi32, #tpu.memory_space<hbm>>
      tpu.enqueue_dma source(%dma_start3A_30 : memref<8x128xi32, #tpu.memory_space<hbm>>) target(%arg14 : memref<8x128xi32, #tpu.memory_space<vmem>>) target_semaphore(%arg16 : memref<!tpu.dma_semaphore, #tpu.memory_space<semaphore_mem>>)
      %add3A_31 = arith.constant 16 : i32
      %add3A_32 = arith.addi %arg1, %add3A_31 : i32
      %mul3A_33 = arith.constant 8 : i32
      %mul3A_34 = arith.muli %add3A_32, %mul3A_33 : i32
      %dma_start3A_35 = arith.constant 0 : i32
      %dma_start3A_36 = tpu.memref_slice %arg4[%mul3A_34, %dma_start3A_35] : memref<2560x128xi32, #tpu.memory_space<hbm>> -> memref<8x128xi32, #tpu.memory_space<hbm>>
      %dma_start3A_37 = arith.constant 0 : i32
      %dma_start3A_38 = tpu.memref_slice %arg4[%mul3A_34, %dma_start3A_37] : memref<2560x128xi32, #tpu.memory_space<hbm>> -> memref<8x128xi32, #tpu.memory_space<hbm>>
      tpu.enqueue_dma source(%dma_start3A_38 : memref<8x128xi32, #tpu.memory_space<hbm>>) target(%arg13 : memref<8x128xi32, #tpu.memory_space<vmem>>) target_semaphore(%arg17 : memref<!tpu.dma_semaphore, #tpu.memory_space<semaphore_mem>>)
      %mul3A_39 = arith.constant 8 : i32
      %mul3A_40 = arith.muli %add3A_32, %mul3A_39 : i32
      %dma_start3A_41 = arith.constant 0 : i32
      %dma_start3A_42 = tpu.memref_slice %arg5[%mul3A_40, %dma_start3A_41] : memref<2560x128xi32, #tpu.memory_space<hbm>> -> memref<8x128xi32, #tpu.memory_space<hbm>>
      %dma_start3A_43 = arith.constant 0 : i32
      %dma_start3A_44 = tpu.memref_slice %arg5[%mul3A_40, %dma_start3A_43] : memref<2560x128xi32, #tpu.memory_space<hbm>> -> memref<8x128xi32, #tpu.memory_space<hbm>>
      tpu.enqueue_dma source(%dma_start3A_44 : memref<8x128xi32, #tpu.memory_space<hbm>>) target(%arg15 : memref<8x128xi32, #tpu.memory_space<vmem>>) target_semaphore(%arg17 : memref<!tpu.dma_semaphore, #tpu.memory_space<semaphore_mem>>)
      %scan3A = arith.constant 0 : i32
      %scan3A_45 = arith.constant 0 : i32
      %scan3A_46 = arith.constant 10 : i32
      %scan3A_47 = arith.addi %scan3A_45, %scan3A_46 : i32
      %scan3A_48 = arith.constant 1 : i32
      scf.for %scan3A_50 = %scan3A_45 to %scan3A_47 step %scan3A_48  : i32 {
        %mul3A_51 = arith.constant 2 : i32
        %mul3A_52 = arith.muli %mul3A_51, %scan3A_50 : i32
        %dma_wait3A = arith.constant 0 : i32
        %dma_wait3A_53 = arith.constant 0 : i32
        %dma_wait3A_54 = tpu.memref_slice %arg4[%dma_wait3A, %dma_wait3A_53] : memref<2560x128xi32, #tpu.memory_space<hbm>> -> memref<8x128xi32, #tpu.memory_space<hbm>>
        %dma_wait3A_55 = arith.constant 0 : i32
        %dma_wait3A_56 = arith.constant 0 : i32
        %dma_wait3A_57 = tpu.memref_slice %arg4[%dma_wait3A_55, %dma_wait3A_56] : memref<2560x128xi32, #tpu.memory_space<hbm>> -> memref<8x128xi32, #tpu.memory_space<hbm>>
        tpu.wait_dma2 semaphore(%arg16 : memref<!tpu.dma_semaphore, #tpu.memory_space<semaphore_mem>>) src(%dma_wait3A_57 : memref<8x128xi32, #tpu.memory_space<hbm>>) dst(%arg12 : memref<8x128xi32, #tpu.memory_space<vmem>>)
        %dma_wait3A_58 = arith.constant 0 : i32
        %dma_wait3A_59 = arith.constant 0 : i32
        %dma_wait3A_60 = tpu.memref_slice %arg4[%dma_wait3A_58, %dma_wait3A_59] : memref<2560x128xi32, #tpu.memory_space<hbm>> -> memref<8x128xi32, #tpu.memory_space<hbm>>
        %dma_wait3A_61 = arith.constant 0 : i32
        %dma_wait3A_62 = arith.constant 0 : i32
        %dma_wait3A_63 = tpu.memref_slice %arg4[%dma_wait3A_61, %dma_wait3A_62] : memref<2560x128xi32, #tpu.memory_space<hbm>> -> memref<8x128xi32, #tpu.memory_space<hbm>>
        tpu.wait_dma2 semaphore(%arg16 : memref<!tpu.dma_semaphore, #tpu.memory_space<semaphore_mem>>) src(%dma_wait3A_63 : memref<8x128xi32, #tpu.memory_space<hbm>>) dst(%arg12 : memref<8x128xi32, #tpu.memory_space<vmem>>)
        %dma_start3A_64 = arith.constant 0 : i32
        %dma_start3A_65 = arith.constant 0 : i32
        %dma_start3A_66 = tpu.memref_slice %arg12[%dma_start3A_64, %dma_start3A_65] : memref<8x128xi32, #tpu.memory_space<vmem>> -> memref<1x128xi32, #tpu.memory_space<vmem>>
        %dma_start3A_67 = tpu.memref_squeeze %dma_start3A_66 : memref<1x128xi32, #tpu.memory_space<vmem>> -> memref<128xi32, #tpu.memory_space<vmem>>
        %dma_start3A_68 = arith.constant 0 : i32
        %dma_start3A_69 = tpu.memref_slice %arg9[%dma_start3A_68] : memref<10240xf32, #tpu.memory_space<vmem_shared>> -> memref<10240xf32, #tpu.memory_space<vmem_shared>>
        tpu.enqueue_indirect_dma source(%arg11 : memref<128xf32, #tpu.memory_space<vmem>>) target(%dma_start3A_69 : memref<10240xf32, #tpu.memory_space<vmem_shared>>) offsets(%dma_start3A_67 : memref<128xi32, #tpu.memory_space<vmem>>) semaphore(%arg18 : memref<!tpu.dma_semaphore, #tpu.memory_space<semaphore_mem>>) {add = true}
        %dma_start3A_70 = arith.constant 0 : i32
        %dma_start3A_71 = arith.constant 0 : i32
        %dma_start3A_72 = tpu.memref_slice %arg14[%dma_start3A_70, %dma_start3A_71] : memref<8x128xi32, #tpu.memory_space<vmem>> -> memref<1x128xi32, #tpu.memory_space<vmem>>
        %dma_start3A_73 = tpu.memref_squeeze %dma_start3A_72 : memref<1x128xi32, #tpu.memory_space<vmem>> -> memref<128xi32, #tpu.memory_space<vmem>>
        %dma_start3A_74 = arith.constant 0 : i32
        %dma_start3A_75 = tpu.memref_slice %arg10[%dma_start3A_74] : memref<10240xf32, #tpu.memory_space<vmem_shared>> -> memref<10240xf32, #tpu.memory_space<vmem_shared>>
        tpu.enqueue_indirect_dma source(%arg11 : memref<128xf32, #tpu.memory_space<vmem>>) target(%dma_start3A_75 : memref<10240xf32, #tpu.memory_space<vmem_shared>>) offsets(%dma_start3A_73 : memref<128xi32, #tpu.memory_space<vmem>>) semaphore(%arg18 : memref<!tpu.dma_semaphore, #tpu.memory_space<semaphore_mem>>) {add = true}
        %dma_start3A_76 = arith.constant 1 : i32
        %dma_start3A_77 = arith.constant 0 : i32
        %dma_start3A_78 = tpu.memref_slice %arg12[%dma_start3A_76, %dma_start3A_77] : memref<8x128xi32, #tpu.memory_space<vmem>> -> memref<1x128xi32, #tpu.memory_space<vmem>>
        %dma_start3A_79 = tpu.memref_squeeze %dma_start3A_78 : memref<1x128xi32, #tpu.memory_space<vmem>> -> memref<128xi32, #tpu.memory_space<vmem>>
        %dma_start3A_80 = arith.constant 0 : i32
        %dma_start3A_81 = tpu.memref_slice %arg9[%dma_start3A_80] : memref<10240xf32, #tpu.memory_space<vmem_shared>> -> memref<10240xf32, #tpu.memory_space<vmem_shared>>
        tpu.enqueue_indirect_dma source(%arg11 : memref<128xf32, #tpu.memory_space<vmem>>) target(%dma_start3A_81 : memref<10240xf32, #tpu.memory_space<vmem_shared>>) offsets(%dma_start3A_79 : memref<128xi32, #tpu.memory_space<vmem>>) semaphore(%arg18 : memref<!tpu.dma_semaphore, #tpu.memory_space<semaphore_mem>>) {add = true}
        %dma_start3A_82 = arith.constant 1 : i32
        %dma_start3A_83 = arith.constant 0 : i32
        %dma_start3A_84 = tpu.memref_slice %arg14[%dma_start3A_82, %dma_start3A_83] : memref<8x128xi32, #tpu.memory_space<vmem>> -> memref<1x128xi32, #tpu.memory_space<vmem>>
        %dma_start3A_85 = tpu.memref_squeeze %dma_start3A_84 : memref<1x128xi32, #tpu.memory_space<vmem>> -> memref<128xi32, #tpu.memory_space<vmem>>
        %dma_start3A_86 = arith.constant 0 : i32
        %dma_start3A_87 = tpu.memref_slice %arg10[%dma_start3A_86] : memref<10240xf32, #tpu.memory_space<vmem_shared>> -> memref<10240xf32, #tpu.memory_space<vmem_shared>>
        tpu.enqueue_indirect_dma source(%arg11 : memref<128xf32, #tpu.memory_space<vmem>>) target(%dma_start3A_87 : memref<10240xf32, #tpu.memory_space<vmem_shared>>) offsets(%dma_start3A_85 : memref<128xi32, #tpu.memory_space<vmem>>) semaphore(%arg18 : memref<!tpu.dma_semaphore, #tpu.memory_space<semaphore_mem>>) {add = true}
        %dma_start3A_88 = arith.constant 2 : i32
        %dma_start3A_89 = arith.constant 0 : i32
        %dma_start3A_90 = tpu.memref_slice %arg12[%dma_start3A_88, %dma_start3A_89] : memref<8x128xi32, #tpu.memory_space<vmem>> -> memref<1x128xi32, #tpu.memory_space<vmem>>
        %dma_start3A_91 = tpu.memref_squeeze %dma_start3A_90 : memref<1x128xi32, #tpu.memory_space<vmem>> -> memref<128xi32, #tpu.memory_space<vmem>>
        %dma_start3A_92 = arith.constant 0 : i32
        %dma_start3A_93 = tpu.memref_slice %arg9[%dma_start3A_92] : memref<10240xf32, #tpu.memory_space<vmem_shared>> -> memref<10240xf32, #tpu.memory_space<vmem_shared>>
        tpu.enqueue_indirect_dma source(%arg11 : memref<128xf32, #tpu.memory_space<vmem>>) target(%dma_start3A_93 : memref<10240xf32, #tpu.memory_space<vmem_shared>>) offsets(%dma_start3A_91 : memref<128xi32, #tpu.memory_space<vmem>>) semaphore(%arg18 : memref<!tpu.dma_semaphore, #tpu.memory_space<semaphore_mem>>) {add = true}
        %dma_start3A_94 = arith.constant 2 : i32
        %dma_start3A_95 = arith.constant 0 : i32
        %dma_start3A_96 = tpu.memref_slice %arg14[%dma_start3A_94, %dma_start3A_95] : memref<8x128xi32, #tpu.memory_space<vmem>> -> memref<1x128xi32, #tpu.memory_space<vmem>>
        %dma_start3A_97 = tpu.memref_squeeze %dma_start3A_96 : memref<1x128xi32, #tpu.memory_space<vmem>> -> memref<128xi32, #tpu.memory_space<vmem>>
        %dma_start3A_98 = arith.constant 0 : i32
        %dma_start3A_99 = tpu.memref_slice %arg10[%dma_start3A_98] : memref<10240xf32, #tpu.memory_space<vmem_shared>> -> memref<10240xf32, #tpu.memory_space<vmem_shared>>
        tpu.enqueue_indirect_dma source(%arg11 : memref<128xf32, #tpu.memory_space<vmem>>) target(%dma_start3A_99 : memref<10240xf32, #tpu.memory_space<vmem_shared>>) offsets(%dma_start3A_97 : memref<128xi32, #tpu.memory_space<vmem>>) semaphore(%arg18 : memref<!tpu.dma_semaphore, #tpu.memory_space<semaphore_mem>>) {add = true}
        %dma_start3A_100 = arith.constant 3 : i32
        %dma_start3A_101 = arith.constant 0 : i32
        %dma_start3A_102 = tpu.memref_slice %arg12[%dma_start3A_100, %dma_start3A_101] : memref<8x128xi32, #tpu.memory_space<vmem>> -> memref<1x128xi32, #tpu.memory_space<vmem>>
        %dma_start3A_103 = tpu.memref_squeeze %dma_start3A_102 : memref<1x128xi32, #tpu.memory_space<vmem>> -> memref<128xi32, #tpu.memory_space<vmem>>
        %dma_start3A_104 = arith.constant 0 : i32
        %dma_start3A_105 = tpu.memref_slice %arg9[%dma_start3A_104] : memref<10240xf32, #tpu.memory_space<vmem_shared>> -> memref<10240xf32, #tpu.memory_space<vmem_shared>>
        tpu.enqueue_indirect_dma source(%arg11 : memref<128xf32, #tpu.memory_space<vmem>>) target(%dma_start3A_105 : memref<10240xf32, #tpu.memory_space<vmem_shared>>) offsets(%dma_start3A_103 : memref<128xi32, #tpu.memory_space<vmem>>) semaphore(%arg18 : memref<!tpu.dma_semaphore, #tpu.memory_space<semaphore_mem>>) {add = true}
        %dma_start3A_106 = arith.constant 3 : i32
        %dma_start3A_107 = arith.constant 0 : i32
        %dma_start3A_108 = tpu.memref_slice %arg14[%dma_start3A_106, %dma_start3A_107] : memref<8x128xi32, #tpu.memory_space<vmem>> -> memref<1x128xi32, #tpu.memory_space<vmem>>
        %dma_start3A_109 = tpu.memref_squeeze %dma_start3A_108 : memref<1x128xi32, #tpu.memory_space<vmem>> -> memref<128xi32, #tpu.memory_space<vmem>>
        %dma_start3A_110 = arith.constant 0 : i32
        %dma_start3A_111 = tpu.memref_slice %arg10[%dma_start3A_110] : memref<10240xf32, #tpu.memory_space<vmem_shared>> -> memref<10240xf32, #tpu.memory_space<vmem_shared>>
        tpu.enqueue_indirect_dma source(%arg11 : memref<128xf32, #tpu.memory_space<vmem>>) target(%dma_start3A_111 : memref<10240xf32, #tpu.memory_space<vmem_shared>>) offsets(%dma_start3A_109 : memref<128xi32, #tpu.memory_space<vmem>>) semaphore(%arg18 : memref<!tpu.dma_semaphore, #tpu.memory_space<semaphore_mem>>) {add = true}
        %dma_start3A_112 = arith.constant 4 : i32
        %dma_start3A_113 = arith.constant 0 : i32
        %dma_start3A_114 = tpu.memref_slice %arg12[%dma_start3A_112, %dma_start3A_113] : memref<8x128xi32, #tpu.memory_space<vmem>> -> memref<1x128xi32, #tpu.memory_space<vmem>>
        %dma_start3A_115 = tpu.memref_squeeze %dma_start3A_114 : memref<1x128xi32, #tpu.memory_space<vmem>> -> memref<128xi32, #tpu.memory_space<vmem>>
        %dma_start3A_116 = arith.constant 0 : i32
        %dma_start3A_117 = tpu.memref_slice %arg9[%dma_start3A_116] : memref<10240xf32, #tpu.memory_space<vmem_shared>> -> memref<10240xf32, #tpu.memory_space<vmem_shared>>
        tpu.enqueue_indirect_dma source(%arg11 : memref<128xf32, #tpu.memory_space<vmem>>) target(%dma_start3A_117 : memref<10240xf32, #tpu.memory_space<vmem_shared>>) offsets(%dma_start3A_115 : memref<128xi32, #tpu.memory_space<vmem>>) semaphore(%arg18 : memref<!tpu.dma_semaphore, #tpu.memory_space<semaphore_mem>>) {add = true}
        %dma_start3A_118 = arith.constant 4 : i32
        %dma_start3A_119 = arith.constant 0 : i32
        %dma_start3A_120 = tpu.memref_slice %arg14[%dma_start3A_118, %dma_start3A_119] : memref<8x128xi32, #tpu.memory_space<vmem>> -> memref<1x128xi32, #tpu.memory_space<vmem>>
        %dma_start3A_121 = tpu.memref_squeeze %dma_start3A_120 : memref<1x128xi32, #tpu.memory_space<vmem>> -> memref<128xi32, #tpu.memory_space<vmem>>
        %dma_start3A_122 = arith.constant 0 : i32
        %dma_start3A_123 = tpu.memref_slice %arg10[%dma_start3A_122] : memref<10240xf32, #tpu.memory_space<vmem_shared>> -> memref<10240xf32, #tpu.memory_space<vmem_shared>>
        tpu.enqueue_indirect_dma source(%arg11 : memref<128xf32, #tpu.memory_space<vmem>>) target(%dma_start3A_123 : memref<10240xf32, #tpu.memory_space<vmem_shared>>) offsets(%dma_start3A_121 : memref<128xi32, #tpu.memory_space<vmem>>) semaphore(%arg18 : memref<!tpu.dma_semaphore, #tpu.memory_space<semaphore_mem>>) {add = true}
        %dma_start3A_124 = arith.constant 5 : i32
        %dma_start3A_125 = arith.constant 0 : i32
        %dma_start3A_126 = tpu.memref_slice %arg12[%dma_start3A_124, %dma_start3A_125] : memref<8x128xi32, #tpu.memory_space<vmem>> -> memref<1x128xi32, #tpu.memory_space<vmem>>
        %dma_start3A_127 = tpu.memref_squeeze %dma_start3A_126 : memref<1x128xi32, #tpu.memory_space<vmem>> -> memref<128xi32, #tpu.memory_space<vmem>>
        %dma_start3A_128 = arith.constant 0 : i32
        %dma_start3A_129 = tpu.memref_slice %arg9[%dma_start3A_128] : memref<10240xf32, #tpu.memory_space<vmem_shared>> -> memref<10240xf32, #tpu.memory_space<vmem_shared>>
        tpu.enqueue_indirect_dma source(%arg11 : memref<128xf32, #tpu.memory_space<vmem>>) target(%dma_start3A_129 : memref<10240xf32, #tpu.memory_space<vmem_shared>>) offsets(%dma_start3A_127 : memref<128xi32, #tpu.memory_space<vmem>>) semaphore(%arg18 : memref<!tpu.dma_semaphore, #tpu.memory_space<semaphore_mem>>) {add = true}
        %dma_start3A_130 = arith.constant 5 : i32
        %dma_start3A_131 = arith.constant 0 : i32
        %dma_start3A_132 = tpu.memref_slice %arg14[%dma_start3A_130, %dma_start3A_131] : memref<8x128xi32, #tpu.memory_space<vmem>> -> memref<1x128xi32, #tpu.memory_space<vmem>>
        %dma_start3A_133 = tpu.memref_squeeze %dma_start3A_132 : memref<1x128xi32, #tpu.memory_space<vmem>> -> memref<128xi32, #tpu.memory_space<vmem>>
        %dma_start3A_134 = arith.constant 0 : i32
        %dma_start3A_135 = tpu.memref_slice %arg10[%dma_start3A_134] : memref<10240xf32, #tpu.memory_space<vmem_shared>> -> memref<10240xf32, #tpu.memory_space<vmem_shared>>
        tpu.enqueue_indirect_dma source(%arg11 : memref<128xf32, #tpu.memory_space<vmem>>) target(%dma_start3A_135 : memref<10240xf32, #tpu.memory_space<vmem_shared>>) offsets(%dma_start3A_133 : memref<128xi32, #tpu.memory_space<vmem>>) semaphore(%arg18 : memref<!tpu.dma_semaphore, #tpu.memory_space<semaphore_mem>>) {add = true}
        %dma_start3A_136 = arith.constant 6 : i32
        %dma_start3A_137 = arith.constant 0 : i32
        %dma_start3A_138 = tpu.memref_slice %arg12[%dma_start3A_136, %dma_start3A_137] : memref<8x128xi32, #tpu.memory_space<vmem>> -> memref<1x128xi32, #tpu.memory_space<vmem>>
        %dma_start3A_139 = tpu.memref_squeeze %dma_start3A_138 : memref<1x128xi32, #tpu.memory_space<vmem>> -> memref<128xi32, #tpu.memory_space<vmem>>
        %dma_start3A_140 = arith.constant 0 : i32
        %dma_start3A_141 = tpu.memref_slice %arg9[%dma_start3A_140] : memref<10240xf32, #tpu.memory_space<vmem_shared>> -> memref<10240xf32, #tpu.memory_space<vmem_shared>>
        tpu.enqueue_indirect_dma source(%arg11 : memref<128xf32, #tpu.memory_space<vmem>>) target(%dma_start3A_141 : memref<10240xf32, #tpu.memory_space<vmem_shared>>) offsets(%dma_start3A_139 : memref<128xi32, #tpu.memory_space<vmem>>) semaphore(%arg18 : memref<!tpu.dma_semaphore, #tpu.memory_space<semaphore_mem>>) {add = true}
        %dma_start3A_142 = arith.constant 6 : i32
        %dma_start3A_143 = arith.constant 0 : i32
        %dma_start3A_144 = tpu.memref_slice %arg14[%dma_start3A_142, %dma_start3A_143] : memref<8x128xi32, #tpu.memory_space<vmem>> -> memref<1x128xi32, #tpu.memory_space<vmem>>
        %dma_start3A_145 = tpu.memref_squeeze %dma_start3A_144 : memref<1x128xi32, #tpu.memory_space<vmem>> -> memref<128xi32, #tpu.memory_space<vmem>>
        %dma_start3A_146 = arith.constant 0 : i32
        %dma_start3A_147 = tpu.memref_slice %arg10[%dma_start3A_146] : memref<10240xf32, #tpu.memory_space<vmem_shared>> -> memref<10240xf32, #tpu.memory_space<vmem_shared>>
        tpu.enqueue_indirect_dma source(%arg11 : memref<128xf32, #tpu.memory_space<vmem>>) target(%dma_start3A_147 : memref<10240xf32, #tpu.memory_space<vmem_shared>>) offsets(%dma_start3A_145 : memref<128xi32, #tpu.memory_space<vmem>>) semaphore(%arg18 : memref<!tpu.dma_semaphore, #tpu.memory_space<semaphore_mem>>) {add = true}
        %dma_start3A_148 = arith.constant 7 : i32
        %dma_start3A_149 = arith.constant 0 : i32
        %dma_start3A_150 = tpu.memref_slice %arg12[%dma_start3A_148, %dma_start3A_149] : memref<8x128xi32, #tpu.memory_space<vmem>> -> memref<1x128xi32, #tpu.memory_space<vmem>>
        %dma_start3A_151 = tpu.memref_squeeze %dma_start3A_150 : memref<1x128xi32, #tpu.memory_space<vmem>> -> memref<128xi32, #tpu.memory_space<vmem>>
        %dma_start3A_152 = arith.constant 0 : i32
        %dma_start3A_153 = tpu.memref_slice %arg9[%dma_start3A_152] : memref<10240xf32, #tpu.memory_space<vmem_shared>> -> memref<10240xf32, #tpu.memory_space<vmem_shared>>
        tpu.enqueue_indirect_dma source(%arg11 : memref<128xf32, #tpu.memory_space<vmem>>) target(%dma_start3A_153 : memref<10240xf32, #tpu.memory_space<vmem_shared>>) offsets(%dma_start3A_151 : memref<128xi32, #tpu.memory_space<vmem>>) semaphore(%arg18 : memref<!tpu.dma_semaphore, #tpu.memory_space<semaphore_mem>>) {add = true}
        %dma_start3A_154 = arith.constant 7 : i32
        %dma_start3A_155 = arith.constant 0 : i32
        %dma_start3A_156 = tpu.memref_slice %arg14[%dma_start3A_154, %dma_start3A_155] : memref<8x128xi32, #tpu.memory_space<vmem>> -> memref<1x128xi32, #tpu.memory_space<vmem>>
        %dma_start3A_157 = tpu.memref_squeeze %dma_start3A_156 : memref<1x128xi32, #tpu.memory_space<vmem>> -> memref<128xi32, #tpu.memory_space<vmem>>
        %dma_start3A_158 = arith.constant 0 : i32
        %dma_start3A_159 = tpu.memref_slice %arg10[%dma_start3A_158] : memref<10240xf32, #tpu.memory_space<vmem_shared>> -> memref<10240xf32, #tpu.memory_space<vmem_shared>>
        tpu.enqueue_indirect_dma source(%arg11 : memref<128xf32, #tpu.memory_space<vmem>>) target(%dma_start3A_159 : memref<10240xf32, #tpu.memory_space<vmem_shared>>) offsets(%dma_start3A_157 : memref<128xi32, #tpu.memory_space<vmem>>) semaphore(%arg18 : memref<!tpu.dma_semaphore, #tpu.memory_space<semaphore_mem>>) {add = true}
        %dma_wait3A_160 = arith.constant 0 : i32
        %dma_wait3A_161 = arith.constant 0 : i32
        %dma_wait3A_162 = tpu.memref_slice %arg4[%dma_wait3A_160, %dma_wait3A_161] : memref<2560x128xi32, #tpu.memory_space<hbm>> -> memref<8x128xi32, #tpu.memory_space<hbm>>
        %dma_wait3A_163 = arith.constant 0 : i32
        %dma_wait3A_164 = arith.constant 0 : i32
        %dma_wait3A_165 = tpu.memref_slice %arg4[%dma_wait3A_163, %dma_wait3A_164] : memref<2560x128xi32, #tpu.memory_space<hbm>> -> memref<8x128xi32, #tpu.memory_space<hbm>>
        tpu.wait_dma2 semaphore(%arg17 : memref<!tpu.dma_semaphore, #tpu.memory_space<semaphore_mem>>) src(%dma_wait3A_165 : memref<8x128xi32, #tpu.memory_space<hbm>>) dst(%arg13 : memref<8x128xi32, #tpu.memory_space<vmem>>)
        %dma_wait3A_166 = arith.constant 0 : i32
        %dma_wait3A_167 = arith.constant 0 : i32
        %dma_wait3A_168 = tpu.memref_slice %arg4[%dma_wait3A_166, %dma_wait3A_167] : memref<2560x128xi32, #tpu.memory_space<hbm>> -> memref<8x128xi32, #tpu.memory_space<hbm>>
        %dma_wait3A_169 = arith.constant 0 : i32
        %dma_wait3A_170 = arith.constant 0 : i32
        %dma_wait3A_171 = tpu.memref_slice %arg4[%dma_wait3A_169, %dma_wait3A_170] : memref<2560x128xi32, #tpu.memory_space<hbm>> -> memref<8x128xi32, #tpu.memory_space<hbm>>
        tpu.wait_dma2 semaphore(%arg17 : memref<!tpu.dma_semaphore, #tpu.memory_space<semaphore_mem>>) src(%dma_wait3A_171 : memref<8x128xi32, #tpu.memory_space<hbm>>) dst(%arg13 : memref<8x128xi32, #tpu.memory_space<vmem>>)
        %dma_start3A_172 = arith.constant 0 : i32
        %dma_start3A_173 = arith.constant 0 : i32
        %dma_start3A_174 = tpu.memref_slice %arg13[%dma_start3A_172, %dma_start3A_173] : memref<8x128xi32, #tpu.memory_space<vmem>> -> memref<1x128xi32, #tpu.memory_space<vmem>>
        %dma_start3A_175 = tpu.memref_squeeze %dma_start3A_174 : memref<1x128xi32, #tpu.memory_space<vmem>> -> memref<128xi32, #tpu.memory_space<vmem>>
        %dma_start3A_176 = arith.constant 0 : i32
        %dma_start3A_177 = tpu.memref_slice %arg9[%dma_start3A_176] : memref<10240xf32, #tpu.memory_space<vmem_shared>> -> memref<10240xf32, #tpu.memory_space<vmem_shared>>
        tpu.enqueue_indirect_dma source(%arg11 : memref<128xf32, #tpu.memory_space<vmem>>) target(%dma_start3A_177 : memref<10240xf32, #tpu.memory_space<vmem_shared>>) offsets(%dma_start3A_175 : memref<128xi32, #tpu.memory_space<vmem>>) semaphore(%arg19 : memref<!tpu.dma_semaphore, #tpu.memory_space<semaphore_mem>>) {add = true}
        %dma_start3A_178 = arith.constant 0 : i32
        %dma_start3A_179 = arith.constant 0 : i32
        %dma_start3A_180 = tpu.memref_slice %arg15[%dma_start3A_178, %dma_start3A_179] : memref<8x128xi32, #tpu.memory_space<vmem>> -> memref<1x128xi32, #tpu.memory_space<vmem>>
        %dma_start3A_181 = tpu.memref_squeeze %dma_start3A_180 : memref<1x128xi32, #tpu.memory_space<vmem>> -> memref<128xi32, #tpu.memory_space<vmem>>
        %dma_start3A_182 = arith.constant 0 : i32
        %dma_start3A_183 = tpu.memref_slice %arg10[%dma_start3A_182] : memref<10240xf32, #tpu.memory_space<vmem_shared>> -> memref<10240xf32, #tpu.memory_space<vmem_shared>>
        tpu.enqueue_indirect_dma source(%arg11 : memref<128xf32, #tpu.memory_space<vmem>>) target(%dma_start3A_183 : memref<10240xf32, #tpu.memory_space<vmem_shared>>) offsets(%dma_start3A_181 : memref<128xi32, #tpu.memory_space<vmem>>) semaphore(%arg19 : memref<!tpu.dma_semaphore, #tpu.memory_space<semaphore_mem>>) {add = true}
        %dma_start3A_184 = arith.constant 1 : i32
        %dma_start3A_185 = arith.constant 0 : i32
        %dma_start3A_186 = tpu.memref_slice %arg13[%dma_start3A_184, %dma_start3A_185] : memref<8x128xi32, #tpu.memory_space<vmem>> -> memref<1x128xi32, #tpu.memory_space<vmem>>
        %dma_start3A_187 = tpu.memref_squeeze %dma_start3A_186 : memref<1x128xi32, #tpu.memory_space<vmem>> -> memref<128xi32, #tpu.memory_space<vmem>>
        %dma_start3A_188 = arith.constant 0 : i32
        %dma_start3A_189 = tpu.memref_slice %arg9[%dma_start3A_188] : memref<10240xf32, #tpu.memory_space<vmem_shared>> -> memref<10240xf32, #tpu.memory_space<vmem_shared>>
        tpu.enqueue_indirect_dma source(%arg11 : memref<128xf32, #tpu.memory_space<vmem>>) target(%dma_start3A_189 : memref<10240xf32, #tpu.memory_space<vmem_shared>>) offsets(%dma_start3A_187 : memref<128xi32, #tpu.memory_space<vmem>>) semaphore(%arg19 : memref<!tpu.dma_semaphore, #tpu.memory_space<semaphore_mem>>) {add = true}
        %dma_start3A_190 = arith.constant 1 : i32
        %dma_start3A_191 = arith.constant 0 : i32
        %dma_start3A_192 = tpu.memref_slice %arg15[%dma_start3A_190, %dma_start3A_191] : memref<8x128xi32, #tpu.memory_space<vmem>> -> memref<1x128xi32, #tpu.memory_space<vmem>>
        %dma_start3A_193 = tpu.memref_squeeze %dma_start3A_192 : memref<1x128xi32, #tpu.memory_space<vmem>> -> memref<128xi32, #tpu.memory_space<vmem>>
        %dma_start3A_194 = arith.constant 0 : i32
        %dma_start3A_195 = tpu.memref_slice %arg10[%dma_start3A_194] : memref<10240xf32, #tpu.memory_space<vmem_shared>> -> memref<10240xf32, #tpu.memory_space<vmem_shared>>
        tpu.enqueue_indirect_dma source(%arg11 : memref<128xf32, #tpu.memory_space<vmem>>) target(%dma_start3A_195 : memref<10240xf32, #tpu.memory_space<vmem_shared>>) offsets(%dma_start3A_193 : memref<128xi32, #tpu.memory_space<vmem>>) semaphore(%arg19 : memref<!tpu.dma_semaphore, #tpu.memory_space<semaphore_mem>>) {add = true}
        %dma_start3A_196 = arith.constant 2 : i32
        %dma_start3A_197 = arith.constant 0 : i32
        %dma_start3A_198 = tpu.memref_slice %arg13[%dma_start3A_196, %dma_start3A_197] : memref<8x128xi32, #tpu.memory_space<vmem>> -> memref<1x128xi32, #tpu.memory_space<vmem>>
        %dma_start3A_199 = tpu.memref_squeeze %dma_start3A_198 : memref<1x128xi32, #tpu.memory_space<vmem>> -> memref<128xi32, #tpu.memory_space<vmem>>
        %dma_start3A_200 = arith.constant 0 : i32
        %dma_start3A_201 = tpu.memref_slice %arg9[%dma_start3A_200] : memref<10240xf32, #tpu.memory_space<vmem_shared>> -> memref<10240xf32, #tpu.memory_space<vmem_shared>>
        tpu.enqueue_indirect_dma source(%arg11 : memref<128xf32, #tpu.memory_space<vmem>>) target(%dma_start3A_201 : memref<10240xf32, #tpu.memory_space<vmem_shared>>) offsets(%dma_start3A_199 : memref<128xi32, #tpu.memory_space<vmem>>) semaphore(%arg19 : memref<!tpu.dma_semaphore, #tpu.memory_space<semaphore_mem>>) {add = true}
        %dma_start3A_202 = arith.constant 2 : i32
        %dma_start3A_203 = arith.constant 0 : i32
        %dma_start3A_204 = tpu.memref_slice %arg15[%dma_start3A_202, %dma_start3A_203] : memref<8x128xi32, #tpu.memory_space<vmem>> -> memref<1x128xi32, #tpu.memory_space<vmem>>
        %dma_start3A_205 = tpu.memref_squeeze %dma_start3A_204 : memref<1x128xi32, #tpu.memory_space<vmem>> -> memref<128xi32, #tpu.memory_space<vmem>>
        %dma_start3A_206 = arith.constant 0 : i32
        %dma_start3A_207 = tpu.memref_slice %arg10[%dma_start3A_206] : memref<10240xf32, #tpu.memory_space<vmem_shared>> -> memref<10240xf32, #tpu.memory_space<vmem_shared>>
        tpu.enqueue_indirect_dma source(%arg11 : memref<128xf32, #tpu.memory_space<vmem>>) target(%dma_start3A_207 : memref<10240xf32, #tpu.memory_space<vmem_shared>>) offsets(%dma_start3A_205 : memref<128xi32, #tpu.memory_space<vmem>>) semaphore(%arg19 : memref<!tpu.dma_semaphore, #tpu.memory_space<semaphore_mem>>) {add = true}
        %dma_start3A_208 = arith.constant 3 : i32
        %dma_start3A_209 = arith.constant 0 : i32
        %dma_start3A_210 = tpu.memref_slice %arg13[%dma_start3A_208, %dma_start3A_209] : memref<8x128xi32, #tpu.memory_space<vmem>> -> memref<1x128xi32, #tpu.memory_space<vmem>>
        %dma_start3A_211 = tpu.memref_squeeze %dma_start3A_210 : memref<1x128xi32, #tpu.memory_space<vmem>> -> memref<128xi32, #tpu.memory_space<vmem>>
        %dma_start3A_212 = arith.constant 0 : i32
        %dma_start3A_213 = tpu.memref_slice %arg9[%dma_start3A_212] : memref<10240xf32, #tpu.memory_space<vmem_shared>> -> memref<10240xf32, #tpu.memory_space<vmem_shared>>
        tpu.enqueue_indirect_dma source(%arg11 : memref<128xf32, #tpu.memory_space<vmem>>) target(%dma_start3A_213 : memref<10240xf32, #tpu.memory_space<vmem_shared>>) offsets(%dma_start3A_211 : memref<128xi32, #tpu.memory_space<vmem>>) semaphore(%arg19 : memref<!tpu.dma_semaphore, #tpu.memory_space<semaphore_mem>>) {add = true}
        %dma_start3A_214 = arith.constant 3 : i32
        %dma_start3A_215 = arith.constant 0 : i32
        %dma_start3A_216 = tpu.memref_slice %arg15[%dma_start3A_214, %dma_start3A_215] : memref<8x128xi32, #tpu.memory_space<vmem>> -> memref<1x128xi32, #tpu.memory_space<vmem>>
        %dma_start3A_217 = tpu.memref_squeeze %dma_start3A_216 : memref<1x128xi32, #tpu.memory_space<vmem>> -> memref<128xi32, #tpu.memory_space<vmem>>
        %dma_start3A_218 = arith.constant 0 : i32
        %dma_start3A_219 = tpu.memref_slice %arg10[%dma_start3A_218] : memref<10240xf32, #tpu.memory_space<vmem_shared>> -> memref<10240xf32, #tpu.memory_space<vmem_shared>>
        tpu.enqueue_indirect_dma source(%arg11 : memref<128xf32, #tpu.memory_space<vmem>>) target(%dma_start3A_219 : memref<10240xf32, #tpu.memory_space<vmem_shared>>) offsets(%dma_start3A_217 : memref<128xi32, #tpu.memory_space<vmem>>) semaphore(%arg19 : memref<!tpu.dma_semaphore, #tpu.memory_space<semaphore_mem>>) {add = true}
        %dma_start3A_220 = arith.constant 4 : i32
        %dma_start3A_221 = arith.constant 0 : i32
        %dma_start3A_222 = tpu.memref_slice %arg13[%dma_start3A_220, %dma_start3A_221] : memref<8x128xi32, #tpu.memory_space<vmem>> -> memref<1x128xi32, #tpu.memory_space<vmem>>
        %dma_start3A_223 = tpu.memref_squeeze %dma_start3A_222 : memref<1x128xi32, #tpu.memory_space<vmem>> -> memref<128xi32, #tpu.memory_space<vmem>>
        %dma_start3A_224 = arith.constant 0 : i32
        %dma_start3A_225 = tpu.memref_slice %arg9[%dma_start3A_224] : memref<10240xf32, #tpu.memory_space<vmem_shared>> -> memref<10240xf32, #tpu.memory_space<vmem_shared>>
        tpu.enqueue_indirect_dma source(%arg11 : memref<128xf32, #tpu.memory_space<vmem>>) target(%dma_start3A_225 : memref<10240xf32, #tpu.memory_space<vmem_shared>>) offsets(%dma_start3A_223 : memref<128xi32, #tpu.memory_space<vmem>>) semaphore(%arg19 : memref<!tpu.dma_semaphore, #tpu.memory_space<semaphore_mem>>) {add = true}
        %dma_start3A_226 = arith.constant 4 : i32
        %dma_start3A_227 = arith.constant 0 : i32
        %dma_start3A_228 = tpu.memref_slice %arg15[%dma_start3A_226, %dma_start3A_227] : memref<8x128xi32, #tpu.memory_space<vmem>> -> memref<1x128xi32, #tpu.memory_space<vmem>>
        %dma_start3A_229 = tpu.memref_squeeze %dma_start3A_228 : memref<1x128xi32, #tpu.memory_space<vmem>> -> memref<128xi32, #tpu.memory_space<vmem>>
        %dma_start3A_230 = arith.constant 0 : i32
        %dma_start3A_231 = tpu.memref_slice %arg10[%dma_start3A_230] : memref<10240xf32, #tpu.memory_space<vmem_shared>> -> memref<10240xf32, #tpu.memory_space<vmem_shared>>
        tpu.enqueue_indirect_dma source(%arg11 : memref<128xf32, #tpu.memory_space<vmem>>) target(%dma_start3A_231 : memref<10240xf32, #tpu.memory_space<vmem_shared>>) offsets(%dma_start3A_229 : memref<128xi32, #tpu.memory_space<vmem>>) semaphore(%arg19 : memref<!tpu.dma_semaphore, #tpu.memory_space<semaphore_mem>>) {add = true}
        %dma_start3A_232 = arith.constant 5 : i32
        %dma_start3A_233 = arith.constant 0 : i32
        %dma_start3A_234 = tpu.memref_slice %arg13[%dma_start3A_232, %dma_start3A_233] : memref<8x128xi32, #tpu.memory_space<vmem>> -> memref<1x128xi32, #tpu.memory_space<vmem>>
        %dma_start3A_235 = tpu.memref_squeeze %dma_start3A_234 : memref<1x128xi32, #tpu.memory_space<vmem>> -> memref<128xi32, #tpu.memory_space<vmem>>
        %dma_start3A_236 = arith.constant 0 : i32
        %dma_start3A_237 = tpu.memref_slice %arg9[%dma_start3A_236] : memref<10240xf32, #tpu.memory_space<vmem_shared>> -> memref<10240xf32, #tpu.memory_space<vmem_shared>>
        tpu.enqueue_indirect_dma source(%arg11 : memref<128xf32, #tpu.memory_space<vmem>>) target(%dma_start3A_237 : memref<10240xf32, #tpu.memory_space<vmem_shared>>) offsets(%dma_start3A_235 : memref<128xi32, #tpu.memory_space<vmem>>) semaphore(%arg19 : memref<!tpu.dma_semaphore, #tpu.memory_space<semaphore_mem>>) {add = true}
        %dma_start3A_238 = arith.constant 5 : i32
        %dma_start3A_239 = arith.constant 0 : i32
        %dma_start3A_240 = tpu.memref_slice %arg15[%dma_start3A_238, %dma_start3A_239] : memref<8x128xi32, #tpu.memory_space<vmem>> -> memref<1x128xi32, #tpu.memory_space<vmem>>
        %dma_start3A_241 = tpu.memref_squeeze %dma_start3A_240 : memref<1x128xi32, #tpu.memory_space<vmem>> -> memref<128xi32, #tpu.memory_space<vmem>>
        %dma_start3A_242 = arith.constant 0 : i32
        %dma_start3A_243 = tpu.memref_slice %arg10[%dma_start3A_242] : memref<10240xf32, #tpu.memory_space<vmem_shared>> -> memref<10240xf32, #tpu.memory_space<vmem_shared>>
        tpu.enqueue_indirect_dma source(%arg11 : memref<128xf32, #tpu.memory_space<vmem>>) target(%dma_start3A_243 : memref<10240xf32, #tpu.memory_space<vmem_shared>>) offsets(%dma_start3A_241 : memref<128xi32, #tpu.memory_space<vmem>>) semaphore(%arg19 : memref<!tpu.dma_semaphore, #tpu.memory_space<semaphore_mem>>) {add = true}
        %dma_start3A_244 = arith.constant 6 : i32
        %dma_start3A_245 = arith.constant 0 : i32
        %dma_start3A_246 = tpu.memref_slice %arg13[%dma_start3A_244, %dma_start3A_245] : memref<8x128xi32, #tpu.memory_space<vmem>> -> memref<1x128xi32, #tpu.memory_space<vmem>>
        %dma_start3A_247 = tpu.memref_squeeze %dma_start3A_246 : memref<1x128xi32, #tpu.memory_space<vmem>> -> memref<128xi32, #tpu.memory_space<vmem>>
        %dma_start3A_248 = arith.constant 0 : i32
        %dma_start3A_249 = tpu.memref_slice %arg9[%dma_start3A_248] : memref<10240xf32, #tpu.memory_space<vmem_shared>> -> memref<10240xf32, #tpu.memory_space<vmem_shared>>
        tpu.enqueue_indirect_dma source(%arg11 : memref<128xf32, #tpu.memory_space<vmem>>) target(%dma_start3A_249 : memref<10240xf32, #tpu.memory_space<vmem_shared>>) offsets(%dma_start3A_247 : memref<128xi32, #tpu.memory_space<vmem>>) semaphore(%arg19 : memref<!tpu.dma_semaphore, #tpu.memory_space<semaphore_mem>>) {add = true}
        %dma_start3A_250 = arith.constant 6 : i32
        %dma_start3A_251 = arith.constant 0 : i32
        %dma_start3A_252 = tpu.memref_slice %arg15[%dma_start3A_250, %dma_start3A_251] : memref<8x128xi32, #tpu.memory_space<vmem>> -> memref<1x128xi32, #tpu.memory_space<vmem>>
        %dma_start3A_253 = tpu.memref_squeeze %dma_start3A_252 : memref<1x128xi32, #tpu.memory_space<vmem>> -> memref<128xi32, #tpu.memory_space<vmem>>
        %dma_start3A_254 = arith.constant 0 : i32
        %dma_start3A_255 = tpu.memref_slice %arg10[%dma_start3A_254] : memref<10240xf32, #tpu.memory_space<vmem_shared>> -> memref<10240xf32, #tpu.memory_space<vmem_shared>>
        tpu.enqueue_indirect_dma source(%arg11 : memref<128xf32, #tpu.memory_space<vmem>>) target(%dma_start3A_255 : memref<10240xf32, #tpu.memory_space<vmem_shared>>) offsets(%dma_start3A_253 : memref<128xi32, #tpu.memory_space<vmem>>) semaphore(%arg19 : memref<!tpu.dma_semaphore, #tpu.memory_space<semaphore_mem>>) {add = true}
        %dma_start3A_256 = arith.constant 7 : i32
        %dma_start3A_257 = arith.constant 0 : i32
        %dma_start3A_258 = tpu.memref_slice %arg13[%dma_start3A_256, %dma_start3A_257] : memref<8x128xi32, #tpu.memory_space<vmem>> -> memref<1x128xi32, #tpu.memory_space<vmem>>
        %dma_start3A_259 = tpu.memref_squeeze %dma_start3A_258 : memref<1x128xi32, #tpu.memory_space<vmem>> -> memref<128xi32, #tpu.memory_space<vmem>>
        %dma_start3A_260 = arith.constant 0 : i32
        %dma_start3A_261 = tpu.memref_slice %arg9[%dma_start3A_260] : memref<10240xf32, #tpu.memory_space<vmem_shared>> -> memref<10240xf32, #tpu.memory_space<vmem_shared>>
        tpu.enqueue_indirect_dma source(%arg11 : memref<128xf32, #tpu.memory_space<vmem>>) target(%dma_start3A_261 : memref<10240xf32, #tpu.memory_space<vmem_shared>>) offsets(%dma_start3A_259 : memref<128xi32, #tpu.memory_space<vmem>>) semaphore(%arg19 : memref<!tpu.dma_semaphore, #tpu.memory_space<semaphore_mem>>) {add = true}
        %dma_start3A_262 = arith.constant 7 : i32
        %dma_start3A_263 = arith.constant 0 : i32
        %dma_start3A_264 = tpu.memref_slice %arg15[%dma_start3A_262, %dma_start3A_263] : memref<8x128xi32, #tpu.memory_space<vmem>> -> memref<1x128xi32, #tpu.memory_space<vmem>>
        %dma_start3A_265 = tpu.memref_squeeze %dma_start3A_264 : memref<1x128xi32, #tpu.memory_space<vmem>> -> memref<128xi32, #tpu.memory_space<vmem>>
        %dma_start3A_266 = arith.constant 0 : i32
        %dma_start3A_267 = tpu.memref_slice %arg10[%dma_start3A_266] : memref<10240xf32, #tpu.memory_space<vmem_shared>> -> memref<10240xf32, #tpu.memory_space<vmem_shared>>
        tpu.enqueue_indirect_dma source(%arg11 : memref<128xf32, #tpu.memory_space<vmem>>) target(%dma_start3A_267 : memref<10240xf32, #tpu.memory_space<vmem_shared>>) offsets(%dma_start3A_265 : memref<128xi32, #tpu.memory_space<vmem>>) semaphore(%arg19 : memref<!tpu.dma_semaphore, #tpu.memory_space<semaphore_mem>>) {add = true}
        %dma_wait3A_268 = arith.constant 0 : i32
        %dma_wait3A_269 = tpu.memref_slice %arg9[%dma_wait3A_268] : memref<10240xf32, #tpu.memory_space<vmem_shared>> -> memref<128xf32, #tpu.memory_space<vmem_shared>>
        %dma_wait3A_270 = arith.constant 0 : i32
        %dma_wait3A_271 = tpu.memref_slice %arg9[%dma_wait3A_270] : memref<10240xf32, #tpu.memory_space<vmem_shared>> -> memref<128xf32, #tpu.memory_space<vmem_shared>>
        tpu.wait_dma2 semaphore(%arg18 : memref<!tpu.dma_semaphore, #tpu.memory_space<semaphore_mem>>) src(%arg11 : memref<128xf32, #tpu.memory_space<vmem>>) dst(%dma_wait3A_271 : memref<128xf32, #tpu.memory_space<vmem_shared>>)
        %dma_wait3A_272 = arith.constant 0 : i32
        %dma_wait3A_273 = tpu.memref_slice %arg9[%dma_wait3A_272] : memref<10240xf32, #tpu.memory_space<vmem_shared>> -> memref<128xf32, #tpu.memory_space<vmem_shared>>
        %dma_wait3A_274 = arith.constant 0 : i32
        %dma_wait3A_275 = tpu.memref_slice %arg9[%dma_wait3A_274] : memref<10240xf32, #tpu.memory_space<vmem_shared>> -> memref<128xf32, #tpu.memory_space<vmem_shared>>
        tpu.wait_dma2 semaphore(%arg18 : memref<!tpu.dma_semaphore, #tpu.memory_space<semaphore_mem>>) src(%arg11 : memref<128xf32, #tpu.memory_space<vmem>>) dst(%dma_wait3A_275 : memref<128xf32, #tpu.memory_space<vmem_shared>>)
        %dma_wait3A_276 = arith.constant 0 : i32
        %dma_wait3A_277 = tpu.memref_slice %arg9[%dma_wait3A_276] : memref<10240xf32, #tpu.memory_space<vmem_shared>> -> memref<128xf32, #tpu.memory_space<vmem_shared>>
        %dma_wait3A_278 = arith.constant 0 : i32
        %dma_wait3A_279 = tpu.memref_slice %arg9[%dma_wait3A_278] : memref<10240xf32, #tpu.memory_space<vmem_shared>> -> memref<128xf32, #tpu.memory_space<vmem_shared>>
        tpu.wait_dma2 semaphore(%arg18 : memref<!tpu.dma_semaphore, #tpu.memory_space<semaphore_mem>>) src(%arg11 : memref<128xf32, #tpu.memory_space<vmem>>) dst(%dma_wait3A_279 : memref<128xf32, #tpu.memory_space<vmem_shared>>)
        %dma_wait3A_280 = arith.constant 0 : i32
        %dma_wait3A_281 = tpu.memref_slice %arg9[%dma_wait3A_280] : memref<10240xf32, #tpu.memory_space<vmem_shared>> -> memref<128xf32, #tpu.memory_space<vmem_shared>>
        %dma_wait3A_282 = arith.constant 0 : i32
        %dma_wait3A_283 = tpu.memref_slice %arg9[%dma_wait3A_282] : memref<10240xf32, #tpu.memory_space<vmem_shared>> -> memref<128xf32, #tpu.memory_space<vmem_shared>>
        tpu.wait_dma2 semaphore(%arg18 : memref<!tpu.dma_semaphore, #tpu.memory_space<semaphore_mem>>) src(%arg11 : memref<128xf32, #tpu.memory_space<vmem>>) dst(%dma_wait3A_283 : memref<128xf32, #tpu.memory_space<vmem_shared>>)
        %dma_wait3A_284 = arith.constant 0 : i32
        %dma_wait3A_285 = tpu.memref_slice %arg9[%dma_wait3A_284] : memref<10240xf32, #tpu.memory_space<vmem_shared>> -> memref<128xf32, #tpu.memory_space<vmem_shared>>
        %dma_wait3A_286 = arith.constant 0 : i32
        %dma_wait3A_287 = tpu.memref_slice %arg9[%dma_wait3A_286] : memref<10240xf32, #tpu.memory_space<vmem_shared>> -> memref<128xf32, #tpu.memory_space<vmem_shared>>
        tpu.wait_dma2 semaphore(%arg18 : memref<!tpu.dma_semaphore, #tpu.memory_space<semaphore_mem>>) src(%arg11 : memref<128xf32, #tpu.memory_space<vmem>>) dst(%dma_wait3A_287 : memref<128xf32, #tpu.memory_space<vmem_shared>>)
        %dma_wait3A_288 = arith.constant 0 : i32
        %dma_wait3A_289 = tpu.memref_slice %arg9[%dma_wait3A_288] : memref<10240xf32, #tpu.memory_space<vmem_shared>> -> memref<128xf32, #tpu.memory_space<vmem_shared>>
        %dma_wait3A_290 = arith.constant 0 : i32
        %dma_wait3A_291 = tpu.memref_slice %arg9[%dma_wait3A_290] : memref<10240xf32, #tpu.memory_space<vmem_shared>> -> memref<128xf32, #tpu.memory_space<vmem_shared>>
        tpu.wait_dma2 semaphore(%arg18 : memref<!tpu.dma_semaphore, #tpu.memory_space<semaphore_mem>>) src(%arg11 : memref<128xf32, #tpu.memory_space<vmem>>) dst(%dma_wait3A_291 : memref<128xf32, #tpu.memory_space<vmem_shared>>)
        %dma_wait3A_292 = arith.constant 0 : i32
        %dma_wait3A_293 = tpu.memref_slice %arg9[%dma_wait3A_292] : memref<10240xf32, #tpu.memory_space<vmem_shared>> -> memref<128xf32, #tpu.memory_space<vmem_shared>>
        %dma_wait3A_294 = arith.constant 0 : i32
        %dma_wait3A_295 = tpu.memref_slice %arg9[%dma_wait3A_294] : memref<10240xf32, #tpu.memory_space<vmem_shared>> -> memref<128xf32, #tpu.memory_space<vmem_shared>>
        tpu.wait_dma2 semaphore(%arg18 : memref<!tpu.dma_semaphore, #tpu.memory_space<semaphore_mem>>) src(%arg11 : memref<128xf32, #tpu.memory_space<vmem>>) dst(%dma_wait3A_295 : memref<128xf32, #tpu.memory_space<vmem_shared>>)
        %dma_wait3A_296 = arith.constant 0 : i32
        %dma_wait3A_297 = tpu.memref_slice %arg9[%dma_wait3A_296] : memref<10240xf32, #tpu.memory_space<vmem_shared>> -> memref<128xf32, #tpu.memory_space<vmem_shared>>
        %dma_wait3A_298 = arith.constant 0 : i32
        %dma_wait3A_299 = tpu.memref_slice %arg9[%dma_wait3A_298] : memref<10240xf32, #tpu.memory_space<vmem_shared>> -> memref<128xf32, #tpu.memory_space<vmem_shared>>
        tpu.wait_dma2 semaphore(%arg18 : memref<!tpu.dma_semaphore, #tpu.memory_space<semaphore_mem>>) src(%arg11 : memref<128xf32, #tpu.memory_space<vmem>>) dst(%dma_wait3A_299 : memref<128xf32, #tpu.memory_space<vmem_shared>>)
        %dma_wait3A_300 = arith.constant 0 : i32
        %dma_wait3A_301 = tpu.memref_slice %arg9[%dma_wait3A_300] : memref<10240xf32, #tpu.memory_space<vmem_shared>> -> memref<128xf32, #tpu.memory_space<vmem_shared>>
        %dma_wait3A_302 = arith.constant 0 : i32
        %dma_wait3A_303 = tpu.memref_slice %arg9[%dma_wait3A_302] : memref<10240xf32, #tpu.memory_space<vmem_shared>> -> memref<128xf32, #tpu.memory_space<vmem_shared>>
        tpu.wait_dma2 semaphore(%arg18 : memref<!tpu.dma_semaphore, #tpu.memory_space<semaphore_mem>>) src(%arg11 : memref<128xf32, #tpu.memory_space<vmem>>) dst(%dma_wait3A_303 : memref<128xf32, #tpu.memory_space<vmem_shared>>)
        %dma_wait3A_304 = arith.constant 0 : i32
        %dma_wait3A_305 = tpu.memref_slice %arg9[%dma_wait3A_304] : memref<10240xf32, #tpu.memory_space<vmem_shared>> -> memref<128xf32, #tpu.memory_space<vmem_shared>>
        %dma_wait3A_306 = arith.constant 0 : i32
        %dma_wait3A_307 = tpu.memref_slice %arg9[%dma_wait3A_306] : memref<10240xf32, #tpu.memory_space<vmem_shared>> -> memref<128xf32, #tpu.memory_space<vmem_shared>>
        tpu.wait_dma2 semaphore(%arg18 : memref<!tpu.dma_semaphore, #tpu.memory_space<semaphore_mem>>) src(%arg11 : memref<128xf32, #tpu.memory_space<vmem>>) dst(%dma_wait3A_307 : memref<128xf32, #tpu.memory_space<vmem_shared>>)
        %dma_wait3A_308 = arith.constant 0 : i32
        %dma_wait3A_309 = tpu.memref_slice %arg9[%dma_wait3A_308] : memref<10240xf32, #tpu.memory_space<vmem_shared>> -> memref<128xf32, #tpu.memory_space<vmem_shared>>
        %dma_wait3A_310 = arith.constant 0 : i32
        %dma_wait3A_311 = tpu.memref_slice %arg9[%dma_wait3A_310] : memref<10240xf32, #tpu.memory_space<vmem_shared>> -> memref<128xf32, #tpu.memory_space<vmem_shared>>
        tpu.wait_dma2 semaphore(%arg18 : memref<!tpu.dma_semaphore, #tpu.memory_space<semaphore_mem>>) src(%arg11 : memref<128xf32, #tpu.memory_space<vmem>>) dst(%dma_wait3A_311 : memref<128xf32, #tpu.memory_space<vmem_shared>>)
        %dma_wait3A_312 = arith.constant 0 : i32
        %dma_wait3A_313 = tpu.memref_slice %arg9[%dma_wait3A_312] : memref<10240xf32, #tpu.memory_space<vmem_shared>> -> memref<128xf32, #tpu.memory_space<vmem_shared>>
        %dma_wait3A_314 = arith.constant 0 : i32
        %dma_wait3A_315 = tpu.memref_slice %arg9[%dma_wait3A_314] : memref<10240xf32, #tpu.memory_space<vmem_shared>> -> memref<128xf32, #tpu.memory_space<vmem_shared>>
        tpu.wait_dma2 semaphore(%arg18 : memref<!tpu.dma_semaphore, #tpu.memory_space<semaphore_mem>>) src(%arg11 : memref<128xf32, #tpu.memory_space<vmem>>) dst(%dma_wait3A_315 : memref<128xf32, #tpu.memory_space<vmem_shared>>)
        %dma_wait3A_316 = arith.constant 0 : i32
        %dma_wait3A_317 = tpu.memref_slice %arg9[%dma_wait3A_316] : memref<10240xf32, #tpu.memory_space<vmem_shared>> -> memref<128xf32, #tpu.memory_space<vmem_shared>>
        %dma_wait3A_318 = arith.constant 0 : i32
        %dma_wait3A_319 = tpu.memref_slice %arg9[%dma_wait3A_318] : memref<10240xf32, #tpu.memory_space<vmem_shared>> -> memref<128xf32, #tpu.memory_space<vmem_shared>>
        tpu.wait_dma2 semaphore(%arg18 : memref<!tpu.dma_semaphore, #tpu.memory_space<semaphore_mem>>) src(%arg11 : memref<128xf32, #tpu.memory_space<vmem>>) dst(%dma_wait3A_319 : memref<128xf32, #tpu.memory_space<vmem_shared>>)
        %dma_wait3A_320 = arith.constant 0 : i32
        %dma_wait3A_321 = tpu.memref_slice %arg9[%dma_wait3A_320] : memref<10240xf32, #tpu.memory_space<vmem_shared>> -> memref<128xf32, #tpu.memory_space<vmem_shared>>
        %dma_wait3A_322 = arith.constant 0 : i32
        %dma_wait3A_323 = tpu.memref_slice %arg9[%dma_wait3A_322] : memref<10240xf32, #tpu.memory_space<vmem_shared>> -> memref<128xf32, #tpu.memory_space<vmem_shared>>
        tpu.wait_dma2 semaphore(%arg18 : memref<!tpu.dma_semaphore, #tpu.memory_space<semaphore_mem>>) src(%arg11 : memref<128xf32, #tpu.memory_space<vmem>>) dst(%dma_wait3A_323 : memref<128xf32, #tpu.memory_space<vmem_shared>>)
        %dma_wait3A_324 = arith.constant 0 : i32
        %dma_wait3A_325 = tpu.memref_slice %arg9[%dma_wait3A_324] : memref<10240xf32, #tpu.memory_space<vmem_shared>> -> memref<128xf32, #tpu.memory_space<vmem_shared>>
        %dma_wait3A_326 = arith.constant 0 : i32
        %dma_wait3A_327 = tpu.memref_slice %arg9[%dma_wait3A_326] : memref<10240xf32, #tpu.memory_space<vmem_shared>> -> memref<128xf32, #tpu.memory_space<vmem_shared>>
        tpu.wait_dma2 semaphore(%arg18 : memref<!tpu.dma_semaphore, #tpu.memory_space<semaphore_mem>>) src(%arg11 : memref<128xf32, #tpu.memory_space<vmem>>) dst(%dma_wait3A_327 : memref<128xf32, #tpu.memory_space<vmem_shared>>)
        %dma_wait3A_328 = arith.constant 0 : i32
        %dma_wait3A_329 = tpu.memref_slice %arg9[%dma_wait3A_328] : memref<10240xf32, #tpu.memory_space<vmem_shared>> -> memref<128xf32, #tpu.memory_space<vmem_shared>>
        %dma_wait3A_330 = arith.constant 0 : i32
        %dma_wait3A_331 = tpu.memref_slice %arg9[%dma_wait3A_330] : memref<10240xf32, #tpu.memory_space<vmem_shared>> -> memref<128xf32, #tpu.memory_space<vmem_shared>>
        tpu.wait_dma2 semaphore(%arg18 : memref<!tpu.dma_semaphore, #tpu.memory_space<semaphore_mem>>) src(%arg11 : memref<128xf32, #tpu.memory_space<vmem>>) dst(%dma_wait3A_331 : memref<128xf32, #tpu.memory_space<vmem_shared>>)
        %add3A_332 = arith.constant 2 : i32
        %add3A_333 = arith.addi %mul3A_52, %add3A_332 : i32
        %lt3A = arith.constant 20 : i32
        %lt3A_334 = arith.cmpi slt, %add3A_333, %lt3A : i32
        %convert_element_type3A_335 = arith.extui %lt3A_334 : i1 to i32
        %cond3A_336 = arith.constant 0 : i32
        %cond3A_337 = arith.cmpi ne, %convert_element_type3A_335, %cond3A_336 : i32
        scf.if %cond3A_337 {
          %add3A_409 = arith.constant 2 : i32
          %add3A_410 = arith.addi %mul3A_52, %add3A_409 : i32
          %mul3A_411 = arith.constant 16 : i32
          %mul3A_412 = arith.muli %add3A_410, %mul3A_411 : i32
          %add3A_413 = arith.addi %arg1, %mul3A_412 : i32
          %mul3A_414 = arith.constant 8 : i32
          %mul3A_415 = arith.muli %add3A_413, %mul3A_414 : i32
          %dma_start3A_416 = arith.constant 0 : i32
          %dma_start3A_417 = tpu.memref_slice %arg4[%mul3A_415, %dma_start3A_416] : memref<2560x128xi32, #tpu.memory_space<hbm>> -> memref<8x128xi32, #tpu.memory_space<hbm>>
          %dma_start3A_418 = arith.constant 0 : i32
          %dma_start3A_419 = tpu.memref_slice %arg4[%mul3A_415, %dma_start3A_418] : memref<2560x128xi32, #tpu.memory_space<hbm>> -> memref<8x128xi32, #tpu.memory_space<hbm>>
          tpu.enqueue_dma source(%dma_start3A_419 : memref<8x128xi32, #tpu.memory_space<hbm>>) target(%arg12 : memref<8x128xi32, #tpu.memory_space<vmem>>) target_semaphore(%arg16 : memref<!tpu.dma_semaphore, #tpu.memory_space<semaphore_mem>>)
          %mul3A_420 = arith.constant 8 : i32
          %mul3A_421 = arith.muli %add3A_413, %mul3A_420 : i32
          %dma_start3A_422 = arith.constant 0 : i32
          %dma_start3A_423 = tpu.memref_slice %arg5[%mul3A_421, %dma_start3A_422] : memref<2560x128xi32, #tpu.memory_space<hbm>> -> memref<8x128xi32, #tpu.memory_space<hbm>>
          %dma_start3A_424 = arith.constant 0 : i32
          %dma_start3A_425 = tpu.memref_slice %arg5[%mul3A_421, %dma_start3A_424] : memref<2560x128xi32, #tpu.memory_space<hbm>> -> memref<8x128xi32, #tpu.memory_space<hbm>>
          tpu.enqueue_dma source(%dma_start3A_425 : memref<8x128xi32, #tpu.memory_space<hbm>>) target(%arg14 : memref<8x128xi32, #tpu.memory_space<vmem>>) target_semaphore(%arg16 : memref<!tpu.dma_semaphore, #tpu.memory_space<semaphore_mem>>)
        } else {
        }
        %dma_wait3A_338 = arith.constant 0 : i32
        %dma_wait3A_339 = tpu.memref_slice %arg9[%dma_wait3A_338] : memref<10240xf32, #tpu.memory_space<vmem_shared>> -> memref<128xf32, #tpu.memory_space<vmem_shared>>
        %dma_wait3A_340 = arith.constant 0 : i32
        %dma_wait3A_341 = tpu.memref_slice %arg9[%dma_wait3A_340] : memref<10240xf32, #tpu.memory_space<vmem_shared>> -> memref<128xf32, #tpu.memory_space<vmem_shared>>
        tpu.wait_dma2 semaphore(%arg19 : memref<!tpu.dma_semaphore, #tpu.memory_space<semaphore_mem>>) src(%arg11 : memref<128xf32, #tpu.memory_space<vmem>>) dst(%dma_wait3A_341 : memref<128xf32, #tpu.memory_space<vmem_shared>>)
        %dma_wait3A_342 = arith.constant 0 : i32
        %dma_wait3A_343 = tpu.memref_slice %arg9[%dma_wait3A_342] : memref<10240xf32, #tpu.memory_space<vmem_shared>> -> memref<128xf32, #tpu.memory_space<vmem_shared>>
        %dma_wait3A_344 = arith.constant 0 : i32
        %dma_wait3A_345 = tpu.memref_slice %arg9[%dma_wait3A_344] : memref<10240xf32, #tpu.memory_space<vmem_shared>> -> memref<128xf32, #tpu.memory_space<vmem_shared>>
        tpu.wait_dma2 semaphore(%arg19 : memref<!tpu.dma_semaphore, #tpu.memory_space<semaphore_mem>>) src(%arg11 : memref<128xf32, #tpu.memory_space<vmem>>) dst(%dma_wait3A_345 : memref<128xf32, #tpu.memory_space<vmem_shared>>)
        %dma_wait3A_346 = arith.constant 0 : i32
        %dma_wait3A_347 = tpu.memref_slice %arg9[%dma_wait3A_346] : memref<10240xf32, #tpu.memory_space<vmem_shared>> -> memref<128xf32, #tpu.memory_space<vmem_shared>>
        %dma_wait3A_348 = arith.constant 0 : i32
        %dma_wait3A_349 = tpu.memref_slice %arg9[%dma_wait3A_348] : memref<10240xf32, #tpu.memory_space<vmem_shared>> -> memref<128xf32, #tpu.memory_space<vmem_shared>>
        tpu.wait_dma2 semaphore(%arg19 : memref<!tpu.dma_semaphore, #tpu.memory_space<semaphore_mem>>) src(%arg11 : memref<128xf32, #tpu.memory_space<vmem>>) dst(%dma_wait3A_349 : memref<128xf32, #tpu.memory_space<vmem_shared>>)
        %dma_wait3A_350 = arith.constant 0 : i32
        %dma_wait3A_351 = tpu.memref_slice %arg9[%dma_wait3A_350] : memref<10240xf32, #tpu.memory_space<vmem_shared>> -> memref<128xf32, #tpu.memory_space<vmem_shared>>
        %dma_wait3A_352 = arith.constant 0 : i32
        %dma_wait3A_353 = tpu.memref_slice %arg9[%dma_wait3A_352] : memref<10240xf32, #tpu.memory_space<vmem_shared>> -> memref<128xf32, #tpu.memory_space<vmem_shared>>
        tpu.wait_dma2 semaphore(%arg19 : memref<!tpu.dma_semaphore, #tpu.memory_space<semaphore_mem>>) src(%arg11 : memref<128xf32, #tpu.memory_space<vmem>>) dst(%dma_wait3A_353 : memref<128xf32, #tpu.memory_space<vmem_shared>>)
        %dma_wait3A_354 = arith.constant 0 : i32
        %dma_wait3A_355 = tpu.memref_slice %arg9[%dma_wait3A_354] : memref<10240xf32, #tpu.memory_space<vmem_shared>> -> memref<128xf32, #tpu.memory_space<vmem_shared>>
        %dma_wait3A_356 = arith.constant 0 : i32
        %dma_wait3A_357 = tpu.memref_slice %arg9[%dma_wait3A_356] : memref<10240xf32, #tpu.memory_space<vmem_shared>> -> memref<128xf32, #tpu.memory_space<vmem_shared>>
        tpu.wait_dma2 semaphore(%arg19 : memref<!tpu.dma_semaphore, #tpu.memory_space<semaphore_mem>>) src(%arg11 : memref<128xf32, #tpu.memory_space<vmem>>) dst(%dma_wait3A_357 : memref<128xf32, #tpu.memory_space<vmem_shared>>)
        %dma_wait3A_358 = arith.constant 0 : i32
        %dma_wait3A_359 = tpu.memref_slice %arg9[%dma_wait3A_358] : memref<10240xf32, #tpu.memory_space<vmem_shared>> -> memref<128xf32, #tpu.memory_space<vmem_shared>>
        %dma_wait3A_360 = arith.constant 0 : i32
        %dma_wait3A_361 = tpu.memref_slice %arg9[%dma_wait3A_360] : memref<10240xf32, #tpu.memory_space<vmem_shared>> -> memref<128xf32, #tpu.memory_space<vmem_shared>>
        tpu.wait_dma2 semaphore(%arg19 : memref<!tpu.dma_semaphore, #tpu.memory_space<semaphore_mem>>) src(%arg11 : memref<128xf32, #tpu.memory_space<vmem>>) dst(%dma_wait3A_361 : memref<128xf32, #tpu.memory_space<vmem_shared>>)
        %dma_wait3A_362 = arith.constant 0 : i32
        %dma_wait3A_363 = tpu.memref_slice %arg9[%dma_wait3A_362] : memref<10240xf32, #tpu.memory_space<vmem_shared>> -> memref<128xf32, #tpu.memory_space<vmem_shared>>
        %dma_wait3A_364 = arith.constant 0 : i32
        %dma_wait3A_365 = tpu.memref_slice %arg9[%dma_wait3A_364] : memref<10240xf32, #tpu.memory_space<vmem_shared>> -> memref<128xf32, #tpu.memory_space<vmem_shared>>
        tpu.wait_dma2 semaphore(%arg19 : memref<!tpu.dma_semaphore, #tpu.memory_space<semaphore_mem>>) src(%arg11 : memref<128xf32, #tpu.memory_space<vmem>>) dst(%dma_wait3A_365 : memref<128xf32, #tpu.memory_space<vmem_shared>>)
        %dma_wait3A_366 = arith.constant 0 : i32
        %dma_wait3A_367 = tpu.memref_slice %arg9[%dma_wait3A_366] : memref<10240xf32, #tpu.memory_space<vmem_shared>> -> memref<128xf32, #tpu.memory_space<vmem_shared>>
        %dma_wait3A_368 = arith.constant 0 : i32
        %dma_wait3A_369 = tpu.memref_slice %arg9[%dma_wait3A_368] : memref<10240xf32, #tpu.memory_space<vmem_shared>> -> memref<128xf32, #tpu.memory_space<vmem_shared>>
        tpu.wait_dma2 semaphore(%arg19 : memref<!tpu.dma_semaphore, #tpu.memory_space<semaphore_mem>>) src(%arg11 : memref<128xf32, #tpu.memory_space<vmem>>) dst(%dma_wait3A_369 : memref<128xf32, #tpu.memory_space<vmem_shared>>)
        %dma_wait3A_370 = arith.constant 0 : i32
        %dma_wait3A_371 = tpu.memref_slice %arg9[%dma_wait3A_370] : memref<10240xf32, #tpu.memory_space<vmem_shared>> -> memref<128xf32, #tpu.memory_space<vmem_shared>>
        %dma_wait3A_372 = arith.constant 0 : i32
        %dma_wait3A_373 = tpu.memref_slice %arg9[%dma_wait3A_372] : memref<10240xf32, #tpu.memory_space<vmem_shared>> -> memref<128xf32, #tpu.memory_space<vmem_shared>>
        tpu.wait_dma2 semaphore(%arg19 : memref<!tpu.dma_semaphore, #tpu.memory_space<semaphore_mem>>) src(%arg11 : memref<128xf32, #tpu.memory_space<vmem>>) dst(%dma_wait3A_373 : memref<128xf32, #tpu.memory_space<vmem_shared>>)
        %dma_wait3A_374 = arith.constant 0 : i32
        %dma_wait3A_375 = tpu.memref_slice %arg9[%dma_wait3A_374] : memref<10240xf32, #tpu.memory_space<vmem_shared>> -> memref<128xf32, #tpu.memory_space<vmem_shared>>
        %dma_wait3A_376 = arith.constant 0 : i32
        %dma_wait3A_377 = tpu.memref_slice %arg9[%dma_wait3A_376] : memref<10240xf32, #tpu.memory_space<vmem_shared>> -> memref<128xf32, #tpu.memory_space<vmem_shared>>
        tpu.wait_dma2 semaphore(%arg19 : memref<!tpu.dma_semaphore, #tpu.memory_space<semaphore_mem>>) src(%arg11 : memref<128xf32, #tpu.memory_space<vmem>>) dst(%dma_wait3A_377 : memref<128xf32, #tpu.memory_space<vmem_shared>>)
        %dma_wait3A_378 = arith.constant 0 : i32
        %dma_wait3A_379 = tpu.memref_slice %arg9[%dma_wait3A_378] : memref<10240xf32, #tpu.memory_space<vmem_shared>> -> memref<128xf32, #tpu.memory_space<vmem_shared>>
        %dma_wait3A_380 = arith.constant 0 : i32
        %dma_wait3A_381 = tpu.memref_slice %arg9[%dma_wait3A_380] : memref<10240xf32, #tpu.memory_space<vmem_shared>> -> memref<128xf32, #tpu.memory_space<vmem_shared>>
        tpu.wait_dma2 semaphore(%arg19 : memref<!tpu.dma_semaphore, #tpu.memory_space<semaphore_mem>>) src(%arg11 : memref<128xf32, #tpu.memory_space<vmem>>) dst(%dma_wait3A_381 : memref<128xf32, #tpu.memory_space<vmem_shared>>)
        %dma_wait3A_382 = arith.constant 0 : i32
        %dma_wait3A_383 = tpu.memref_slice %arg9[%dma_wait3A_382] : memref<10240xf32, #tpu.memory_space<vmem_shared>> -> memref<128xf32, #tpu.memory_space<vmem_shared>>
        %dma_wait3A_384 = arith.constant 0 : i32
        %dma_wait3A_385 = tpu.memref_slice %arg9[%dma_wait3A_384] : memref<10240xf32, #tpu.memory_space<vmem_shared>> -> memref<128xf32, #tpu.memory_space<vmem_shared>>
        tpu.wait_dma2 semaphore(%arg19 : memref<!tpu.dma_semaphore, #tpu.memory_space<semaphore_mem>>) src(%arg11 : memref<128xf32, #tpu.memory_space<vmem>>) dst(%dma_wait3A_385 : memref<128xf32, #tpu.memory_space<vmem_shared>>)
        %dma_wait3A_386 = arith.constant 0 : i32
        %dma_wait3A_387 = tpu.memref_slice %arg9[%dma_wait3A_386] : memref<10240xf32, #tpu.memory_space<vmem_shared>> -> memref<128xf32, #tpu.memory_space<vmem_shared>>
        %dma_wait3A_388 = arith.constant 0 : i32
        %dma_wait3A_389 = tpu.memref_slice %arg9[%dma_wait3A_388] : memref<10240xf32, #tpu.memory_space<vmem_shared>> -> memref<128xf32, #tpu.memory_space<vmem_shared>>
        tpu.wait_dma2 semaphore(%arg19 : memref<!tpu.dma_semaphore, #tpu.memory_space<semaphore_mem>>) src(%arg11 : memref<128xf32, #tpu.memory_space<vmem>>) dst(%dma_wait3A_389 : memref<128xf32, #tpu.memory_space<vmem_shared>>)
        %dma_wait3A_390 = arith.constant 0 : i32
        %dma_wait3A_391 = tpu.memref_slice %arg9[%dma_wait3A_390] : memref<10240xf32, #tpu.memory_space<vmem_shared>> -> memref<128xf32, #tpu.memory_space<vmem_shared>>
        %dma_wait3A_392 = arith.constant 0 : i32
        %dma_wait3A_393 = tpu.memref_slice %arg9[%dma_wait3A_392] : memref<10240xf32, #tpu.memory_space<vmem_shared>> -> memref<128xf32, #tpu.memory_space<vmem_shared>>
        tpu.wait_dma2 semaphore(%arg19 : memref<!tpu.dma_semaphore, #tpu.memory_space<semaphore_mem>>) src(%arg11 : memref<128xf32, #tpu.memory_space<vmem>>) dst(%dma_wait3A_393 : memref<128xf32, #tpu.memory_space<vmem_shared>>)
        %dma_wait3A_394 = arith.constant 0 : i32
        %dma_wait3A_395 = tpu.memref_slice %arg9[%dma_wait3A_394] : memref<10240xf32, #tpu.memory_space<vmem_shared>> -> memref<128xf32, #tpu.memory_space<vmem_shared>>
        %dma_wait3A_396 = arith.constant 0 : i32
        %dma_wait3A_397 = tpu.memref_slice %arg9[%dma_wait3A_396] : memref<10240xf32, #tpu.memory_space<vmem_shared>> -> memref<128xf32, #tpu.memory_space<vmem_shared>>
        tpu.wait_dma2 semaphore(%arg19 : memref<!tpu.dma_semaphore, #tpu.memory_space<semaphore_mem>>) src(%arg11 : memref<128xf32, #tpu.memory_space<vmem>>) dst(%dma_wait3A_397 : memref<128xf32, #tpu.memory_space<vmem_shared>>)
        %dma_wait3A_398 = arith.constant 0 : i32
        %dma_wait3A_399 = tpu.memref_slice %arg9[%dma_wait3A_398] : memref<10240xf32, #tpu.memory_space<vmem_shared>> -> memref<128xf32, #tpu.memory_space<vmem_shared>>
        %dma_wait3A_400 = arith.constant 0 : i32
        %dma_wait3A_401 = tpu.memref_slice %arg9[%dma_wait3A_400] : memref<10240xf32, #tpu.memory_space<vmem_shared>> -> memref<128xf32, #tpu.memory_space<vmem_shared>>
        tpu.wait_dma2 semaphore(%arg19 : memref<!tpu.dma_semaphore, #tpu.memory_space<semaphore_mem>>) src(%arg11 : memref<128xf32, #tpu.memory_space<vmem>>) dst(%dma_wait3A_401 : memref<128xf32, #tpu.memory_space<vmem_shared>>)
        %add3A_402 = arith.constant 3 : i32
        %add3A_403 = arith.addi %mul3A_52, %add3A_402 : i32
        %lt3A_404 = arith.constant 20 : i32
        %lt3A_405 = arith.cmpi slt, %add3A_403, %lt3A_404 : i32
        %convert_element_type3A_406 = arith.extui %lt3A_405 : i1 to i32
        %cond3A_407 = arith.constant 0 : i32
        %cond3A_408 = arith.cmpi ne, %convert_element_type3A_406, %cond3A_407 : i32
        scf.if %cond3A_408 {
          %add3A_409 = arith.constant 3 : i32
          %add3A_410 = arith.addi %mul3A_52, %add3A_409 : i32
          %mul3A_411 = arith.constant 16 : i32
          %mul3A_412 = arith.muli %add3A_410, %mul3A_411 : i32
          %add3A_413 = arith.addi %arg1, %mul3A_412 : i32
          %mul3A_414 = arith.constant 8 : i32
          %mul3A_415 = arith.muli %add3A_413, %mul3A_414 : i32
          %dma_start3A_416 = arith.constant 0 : i32
          %dma_start3A_417 = tpu.memref_slice %arg4[%mul3A_415, %dma_start3A_416] : memref<2560x128xi32, #tpu.memory_space<hbm>> -> memref<8x128xi32, #tpu.memory_space<hbm>>
          %dma_start3A_418 = arith.constant 0 : i32
          %dma_start3A_419 = tpu.memref_slice %arg4[%mul3A_415, %dma_start3A_418] : memref<2560x128xi32, #tpu.memory_space<hbm>> -> memref<8x128xi32, #tpu.memory_space<hbm>>
          tpu.enqueue_dma source(%dma_start3A_419 : memref<8x128xi32, #tpu.memory_space<hbm>>) target(%arg13 : memref<8x128xi32, #tpu.memory_space<vmem>>) target_semaphore(%arg17 : memref<!tpu.dma_semaphore, #tpu.memory_space<semaphore_mem>>)
          %mul3A_420 = arith.constant 8 : i32
          %mul3A_421 = arith.muli %add3A_413, %mul3A_420 : i32
          %dma_start3A_422 = arith.constant 0 : i32
          %dma_start3A_423 = tpu.memref_slice %arg5[%mul3A_421, %dma_start3A_422] : memref<2560x128xi32, #tpu.memory_space<hbm>> -> memref<8x128xi32, #tpu.memory_space<hbm>>
          %dma_start3A_424 = arith.constant 0 : i32
          %dma_start3A_425 = tpu.memref_slice %arg5[%mul3A_421, %dma_start3A_424] : memref<2560x128xi32, #tpu.memory_space<hbm>> -> memref<8x128xi32, #tpu.memory_space<hbm>>
          tpu.enqueue_dma source(%dma_start3A_425 : memref<8x128xi32, #tpu.memory_space<hbm>>) target(%arg15 : memref<8x128xi32, #tpu.memory_space<vmem>>) target_semaphore(%arg17 : memref<!tpu.dma_semaphore, #tpu.memory_space<semaphore_mem>>)
        } else {
        }
      }
      %scan3A_49 = arith.constant 10 : i32
    } else {
    }
    %barrier3A_8 = arith.constant 0 : index
    tpu.barrier barrier_id(%barrier3A_8)
    %eq3A_9 = arith.constant 0 : i32
    %eq3A_10 = arith.cmpi eq, %arg0, %eq3A_9 : i32
    %convert_element_type3A_11 = arith.extui %eq3A_10 : i1 to i32
    %cond3A_12 = arith.constant 0 : i32
    %cond3A_13 = arith.cmpi ne, %convert_element_type3A_11, %cond3A_12 : i32
    scf.if %cond3A_13 {
      %run_scoped3A = arith.constant 0 : i32
      "tpu.region"() ({
        %run_scoped3A_20 = tpu.sem_alloc : memref<!tpu.dma_semaphore, #tpu.memory_space<semaphore_mem>>
        %dma_start3A = tpu.memref_slice %arg8[%run_scoped3A, %mul3A_0] : memref<4x10240xf32, #tpu.memory_space<hbm>> -> memref<1x640xf32, #tpu.memory_space<hbm>>
        %dma_start3A_21 = tpu.memref_squeeze %dma_start3A : memref<1x640xf32, #tpu.memory_space<hbm>> -> memref<640xf32, #tpu.memory_space<hbm>>
        %dma_start3A_22 = tpu.memref_slice %arg9[%mul3A_0] : memref<10240xf32, #tpu.memory_space<vmem_shared>> -> memref<640xf32, #tpu.memory_space<vmem_shared>>
        tpu.enqueue_dma source(%dma_start3A_22 : memref<640xf32, #tpu.memory_space<vmem_shared>>) target(%dma_start3A_21 : memref<640xf32, #tpu.memory_space<hbm>>) target_semaphore(%run_scoped3A_20 : memref<!tpu.dma_semaphore, #tpu.memory_space<semaphore_mem>>)
        %dma_wait3A = tpu.memref_slice %arg8[%run_scoped3A, %mul3A_0] : memref<4x10240xf32, #tpu.memory_space<hbm>> -> memref<1x640xf32, #tpu.memory_space<hbm>>
        %dma_wait3A_23 = tpu.memref_squeeze %dma_wait3A : memref<1x640xf32, #tpu.memory_space<hbm>> -> memref<640xf32, #tpu.memory_space<hbm>>
        %dma_wait3A_24 = tpu.memref_slice %arg9[%mul3A_0] : memref<10240xf32, #tpu.memory_space<vmem_shared>> -> memref<640xf32, #tpu.memory_space<vmem_shared>>
        tpu.wait_dma2 semaphore(%run_scoped3A_20 : memref<!tpu.dma_semaphore, #tpu.memory_space<semaphore_mem>>) src(%dma_wait3A_24 : memref<640xf32, #tpu.memory_space<vmem_shared>>) dst(%dma_wait3A_23 : memref<640xf32, #tpu.memory_space<hbm>>)
        tpu.yield
      }) : () -> ()
      %run_scoped3A_19 = arith.constant 1 : i32
      "tpu.region"() ({
        %run_scoped3A_20 = tpu.sem_alloc : memref<!tpu.dma_semaphore, #tpu.memory_space<semaphore_mem>>
        %dma_start3A = tpu.memref_slice %arg8[%run_scoped3A_19, %mul3A_0] : memref<4x10240xf32, #tpu.memory_space<hbm>> -> memref<1x640xf32, #tpu.memory_space<hbm>>
        %dma_start3A_21 = tpu.memref_squeeze %dma_start3A : memref<1x640xf32, #tpu.memory_space<hbm>> -> memref<640xf32, #tpu.memory_space<hbm>>
        %dma_start3A_22 = tpu.memref_slice %arg10[%mul3A_0] : memref<10240xf32, #tpu.memory_space<vmem_shared>> -> memref<640xf32, #tpu.memory_space<vmem_shared>>
        tpu.enqueue_dma source(%dma_start3A_22 : memref<640xf32, #tpu.memory_space<vmem_shared>>) target(%dma_start3A_21 : memref<640xf32, #tpu.memory_space<hbm>>) target_semaphore(%run_scoped3A_20 : memref<!tpu.dma_semaphore, #tpu.memory_space<semaphore_mem>>)
        %dma_wait3A = tpu.memref_slice %arg8[%run_scoped3A_19, %mul3A_0] : memref<4x10240xf32, #tpu.memory_space<hbm>> -> memref<1x640xf32, #tpu.memory_space<hbm>>
        %dma_wait3A_23 = tpu.memref_squeeze %dma_wait3A : memref<1x640xf32, #tpu.memory_space<hbm>> -> memref<640xf32, #tpu.memory_space<hbm>>
        %dma_wait3A_24 = tpu.memref_slice %arg10[%mul3A_0] : memref<10240xf32, #tpu.memory_space<vmem_shared>> -> memref<640xf32, #tpu.memory_space<vmem_shared>>
        tpu.wait_dma2 semaphore(%run_scoped3A_20 : memref<!tpu.dma_semaphore, #tpu.memory_space<semaphore_mem>>) src(%dma_wait3A_24 : memref<640xf32, #tpu.memory_space<vmem_shared>>) dst(%dma_wait3A_23 : memref<640xf32, #tpu.memory_space<hbm>>)
        tpu.yield
      }) : () -> ()
    } else {
    }
    %eq3A_14 = arith.constant 1 : i32
    %eq3A_15 = arith.cmpi eq, %arg0, %eq3A_14 : i32
    %convert_element_type3A_16 = arith.extui %eq3A_15 : i1 to i32
    %cond3A_17 = arith.constant 0 : i32
    %cond3A_18 = arith.cmpi ne, %convert_element_type3A_16, %cond3A_17 : i32
    scf.if %cond3A_18 {
      %run_scoped3A = arith.constant 2 : i32
      "tpu.region"() ({
        %run_scoped3A_20 = tpu.sem_alloc : memref<!tpu.dma_semaphore, #tpu.memory_space<semaphore_mem>>
        %dma_start3A = tpu.memref_slice %arg8[%run_scoped3A, %mul3A_0] : memref<4x10240xf32, #tpu.memory_space<hbm>> -> memref<1x640xf32, #tpu.memory_space<hbm>>
        %dma_start3A_21 = tpu.memref_squeeze %dma_start3A : memref<1x640xf32, #tpu.memory_space<hbm>> -> memref<640xf32, #tpu.memory_space<hbm>>
        %dma_start3A_22 = tpu.memref_slice %arg9[%mul3A_0] : memref<10240xf32, #tpu.memory_space<vmem_shared>> -> memref<640xf32, #tpu.memory_space<vmem_shared>>
        tpu.enqueue_dma source(%dma_start3A_22 : memref<640xf32, #tpu.memory_space<vmem_shared>>) target(%dma_start3A_21 : memref<640xf32, #tpu.memory_space<hbm>>) target_semaphore(%run_scoped3A_20 : memref<!tpu.dma_semaphore, #tpu.memory_space<semaphore_mem>>)
        %dma_wait3A = tpu.memref_slice %arg8[%run_scoped3A, %mul3A_0] : memref<4x10240xf32, #tpu.memory_space<hbm>> -> memref<1x640xf32, #tpu.memory_space<hbm>>
        %dma_wait3A_23 = tpu.memref_squeeze %dma_wait3A : memref<1x640xf32, #tpu.memory_space<hbm>> -> memref<640xf32, #tpu.memory_space<hbm>>
        %dma_wait3A_24 = tpu.memref_slice %arg9[%mul3A_0] : memref<10240xf32, #tpu.memory_space<vmem_shared>> -> memref<640xf32, #tpu.memory_space<vmem_shared>>
        tpu.wait_dma2 semaphore(%run_scoped3A_20 : memref<!tpu.dma_semaphore, #tpu.memory_space<semaphore_mem>>) src(%dma_wait3A_24 : memref<640xf32, #tpu.memory_space<vmem_shared>>) dst(%dma_wait3A_23 : memref<640xf32, #tpu.memory_space<hbm>>)
        tpu.yield
      }) : () -> ()
      %run_scoped3A_19 = arith.constant 3 : i32
      "tpu.region"() ({
        %run_scoped3A_20 = tpu.sem_alloc : memref<!tpu.dma_semaphore, #tpu.memory_space<semaphore_mem>>
        %dma_start3A = tpu.memref_slice %arg8[%run_scoped3A_19, %mul3A_0] : memref<4x10240xf32, #tpu.memory_space<hbm>> -> memref<1x640xf32, #tpu.memory_space<hbm>>
        %dma_start3A_21 = tpu.memref_squeeze %dma_start3A : memref<1x640xf32, #tpu.memory_space<hbm>> -> memref<640xf32, #tpu.memory_space<hbm>>
        %dma_start3A_22 = tpu.memref_slice %arg10[%mul3A_0] : memref<10240xf32, #tpu.memory_space<vmem_shared>> -> memref<640xf32, #tpu.memory_space<vmem_shared>>
        tpu.enqueue_dma source(%dma_start3A_22 : memref<640xf32, #tpu.memory_space<vmem_shared>>) target(%dma_start3A_21 : memref<640xf32, #tpu.memory_space<hbm>>) target_semaphore(%run_scoped3A_20 : memref<!tpu.dma_semaphore, #tpu.memory_space<semaphore_mem>>)
        %dma_wait3A = tpu.memref_slice %arg8[%run_scoped3A_19, %mul3A_0] : memref<4x10240xf32, #tpu.memory_space<hbm>> -> memref<1x640xf32, #tpu.memory_space<hbm>>
        %dma_wait3A_23 = tpu.memref_squeeze %dma_wait3A : memref<1x640xf32, #tpu.memory_space<hbm>> -> memref<640xf32, #tpu.memory_space<hbm>>
        %dma_wait3A_24 = tpu.memref_slice %arg10[%mul3A_0] : memref<10240xf32, #tpu.memory_space<vmem_shared>> -> memref<640xf32, #tpu.memory_space<vmem_shared>>
        tpu.wait_dma2 semaphore(%run_scoped3A_20 : memref<!tpu.dma_semaphore, #tpu.memory_space<semaphore_mem>>) src(%dma_wait3A_24 : memref<640xf32, #tpu.memory_space<vmem_shared>>) dst(%dma_wait3A_23 : memref<640xf32, #tpu.memory_space<hbm>>)
        tpu.yield
      }) : () -> ()
    } else {
    }
    return
  }
}

#map = affine_map<(d0, d1) -> (0, 0)>
#map1 = affine_map<(d0, d1) -> (0, 0, 0)>
module attributes {stable_mosaic.version = 14 : i64} {
  func.func @_agg_call(%arg0: i32, %arg1: i32, %arg2: memref<10240x128xf32, #tpu.memory_space<hbm>>, %arg3: memref<10240x128xf32, #tpu.memory_space<hbm>>, %arg4: memref<2560x128xi32, #tpu.memory_space<hbm>>, %arg5: memref<2560x128xi32, #tpu.memory_space<hbm>>, %arg6: memref<2560x128xi32, #tpu.memory_space<hbm>>, %arg7: memref<2560x128xi32, #tpu.memory_space<hbm>>, %arg8: memref<640x128xf32, #tpu.memory_space<hbm>>, %arg9: memref<2x10240x128xf32, #tpu.memory_space<hbm>>, %arg10: memref<10240x128xf32, #tpu.memory_space<vmem_shared>>, %arg11: memref<4x128xi32, #tpu.memory_space<vmem>>, %arg12: memref<4x128xi32, #tpu.memory_space<vmem>>, %arg13: memref<2x128x128xf32, #tpu.memory_space<vmem>>, %arg14: memref<!tpu.dma_semaphore, #tpu.memory_space<semaphore_mem>>, %arg15: memref<!tpu.dma_semaphore, #tpu.memory_space<semaphore_mem>>, %arg16: memref<!tpu.dma_semaphore, #tpu.memory_space<semaphore_mem>>, %arg17: memref<!tpu.dma_semaphore, #tpu.memory_space<semaphore_mem>>, %arg18: memref<!tpu.dma_semaphore, #tpu.memory_space<semaphore_mem>>, %arg19: memref<!tpu.dma_semaphore, #tpu.memory_space<semaphore_mem>>) attributes {dimension_semantics = [#tpu.dimension_semantics<core_parallel>, #tpu.dimension_semantics<subcore_parallel>], iteration_bounds = array<i64: 2, 16>, scalar_prefetch = 0 : i64, scratch_operands = 10 : i64, tpu.core_type = #tpu.core_type<sc_vector_subcore>, window_params = [{transform_indices = #map}, {transform_indices = #map}, {transform_indices = #map}, {transform_indices = #map}, {transform_indices = #map}, {transform_indices = #map}, {transform_indices = #map}, {transform_indices = #map1}]} {
    %mul3A = arith.constant 640 : i32
    %mul3A_0 = arith.muli %arg1, %mul3A : i32
    "tpu.region"() ({
      %run_scoped3A = tpu.sem_alloc : memref<!tpu.dma_semaphore, #tpu.memory_space<semaphore_mem>>
      %dma_start3A = arith.constant 0 : i32
      %dma_start3A_19 = tpu.memref_slice %arg10[%mul3A_0, %dma_start3A] : memref<10240x128xf32, #tpu.memory_space<vmem_shared>> -> memref<640x128xf32, #tpu.memory_space<vmem_shared>>
      tpu.enqueue_dma source(%arg8 : memref<640x128xf32, #tpu.memory_space<hbm>>) target(%dma_start3A_19 : memref<640x128xf32, #tpu.memory_space<vmem_shared>>) target_semaphore(%run_scoped3A : memref<!tpu.dma_semaphore, #tpu.memory_space<semaphore_mem>>)
      %dma_wait3A = arith.constant 0 : i32
      %dma_wait3A_20 = tpu.memref_slice %arg10[%mul3A_0, %dma_wait3A] : memref<10240x128xf32, #tpu.memory_space<vmem_shared>> -> memref<640x128xf32, #tpu.memory_space<vmem_shared>>
      tpu.wait_dma2 semaphore(%run_scoped3A : memref<!tpu.dma_semaphore, #tpu.memory_space<semaphore_mem>>) src(%arg8 : memref<640x128xf32, #tpu.memory_space<hbm>>) dst(%dma_wait3A_20 : memref<640x128xf32, #tpu.memory_space<vmem_shared>>)
      tpu.yield
    }) : () -> ()
    %barrier3A = arith.constant 0 : index
    tpu.barrier barrier_id(%barrier3A)
    %eq3A = arith.constant 0 : i32
    %eq3A_1 = arith.cmpi eq, %arg0, %eq3A : i32
    %convert_element_type3A = arith.extui %eq3A_1 : i1 to i32
    %cond3A = arith.constant 0 : i32
    %cond3A_2 = arith.cmpi ne, %convert_element_type3A, %cond3A : i32
    scf.if %cond3A_2 {
      %add3A = arith.constant 0 : i32
      %add3A_19 = arith.addi %arg1, %add3A : i32
      %run_scoped3A = arith.constant 0 : i32
      "tpu.region"() ({
        %run_scoped3A_61 = tpu.sem_alloc : memref<!tpu.dma_semaphore, #tpu.memory_space<semaphore_mem>>
        %dma_start3A_62 = arith.constant 0 : i32
        %dma_start3A_63 = tpu.memref_slice %arg11[%run_scoped3A, %dma_start3A_62] : memref<4x128xi32, #tpu.memory_space<vmem>> -> memref<1x128xi32, #tpu.memory_space<vmem>>
        %dma_start3A_64 = tpu.memref_squeeze %dma_start3A_63 : memref<1x128xi32, #tpu.memory_space<vmem>> -> memref<128xi32, #tpu.memory_space<vmem>>
        %dma_start3A_65 = arith.constant 0 : i32
        %dma_start3A_66 = tpu.memref_slice %arg4[%add3A_19, %dma_start3A_65] : memref<2560x128xi32, #tpu.memory_space<hbm>> -> memref<1x128xi32, #tpu.memory_space<hbm>>
        %dma_start3A_67 = tpu.memref_squeeze %dma_start3A_66 : memref<1x128xi32, #tpu.memory_space<hbm>> -> memref<128xi32, #tpu.memory_space<hbm>>
        %dma_start3A_68 = arith.constant 0 : i32
        %dma_start3A_69 = tpu.memref_slice %arg11[%run_scoped3A, %dma_start3A_68] : memref<4x128xi32, #tpu.memory_space<vmem>> -> memref<1x128xi32, #tpu.memory_space<vmem>>
        %dma_start3A_70 = tpu.memref_squeeze %dma_start3A_69 : memref<1x128xi32, #tpu.memory_space<vmem>> -> memref<128xi32, #tpu.memory_space<vmem>>
        %dma_start3A_71 = arith.constant 0 : i32
        %dma_start3A_72 = tpu.memref_slice %arg4[%add3A_19, %dma_start3A_71] : memref<2560x128xi32, #tpu.memory_space<hbm>> -> memref<1x128xi32, #tpu.memory_space<hbm>>
        %dma_start3A_73 = tpu.memref_squeeze %dma_start3A_72 : memref<1x128xi32, #tpu.memory_space<hbm>> -> memref<128xi32, #tpu.memory_space<hbm>>
        tpu.enqueue_dma source(%dma_start3A_73 : memref<128xi32, #tpu.memory_space<hbm>>) target(%dma_start3A_70 : memref<128xi32, #tpu.memory_space<vmem>>) target_semaphore(%run_scoped3A_61 : memref<!tpu.dma_semaphore, #tpu.memory_space<semaphore_mem>>)
        %dma_wait3A = arith.constant 0 : i32
        %dma_wait3A_74 = tpu.memref_slice %arg11[%run_scoped3A, %dma_wait3A] : memref<4x128xi32, #tpu.memory_space<vmem>> -> memref<1x128xi32, #tpu.memory_space<vmem>>
        %dma_wait3A_75 = tpu.memref_squeeze %dma_wait3A_74 : memref<1x128xi32, #tpu.memory_space<vmem>> -> memref<128xi32, #tpu.memory_space<vmem>>
        %dma_wait3A_76 = arith.constant 0 : i32
        %dma_wait3A_77 = tpu.memref_slice %arg4[%add3A_19, %dma_wait3A_76] : memref<2560x128xi32, #tpu.memory_space<hbm>> -> memref<1x128xi32, #tpu.memory_space<hbm>>
        %dma_wait3A_78 = tpu.memref_squeeze %dma_wait3A_77 : memref<1x128xi32, #tpu.memory_space<hbm>> -> memref<128xi32, #tpu.memory_space<hbm>>
        %dma_wait3A_79 = arith.constant 0 : i32
        %dma_wait3A_80 = tpu.memref_slice %arg11[%run_scoped3A, %dma_wait3A_79] : memref<4x128xi32, #tpu.memory_space<vmem>> -> memref<1x128xi32, #tpu.memory_space<vmem>>
        %dma_wait3A_81 = tpu.memref_squeeze %dma_wait3A_80 : memref<1x128xi32, #tpu.memory_space<vmem>> -> memref<128xi32, #tpu.memory_space<vmem>>
        %dma_wait3A_82 = arith.constant 0 : i32
        %dma_wait3A_83 = tpu.memref_slice %arg4[%add3A_19, %dma_wait3A_82] : memref<2560x128xi32, #tpu.memory_space<hbm>> -> memref<1x128xi32, #tpu.memory_space<hbm>>
        %dma_wait3A_84 = tpu.memref_squeeze %dma_wait3A_83 : memref<1x128xi32, #tpu.memory_space<hbm>> -> memref<128xi32, #tpu.memory_space<hbm>>
        tpu.wait_dma2 semaphore(%run_scoped3A_61 : memref<!tpu.dma_semaphore, #tpu.memory_space<semaphore_mem>>) src(%dma_wait3A_84 : memref<128xi32, #tpu.memory_space<hbm>>) dst(%dma_wait3A_81 : memref<128xi32, #tpu.memory_space<vmem>>)
        tpu.yield
      }) : () -> ()
      %run_scoped3A_20 = arith.constant 0 : i32
      "tpu.region"() ({
        %run_scoped3A_61 = tpu.sem_alloc : memref<!tpu.dma_semaphore, #tpu.memory_space<semaphore_mem>>
        %dma_start3A_62 = arith.constant 0 : i32
        %dma_start3A_63 = tpu.memref_slice %arg12[%run_scoped3A_20, %dma_start3A_62] : memref<4x128xi32, #tpu.memory_space<vmem>> -> memref<1x128xi32, #tpu.memory_space<vmem>>
        %dma_start3A_64 = tpu.memref_squeeze %dma_start3A_63 : memref<1x128xi32, #tpu.memory_space<vmem>> -> memref<128xi32, #tpu.memory_space<vmem>>
        %dma_start3A_65 = arith.constant 0 : i32
        %dma_start3A_66 = tpu.memref_slice %arg5[%add3A_19, %dma_start3A_65] : memref<2560x128xi32, #tpu.memory_space<hbm>> -> memref<1x128xi32, #tpu.memory_space<hbm>>
        %dma_start3A_67 = tpu.memref_squeeze %dma_start3A_66 : memref<1x128xi32, #tpu.memory_space<hbm>> -> memref<128xi32, #tpu.memory_space<hbm>>
        %dma_start3A_68 = arith.constant 0 : i32
        %dma_start3A_69 = tpu.memref_slice %arg12[%run_scoped3A_20, %dma_start3A_68] : memref<4x128xi32, #tpu.memory_space<vmem>> -> memref<1x128xi32, #tpu.memory_space<vmem>>
        %dma_start3A_70 = tpu.memref_squeeze %dma_start3A_69 : memref<1x128xi32, #tpu.memory_space<vmem>> -> memref<128xi32, #tpu.memory_space<vmem>>
        %dma_start3A_71 = arith.constant 0 : i32
        %dma_start3A_72 = tpu.memref_slice %arg5[%add3A_19, %dma_start3A_71] : memref<2560x128xi32, #tpu.memory_space<hbm>> -> memref<1x128xi32, #tpu.memory_space<hbm>>
        %dma_start3A_73 = tpu.memref_squeeze %dma_start3A_72 : memref<1x128xi32, #tpu.memory_space<hbm>> -> memref<128xi32, #tpu.memory_space<hbm>>
        tpu.enqueue_dma source(%dma_start3A_73 : memref<128xi32, #tpu.memory_space<hbm>>) target(%dma_start3A_70 : memref<128xi32, #tpu.memory_space<vmem>>) target_semaphore(%run_scoped3A_61 : memref<!tpu.dma_semaphore, #tpu.memory_space<semaphore_mem>>)
        %dma_wait3A = arith.constant 0 : i32
        %dma_wait3A_74 = tpu.memref_slice %arg12[%run_scoped3A_20, %dma_wait3A] : memref<4x128xi32, #tpu.memory_space<vmem>> -> memref<1x128xi32, #tpu.memory_space<vmem>>
        %dma_wait3A_75 = tpu.memref_squeeze %dma_wait3A_74 : memref<1x128xi32, #tpu.memory_space<vmem>> -> memref<128xi32, #tpu.memory_space<vmem>>
        %dma_wait3A_76 = arith.constant 0 : i32
        %dma_wait3A_77 = tpu.memref_slice %arg5[%add3A_19, %dma_wait3A_76] : memref<2560x128xi32, #tpu.memory_space<hbm>> -> memref<1x128xi32, #tpu.memory_space<hbm>>
        %dma_wait3A_78 = tpu.memref_squeeze %dma_wait3A_77 : memref<1x128xi32, #tpu.memory_space<hbm>> -> memref<128xi32, #tpu.memory_space<hbm>>
        %dma_wait3A_79 = arith.constant 0 : i32
        %dma_wait3A_80 = tpu.memref_slice %arg12[%run_scoped3A_20, %dma_wait3A_79] : memref<4x128xi32, #tpu.memory_space<vmem>> -> memref<1x128xi32, #tpu.memory_space<vmem>>
        %dma_wait3A_81 = tpu.memref_squeeze %dma_wait3A_80 : memref<1x128xi32, #tpu.memory_space<vmem>> -> memref<128xi32, #tpu.memory_space<vmem>>
        %dma_wait3A_82 = arith.constant 0 : i32
        %dma_wait3A_83 = tpu.memref_slice %arg5[%add3A_19, %dma_wait3A_82] : memref<2560x128xi32, #tpu.memory_space<hbm>> -> memref<1x128xi32, #tpu.memory_space<hbm>>
        %dma_wait3A_84 = tpu.memref_squeeze %dma_wait3A_83 : memref<1x128xi32, #tpu.memory_space<hbm>> -> memref<128xi32, #tpu.memory_space<hbm>>
        tpu.wait_dma2 semaphore(%run_scoped3A_61 : memref<!tpu.dma_semaphore, #tpu.memory_space<semaphore_mem>>) src(%dma_wait3A_84 : memref<128xi32, #tpu.memory_space<hbm>>) dst(%dma_wait3A_81 : memref<128xi32, #tpu.memory_space<vmem>>)
        tpu.yield
      }) : () -> ()
      %add3A_21 = arith.constant 16 : i32
      %add3A_22 = arith.addi %arg1, %add3A_21 : i32
      %run_scoped3A_23 = arith.constant 1 : i32
      "tpu.region"() ({
        %run_scoped3A_61 = tpu.sem_alloc : memref<!tpu.dma_semaphore, #tpu.memory_space<semaphore_mem>>
        %dma_start3A_62 = arith.constant 0 : i32
        %dma_start3A_63 = tpu.memref_slice %arg11[%run_scoped3A_23, %dma_start3A_62] : memref<4x128xi32, #tpu.memory_space<vmem>> -> memref<1x128xi32, #tpu.memory_space<vmem>>
        %dma_start3A_64 = tpu.memref_squeeze %dma_start3A_63 : memref<1x128xi32, #tpu.memory_space<vmem>> -> memref<128xi32, #tpu.memory_space<vmem>>
        %dma_start3A_65 = arith.constant 0 : i32
        %dma_start3A_66 = tpu.memref_slice %arg4[%add3A_22, %dma_start3A_65] : memref<2560x128xi32, #tpu.memory_space<hbm>> -> memref<1x128xi32, #tpu.memory_space<hbm>>
        %dma_start3A_67 = tpu.memref_squeeze %dma_start3A_66 : memref<1x128xi32, #tpu.memory_space<hbm>> -> memref<128xi32, #tpu.memory_space<hbm>>
        %dma_start3A_68 = arith.constant 0 : i32
        %dma_start3A_69 = tpu.memref_slice %arg11[%run_scoped3A_23, %dma_start3A_68] : memref<4x128xi32, #tpu.memory_space<vmem>> -> memref<1x128xi32, #tpu.memory_space<vmem>>
        %dma_start3A_70 = tpu.memref_squeeze %dma_start3A_69 : memref<1x128xi32, #tpu.memory_space<vmem>> -> memref<128xi32, #tpu.memory_space<vmem>>
        %dma_start3A_71 = arith.constant 0 : i32
        %dma_start3A_72 = tpu.memref_slice %arg4[%add3A_22, %dma_start3A_71] : memref<2560x128xi32, #tpu.memory_space<hbm>> -> memref<1x128xi32, #tpu.memory_space<hbm>>
        %dma_start3A_73 = tpu.memref_squeeze %dma_start3A_72 : memref<1x128xi32, #tpu.memory_space<hbm>> -> memref<128xi32, #tpu.memory_space<hbm>>
        tpu.enqueue_dma source(%dma_start3A_73 : memref<128xi32, #tpu.memory_space<hbm>>) target(%dma_start3A_70 : memref<128xi32, #tpu.memory_space<vmem>>) target_semaphore(%run_scoped3A_61 : memref<!tpu.dma_semaphore, #tpu.memory_space<semaphore_mem>>)
        %dma_wait3A = arith.constant 0 : i32
        %dma_wait3A_74 = tpu.memref_slice %arg11[%run_scoped3A_23, %dma_wait3A] : memref<4x128xi32, #tpu.memory_space<vmem>> -> memref<1x128xi32, #tpu.memory_space<vmem>>
        %dma_wait3A_75 = tpu.memref_squeeze %dma_wait3A_74 : memref<1x128xi32, #tpu.memory_space<vmem>> -> memref<128xi32, #tpu.memory_space<vmem>>
        %dma_wait3A_76 = arith.constant 0 : i32
        %dma_wait3A_77 = tpu.memref_slice %arg4[%add3A_22, %dma_wait3A_76] : memref<2560x128xi32, #tpu.memory_space<hbm>> -> memref<1x128xi32, #tpu.memory_space<hbm>>
        %dma_wait3A_78 = tpu.memref_squeeze %dma_wait3A_77 : memref<1x128xi32, #tpu.memory_space<hbm>> -> memref<128xi32, #tpu.memory_space<hbm>>
        %dma_wait3A_79 = arith.constant 0 : i32
        %dma_wait3A_80 = tpu.memref_slice %arg11[%run_scoped3A_23, %dma_wait3A_79] : memref<4x128xi32, #tpu.memory_space<vmem>> -> memref<1x128xi32, #tpu.memory_space<vmem>>
        %dma_wait3A_81 = tpu.memref_squeeze %dma_wait3A_80 : memref<1x128xi32, #tpu.memory_space<vmem>> -> memref<128xi32, #tpu.memory_space<vmem>>
        %dma_wait3A_82 = arith.constant 0 : i32
        %dma_wait3A_83 = tpu.memref_slice %arg4[%add3A_22, %dma_wait3A_82] : memref<2560x128xi32, #tpu.memory_space<hbm>> -> memref<1x128xi32, #tpu.memory_space<hbm>>
        %dma_wait3A_84 = tpu.memref_squeeze %dma_wait3A_83 : memref<1x128xi32, #tpu.memory_space<hbm>> -> memref<128xi32, #tpu.memory_space<hbm>>
        tpu.wait_dma2 semaphore(%run_scoped3A_61 : memref<!tpu.dma_semaphore, #tpu.memory_space<semaphore_mem>>) src(%dma_wait3A_84 : memref<128xi32, #tpu.memory_space<hbm>>) dst(%dma_wait3A_81 : memref<128xi32, #tpu.memory_space<vmem>>)
        tpu.yield
      }) : () -> ()
      %run_scoped3A_24 = arith.constant 1 : i32
      "tpu.region"() ({
        %run_scoped3A_61 = tpu.sem_alloc : memref<!tpu.dma_semaphore, #tpu.memory_space<semaphore_mem>>
        %dma_start3A_62 = arith.constant 0 : i32
        %dma_start3A_63 = tpu.memref_slice %arg12[%run_scoped3A_24, %dma_start3A_62] : memref<4x128xi32, #tpu.memory_space<vmem>> -> memref<1x128xi32, #tpu.memory_space<vmem>>
        %dma_start3A_64 = tpu.memref_squeeze %dma_start3A_63 : memref<1x128xi32, #tpu.memory_space<vmem>> -> memref<128xi32, #tpu.memory_space<vmem>>
        %dma_start3A_65 = arith.constant 0 : i32
        %dma_start3A_66 = tpu.memref_slice %arg5[%add3A_22, %dma_start3A_65] : memref<2560x128xi32, #tpu.memory_space<hbm>> -> memref<1x128xi32, #tpu.memory_space<hbm>>
        %dma_start3A_67 = tpu.memref_squeeze %dma_start3A_66 : memref<1x128xi32, #tpu.memory_space<hbm>> -> memref<128xi32, #tpu.memory_space<hbm>>
        %dma_start3A_68 = arith.constant 0 : i32
        %dma_start3A_69 = tpu.memref_slice %arg12[%run_scoped3A_24, %dma_start3A_68] : memref<4x128xi32, #tpu.memory_space<vmem>> -> memref<1x128xi32, #tpu.memory_space<vmem>>
        %dma_start3A_70 = tpu.memref_squeeze %dma_start3A_69 : memref<1x128xi32, #tpu.memory_space<vmem>> -> memref<128xi32, #tpu.memory_space<vmem>>
        %dma_start3A_71 = arith.constant 0 : i32
        %dma_start3A_72 = tpu.memref_slice %arg5[%add3A_22, %dma_start3A_71] : memref<2560x128xi32, #tpu.memory_space<hbm>> -> memref<1x128xi32, #tpu.memory_space<hbm>>
        %dma_start3A_73 = tpu.memref_squeeze %dma_start3A_72 : memref<1x128xi32, #tpu.memory_space<hbm>> -> memref<128xi32, #tpu.memory_space<hbm>>
        tpu.enqueue_dma source(%dma_start3A_73 : memref<128xi32, #tpu.memory_space<hbm>>) target(%dma_start3A_70 : memref<128xi32, #tpu.memory_space<vmem>>) target_semaphore(%run_scoped3A_61 : memref<!tpu.dma_semaphore, #tpu.memory_space<semaphore_mem>>)
        %dma_wait3A = arith.constant 0 : i32
        %dma_wait3A_74 = tpu.memref_slice %arg12[%run_scoped3A_24, %dma_wait3A] : memref<4x128xi32, #tpu.memory_space<vmem>> -> memref<1x128xi32, #tpu.memory_space<vmem>>
        %dma_wait3A_75 = tpu.memref_squeeze %dma_wait3A_74 : memref<1x128xi32, #tpu.memory_space<vmem>> -> memref<128xi32, #tpu.memory_space<vmem>>
        %dma_wait3A_76 = arith.constant 0 : i32
        %dma_wait3A_77 = tpu.memref_slice %arg5[%add3A_22, %dma_wait3A_76] : memref<2560x128xi32, #tpu.memory_space<hbm>> -> memref<1x128xi32, #tpu.memory_space<hbm>>
        %dma_wait3A_78 = tpu.memref_squeeze %dma_wait3A_77 : memref<1x128xi32, #tpu.memory_space<hbm>> -> memref<128xi32, #tpu.memory_space<hbm>>
        %dma_wait3A_79 = arith.constant 0 : i32
        %dma_wait3A_80 = tpu.memref_slice %arg12[%run_scoped3A_24, %dma_wait3A_79] : memref<4x128xi32, #tpu.memory_space<vmem>> -> memref<1x128xi32, #tpu.memory_space<vmem>>
        %dma_wait3A_81 = tpu.memref_squeeze %dma_wait3A_80 : memref<1x128xi32, #tpu.memory_space<vmem>> -> memref<128xi32, #tpu.memory_space<vmem>>
        %dma_wait3A_82 = arith.constant 0 : i32
        %dma_wait3A_83 = tpu.memref_slice %arg5[%add3A_22, %dma_wait3A_82] : memref<2560x128xi32, #tpu.memory_space<hbm>> -> memref<1x128xi32, #tpu.memory_space<hbm>>
        %dma_wait3A_84 = tpu.memref_squeeze %dma_wait3A_83 : memref<1x128xi32, #tpu.memory_space<hbm>> -> memref<128xi32, #tpu.memory_space<hbm>>
        tpu.wait_dma2 semaphore(%run_scoped3A_61 : memref<!tpu.dma_semaphore, #tpu.memory_space<semaphore_mem>>) src(%dma_wait3A_84 : memref<128xi32, #tpu.memory_space<hbm>>) dst(%dma_wait3A_81 : memref<128xi32, #tpu.memory_space<vmem>>)
        tpu.yield
      }) : () -> ()
      %add3A_25 = arith.constant 32 : i32
      %add3A_26 = arith.addi %arg1, %add3A_25 : i32
      %run_scoped3A_27 = arith.constant 2 : i32
      "tpu.region"() ({
        %run_scoped3A_61 = tpu.sem_alloc : memref<!tpu.dma_semaphore, #tpu.memory_space<semaphore_mem>>
        %dma_start3A_62 = arith.constant 0 : i32
        %dma_start3A_63 = tpu.memref_slice %arg11[%run_scoped3A_27, %dma_start3A_62] : memref<4x128xi32, #tpu.memory_space<vmem>> -> memref<1x128xi32, #tpu.memory_space<vmem>>
        %dma_start3A_64 = tpu.memref_squeeze %dma_start3A_63 : memref<1x128xi32, #tpu.memory_space<vmem>> -> memref<128xi32, #tpu.memory_space<vmem>>
        %dma_start3A_65 = arith.constant 0 : i32
        %dma_start3A_66 = tpu.memref_slice %arg4[%add3A_26, %dma_start3A_65] : memref<2560x128xi32, #tpu.memory_space<hbm>> -> memref<1x128xi32, #tpu.memory_space<hbm>>
        %dma_start3A_67 = tpu.memref_squeeze %dma_start3A_66 : memref<1x128xi32, #tpu.memory_space<hbm>> -> memref<128xi32, #tpu.memory_space<hbm>>
        %dma_start3A_68 = arith.constant 0 : i32
        %dma_start3A_69 = tpu.memref_slice %arg11[%run_scoped3A_27, %dma_start3A_68] : memref<4x128xi32, #tpu.memory_space<vmem>> -> memref<1x128xi32, #tpu.memory_space<vmem>>
        %dma_start3A_70 = tpu.memref_squeeze %dma_start3A_69 : memref<1x128xi32, #tpu.memory_space<vmem>> -> memref<128xi32, #tpu.memory_space<vmem>>
        %dma_start3A_71 = arith.constant 0 : i32
        %dma_start3A_72 = tpu.memref_slice %arg4[%add3A_26, %dma_start3A_71] : memref<2560x128xi32, #tpu.memory_space<hbm>> -> memref<1x128xi32, #tpu.memory_space<hbm>>
        %dma_start3A_73 = tpu.memref_squeeze %dma_start3A_72 : memref<1x128xi32, #tpu.memory_space<hbm>> -> memref<128xi32, #tpu.memory_space<hbm>>
        tpu.enqueue_dma source(%dma_start3A_73 : memref<128xi32, #tpu.memory_space<hbm>>) target(%dma_start3A_70 : memref<128xi32, #tpu.memory_space<vmem>>) target_semaphore(%run_scoped3A_61 : memref<!tpu.dma_semaphore, #tpu.memory_space<semaphore_mem>>)
        %dma_wait3A = arith.constant 0 : i32
        %dma_wait3A_74 = tpu.memref_slice %arg11[%run_scoped3A_27, %dma_wait3A] : memref<4x128xi32, #tpu.memory_space<vmem>> -> memref<1x128xi32, #tpu.memory_space<vmem>>
        %dma_wait3A_75 = tpu.memref_squeeze %dma_wait3A_74 : memref<1x128xi32, #tpu.memory_space<vmem>> -> memref<128xi32, #tpu.memory_space<vmem>>
        %dma_wait3A_76 = arith.constant 0 : i32
        %dma_wait3A_77 = tpu.memref_slice %arg4[%add3A_26, %dma_wait3A_76] : memref<2560x128xi32, #tpu.memory_space<hbm>> -> memref<1x128xi32, #tpu.memory_space<hbm>>
        %dma_wait3A_78 = tpu.memref_squeeze %dma_wait3A_77 : memref<1x128xi32, #tpu.memory_space<hbm>> -> memref<128xi32, #tpu.memory_space<hbm>>
        %dma_wait3A_79 = arith.constant 0 : i32
        %dma_wait3A_80 = tpu.memref_slice %arg11[%run_scoped3A_27, %dma_wait3A_79] : memref<4x128xi32, #tpu.memory_space<vmem>> -> memref<1x128xi32, #tpu.memory_space<vmem>>
        %dma_wait3A_81 = tpu.memref_squeeze %dma_wait3A_80 : memref<1x128xi32, #tpu.memory_space<vmem>> -> memref<128xi32, #tpu.memory_space<vmem>>
        %dma_wait3A_82 = arith.constant 0 : i32
        %dma_wait3A_83 = tpu.memref_slice %arg4[%add3A_26, %dma_wait3A_82] : memref<2560x128xi32, #tpu.memory_space<hbm>> -> memref<1x128xi32, #tpu.memory_space<hbm>>
        %dma_wait3A_84 = tpu.memref_squeeze %dma_wait3A_83 : memref<1x128xi32, #tpu.memory_space<hbm>> -> memref<128xi32, #tpu.memory_space<hbm>>
        tpu.wait_dma2 semaphore(%run_scoped3A_61 : memref<!tpu.dma_semaphore, #tpu.memory_space<semaphore_mem>>) src(%dma_wait3A_84 : memref<128xi32, #tpu.memory_space<hbm>>) dst(%dma_wait3A_81 : memref<128xi32, #tpu.memory_space<vmem>>)
        tpu.yield
      }) : () -> ()
      %run_scoped3A_28 = arith.constant 2 : i32
      "tpu.region"() ({
        %run_scoped3A_61 = tpu.sem_alloc : memref<!tpu.dma_semaphore, #tpu.memory_space<semaphore_mem>>
        %dma_start3A_62 = arith.constant 0 : i32
        %dma_start3A_63 = tpu.memref_slice %arg12[%run_scoped3A_28, %dma_start3A_62] : memref<4x128xi32, #tpu.memory_space<vmem>> -> memref<1x128xi32, #tpu.memory_space<vmem>>
        %dma_start3A_64 = tpu.memref_squeeze %dma_start3A_63 : memref<1x128xi32, #tpu.memory_space<vmem>> -> memref<128xi32, #tpu.memory_space<vmem>>
        %dma_start3A_65 = arith.constant 0 : i32
        %dma_start3A_66 = tpu.memref_slice %arg5[%add3A_26, %dma_start3A_65] : memref<2560x128xi32, #tpu.memory_space<hbm>> -> memref<1x128xi32, #tpu.memory_space<hbm>>
        %dma_start3A_67 = tpu.memref_squeeze %dma_start3A_66 : memref<1x128xi32, #tpu.memory_space<hbm>> -> memref<128xi32, #tpu.memory_space<hbm>>
        %dma_start3A_68 = arith.constant 0 : i32
        %dma_start3A_69 = tpu.memref_slice %arg12[%run_scoped3A_28, %dma_start3A_68] : memref<4x128xi32, #tpu.memory_space<vmem>> -> memref<1x128xi32, #tpu.memory_space<vmem>>
        %dma_start3A_70 = tpu.memref_squeeze %dma_start3A_69 : memref<1x128xi32, #tpu.memory_space<vmem>> -> memref<128xi32, #tpu.memory_space<vmem>>
        %dma_start3A_71 = arith.constant 0 : i32
        %dma_start3A_72 = tpu.memref_slice %arg5[%add3A_26, %dma_start3A_71] : memref<2560x128xi32, #tpu.memory_space<hbm>> -> memref<1x128xi32, #tpu.memory_space<hbm>>
        %dma_start3A_73 = tpu.memref_squeeze %dma_start3A_72 : memref<1x128xi32, #tpu.memory_space<hbm>> -> memref<128xi32, #tpu.memory_space<hbm>>
        tpu.enqueue_dma source(%dma_start3A_73 : memref<128xi32, #tpu.memory_space<hbm>>) target(%dma_start3A_70 : memref<128xi32, #tpu.memory_space<vmem>>) target_semaphore(%run_scoped3A_61 : memref<!tpu.dma_semaphore, #tpu.memory_space<semaphore_mem>>)
        %dma_wait3A = arith.constant 0 : i32
        %dma_wait3A_74 = tpu.memref_slice %arg12[%run_scoped3A_28, %dma_wait3A] : memref<4x128xi32, #tpu.memory_space<vmem>> -> memref<1x128xi32, #tpu.memory_space<vmem>>
        %dma_wait3A_75 = tpu.memref_squeeze %dma_wait3A_74 : memref<1x128xi32, #tpu.memory_space<vmem>> -> memref<128xi32, #tpu.memory_space<vmem>>
        %dma_wait3A_76 = arith.constant 0 : i32
        %dma_wait3A_77 = tpu.memref_slice %arg5[%add3A_26, %dma_wait3A_76] : memref<2560x128xi32, #tpu.memory_space<hbm>> -> memref<1x128xi32, #tpu.memory_space<hbm>>
        %dma_wait3A_78 = tpu.memref_squeeze %dma_wait3A_77 : memref<1x128xi32, #tpu.memory_space<hbm>> -> memref<128xi32, #tpu.memory_space<hbm>>
        %dma_wait3A_79 = arith.constant 0 : i32
        %dma_wait3A_80 = tpu.memref_slice %arg12[%run_scoped3A_28, %dma_wait3A_79] : memref<4x128xi32, #tpu.memory_space<vmem>> -> memref<1x128xi32, #tpu.memory_space<vmem>>
        %dma_wait3A_81 = tpu.memref_squeeze %dma_wait3A_80 : memref<1x128xi32, #tpu.memory_space<vmem>> -> memref<128xi32, #tpu.memory_space<vmem>>
        %dma_wait3A_82 = arith.constant 0 : i32
        %dma_wait3A_83 = tpu.memref_slice %arg5[%add3A_26, %dma_wait3A_82] : memref<2560x128xi32, #tpu.memory_space<hbm>> -> memref<1x128xi32, #tpu.memory_space<hbm>>
        %dma_wait3A_84 = tpu.memref_squeeze %dma_wait3A_83 : memref<1x128xi32, #tpu.memory_space<hbm>> -> memref<128xi32, #tpu.memory_space<hbm>>
        tpu.wait_dma2 semaphore(%run_scoped3A_61 : memref<!tpu.dma_semaphore, #tpu.memory_space<semaphore_mem>>) src(%dma_wait3A_84 : memref<128xi32, #tpu.memory_space<hbm>>) dst(%dma_wait3A_81 : memref<128xi32, #tpu.memory_space<vmem>>)
        tpu.yield
      }) : () -> ()
      %add3A_29 = arith.constant 48 : i32
      %add3A_30 = arith.addi %arg1, %add3A_29 : i32
      %run_scoped3A_31 = arith.constant 3 : i32
      "tpu.region"() ({
        %run_scoped3A_61 = tpu.sem_alloc : memref<!tpu.dma_semaphore, #tpu.memory_space<semaphore_mem>>
        %dma_start3A_62 = arith.constant 0 : i32
        %dma_start3A_63 = tpu.memref_slice %arg11[%run_scoped3A_31, %dma_start3A_62] : memref<4x128xi32, #tpu.memory_space<vmem>> -> memref<1x128xi32, #tpu.memory_space<vmem>>
        %dma_start3A_64 = tpu.memref_squeeze %dma_start3A_63 : memref<1x128xi32, #tpu.memory_space<vmem>> -> memref<128xi32, #tpu.memory_space<vmem>>
        %dma_start3A_65 = arith.constant 0 : i32
        %dma_start3A_66 = tpu.memref_slice %arg4[%add3A_30, %dma_start3A_65] : memref<2560x128xi32, #tpu.memory_space<hbm>> -> memref<1x128xi32, #tpu.memory_space<hbm>>
        %dma_start3A_67 = tpu.memref_squeeze %dma_start3A_66 : memref<1x128xi32, #tpu.memory_space<hbm>> -> memref<128xi32, #tpu.memory_space<hbm>>
        %dma_start3A_68 = arith.constant 0 : i32
        %dma_start3A_69 = tpu.memref_slice %arg11[%run_scoped3A_31, %dma_start3A_68] : memref<4x128xi32, #tpu.memory_space<vmem>> -> memref<1x128xi32, #tpu.memory_space<vmem>>
        %dma_start3A_70 = tpu.memref_squeeze %dma_start3A_69 : memref<1x128xi32, #tpu.memory_space<vmem>> -> memref<128xi32, #tpu.memory_space<vmem>>
        %dma_start3A_71 = arith.constant 0 : i32
        %dma_start3A_72 = tpu.memref_slice %arg4[%add3A_30, %dma_start3A_71] : memref<2560x128xi32, #tpu.memory_space<hbm>> -> memref<1x128xi32, #tpu.memory_space<hbm>>
        %dma_start3A_73 = tpu.memref_squeeze %dma_start3A_72 : memref<1x128xi32, #tpu.memory_space<hbm>> -> memref<128xi32, #tpu.memory_space<hbm>>
        tpu.enqueue_dma source(%dma_start3A_73 : memref<128xi32, #tpu.memory_space<hbm>>) target(%dma_start3A_70 : memref<128xi32, #tpu.memory_space<vmem>>) target_semaphore(%run_scoped3A_61 : memref<!tpu.dma_semaphore, #tpu.memory_space<semaphore_mem>>)
        %dma_wait3A = arith.constant 0 : i32
        %dma_wait3A_74 = tpu.memref_slice %arg11[%run_scoped3A_31, %dma_wait3A] : memref<4x128xi32, #tpu.memory_space<vmem>> -> memref<1x128xi32, #tpu.memory_space<vmem>>
        %dma_wait3A_75 = tpu.memref_squeeze %dma_wait3A_74 : memref<1x128xi32, #tpu.memory_space<vmem>> -> memref<128xi32, #tpu.memory_space<vmem>>
        %dma_wait3A_76 = arith.constant 0 : i32
        %dma_wait3A_77 = tpu.memref_slice %arg4[%add3A_30, %dma_wait3A_76] : memref<2560x128xi32, #tpu.memory_space<hbm>> -> memref<1x128xi32, #tpu.memory_space<hbm>>
        %dma_wait3A_78 = tpu.memref_squeeze %dma_wait3A_77 : memref<1x128xi32, #tpu.memory_space<hbm>> -> memref<128xi32, #tpu.memory_space<hbm>>
        %dma_wait3A_79 = arith.constant 0 : i32
        %dma_wait3A_80 = tpu.memref_slice %arg11[%run_scoped3A_31, %dma_wait3A_79] : memref<4x128xi32, #tpu.memory_space<vmem>> -> memref<1x128xi32, #tpu.memory_space<vmem>>
        %dma_wait3A_81 = tpu.memref_squeeze %dma_wait3A_80 : memref<1x128xi32, #tpu.memory_space<vmem>> -> memref<128xi32, #tpu.memory_space<vmem>>
        %dma_wait3A_82 = arith.constant 0 : i32
        %dma_wait3A_83 = tpu.memref_slice %arg4[%add3A_30, %dma_wait3A_82] : memref<2560x128xi32, #tpu.memory_space<hbm>> -> memref<1x128xi32, #tpu.memory_space<hbm>>
        %dma_wait3A_84 = tpu.memref_squeeze %dma_wait3A_83 : memref<1x128xi32, #tpu.memory_space<hbm>> -> memref<128xi32, #tpu.memory_space<hbm>>
        tpu.wait_dma2 semaphore(%run_scoped3A_61 : memref<!tpu.dma_semaphore, #tpu.memory_space<semaphore_mem>>) src(%dma_wait3A_84 : memref<128xi32, #tpu.memory_space<hbm>>) dst(%dma_wait3A_81 : memref<128xi32, #tpu.memory_space<vmem>>)
        tpu.yield
      }) : () -> ()
      %run_scoped3A_32 = arith.constant 3 : i32
      "tpu.region"() ({
        %run_scoped3A_61 = tpu.sem_alloc : memref<!tpu.dma_semaphore, #tpu.memory_space<semaphore_mem>>
        %dma_start3A_62 = arith.constant 0 : i32
        %dma_start3A_63 = tpu.memref_slice %arg12[%run_scoped3A_32, %dma_start3A_62] : memref<4x128xi32, #tpu.memory_space<vmem>> -> memref<1x128xi32, #tpu.memory_space<vmem>>
        %dma_start3A_64 = tpu.memref_squeeze %dma_start3A_63 : memref<1x128xi32, #tpu.memory_space<vmem>> -> memref<128xi32, #tpu.memory_space<vmem>>
        %dma_start3A_65 = arith.constant 0 : i32
        %dma_start3A_66 = tpu.memref_slice %arg5[%add3A_30, %dma_start3A_65] : memref<2560x128xi32, #tpu.memory_space<hbm>> -> memref<1x128xi32, #tpu.memory_space<hbm>>
        %dma_start3A_67 = tpu.memref_squeeze %dma_start3A_66 : memref<1x128xi32, #tpu.memory_space<hbm>> -> memref<128xi32, #tpu.memory_space<hbm>>
        %dma_start3A_68 = arith.constant 0 : i32
        %dma_start3A_69 = tpu.memref_slice %arg12[%run_scoped3A_32, %dma_start3A_68] : memref<4x128xi32, #tpu.memory_space<vmem>> -> memref<1x128xi32, #tpu.memory_space<vmem>>
        %dma_start3A_70 = tpu.memref_squeeze %dma_start3A_69 : memref<1x128xi32, #tpu.memory_space<vmem>> -> memref<128xi32, #tpu.memory_space<vmem>>
        %dma_start3A_71 = arith.constant 0 : i32
        %dma_start3A_72 = tpu.memref_slice %arg5[%add3A_30, %dma_start3A_71] : memref<2560x128xi32, #tpu.memory_space<hbm>> -> memref<1x128xi32, #tpu.memory_space<hbm>>
        %dma_start3A_73 = tpu.memref_squeeze %dma_start3A_72 : memref<1x128xi32, #tpu.memory_space<hbm>> -> memref<128xi32, #tpu.memory_space<hbm>>
        tpu.enqueue_dma source(%dma_start3A_73 : memref<128xi32, #tpu.memory_space<hbm>>) target(%dma_start3A_70 : memref<128xi32, #tpu.memory_space<vmem>>) target_semaphore(%run_scoped3A_61 : memref<!tpu.dma_semaphore, #tpu.memory_space<semaphore_mem>>)
        %dma_wait3A = arith.constant 0 : i32
        %dma_wait3A_74 = tpu.memref_slice %arg12[%run_scoped3A_32, %dma_wait3A] : memref<4x128xi32, #tpu.memory_space<vmem>> -> memref<1x128xi32, #tpu.memory_space<vmem>>
        %dma_wait3A_75 = tpu.memref_squeeze %dma_wait3A_74 : memref<1x128xi32, #tpu.memory_space<vmem>> -> memref<128xi32, #tpu.memory_space<vmem>>
        %dma_wait3A_76 = arith.constant 0 : i32
        %dma_wait3A_77 = tpu.memref_slice %arg5[%add3A_30, %dma_wait3A_76] : memref<2560x128xi32, #tpu.memory_space<hbm>> -> memref<1x128xi32, #tpu.memory_space<hbm>>
        %dma_wait3A_78 = tpu.memref_squeeze %dma_wait3A_77 : memref<1x128xi32, #tpu.memory_space<hbm>> -> memref<128xi32, #tpu.memory_space<hbm>>
        %dma_wait3A_79 = arith.constant 0 : i32
        %dma_wait3A_80 = tpu.memref_slice %arg12[%run_scoped3A_32, %dma_wait3A_79] : memref<4x128xi32, #tpu.memory_space<vmem>> -> memref<1x128xi32, #tpu.memory_space<vmem>>
        %dma_wait3A_81 = tpu.memref_squeeze %dma_wait3A_80 : memref<1x128xi32, #tpu.memory_space<vmem>> -> memref<128xi32, #tpu.memory_space<vmem>>
        %dma_wait3A_82 = arith.constant 0 : i32
        %dma_wait3A_83 = tpu.memref_slice %arg5[%add3A_30, %dma_wait3A_82] : memref<2560x128xi32, #tpu.memory_space<hbm>> -> memref<1x128xi32, #tpu.memory_space<hbm>>
        %dma_wait3A_84 = tpu.memref_squeeze %dma_wait3A_83 : memref<1x128xi32, #tpu.memory_space<hbm>> -> memref<128xi32, #tpu.memory_space<hbm>>
        tpu.wait_dma2 semaphore(%run_scoped3A_61 : memref<!tpu.dma_semaphore, #tpu.memory_space<semaphore_mem>>) src(%dma_wait3A_84 : memref<128xi32, #tpu.memory_space<hbm>>) dst(%dma_wait3A_81 : memref<128xi32, #tpu.memory_space<vmem>>)
        tpu.yield
      }) : () -> ()
      %dma_start3A = arith.constant 0 : i32
      %dma_start3A_33 = arith.constant 0 : i32
      %dma_start3A_34 = arith.constant 0 : i32
      %dma_start3A_35 = arith.constant 0 : i32
      %dma_start3A_36 = tpu.memref_slice %arg13[%dma_start3A_33, %dma_start3A_34, %dma_start3A_35] : memref<2x128x128xf32, #tpu.memory_space<vmem>> -> memref<1x128x128xf32, #tpu.memory_space<vmem>>
      %dma_start3A_37 = tpu.memref_squeeze %dma_start3A_36 : memref<1x128x128xf32, #tpu.memory_space<vmem>> -> memref<128x128xf32, #tpu.memory_space<vmem>>
      %dma_start3A_38 = arith.constant 0 : i32
      %dma_start3A_39 = tpu.memref_slice %arg11[%dma_start3A, %dma_start3A_38] : memref<4x128xi32, #tpu.memory_space<vmem>> -> memref<1x128xi32, #tpu.memory_space<vmem>>
      %dma_start3A_40 = tpu.memref_squeeze %dma_start3A_39 : memref<1x128xi32, #tpu.memory_space<vmem>> -> memref<128xi32, #tpu.memory_space<vmem>>
      %dma_start3A_41 = arith.constant 0 : i32
      %dma_start3A_42 = arith.constant 0 : i32
      %dma_start3A_43 = tpu.memref_slice %arg2[%dma_start3A_41, %dma_start3A_42] : memref<10240x128xf32, #tpu.memory_space<hbm>> -> memref<10240x128xf32, #tpu.memory_space<hbm>>
      tpu.enqueue_indirect_dma source(%dma_start3A_43 : memref<10240x128xf32, #tpu.memory_space<hbm>>) target(%dma_start3A_37 : memref<128x128xf32, #tpu.memory_space<vmem>>) offsets(%dma_start3A_40 : memref<128xi32, #tpu.memory_space<vmem>>) semaphore(%arg14 : memref<!tpu.dma_semaphore, #tpu.memory_space<semaphore_mem>>)
      %dma_start3A_44 = arith.constant 1 : i32
      %dma_start3A_45 = arith.constant 1 : i32
      %dma_start3A_46 = arith.constant 0 : i32
      %dma_start3A_47 = arith.constant 0 : i32
      %dma_start3A_48 = tpu.memref_slice %arg13[%dma_start3A_45, %dma_start3A_46, %dma_start3A_47] : memref<2x128x128xf32, #tpu.memory_space<vmem>> -> memref<1x128x128xf32, #tpu.memory_space<vmem>>
      %dma_start3A_49 = tpu.memref_squeeze %dma_start3A_48 : memref<1x128x128xf32, #tpu.memory_space<vmem>> -> memref<128x128xf32, #tpu.memory_space<vmem>>
      %dma_start3A_50 = arith.constant 0 : i32
      %dma_start3A_51 = tpu.memref_slice %arg11[%dma_start3A_44, %dma_start3A_50] : memref<4x128xi32, #tpu.memory_space<vmem>> -> memref<1x128xi32, #tpu.memory_space<vmem>>
      %dma_start3A_52 = tpu.memref_squeeze %dma_start3A_51 : memref<1x128xi32, #tpu.memory_space<vmem>> -> memref<128xi32, #tpu.memory_space<vmem>>
      %dma_start3A_53 = arith.constant 0 : i32
      %dma_start3A_54 = arith.constant 0 : i32
      %dma_start3A_55 = tpu.memref_slice %arg2[%dma_start3A_53, %dma_start3A_54] : memref<10240x128xf32, #tpu.memory_space<hbm>> -> memref<10240x128xf32, #tpu.memory_space<hbm>>
      tpu.enqueue_indirect_dma source(%dma_start3A_55 : memref<10240x128xf32, #tpu.memory_space<hbm>>) target(%dma_start3A_49 : memref<128x128xf32, #tpu.memory_space<vmem>>) offsets(%dma_start3A_52 : memref<128xi32, #tpu.memory_space<vmem>>) semaphore(%arg15 : memref<!tpu.dma_semaphore, #tpu.memory_space<semaphore_mem>>)
      %scan3A = arith.constant 0 : i32
      %scan3A_56 = arith.constant 0 : i32
      %scan3A_57 = arith.constant 40 : i32
      %scan3A_58 = arith.addi %scan3A_56, %scan3A_57 : i32
      %scan3A_59 = arith.constant 1 : i32
      scf.for %scan3A_61 = %scan3A_56 to %scan3A_58 step %scan3A_59  : i32 {
        %mul3A_62 = arith.constant 4 : i32
        %mul3A_63 = arith.muli %mul3A_62, %scan3A_61 : i32
        %gt3A = arith.constant 0 : i32
        %gt3A_64 = arith.cmpi sgt, %mul3A_63, %gt3A : i32
        %convert_element_type3A_65 = arith.extui %gt3A_64 : i1 to i32
        %cond3A_66 = arith.constant 0 : i32
        %cond3A_67 = arith.cmpi ne, %convert_element_type3A_65, %cond3A_66 : i32
        scf.if %cond3A_67 {
          %dma_wait3A_286 = arith.constant 0 : i32
          %dma_wait3A_287 = arith.constant 0 : i32
          %dma_wait3A_288 = arith.constant 0 : i32
          %dma_wait3A_289 = tpu.memref_slice %arg11[%dma_wait3A_287, %dma_wait3A_288] : memref<4x128xi32, #tpu.memory_space<vmem>> -> memref<1x128xi32, #tpu.memory_space<vmem>>
          %dma_wait3A_290 = tpu.memref_squeeze %dma_wait3A_289 : memref<1x128xi32, #tpu.memory_space<vmem>> -> memref<128xi32, #tpu.memory_space<vmem>>
          %dma_wait3A_291 = arith.constant 0 : i32
          %dma_wait3A_292 = tpu.memref_slice %arg4[%dma_wait3A_286, %dma_wait3A_291] : memref<2560x128xi32, #tpu.memory_space<hbm>> -> memref<1x128xi32, #tpu.memory_space<hbm>>
          %dma_wait3A_293 = tpu.memref_squeeze %dma_wait3A_292 : memref<1x128xi32, #tpu.memory_space<hbm>> -> memref<128xi32, #tpu.memory_space<hbm>>
          %dma_wait3A_294 = arith.constant 0 : i32
          %dma_wait3A_295 = tpu.memref_slice %arg11[%dma_wait3A_287, %dma_wait3A_294] : memref<4x128xi32, #tpu.memory_space<vmem>> -> memref<1x128xi32, #tpu.memory_space<vmem>>
          %dma_wait3A_296 = tpu.memref_squeeze %dma_wait3A_295 : memref<1x128xi32, #tpu.memory_space<vmem>> -> memref<128xi32, #tpu.memory_space<vmem>>
          %dma_wait3A_297 = arith.constant 0 : i32
          %dma_wait3A_298 = tpu.memref_slice %arg4[%dma_wait3A_286, %dma_wait3A_297] : memref<2560x128xi32, #tpu.memory_space<hbm>> -> memref<1x128xi32, #tpu.memory_space<hbm>>
          %dma_wait3A_299 = tpu.memref_squeeze %dma_wait3A_298 : memref<1x128xi32, #tpu.memory_space<hbm>> -> memref<128xi32, #tpu.memory_space<hbm>>
          tpu.wait_dma2 semaphore(%arg17 : memref<!tpu.dma_semaphore, #tpu.memory_space<semaphore_mem>>) src(%dma_wait3A_299 : memref<128xi32, #tpu.memory_space<hbm>>) dst(%dma_wait3A_296 : memref<128xi32, #tpu.memory_space<vmem>>)
          %dma_wait3A_300 = arith.constant 0 : i32
          %dma_wait3A_301 = arith.constant 0 : i32
          %dma_wait3A_302 = arith.constant 0 : i32
          %dma_wait3A_303 = tpu.memref_slice %arg11[%dma_wait3A_301, %dma_wait3A_302] : memref<4x128xi32, #tpu.memory_space<vmem>> -> memref<1x128xi32, #tpu.memory_space<vmem>>
          %dma_wait3A_304 = tpu.memref_squeeze %dma_wait3A_303 : memref<1x128xi32, #tpu.memory_space<vmem>> -> memref<128xi32, #tpu.memory_space<vmem>>
          %dma_wait3A_305 = arith.constant 0 : i32
          %dma_wait3A_306 = tpu.memref_slice %arg4[%dma_wait3A_300, %dma_wait3A_305] : memref<2560x128xi32, #tpu.memory_space<hbm>> -> memref<1x128xi32, #tpu.memory_space<hbm>>
          %dma_wait3A_307 = tpu.memref_squeeze %dma_wait3A_306 : memref<1x128xi32, #tpu.memory_space<hbm>> -> memref<128xi32, #tpu.memory_space<hbm>>
          %dma_wait3A_308 = arith.constant 0 : i32
          %dma_wait3A_309 = tpu.memref_slice %arg11[%dma_wait3A_301, %dma_wait3A_308] : memref<4x128xi32, #tpu.memory_space<vmem>> -> memref<1x128xi32, #tpu.memory_space<vmem>>
          %dma_wait3A_310 = tpu.memref_squeeze %dma_wait3A_309 : memref<1x128xi32, #tpu.memory_space<vmem>> -> memref<128xi32, #tpu.memory_space<vmem>>
          %dma_wait3A_311 = arith.constant 0 : i32
          %dma_wait3A_312 = tpu.memref_slice %arg4[%dma_wait3A_300, %dma_wait3A_311] : memref<2560x128xi32, #tpu.memory_space<hbm>> -> memref<1x128xi32, #tpu.memory_space<hbm>>
          %dma_wait3A_313 = tpu.memref_squeeze %dma_wait3A_312 : memref<1x128xi32, #tpu.memory_space<hbm>> -> memref<128xi32, #tpu.memory_space<hbm>>
          tpu.wait_dma2 semaphore(%arg17 : memref<!tpu.dma_semaphore, #tpu.memory_space<semaphore_mem>>) src(%dma_wait3A_313 : memref<128xi32, #tpu.memory_space<hbm>>) dst(%dma_wait3A_310 : memref<128xi32, #tpu.memory_space<vmem>>)
          %dma_wait3A_314 = arith.constant 0 : i32
          %dma_wait3A_315 = arith.constant 0 : i32
          %dma_wait3A_316 = arith.constant 0 : i32
          %dma_wait3A_317 = tpu.memref_slice %arg11[%dma_wait3A_315, %dma_wait3A_316] : memref<4x128xi32, #tpu.memory_space<vmem>> -> memref<1x128xi32, #tpu.memory_space<vmem>>
          %dma_wait3A_318 = tpu.memref_squeeze %dma_wait3A_317 : memref<1x128xi32, #tpu.memory_space<vmem>> -> memref<128xi32, #tpu.memory_space<vmem>>
          %dma_wait3A_319 = arith.constant 0 : i32
          %dma_wait3A_320 = tpu.memref_slice %arg4[%dma_wait3A_314, %dma_wait3A_319] : memref<2560x128xi32, #tpu.memory_space<hbm>> -> memref<1x128xi32, #tpu.memory_space<hbm>>
          %dma_wait3A_321 = tpu.memref_squeeze %dma_wait3A_320 : memref<1x128xi32, #tpu.memory_space<hbm>> -> memref<128xi32, #tpu.memory_space<hbm>>
          %dma_wait3A_322 = arith.constant 0 : i32
          %dma_wait3A_323 = tpu.memref_slice %arg11[%dma_wait3A_315, %dma_wait3A_322] : memref<4x128xi32, #tpu.memory_space<vmem>> -> memref<1x128xi32, #tpu.memory_space<vmem>>
          %dma_wait3A_324 = tpu.memref_squeeze %dma_wait3A_323 : memref<1x128xi32, #tpu.memory_space<vmem>> -> memref<128xi32, #tpu.memory_space<vmem>>
          %dma_wait3A_325 = arith.constant 0 : i32
          %dma_wait3A_326 = tpu.memref_slice %arg4[%dma_wait3A_314, %dma_wait3A_325] : memref<2560x128xi32, #tpu.memory_space<hbm>> -> memref<1x128xi32, #tpu.memory_space<hbm>>
          %dma_wait3A_327 = tpu.memref_squeeze %dma_wait3A_326 : memref<1x128xi32, #tpu.memory_space<hbm>> -> memref<128xi32, #tpu.memory_space<hbm>>
          tpu.wait_dma2 semaphore(%arg17 : memref<!tpu.dma_semaphore, #tpu.memory_space<semaphore_mem>>) src(%dma_wait3A_327 : memref<128xi32, #tpu.memory_space<hbm>>) dst(%dma_wait3A_324 : memref<128xi32, #tpu.memory_space<vmem>>)
          %dma_wait3A_328 = arith.constant 0 : i32
          %dma_wait3A_329 = arith.constant 0 : i32
          %dma_wait3A_330 = arith.constant 0 : i32
          %dma_wait3A_331 = tpu.memref_slice %arg11[%dma_wait3A_329, %dma_wait3A_330] : memref<4x128xi32, #tpu.memory_space<vmem>> -> memref<1x128xi32, #tpu.memory_space<vmem>>
          %dma_wait3A_332 = tpu.memref_squeeze %dma_wait3A_331 : memref<1x128xi32, #tpu.memory_space<vmem>> -> memref<128xi32, #tpu.memory_space<vmem>>
          %dma_wait3A_333 = arith.constant 0 : i32
          %dma_wait3A_334 = tpu.memref_slice %arg4[%dma_wait3A_328, %dma_wait3A_333] : memref<2560x128xi32, #tpu.memory_space<hbm>> -> memref<1x128xi32, #tpu.memory_space<hbm>>
          %dma_wait3A_335 = tpu.memref_squeeze %dma_wait3A_334 : memref<1x128xi32, #tpu.memory_space<hbm>> -> memref<128xi32, #tpu.memory_space<hbm>>
          %dma_wait3A_336 = arith.constant 0 : i32
          %dma_wait3A_337 = tpu.memref_slice %arg11[%dma_wait3A_329, %dma_wait3A_336] : memref<4x128xi32, #tpu.memory_space<vmem>> -> memref<1x128xi32, #tpu.memory_space<vmem>>
          %dma_wait3A_338 = tpu.memref_squeeze %dma_wait3A_337 : memref<1x128xi32, #tpu.memory_space<vmem>> -> memref<128xi32, #tpu.memory_space<vmem>>
          %dma_wait3A_339 = arith.constant 0 : i32
          %dma_wait3A_340 = tpu.memref_slice %arg4[%dma_wait3A_328, %dma_wait3A_339] : memref<2560x128xi32, #tpu.memory_space<hbm>> -> memref<1x128xi32, #tpu.memory_space<hbm>>
          %dma_wait3A_341 = tpu.memref_squeeze %dma_wait3A_340 : memref<1x128xi32, #tpu.memory_space<hbm>> -> memref<128xi32, #tpu.memory_space<hbm>>
          tpu.wait_dma2 semaphore(%arg17 : memref<!tpu.dma_semaphore, #tpu.memory_space<semaphore_mem>>) src(%dma_wait3A_341 : memref<128xi32, #tpu.memory_space<hbm>>) dst(%dma_wait3A_338 : memref<128xi32, #tpu.memory_space<vmem>>)
        } else {
        }
        %dma_wait3A = arith.constant 0 : i32
        %dma_wait3A_68 = arith.constant 0 : i32
        %dma_wait3A_69 = arith.constant 0 : i32
        %dma_wait3A_70 = tpu.memref_slice %arg13[%dma_wait3A, %dma_wait3A_68, %dma_wait3A_69] : memref<2x128x128xf32, #tpu.memory_space<vmem>> -> memref<1x128x128xf32, #tpu.memory_space<vmem>>
        %dma_wait3A_71 = tpu.memref_squeeze %dma_wait3A_70 : memref<1x128x128xf32, #tpu.memory_space<vmem>> -> memref<128x128xf32, #tpu.memory_space<vmem>>
        %dma_wait3A_72 = arith.constant 0 : i32
        %dma_wait3A_73 = arith.constant 0 : i32
        %dma_wait3A_74 = tpu.memref_slice %arg2[%dma_wait3A_72, %dma_wait3A_73] : memref<10240x128xf32, #tpu.memory_space<hbm>> -> memref<128x128xf32, #tpu.memory_space<hbm>>
        %dma_wait3A_75 = arith.constant 0 : i32
        %dma_wait3A_76 = arith.constant 0 : i32
        %dma_wait3A_77 = tpu.memref_slice %arg13[%dma_wait3A, %dma_wait3A_75, %dma_wait3A_76] : memref<2x128x128xf32, #tpu.memory_space<vmem>> -> memref<1x128x128xf32, #tpu.memory_space<vmem>>
        %dma_wait3A_78 = tpu.memref_squeeze %dma_wait3A_77 : memref<1x128x128xf32, #tpu.memory_space<vmem>> -> memref<128x128xf32, #tpu.memory_space<vmem>>
        %dma_wait3A_79 = arith.constant 0 : i32
        %dma_wait3A_80 = arith.constant 0 : i32
        %dma_wait3A_81 = tpu.memref_slice %arg2[%dma_wait3A_79, %dma_wait3A_80] : memref<10240x128xf32, #tpu.memory_space<hbm>> -> memref<128x128xf32, #tpu.memory_space<hbm>>
        tpu.wait_dma2 semaphore(%arg14 : memref<!tpu.dma_semaphore, #tpu.memory_space<semaphore_mem>>) src(%dma_wait3A_81 : memref<128x128xf32, #tpu.memory_space<hbm>>) dst(%dma_wait3A_78 : memref<128x128xf32, #tpu.memory_space<vmem>>)
        %dma_start3A_82 = arith.constant 0 : i32
        %dma_start3A_83 = arith.constant 0 : i32
        %dma_start3A_84 = arith.constant 0 : i32
        %dma_start3A_85 = arith.constant 0 : i32
        %dma_start3A_86 = tpu.memref_slice %arg13[%dma_start3A_82, %dma_start3A_84, %dma_start3A_85] : memref<2x128x128xf32, #tpu.memory_space<vmem>> -> memref<1x128x128xf32, #tpu.memory_space<vmem>>
        %dma_start3A_87 = tpu.memref_squeeze %dma_start3A_86 : memref<1x128x128xf32, #tpu.memory_space<vmem>> -> memref<128x128xf32, #tpu.memory_space<vmem>>
        %dma_start3A_88 = arith.constant 0 : i32
        %dma_start3A_89 = tpu.memref_slice %arg12[%dma_start3A_83, %dma_start3A_88] : memref<4x128xi32, #tpu.memory_space<vmem>> -> memref<1x128xi32, #tpu.memory_space<vmem>>
        %dma_start3A_90 = tpu.memref_squeeze %dma_start3A_89 : memref<1x128xi32, #tpu.memory_space<vmem>> -> memref<128xi32, #tpu.memory_space<vmem>>
        %dma_start3A_91 = arith.constant 0 : i32
        %dma_start3A_92 = arith.constant 0 : i32
        %dma_start3A_93 = tpu.memref_slice %arg10[%dma_start3A_91, %dma_start3A_92] : memref<10240x128xf32, #tpu.memory_space<vmem_shared>> -> memref<10240x128xf32, #tpu.memory_space<vmem_shared>>
        tpu.enqueue_indirect_dma source(%dma_start3A_87 : memref<128x128xf32, #tpu.memory_space<vmem>>) target(%dma_start3A_93 : memref<10240x128xf32, #tpu.memory_space<vmem_shared>>) offsets(%dma_start3A_90 : memref<128xi32, #tpu.memory_space<vmem>>) semaphore(%arg18 : memref<!tpu.dma_semaphore, #tpu.memory_space<semaphore_mem>>) {add = true}
        %dma_wait3A_94 = arith.constant 1 : i32
        %dma_wait3A_95 = arith.constant 0 : i32
        %dma_wait3A_96 = arith.constant 0 : i32
        %dma_wait3A_97 = tpu.memref_slice %arg13[%dma_wait3A_94, %dma_wait3A_95, %dma_wait3A_96] : memref<2x128x128xf32, #tpu.memory_space<vmem>> -> memref<1x128x128xf32, #tpu.memory_space<vmem>>
        %dma_wait3A_98 = tpu.memref_squeeze %dma_wait3A_97 : memref<1x128x128xf32, #tpu.memory_space<vmem>> -> memref<128x128xf32, #tpu.memory_space<vmem>>
        %dma_wait3A_99 = arith.constant 0 : i32
        %dma_wait3A_100 = arith.constant 0 : i32
        %dma_wait3A_101 = tpu.memref_slice %arg2[%dma_wait3A_99, %dma_wait3A_100] : memref<10240x128xf32, #tpu.memory_space<hbm>> -> memref<128x128xf32, #tpu.memory_space<hbm>>
        %dma_wait3A_102 = arith.constant 0 : i32
        %dma_wait3A_103 = arith.constant 0 : i32
        %dma_wait3A_104 = tpu.memref_slice %arg13[%dma_wait3A_94, %dma_wait3A_102, %dma_wait3A_103] : memref<2x128x128xf32, #tpu.memory_space<vmem>> -> memref<1x128x128xf32, #tpu.memory_space<vmem>>
        %dma_wait3A_105 = tpu.memref_squeeze %dma_wait3A_104 : memref<1x128x128xf32, #tpu.memory_space<vmem>> -> memref<128x128xf32, #tpu.memory_space<vmem>>
        %dma_wait3A_106 = arith.constant 0 : i32
        %dma_wait3A_107 = arith.constant 0 : i32
        %dma_wait3A_108 = tpu.memref_slice %arg2[%dma_wait3A_106, %dma_wait3A_107] : memref<10240x128xf32, #tpu.memory_space<hbm>> -> memref<128x128xf32, #tpu.memory_space<hbm>>
        tpu.wait_dma2 semaphore(%arg15 : memref<!tpu.dma_semaphore, #tpu.memory_space<semaphore_mem>>) src(%dma_wait3A_108 : memref<128x128xf32, #tpu.memory_space<hbm>>) dst(%dma_wait3A_105 : memref<128x128xf32, #tpu.memory_space<vmem>>)
        %dma_start3A_109 = arith.constant 1 : i32
        %dma_start3A_110 = arith.constant 1 : i32
        %dma_start3A_111 = arith.constant 0 : i32
        %dma_start3A_112 = arith.constant 0 : i32
        %dma_start3A_113 = tpu.memref_slice %arg13[%dma_start3A_109, %dma_start3A_111, %dma_start3A_112] : memref<2x128x128xf32, #tpu.memory_space<vmem>> -> memref<1x128x128xf32, #tpu.memory_space<vmem>>
        %dma_start3A_114 = tpu.memref_squeeze %dma_start3A_113 : memref<1x128x128xf32, #tpu.memory_space<vmem>> -> memref<128x128xf32, #tpu.memory_space<vmem>>
        %dma_start3A_115 = arith.constant 0 : i32
        %dma_start3A_116 = tpu.memref_slice %arg12[%dma_start3A_110, %dma_start3A_115] : memref<4x128xi32, #tpu.memory_space<vmem>> -> memref<1x128xi32, #tpu.memory_space<vmem>>
        %dma_start3A_117 = tpu.memref_squeeze %dma_start3A_116 : memref<1x128xi32, #tpu.memory_space<vmem>> -> memref<128xi32, #tpu.memory_space<vmem>>
        %dma_start3A_118 = arith.constant 0 : i32
        %dma_start3A_119 = arith.constant 0 : i32
        %dma_start3A_120 = tpu.memref_slice %arg10[%dma_start3A_118, %dma_start3A_119] : memref<10240x128xf32, #tpu.memory_space<vmem_shared>> -> memref<10240x128xf32, #tpu.memory_space<vmem_shared>>
        tpu.enqueue_indirect_dma source(%dma_start3A_114 : memref<128x128xf32, #tpu.memory_space<vmem>>) target(%dma_start3A_120 : memref<10240x128xf32, #tpu.memory_space<vmem_shared>>) offsets(%dma_start3A_117 : memref<128xi32, #tpu.memory_space<vmem>>) semaphore(%arg19 : memref<!tpu.dma_semaphore, #tpu.memory_space<semaphore_mem>>) {add = true}
        %dma_wait3A_121 = arith.constant 0 : i32
        %dma_wait3A_122 = arith.constant 0 : i32
        %dma_wait3A_123 = arith.constant 0 : i32
        %dma_wait3A_124 = tpu.memref_slice %arg13[%dma_wait3A_121, %dma_wait3A_122, %dma_wait3A_123] : memref<2x128x128xf32, #tpu.memory_space<vmem>> -> memref<1x128x128xf32, #tpu.memory_space<vmem>>
        %dma_wait3A_125 = tpu.memref_squeeze %dma_wait3A_124 : memref<1x128x128xf32, #tpu.memory_space<vmem>> -> memref<128x128xf32, #tpu.memory_space<vmem>>
        %dma_wait3A_126 = arith.constant 0 : i32
        %dma_wait3A_127 = arith.constant 0 : i32
        %dma_wait3A_128 = tpu.memref_slice %arg10[%dma_wait3A_126, %dma_wait3A_127] : memref<10240x128xf32, #tpu.memory_space<vmem_shared>> -> memref<128x128xf32, #tpu.memory_space<vmem_shared>>
        %dma_wait3A_129 = arith.constant 0 : i32
        %dma_wait3A_130 = arith.constant 0 : i32
        %dma_wait3A_131 = tpu.memref_slice %arg10[%dma_wait3A_129, %dma_wait3A_130] : memref<10240x128xf32, #tpu.memory_space<vmem_shared>> -> memref<128x128xf32, #tpu.memory_space<vmem_shared>>
        %dma_wait3A_132 = arith.constant 0 : i32
        %dma_wait3A_133 = arith.constant 0 : i32
        %dma_wait3A_134 = tpu.memref_slice %arg13[%dma_wait3A_121, %dma_wait3A_132, %dma_wait3A_133] : memref<2x128x128xf32, #tpu.memory_space<vmem>> -> memref<1x128x128xf32, #tpu.memory_space<vmem>>
        %dma_wait3A_135 = tpu.memref_squeeze %dma_wait3A_134 : memref<1x128x128xf32, #tpu.memory_space<vmem>> -> memref<128x128xf32, #tpu.memory_space<vmem>>
        tpu.wait_dma2 semaphore(%arg18 : memref<!tpu.dma_semaphore, #tpu.memory_space<semaphore_mem>>) src(%dma_wait3A_135 : memref<128x128xf32, #tpu.memory_space<vmem>>) dst(%dma_wait3A_131 : memref<128x128xf32, #tpu.memory_space<vmem_shared>>)
        %dma_start3A_136 = arith.constant 2 : i32
        %dma_start3A_137 = arith.constant 0 : i32
        %dma_start3A_138 = arith.constant 0 : i32
        %dma_start3A_139 = arith.constant 0 : i32
        %dma_start3A_140 = tpu.memref_slice %arg13[%dma_start3A_137, %dma_start3A_138, %dma_start3A_139] : memref<2x128x128xf32, #tpu.memory_space<vmem>> -> memref<1x128x128xf32, #tpu.memory_space<vmem>>
        %dma_start3A_141 = tpu.memref_squeeze %dma_start3A_140 : memref<1x128x128xf32, #tpu.memory_space<vmem>> -> memref<128x128xf32, #tpu.memory_space<vmem>>
        %dma_start3A_142 = arith.constant 0 : i32
        %dma_start3A_143 = tpu.memref_slice %arg11[%dma_start3A_136, %dma_start3A_142] : memref<4x128xi32, #tpu.memory_space<vmem>> -> memref<1x128xi32, #tpu.memory_space<vmem>>
        %dma_start3A_144 = tpu.memref_squeeze %dma_start3A_143 : memref<1x128xi32, #tpu.memory_space<vmem>> -> memref<128xi32, #tpu.memory_space<vmem>>
        %dma_start3A_145 = arith.constant 0 : i32
        %dma_start3A_146 = arith.constant 0 : i32
        %dma_start3A_147 = tpu.memref_slice %arg2[%dma_start3A_145, %dma_start3A_146] : memref<10240x128xf32, #tpu.memory_space<hbm>> -> memref<10240x128xf32, #tpu.memory_space<hbm>>
        tpu.enqueue_indirect_dma source(%dma_start3A_147 : memref<10240x128xf32, #tpu.memory_space<hbm>>) target(%dma_start3A_141 : memref<128x128xf32, #tpu.memory_space<vmem>>) offsets(%dma_start3A_144 : memref<128xi32, #tpu.memory_space<vmem>>) semaphore(%arg14 : memref<!tpu.dma_semaphore, #tpu.memory_space<semaphore_mem>>)
        %dma_wait3A_148 = arith.constant 1 : i32
        %dma_wait3A_149 = arith.constant 0 : i32
        %dma_wait3A_150 = arith.constant 0 : i32
        %dma_wait3A_151 = tpu.memref_slice %arg13[%dma_wait3A_148, %dma_wait3A_149, %dma_wait3A_150] : memref<2x128x128xf32, #tpu.memory_space<vmem>> -> memref<1x128x128xf32, #tpu.memory_space<vmem>>
        %dma_wait3A_152 = tpu.memref_squeeze %dma_wait3A_151 : memref<1x128x128xf32, #tpu.memory_space<vmem>> -> memref<128x128xf32, #tpu.memory_space<vmem>>
        %dma_wait3A_153 = arith.constant 0 : i32
        %dma_wait3A_154 = arith.constant 0 : i32
        %dma_wait3A_155 = tpu.memref_slice %arg10[%dma_wait3A_153, %dma_wait3A_154] : memref<10240x128xf32, #tpu.memory_space<vmem_shared>> -> memref<128x128xf32, #tpu.memory_space<vmem_shared>>
        %dma_wait3A_156 = arith.constant 0 : i32
        %dma_wait3A_157 = arith.constant 0 : i32
        %dma_wait3A_158 = tpu.memref_slice %arg10[%dma_wait3A_156, %dma_wait3A_157] : memref<10240x128xf32, #tpu.memory_space<vmem_shared>> -> memref<128x128xf32, #tpu.memory_space<vmem_shared>>
        %dma_wait3A_159 = arith.constant 0 : i32
        %dma_wait3A_160 = arith.constant 0 : i32
        %dma_wait3A_161 = tpu.memref_slice %arg13[%dma_wait3A_148, %dma_wait3A_159, %dma_wait3A_160] : memref<2x128x128xf32, #tpu.memory_space<vmem>> -> memref<1x128x128xf32, #tpu.memory_space<vmem>>
        %dma_wait3A_162 = tpu.memref_squeeze %dma_wait3A_161 : memref<1x128x128xf32, #tpu.memory_space<vmem>> -> memref<128x128xf32, #tpu.memory_space<vmem>>
        tpu.wait_dma2 semaphore(%arg19 : memref<!tpu.dma_semaphore, #tpu.memory_space<semaphore_mem>>) src(%dma_wait3A_162 : memref<128x128xf32, #tpu.memory_space<vmem>>) dst(%dma_wait3A_158 : memref<128x128xf32, #tpu.memory_space<vmem_shared>>)
        %dma_start3A_163 = arith.constant 3 : i32
        %dma_start3A_164 = arith.constant 1 : i32
        %dma_start3A_165 = arith.constant 0 : i32
        %dma_start3A_166 = arith.constant 0 : i32
        %dma_start3A_167 = tpu.memref_slice %arg13[%dma_start3A_164, %dma_start3A_165, %dma_start3A_166] : memref<2x128x128xf32, #tpu.memory_space<vmem>> -> memref<1x128x128xf32, #tpu.memory_space<vmem>>
        %dma_start3A_168 = tpu.memref_squeeze %dma_start3A_167 : memref<1x128x128xf32, #tpu.memory_space<vmem>> -> memref<128x128xf32, #tpu.memory_space<vmem>>
        %dma_start3A_169 = arith.constant 0 : i32
        %dma_start3A_170 = tpu.memref_slice %arg11[%dma_start3A_163, %dma_start3A_169] : memref<4x128xi32, #tpu.memory_space<vmem>> -> memref<1x128xi32, #tpu.memory_space<vmem>>
        %dma_start3A_171 = tpu.memref_squeeze %dma_start3A_170 : memref<1x128xi32, #tpu.memory_space<vmem>> -> memref<128xi32, #tpu.memory_space<vmem>>
        %dma_start3A_172 = arith.constant 0 : i32
        %dma_start3A_173 = arith.constant 0 : i32
        %dma_start3A_174 = tpu.memref_slice %arg2[%dma_start3A_172, %dma_start3A_173] : memref<10240x128xf32, #tpu.memory_space<hbm>> -> memref<10240x128xf32, #tpu.memory_space<hbm>>
        tpu.enqueue_indirect_dma source(%dma_start3A_174 : memref<10240x128xf32, #tpu.memory_space<hbm>>) target(%dma_start3A_168 : memref<128x128xf32, #tpu.memory_space<vmem>>) offsets(%dma_start3A_171 : memref<128xi32, #tpu.memory_space<vmem>>) semaphore(%arg15 : memref<!tpu.dma_semaphore, #tpu.memory_space<semaphore_mem>>)
        %add3A_175 = arith.constant 4 : i32
        %add3A_176 = arith.addi %mul3A_63, %add3A_175 : i32
        %lt3A = arith.constant 160 : i32
        %lt3A_177 = arith.cmpi slt, %add3A_176, %lt3A : i32
        %convert_element_type3A_178 = arith.extui %lt3A_177 : i1 to i32
        %cond3A_179 = arith.constant 0 : i32
        %cond3A_180 = arith.cmpi ne, %convert_element_type3A_178, %cond3A_179 : i32
        scf.if %cond3A_180 {
          %add3A_286 = arith.constant 4 : i32
          %add3A_287 = arith.addi %mul3A_63, %add3A_286 : i32
          %mul3A_288 = arith.constant 16 : i32
          %mul3A_289 = arith.muli %add3A_287, %mul3A_288 : i32
          %add3A_290 = arith.addi %arg1, %mul3A_289 : i32
          %dma_start3A_291 = arith.constant 0 : i32
          %dma_start3A_292 = arith.constant 0 : i32
          %dma_start3A_293 = tpu.memref_slice %arg11[%dma_start3A_291, %dma_start3A_292] : memref<4x128xi32, #tpu.memory_space<vmem>> -> memref<1x128xi32, #tpu.memory_space<vmem>>
          %dma_start3A_294 = tpu.memref_squeeze %dma_start3A_293 : memref<1x128xi32, #tpu.memory_space<vmem>> -> memref<128xi32, #tpu.memory_space<vmem>>
          %dma_start3A_295 = arith.constant 0 : i32
          %dma_start3A_296 = tpu.memref_slice %arg4[%add3A_290, %dma_start3A_295] : memref<2560x128xi32, #tpu.memory_space<hbm>> -> memref<1x128xi32, #tpu.memory_space<hbm>>
          %dma_start3A_297 = tpu.memref_squeeze %dma_start3A_296 : memref<1x128xi32, #tpu.memory_space<hbm>> -> memref<128xi32, #tpu.memory_space<hbm>>
          %dma_start3A_298 = arith.constant 0 : i32
          %dma_start3A_299 = tpu.memref_slice %arg11[%dma_start3A_291, %dma_start3A_298] : memref<4x128xi32, #tpu.memory_space<vmem>> -> memref<1x128xi32, #tpu.memory_space<vmem>>
          %dma_start3A_300 = tpu.memref_squeeze %dma_start3A_299 : memref<1x128xi32, #tpu.memory_space<vmem>> -> memref<128xi32, #tpu.memory_space<vmem>>
          %dma_start3A_301 = arith.constant 0 : i32
          %dma_start3A_302 = tpu.memref_slice %arg4[%add3A_290, %dma_start3A_301] : memref<2560x128xi32, #tpu.memory_space<hbm>> -> memref<1x128xi32, #tpu.memory_space<hbm>>
          %dma_start3A_303 = tpu.memref_squeeze %dma_start3A_302 : memref<1x128xi32, #tpu.memory_space<hbm>> -> memref<128xi32, #tpu.memory_space<hbm>>
          tpu.enqueue_dma source(%dma_start3A_303 : memref<128xi32, #tpu.memory_space<hbm>>) target(%dma_start3A_300 : memref<128xi32, #tpu.memory_space<vmem>>) target_semaphore(%arg16 : memref<!tpu.dma_semaphore, #tpu.memory_space<semaphore_mem>>)
          %dma_start3A_304 = arith.constant 0 : i32
          %dma_start3A_305 = arith.constant 0 : i32
          %dma_start3A_306 = tpu.memref_slice %arg12[%dma_start3A_304, %dma_start3A_305] : memref<4x128xi32, #tpu.memory_space<vmem>> -> memref<1x128xi32, #tpu.memory_space<vmem>>
          %dma_start3A_307 = tpu.memref_squeeze %dma_start3A_306 : memref<1x128xi32, #tpu.memory_space<vmem>> -> memref<128xi32, #tpu.memory_space<vmem>>
          %dma_start3A_308 = arith.constant 0 : i32
          %dma_start3A_309 = tpu.memref_slice %arg5[%add3A_290, %dma_start3A_308] : memref<2560x128xi32, #tpu.memory_space<hbm>> -> memref<1x128xi32, #tpu.memory_space<hbm>>
          %dma_start3A_310 = tpu.memref_squeeze %dma_start3A_309 : memref<1x128xi32, #tpu.memory_space<hbm>> -> memref<128xi32, #tpu.memory_space<hbm>>
          %dma_start3A_311 = arith.constant 0 : i32
          %dma_start3A_312 = tpu.memref_slice %arg12[%dma_start3A_304, %dma_start3A_311] : memref<4x128xi32, #tpu.memory_space<vmem>> -> memref<1x128xi32, #tpu.memory_space<vmem>>
          %dma_start3A_313 = tpu.memref_squeeze %dma_start3A_312 : memref<1x128xi32, #tpu.memory_space<vmem>> -> memref<128xi32, #tpu.memory_space<vmem>>
          %dma_start3A_314 = arith.constant 0 : i32
          %dma_start3A_315 = tpu.memref_slice %arg5[%add3A_290, %dma_start3A_314] : memref<2560x128xi32, #tpu.memory_space<hbm>> -> memref<1x128xi32, #tpu.memory_space<hbm>>
          %dma_start3A_316 = tpu.memref_squeeze %dma_start3A_315 : memref<1x128xi32, #tpu.memory_space<hbm>> -> memref<128xi32, #tpu.memory_space<hbm>>
          tpu.enqueue_dma source(%dma_start3A_316 : memref<128xi32, #tpu.memory_space<hbm>>) target(%dma_start3A_313 : memref<128xi32, #tpu.memory_space<vmem>>) target_semaphore(%arg16 : memref<!tpu.dma_semaphore, #tpu.memory_space<semaphore_mem>>)
          %add3A_317 = arith.constant 5 : i32
          %add3A_318 = arith.addi %mul3A_63, %add3A_317 : i32
          %mul3A_319 = arith.constant 16 : i32
          %mul3A_320 = arith.muli %add3A_318, %mul3A_319 : i32
          %add3A_321 = arith.addi %arg1, %mul3A_320 : i32
          %dma_start3A_322 = arith.constant 1 : i32
          %dma_start3A_323 = arith.constant 0 : i32
          %dma_start3A_324 = tpu.memref_slice %arg11[%dma_start3A_322, %dma_start3A_323] : memref<4x128xi32, #tpu.memory_space<vmem>> -> memref<1x128xi32, #tpu.memory_space<vmem>>
          %dma_start3A_325 = tpu.memref_squeeze %dma_start3A_324 : memref<1x128xi32, #tpu.memory_space<vmem>> -> memref<128xi32, #tpu.memory_space<vmem>>
          %dma_start3A_326 = arith.constant 0 : i32
          %dma_start3A_327 = tpu.memref_slice %arg4[%add3A_321, %dma_start3A_326] : memref<2560x128xi32, #tpu.memory_space<hbm>> -> memref<1x128xi32, #tpu.memory_space<hbm>>
          %dma_start3A_328 = tpu.memref_squeeze %dma_start3A_327 : memref<1x128xi32, #tpu.memory_space<hbm>> -> memref<128xi32, #tpu.memory_space<hbm>>
          %dma_start3A_329 = arith.constant 0 : i32
          %dma_start3A_330 = tpu.memref_slice %arg11[%dma_start3A_322, %dma_start3A_329] : memref<4x128xi32, #tpu.memory_space<vmem>> -> memref<1x128xi32, #tpu.memory_space<vmem>>
          %dma_start3A_331 = tpu.memref_squeeze %dma_start3A_330 : memref<1x128xi32, #tpu.memory_space<vmem>> -> memref<128xi32, #tpu.memory_space<vmem>>
          %dma_start3A_332 = arith.constant 0 : i32
          %dma_start3A_333 = tpu.memref_slice %arg4[%add3A_321, %dma_start3A_332] : memref<2560x128xi32, #tpu.memory_space<hbm>> -> memref<1x128xi32, #tpu.memory_space<hbm>>
          %dma_start3A_334 = tpu.memref_squeeze %dma_start3A_333 : memref<1x128xi32, #tpu.memory_space<hbm>> -> memref<128xi32, #tpu.memory_space<hbm>>
          tpu.enqueue_dma source(%dma_start3A_334 : memref<128xi32, #tpu.memory_space<hbm>>) target(%dma_start3A_331 : memref<128xi32, #tpu.memory_space<vmem>>) target_semaphore(%arg16 : memref<!tpu.dma_semaphore, #tpu.memory_space<semaphore_mem>>)
          %dma_start3A_335 = arith.constant 1 : i32
          %dma_start3A_336 = arith.constant 0 : i32
          %dma_start3A_337 = tpu.memref_slice %arg12[%dma_start3A_335, %dma_start3A_336] : memref<4x128xi32, #tpu.memory_space<vmem>> -> memref<1x128xi32, #tpu.memory_space<vmem>>
          %dma_start3A_338 = tpu.memref_squeeze %dma_start3A_337 : memref<1x128xi32, #tpu.memory_space<vmem>> -> memref<128xi32, #tpu.memory_space<vmem>>
          %dma_start3A_339 = arith.constant 0 : i32
          %dma_start3A_340 = tpu.memref_slice %arg5[%add3A_321, %dma_start3A_339] : memref<2560x128xi32, #tpu.memory_space<hbm>> -> memref<1x128xi32, #tpu.memory_space<hbm>>
          %dma_start3A_341 = tpu.memref_squeeze %dma_start3A_340 : memref<1x128xi32, #tpu.memory_space<hbm>> -> memref<128xi32, #tpu.memory_space<hbm>>
          %dma_start3A_342 = arith.constant 0 : i32
          %dma_start3A_343 = tpu.memref_slice %arg12[%dma_start3A_335, %dma_start3A_342] : memref<4x128xi32, #tpu.memory_space<vmem>> -> memref<1x128xi32, #tpu.memory_space<vmem>>
          %dma_start3A_344 = tpu.memref_squeeze %dma_start3A_343 : memref<1x128xi32, #tpu.memory_space<vmem>> -> memref<128xi32, #tpu.memory_space<vmem>>
          %dma_start3A_345 = arith.constant 0 : i32
          %dma_start3A_346 = tpu.memref_slice %arg5[%add3A_321, %dma_start3A_345] : memref<2560x128xi32, #tpu.memory_space<hbm>> -> memref<1x128xi32, #tpu.memory_space<hbm>>
          %dma_start3A_347 = tpu.memref_squeeze %dma_start3A_346 : memref<1x128xi32, #tpu.memory_space<hbm>> -> memref<128xi32, #tpu.memory_space<hbm>>
          tpu.enqueue_dma source(%dma_start3A_347 : memref<128xi32, #tpu.memory_space<hbm>>) target(%dma_start3A_344 : memref<128xi32, #tpu.memory_space<vmem>>) target_semaphore(%arg16 : memref<!tpu.dma_semaphore, #tpu.memory_space<semaphore_mem>>)
        } else {
        }
        %dma_wait3A_181 = arith.constant 0 : i32
        %dma_wait3A_182 = arith.constant 0 : i32
        %dma_wait3A_183 = arith.constant 0 : i32
        %dma_wait3A_184 = tpu.memref_slice %arg13[%dma_wait3A_181, %dma_wait3A_182, %dma_wait3A_183] : memref<2x128x128xf32, #tpu.memory_space<vmem>> -> memref<1x128x128xf32, #tpu.memory_space<vmem>>
        %dma_wait3A_185 = tpu.memref_squeeze %dma_wait3A_184 : memref<1x128x128xf32, #tpu.memory_space<vmem>> -> memref<128x128xf32, #tpu.memory_space<vmem>>
        %dma_wait3A_186 = arith.constant 0 : i32
        %dma_wait3A_187 = arith.constant 0 : i32
        %dma_wait3A_188 = tpu.memref_slice %arg2[%dma_wait3A_186, %dma_wait3A_187] : memref<10240x128xf32, #tpu.memory_space<hbm>> -> memref<128x128xf32, #tpu.memory_space<hbm>>
        %dma_wait3A_189 = arith.constant 0 : i32
        %dma_wait3A_190 = arith.constant 0 : i32
        %dma_wait3A_191 = tpu.memref_slice %arg13[%dma_wait3A_181, %dma_wait3A_189, %dma_wait3A_190] : memref<2x128x128xf32, #tpu.memory_space<vmem>> -> memref<1x128x128xf32, #tpu.memory_space<vmem>>
        %dma_wait3A_192 = tpu.memref_squeeze %dma_wait3A_191 : memref<1x128x128xf32, #tpu.memory_space<vmem>> -> memref<128x128xf32, #tpu.memory_space<vmem>>
        %dma_wait3A_193 = arith.constant 0 : i32
        %dma_wait3A_194 = arith.constant 0 : i32
        %dma_wait3A_195 = tpu.memref_slice %arg2[%dma_wait3A_193, %dma_wait3A_194] : memref<10240x128xf32, #tpu.memory_space<hbm>> -> memref<128x128xf32, #tpu.memory_space<hbm>>
        tpu.wait_dma2 semaphore(%arg14 : memref<!tpu.dma_semaphore, #tpu.memory_space<semaphore_mem>>) src(%dma_wait3A_195 : memref<128x128xf32, #tpu.memory_space<hbm>>) dst(%dma_wait3A_192 : memref<128x128xf32, #tpu.memory_space<vmem>>)
        %dma_start3A_196 = arith.constant 0 : i32
        %dma_start3A_197 = arith.constant 2 : i32
        %dma_start3A_198 = arith.constant 0 : i32
        %dma_start3A_199 = arith.constant 0 : i32
        %dma_start3A_200 = tpu.memref_slice %arg13[%dma_start3A_196, %dma_start3A_198, %dma_start3A_199] : memref<2x128x128xf32, #tpu.memory_space<vmem>> -> memref<1x128x128xf32, #tpu.memory_space<vmem>>
        %dma_start3A_201 = tpu.memref_squeeze %dma_start3A_200 : memref<1x128x128xf32, #tpu.memory_space<vmem>> -> memref<128x128xf32, #tpu.memory_space<vmem>>
        %dma_start3A_202 = arith.constant 0 : i32
        %dma_start3A_203 = tpu.memref_slice %arg12[%dma_start3A_197, %dma_start3A_202] : memref<4x128xi32, #tpu.memory_space<vmem>> -> memref<1x128xi32, #tpu.memory_space<vmem>>
        %dma_start3A_204 = tpu.memref_squeeze %dma_start3A_203 : memref<1x128xi32, #tpu.memory_space<vmem>> -> memref<128xi32, #tpu.memory_space<vmem>>
        %dma_start3A_205 = arith.constant 0 : i32
        %dma_start3A_206 = arith.constant 0 : i32
        %dma_start3A_207 = tpu.memref_slice %arg10[%dma_start3A_205, %dma_start3A_206] : memref<10240x128xf32, #tpu.memory_space<vmem_shared>> -> memref<10240x128xf32, #tpu.memory_space<vmem_shared>>
        tpu.enqueue_indirect_dma source(%dma_start3A_201 : memref<128x128xf32, #tpu.memory_space<vmem>>) target(%dma_start3A_207 : memref<10240x128xf32, #tpu.memory_space<vmem_shared>>) offsets(%dma_start3A_204 : memref<128xi32, #tpu.memory_space<vmem>>) semaphore(%arg18 : memref<!tpu.dma_semaphore, #tpu.memory_space<semaphore_mem>>) {add = true}
        %dma_wait3A_208 = arith.constant 1 : i32
        %dma_wait3A_209 = arith.constant 0 : i32
        %dma_wait3A_210 = arith.constant 0 : i32
        %dma_wait3A_211 = tpu.memref_slice %arg13[%dma_wait3A_208, %dma_wait3A_209, %dma_wait3A_210] : memref<2x128x128xf32, #tpu.memory_space<vmem>> -> memref<1x128x128xf32, #tpu.memory_space<vmem>>
        %dma_wait3A_212 = tpu.memref_squeeze %dma_wait3A_211 : memref<1x128x128xf32, #tpu.memory_space<vmem>> -> memref<128x128xf32, #tpu.memory_space<vmem>>
        %dma_wait3A_213 = arith.constant 0 : i32
        %dma_wait3A_214 = arith.constant 0 : i32
        %dma_wait3A_215 = tpu.memref_slice %arg2[%dma_wait3A_213, %dma_wait3A_214] : memref<10240x128xf32, #tpu.memory_space<hbm>> -> memref<128x128xf32, #tpu.memory_space<hbm>>
        %dma_wait3A_216 = arith.constant 0 : i32
        %dma_wait3A_217 = arith.constant 0 : i32
        %dma_wait3A_218 = tpu.memref_slice %arg13[%dma_wait3A_208, %dma_wait3A_216, %dma_wait3A_217] : memref<2x128x128xf32, #tpu.memory_space<vmem>> -> memref<1x128x128xf32, #tpu.memory_space<vmem>>
        %dma_wait3A_219 = tpu.memref_squeeze %dma_wait3A_218 : memref<1x128x128xf32, #tpu.memory_space<vmem>> -> memref<128x128xf32, #tpu.memory_space<vmem>>
        %dma_wait3A_220 = arith.constant 0 : i32
        %dma_wait3A_221 = arith.constant 0 : i32
        %dma_wait3A_222 = tpu.memref_slice %arg2[%dma_wait3A_220, %dma_wait3A_221] : memref<10240x128xf32, #tpu.memory_space<hbm>> -> memref<128x128xf32, #tpu.memory_space<hbm>>
        tpu.wait_dma2 semaphore(%arg15 : memref<!tpu.dma_semaphore, #tpu.memory_space<semaphore_mem>>) src(%dma_wait3A_222 : memref<128x128xf32, #tpu.memory_space<hbm>>) dst(%dma_wait3A_219 : memref<128x128xf32, #tpu.memory_space<vmem>>)
        %dma_start3A_223 = arith.constant 1 : i32
        %dma_start3A_224 = arith.constant 3 : i32
        %dma_start3A_225 = arith.constant 0 : i32
        %dma_start3A_226 = arith.constant 0 : i32
        %dma_start3A_227 = tpu.memref_slice %arg13[%dma_start3A_223, %dma_start3A_225, %dma_start3A_226] : memref<2x128x128xf32, #tpu.memory_space<vmem>> -> memref<1x128x128xf32, #tpu.memory_space<vmem>>
        %dma_start3A_228 = tpu.memref_squeeze %dma_start3A_227 : memref<1x128x128xf32, #tpu.memory_space<vmem>> -> memref<128x128xf32, #tpu.memory_space<vmem>>
        %dma_start3A_229 = arith.constant 0 : i32
        %dma_start3A_230 = tpu.memref_slice %arg12[%dma_start3A_224, %dma_start3A_229] : memref<4x128xi32, #tpu.memory_space<vmem>> -> memref<1x128xi32, #tpu.memory_space<vmem>>
        %dma_start3A_231 = tpu.memref_squeeze %dma_start3A_230 : memref<1x128xi32, #tpu.memory_space<vmem>> -> memref<128xi32, #tpu.memory_space<vmem>>
        %dma_start3A_232 = arith.constant 0 : i32
        %dma_start3A_233 = arith.constant 0 : i32
        %dma_start3A_234 = tpu.memref_slice %arg10[%dma_start3A_232, %dma_start3A_233] : memref<10240x128xf32, #tpu.memory_space<vmem_shared>> -> memref<10240x128xf32, #tpu.memory_space<vmem_shared>>
        tpu.enqueue_indirect_dma source(%dma_start3A_228 : memref<128x128xf32, #tpu.memory_space<vmem>>) target(%dma_start3A_234 : memref<10240x128xf32, #tpu.memory_space<vmem_shared>>) offsets(%dma_start3A_231 : memref<128xi32, #tpu.memory_space<vmem>>) semaphore(%arg19 : memref<!tpu.dma_semaphore, #tpu.memory_space<semaphore_mem>>) {add = true}
        %dma_wait3A_235 = arith.constant 0 : i32
        %dma_wait3A_236 = arith.constant 0 : i32
        %dma_wait3A_237 = arith.constant 0 : i32
        %dma_wait3A_238 = tpu.memref_slice %arg13[%dma_wait3A_235, %dma_wait3A_236, %dma_wait3A_237] : memref<2x128x128xf32, #tpu.memory_space<vmem>> -> memref<1x128x128xf32, #tpu.memory_space<vmem>>
        %dma_wait3A_239 = tpu.memref_squeeze %dma_wait3A_238 : memref<1x128x128xf32, #tpu.memory_space<vmem>> -> memref<128x128xf32, #tpu.memory_space<vmem>>
        %dma_wait3A_240 = arith.constant 0 : i32
        %dma_wait3A_241 = arith.constant 0 : i32
        %dma_wait3A_242 = tpu.memref_slice %arg10[%dma_wait3A_240, %dma_wait3A_241] : memref<10240x128xf32, #tpu.memory_space<vmem_shared>> -> memref<128x128xf32, #tpu.memory_space<vmem_shared>>
        %dma_wait3A_243 = arith.constant 0 : i32
        %dma_wait3A_244 = arith.constant 0 : i32
        %dma_wait3A_245 = tpu.memref_slice %arg10[%dma_wait3A_243, %dma_wait3A_244] : memref<10240x128xf32, #tpu.memory_space<vmem_shared>> -> memref<128x128xf32, #tpu.memory_space<vmem_shared>>
        %dma_wait3A_246 = arith.constant 0 : i32
        %dma_wait3A_247 = arith.constant 0 : i32
        %dma_wait3A_248 = tpu.memref_slice %arg13[%dma_wait3A_235, %dma_wait3A_246, %dma_wait3A_247] : memref<2x128x128xf32, #tpu.memory_space<vmem>> -> memref<1x128x128xf32, #tpu.memory_space<vmem>>
        %dma_wait3A_249 = tpu.memref_squeeze %dma_wait3A_248 : memref<1x128x128xf32, #tpu.memory_space<vmem>> -> memref<128x128xf32, #tpu.memory_space<vmem>>
        tpu.wait_dma2 semaphore(%arg18 : memref<!tpu.dma_semaphore, #tpu.memory_space<semaphore_mem>>) src(%dma_wait3A_249 : memref<128x128xf32, #tpu.memory_space<vmem>>) dst(%dma_wait3A_245 : memref<128x128xf32, #tpu.memory_space<vmem_shared>>)
        %add3A_250 = arith.constant 4 : i32
        %add3A_251 = arith.addi %mul3A_63, %add3A_250 : i32
        %lt3A_252 = arith.constant 160 : i32
        %lt3A_253 = arith.cmpi slt, %add3A_251, %lt3A_252 : i32
        %convert_element_type3A_254 = arith.extui %lt3A_253 : i1 to i32
        %cond3A_255 = arith.constant 0 : i32
        %cond3A_256 = arith.cmpi ne, %convert_element_type3A_254, %cond3A_255 : i32
        scf.if %cond3A_256 {
          %dma_wait3A_286 = arith.constant 0 : i32
          %dma_wait3A_287 = arith.constant 0 : i32
          %dma_wait3A_288 = arith.constant 0 : i32
          %dma_wait3A_289 = tpu.memref_slice %arg11[%dma_wait3A_287, %dma_wait3A_288] : memref<4x128xi32, #tpu.memory_space<vmem>> -> memref<1x128xi32, #tpu.memory_space<vmem>>
          %dma_wait3A_290 = tpu.memref_squeeze %dma_wait3A_289 : memref<1x128xi32, #tpu.memory_space<vmem>> -> memref<128xi32, #tpu.memory_space<vmem>>
          %dma_wait3A_291 = arith.constant 0 : i32
          %dma_wait3A_292 = tpu.memref_slice %arg4[%dma_wait3A_286, %dma_wait3A_291] : memref<2560x128xi32, #tpu.memory_space<hbm>> -> memref<1x128xi32, #tpu.memory_space<hbm>>
          %dma_wait3A_293 = tpu.memref_squeeze %dma_wait3A_292 : memref<1x128xi32, #tpu.memory_space<hbm>> -> memref<128xi32, #tpu.memory_space<hbm>>
          %dma_wait3A_294 = arith.constant 0 : i32
          %dma_wait3A_295 = tpu.memref_slice %arg11[%dma_wait3A_287, %dma_wait3A_294] : memref<4x128xi32, #tpu.memory_space<vmem>> -> memref<1x128xi32, #tpu.memory_space<vmem>>
          %dma_wait3A_296 = tpu.memref_squeeze %dma_wait3A_295 : memref<1x128xi32, #tpu.memory_space<vmem>> -> memref<128xi32, #tpu.memory_space<vmem>>
          %dma_wait3A_297 = arith.constant 0 : i32
          %dma_wait3A_298 = tpu.memref_slice %arg4[%dma_wait3A_286, %dma_wait3A_297] : memref<2560x128xi32, #tpu.memory_space<hbm>> -> memref<1x128xi32, #tpu.memory_space<hbm>>
          %dma_wait3A_299 = tpu.memref_squeeze %dma_wait3A_298 : memref<1x128xi32, #tpu.memory_space<hbm>> -> memref<128xi32, #tpu.memory_space<hbm>>
          tpu.wait_dma2 semaphore(%arg16 : memref<!tpu.dma_semaphore, #tpu.memory_space<semaphore_mem>>) src(%dma_wait3A_299 : memref<128xi32, #tpu.memory_space<hbm>>) dst(%dma_wait3A_296 : memref<128xi32, #tpu.memory_space<vmem>>)
          %dma_wait3A_300 = arith.constant 0 : i32
          %dma_wait3A_301 = arith.constant 0 : i32
          %dma_wait3A_302 = arith.constant 0 : i32
          %dma_wait3A_303 = tpu.memref_slice %arg11[%dma_wait3A_301, %dma_wait3A_302] : memref<4x128xi32, #tpu.memory_space<vmem>> -> memref<1x128xi32, #tpu.memory_space<vmem>>
          %dma_wait3A_304 = tpu.memref_squeeze %dma_wait3A_303 : memref<1x128xi32, #tpu.memory_space<vmem>> -> memref<128xi32, #tpu.memory_space<vmem>>
          %dma_wait3A_305 = arith.constant 0 : i32
          %dma_wait3A_306 = tpu.memref_slice %arg4[%dma_wait3A_300, %dma_wait3A_305] : memref<2560x128xi32, #tpu.memory_space<hbm>> -> memref<1x128xi32, #tpu.memory_space<hbm>>
          %dma_wait3A_307 = tpu.memref_squeeze %dma_wait3A_306 : memref<1x128xi32, #tpu.memory_space<hbm>> -> memref<128xi32, #tpu.memory_space<hbm>>
          %dma_wait3A_308 = arith.constant 0 : i32
          %dma_wait3A_309 = tpu.memref_slice %arg11[%dma_wait3A_301, %dma_wait3A_308] : memref<4x128xi32, #tpu.memory_space<vmem>> -> memref<1x128xi32, #tpu.memory_space<vmem>>
          %dma_wait3A_310 = tpu.memref_squeeze %dma_wait3A_309 : memref<1x128xi32, #tpu.memory_space<vmem>> -> memref<128xi32, #tpu.memory_space<vmem>>
          %dma_wait3A_311 = arith.constant 0 : i32
          %dma_wait3A_312 = tpu.memref_slice %arg4[%dma_wait3A_300, %dma_wait3A_311] : memref<2560x128xi32, #tpu.memory_space<hbm>> -> memref<1x128xi32, #tpu.memory_space<hbm>>
          %dma_wait3A_313 = tpu.memref_squeeze %dma_wait3A_312 : memref<1x128xi32, #tpu.memory_space<hbm>> -> memref<128xi32, #tpu.memory_space<hbm>>
          tpu.wait_dma2 semaphore(%arg16 : memref<!tpu.dma_semaphore, #tpu.memory_space<semaphore_mem>>) src(%dma_wait3A_313 : memref<128xi32, #tpu.memory_space<hbm>>) dst(%dma_wait3A_310 : memref<128xi32, #tpu.memory_space<vmem>>)
          %dma_wait3A_314 = arith.constant 0 : i32
          %dma_wait3A_315 = arith.constant 0 : i32
          %dma_wait3A_316 = arith.constant 0 : i32
          %dma_wait3A_317 = tpu.memref_slice %arg11[%dma_wait3A_315, %dma_wait3A_316] : memref<4x128xi32, #tpu.memory_space<vmem>> -> memref<1x128xi32, #tpu.memory_space<vmem>>
          %dma_wait3A_318 = tpu.memref_squeeze %dma_wait3A_317 : memref<1x128xi32, #tpu.memory_space<vmem>> -> memref<128xi32, #tpu.memory_space<vmem>>
          %dma_wait3A_319 = arith.constant 0 : i32
          %dma_wait3A_320 = tpu.memref_slice %arg4[%dma_wait3A_314, %dma_wait3A_319] : memref<2560x128xi32, #tpu.memory_space<hbm>> -> memref<1x128xi32, #tpu.memory_space<hbm>>
          %dma_wait3A_321 = tpu.memref_squeeze %dma_wait3A_320 : memref<1x128xi32, #tpu.memory_space<hbm>> -> memref<128xi32, #tpu.memory_space<hbm>>
          %dma_wait3A_322 = arith.constant 0 : i32
          %dma_wait3A_323 = tpu.memref_slice %arg11[%dma_wait3A_315, %dma_wait3A_322] : memref<4x128xi32, #tpu.memory_space<vmem>> -> memref<1x128xi32, #tpu.memory_space<vmem>>
          %dma_wait3A_324 = tpu.memref_squeeze %dma_wait3A_323 : memref<1x128xi32, #tpu.memory_space<vmem>> -> memref<128xi32, #tpu.memory_space<vmem>>
          %dma_wait3A_325 = arith.constant 0 : i32
          %dma_wait3A_326 = tpu.memref_slice %arg4[%dma_wait3A_314, %dma_wait3A_325] : memref<2560x128xi32, #tpu.memory_space<hbm>> -> memref<1x128xi32, #tpu.memory_space<hbm>>
          %dma_wait3A_327 = tpu.memref_squeeze %dma_wait3A_326 : memref<1x128xi32, #tpu.memory_space<hbm>> -> memref<128xi32, #tpu.memory_space<hbm>>
          tpu.wait_dma2 semaphore(%arg16 : memref<!tpu.dma_semaphore, #tpu.memory_space<semaphore_mem>>) src(%dma_wait3A_327 : memref<128xi32, #tpu.memory_space<hbm>>) dst(%dma_wait3A_324 : memref<128xi32, #tpu.memory_space<vmem>>)
          %dma_wait3A_328 = arith.constant 0 : i32
          %dma_wait3A_329 = arith.constant 0 : i32
          %dma_wait3A_330 = arith.constant 0 : i32
          %dma_wait3A_331 = tpu.memref_slice %arg11[%dma_wait3A_329, %dma_wait3A_330] : memref<4x128xi32, #tpu.memory_space<vmem>> -> memref<1x128xi32, #tpu.memory_space<vmem>>
          %dma_wait3A_332 = tpu.memref_squeeze %dma_wait3A_331 : memref<1x128xi32, #tpu.memory_space<vmem>> -> memref<128xi32, #tpu.memory_space<vmem>>
          %dma_wait3A_333 = arith.constant 0 : i32
          %dma_wait3A_334 = tpu.memref_slice %arg4[%dma_wait3A_328, %dma_wait3A_333] : memref<2560x128xi32, #tpu.memory_space<hbm>> -> memref<1x128xi32, #tpu.memory_space<hbm>>
          %dma_wait3A_335 = tpu.memref_squeeze %dma_wait3A_334 : memref<1x128xi32, #tpu.memory_space<hbm>> -> memref<128xi32, #tpu.memory_space<hbm>>
          %dma_wait3A_336 = arith.constant 0 : i32
          %dma_wait3A_337 = tpu.memref_slice %arg11[%dma_wait3A_329, %dma_wait3A_336] : memref<4x128xi32, #tpu.memory_space<vmem>> -> memref<1x128xi32, #tpu.memory_space<vmem>>
          %dma_wait3A_338 = tpu.memref_squeeze %dma_wait3A_337 : memref<1x128xi32, #tpu.memory_space<vmem>> -> memref<128xi32, #tpu.memory_space<vmem>>
          %dma_wait3A_339 = arith.constant 0 : i32
          %dma_wait3A_340 = tpu.memref_slice %arg4[%dma_wait3A_328, %dma_wait3A_339] : memref<2560x128xi32, #tpu.memory_space<hbm>> -> memref<1x128xi32, #tpu.memory_space<hbm>>
          %dma_wait3A_341 = tpu.memref_squeeze %dma_wait3A_340 : memref<1x128xi32, #tpu.memory_space<hbm>> -> memref<128xi32, #tpu.memory_space<hbm>>
          tpu.wait_dma2 semaphore(%arg16 : memref<!tpu.dma_semaphore, #tpu.memory_space<semaphore_mem>>) src(%dma_wait3A_341 : memref<128xi32, #tpu.memory_space<hbm>>) dst(%dma_wait3A_338 : memref<128xi32, #tpu.memory_space<vmem>>)
          %dma_start3A_342 = arith.constant 0 : i32
          %dma_start3A_343 = arith.constant 0 : i32
          %dma_start3A_344 = arith.constant 0 : i32
          %dma_start3A_345 = arith.constant 0 : i32
          %dma_start3A_346 = tpu.memref_slice %arg13[%dma_start3A_343, %dma_start3A_344, %dma_start3A_345] : memref<2x128x128xf32, #tpu.memory_space<vmem>> -> memref<1x128x128xf32, #tpu.memory_space<vmem>>
          %dma_start3A_347 = tpu.memref_squeeze %dma_start3A_346 : memref<1x128x128xf32, #tpu.memory_space<vmem>> -> memref<128x128xf32, #tpu.memory_space<vmem>>
          %dma_start3A_348 = arith.constant 0 : i32
          %dma_start3A_349 = tpu.memref_slice %arg11[%dma_start3A_342, %dma_start3A_348] : memref<4x128xi32, #tpu.memory_space<vmem>> -> memref<1x128xi32, #tpu.memory_space<vmem>>
          %dma_start3A_350 = tpu.memref_squeeze %dma_start3A_349 : memref<1x128xi32, #tpu.memory_space<vmem>> -> memref<128xi32, #tpu.memory_space<vmem>>
          %dma_start3A_351 = arith.constant 0 : i32
          %dma_start3A_352 = arith.constant 0 : i32
          %dma_start3A_353 = tpu.memref_slice %arg2[%dma_start3A_351, %dma_start3A_352] : memref<10240x128xf32, #tpu.memory_space<hbm>> -> memref<10240x128xf32, #tpu.memory_space<hbm>>
          tpu.enqueue_indirect_dma source(%dma_start3A_353 : memref<10240x128xf32, #tpu.memory_space<hbm>>) target(%dma_start3A_347 : memref<128x128xf32, #tpu.memory_space<vmem>>) offsets(%dma_start3A_350 : memref<128xi32, #tpu.memory_space<vmem>>) semaphore(%arg14 : memref<!tpu.dma_semaphore, #tpu.memory_space<semaphore_mem>>)
        } else {
        }
        %dma_wait3A_257 = arith.constant 1 : i32
        %dma_wait3A_258 = arith.constant 0 : i32
        %dma_wait3A_259 = arith.constant 0 : i32
        %dma_wait3A_260 = tpu.memref_slice %arg13[%dma_wait3A_257, %dma_wait3A_258, %dma_wait3A_259] : memref<2x128x128xf32, #tpu.memory_space<vmem>> -> memref<1x128x128xf32, #tpu.memory_space<vmem>>
        %dma_wait3A_261 = tpu.memref_squeeze %dma_wait3A_260 : memref<1x128x128xf32, #tpu.memory_space<vmem>> -> memref<128x128xf32, #tpu.memory_space<vmem>>
        %dma_wait3A_262 = arith.constant 0 : i32
        %dma_wait3A_263 = arith.constant 0 : i32
        %dma_wait3A_264 = tpu.memref_slice %arg10[%dma_wait3A_262, %dma_wait3A_263] : memref<10240x128xf32, #tpu.memory_space<vmem_shared>> -> memref<128x128xf32, #tpu.memory_space<vmem_shared>>
        %dma_wait3A_265 = arith.constant 0 : i32
        %dma_wait3A_266 = arith.constant 0 : i32
        %dma_wait3A_267 = tpu.memref_slice %arg10[%dma_wait3A_265, %dma_wait3A_266] : memref<10240x128xf32, #tpu.memory_space<vmem_shared>> -> memref<128x128xf32, #tpu.memory_space<vmem_shared>>
        %dma_wait3A_268 = arith.constant 0 : i32
        %dma_wait3A_269 = arith.constant 0 : i32
        %dma_wait3A_270 = tpu.memref_slice %arg13[%dma_wait3A_257, %dma_wait3A_268, %dma_wait3A_269] : memref<2x128x128xf32, #tpu.memory_space<vmem>> -> memref<1x128x128xf32, #tpu.memory_space<vmem>>
        %dma_wait3A_271 = tpu.memref_squeeze %dma_wait3A_270 : memref<1x128x128xf32, #tpu.memory_space<vmem>> -> memref<128x128xf32, #tpu.memory_space<vmem>>
        tpu.wait_dma2 semaphore(%arg19 : memref<!tpu.dma_semaphore, #tpu.memory_space<semaphore_mem>>) src(%dma_wait3A_271 : memref<128x128xf32, #tpu.memory_space<vmem>>) dst(%dma_wait3A_267 : memref<128x128xf32, #tpu.memory_space<vmem_shared>>)
        %add3A_272 = arith.constant 5 : i32
        %add3A_273 = arith.addi %mul3A_63, %add3A_272 : i32
        %lt3A_274 = arith.constant 160 : i32
        %lt3A_275 = arith.cmpi slt, %add3A_273, %lt3A_274 : i32
        %convert_element_type3A_276 = arith.extui %lt3A_275 : i1 to i32
        %cond3A_277 = arith.constant 0 : i32
        %cond3A_278 = arith.cmpi ne, %convert_element_type3A_276, %cond3A_277 : i32
        scf.if %cond3A_278 {
          %dma_start3A_286 = arith.constant 1 : i32
          %dma_start3A_287 = arith.constant 1 : i32
          %dma_start3A_288 = arith.constant 0 : i32
          %dma_start3A_289 = arith.constant 0 : i32
          %dma_start3A_290 = tpu.memref_slice %arg13[%dma_start3A_287, %dma_start3A_288, %dma_start3A_289] : memref<2x128x128xf32, #tpu.memory_space<vmem>> -> memref<1x128x128xf32, #tpu.memory_space<vmem>>
          %dma_start3A_291 = tpu.memref_squeeze %dma_start3A_290 : memref<1x128x128xf32, #tpu.memory_space<vmem>> -> memref<128x128xf32, #tpu.memory_space<vmem>>
          %dma_start3A_292 = arith.constant 0 : i32
          %dma_start3A_293 = tpu.memref_slice %arg11[%dma_start3A_286, %dma_start3A_292] : memref<4x128xi32, #tpu.memory_space<vmem>> -> memref<1x128xi32, #tpu.memory_space<vmem>>
          %dma_start3A_294 = tpu.memref_squeeze %dma_start3A_293 : memref<1x128xi32, #tpu.memory_space<vmem>> -> memref<128xi32, #tpu.memory_space<vmem>>
          %dma_start3A_295 = arith.constant 0 : i32
          %dma_start3A_296 = arith.constant 0 : i32
          %dma_start3A_297 = tpu.memref_slice %arg2[%dma_start3A_295, %dma_start3A_296] : memref<10240x128xf32, #tpu.memory_space<hbm>> -> memref<10240x128xf32, #tpu.memory_space<hbm>>
          tpu.enqueue_indirect_dma source(%dma_start3A_297 : memref<10240x128xf32, #tpu.memory_space<hbm>>) target(%dma_start3A_291 : memref<128x128xf32, #tpu.memory_space<vmem>>) offsets(%dma_start3A_294 : memref<128xi32, #tpu.memory_space<vmem>>) semaphore(%arg15 : memref<!tpu.dma_semaphore, #tpu.memory_space<semaphore_mem>>)
        } else {
        }
        %add3A_279 = arith.constant 6 : i32
        %add3A_280 = arith.addi %mul3A_63, %add3A_279 : i32
        %lt3A_281 = arith.constant 160 : i32
        %lt3A_282 = arith.cmpi slt, %add3A_280, %lt3A_281 : i32
        %convert_element_type3A_283 = arith.extui %lt3A_282 : i1 to i32
        %cond3A_284 = arith.constant 0 : i32
        %cond3A_285 = arith.cmpi ne, %convert_element_type3A_283, %cond3A_284 : i32
        scf.if %cond3A_285 {
          %add3A_286 = arith.constant 6 : i32
          %add3A_287 = arith.addi %mul3A_63, %add3A_286 : i32
          %mul3A_288 = arith.constant 16 : i32
          %mul3A_289 = arith.muli %add3A_287, %mul3A_288 : i32
          %add3A_290 = arith.addi %arg1, %mul3A_289 : i32
          %dma_start3A_291 = arith.constant 2 : i32
          %dma_start3A_292 = arith.constant 0 : i32
          %dma_start3A_293 = tpu.memref_slice %arg11[%dma_start3A_291, %dma_start3A_292] : memref<4x128xi32, #tpu.memory_space<vmem>> -> memref<1x128xi32, #tpu.memory_space<vmem>>
          %dma_start3A_294 = tpu.memref_squeeze %dma_start3A_293 : memref<1x128xi32, #tpu.memory_space<vmem>> -> memref<128xi32, #tpu.memory_space<vmem>>
          %dma_start3A_295 = arith.constant 0 : i32
          %dma_start3A_296 = tpu.memref_slice %arg4[%add3A_290, %dma_start3A_295] : memref<2560x128xi32, #tpu.memory_space<hbm>> -> memref<1x128xi32, #tpu.memory_space<hbm>>
          %dma_start3A_297 = tpu.memref_squeeze %dma_start3A_296 : memref<1x128xi32, #tpu.memory_space<hbm>> -> memref<128xi32, #tpu.memory_space<hbm>>
          %dma_start3A_298 = arith.constant 0 : i32
          %dma_start3A_299 = tpu.memref_slice %arg11[%dma_start3A_291, %dma_start3A_298] : memref<4x128xi32, #tpu.memory_space<vmem>> -> memref<1x128xi32, #tpu.memory_space<vmem>>
          %dma_start3A_300 = tpu.memref_squeeze %dma_start3A_299 : memref<1x128xi32, #tpu.memory_space<vmem>> -> memref<128xi32, #tpu.memory_space<vmem>>
          %dma_start3A_301 = arith.constant 0 : i32
          %dma_start3A_302 = tpu.memref_slice %arg4[%add3A_290, %dma_start3A_301] : memref<2560x128xi32, #tpu.memory_space<hbm>> -> memref<1x128xi32, #tpu.memory_space<hbm>>
          %dma_start3A_303 = tpu.memref_squeeze %dma_start3A_302 : memref<1x128xi32, #tpu.memory_space<hbm>> -> memref<128xi32, #tpu.memory_space<hbm>>
          tpu.enqueue_dma source(%dma_start3A_303 : memref<128xi32, #tpu.memory_space<hbm>>) target(%dma_start3A_300 : memref<128xi32, #tpu.memory_space<vmem>>) target_semaphore(%arg17 : memref<!tpu.dma_semaphore, #tpu.memory_space<semaphore_mem>>)
          %dma_start3A_304 = arith.constant 2 : i32
          %dma_start3A_305 = arith.constant 0 : i32
          %dma_start3A_306 = tpu.memref_slice %arg12[%dma_start3A_304, %dma_start3A_305] : memref<4x128xi32, #tpu.memory_space<vmem>> -> memref<1x128xi32, #tpu.memory_space<vmem>>
          %dma_start3A_307 = tpu.memref_squeeze %dma_start3A_306 : memref<1x128xi32, #tpu.memory_space<vmem>> -> memref<128xi32, #tpu.memory_space<vmem>>
          %dma_start3A_308 = arith.constant 0 : i32
          %dma_start3A_309 = tpu.memref_slice %arg5[%add3A_290, %dma_start3A_308] : memref<2560x128xi32, #tpu.memory_space<hbm>> -> memref<1x128xi32, #tpu.memory_space<hbm>>
          %dma_start3A_310 = tpu.memref_squeeze %dma_start3A_309 : memref<1x128xi32, #tpu.memory_space<hbm>> -> memref<128xi32, #tpu.memory_space<hbm>>
          %dma_start3A_311 = arith.constant 0 : i32
          %dma_start3A_312 = tpu.memref_slice %arg12[%dma_start3A_304, %dma_start3A_311] : memref<4x128xi32, #tpu.memory_space<vmem>> -> memref<1x128xi32, #tpu.memory_space<vmem>>
          %dma_start3A_313 = tpu.memref_squeeze %dma_start3A_312 : memref<1x128xi32, #tpu.memory_space<vmem>> -> memref<128xi32, #tpu.memory_space<vmem>>
          %dma_start3A_314 = arith.constant 0 : i32
          %dma_start3A_315 = tpu.memref_slice %arg5[%add3A_290, %dma_start3A_314] : memref<2560x128xi32, #tpu.memory_space<hbm>> -> memref<1x128xi32, #tpu.memory_space<hbm>>
          %dma_start3A_316 = tpu.memref_squeeze %dma_start3A_315 : memref<1x128xi32, #tpu.memory_space<hbm>> -> memref<128xi32, #tpu.memory_space<hbm>>
          tpu.enqueue_dma source(%dma_start3A_316 : memref<128xi32, #tpu.memory_space<hbm>>) target(%dma_start3A_313 : memref<128xi32, #tpu.memory_space<vmem>>) target_semaphore(%arg17 : memref<!tpu.dma_semaphore, #tpu.memory_space<semaphore_mem>>)
          %add3A_317 = arith.constant 7 : i32
          %add3A_318 = arith.addi %mul3A_63, %add3A_317 : i32
          %mul3A_319 = arith.constant 16 : i32
          %mul3A_320 = arith.muli %add3A_318, %mul3A_319 : i32
          %add3A_321 = arith.addi %arg1, %mul3A_320 : i32
          %dma_start3A_322 = arith.constant 3 : i32
          %dma_start3A_323 = arith.constant 0 : i32
          %dma_start3A_324 = tpu.memref_slice %arg11[%dma_start3A_322, %dma_start3A_323] : memref<4x128xi32, #tpu.memory_space<vmem>> -> memref<1x128xi32, #tpu.memory_space<vmem>>
          %dma_start3A_325 = tpu.memref_squeeze %dma_start3A_324 : memref<1x128xi32, #tpu.memory_space<vmem>> -> memref<128xi32, #tpu.memory_space<vmem>>
          %dma_start3A_326 = arith.constant 0 : i32
          %dma_start3A_327 = tpu.memref_slice %arg4[%add3A_321, %dma_start3A_326] : memref<2560x128xi32, #tpu.memory_space<hbm>> -> memref<1x128xi32, #tpu.memory_space<hbm>>
          %dma_start3A_328 = tpu.memref_squeeze %dma_start3A_327 : memref<1x128xi32, #tpu.memory_space<hbm>> -> memref<128xi32, #tpu.memory_space<hbm>>
          %dma_start3A_329 = arith.constant 0 : i32
          %dma_start3A_330 = tpu.memref_slice %arg11[%dma_start3A_322, %dma_start3A_329] : memref<4x128xi32, #tpu.memory_space<vmem>> -> memref<1x128xi32, #tpu.memory_space<vmem>>
          %dma_start3A_331 = tpu.memref_squeeze %dma_start3A_330 : memref<1x128xi32, #tpu.memory_space<vmem>> -> memref<128xi32, #tpu.memory_space<vmem>>
          %dma_start3A_332 = arith.constant 0 : i32
          %dma_start3A_333 = tpu.memref_slice %arg4[%add3A_321, %dma_start3A_332] : memref<2560x128xi32, #tpu.memory_space<hbm>> -> memref<1x128xi32, #tpu.memory_space<hbm>>
          %dma_start3A_334 = tpu.memref_squeeze %dma_start3A_333 : memref<1x128xi32, #tpu.memory_space<hbm>> -> memref<128xi32, #tpu.memory_space<hbm>>
          tpu.enqueue_dma source(%dma_start3A_334 : memref<128xi32, #tpu.memory_space<hbm>>) target(%dma_start3A_331 : memref<128xi32, #tpu.memory_space<vmem>>) target_semaphore(%arg17 : memref<!tpu.dma_semaphore, #tpu.memory_space<semaphore_mem>>)
          %dma_start3A_335 = arith.constant 3 : i32
          %dma_start3A_336 = arith.constant 0 : i32
          %dma_start3A_337 = tpu.memref_slice %arg12[%dma_start3A_335, %dma_start3A_336] : memref<4x128xi32, #tpu.memory_space<vmem>> -> memref<1x128xi32, #tpu.memory_space<vmem>>
          %dma_start3A_338 = tpu.memref_squeeze %dma_start3A_337 : memref<1x128xi32, #tpu.memory_space<vmem>> -> memref<128xi32, #tpu.memory_space<vmem>>
          %dma_start3A_339 = arith.constant 0 : i32
          %dma_start3A_340 = tpu.memref_slice %arg5[%add3A_321, %dma_start3A_339] : memref<2560x128xi32, #tpu.memory_space<hbm>> -> memref<1x128xi32, #tpu.memory_space<hbm>>
          %dma_start3A_341 = tpu.memref_squeeze %dma_start3A_340 : memref<1x128xi32, #tpu.memory_space<hbm>> -> memref<128xi32, #tpu.memory_space<hbm>>
          %dma_start3A_342 = arith.constant 0 : i32
          %dma_start3A_343 = tpu.memref_slice %arg12[%dma_start3A_335, %dma_start3A_342] : memref<4x128xi32, #tpu.memory_space<vmem>> -> memref<1x128xi32, #tpu.memory_space<vmem>>
          %dma_start3A_344 = tpu.memref_squeeze %dma_start3A_343 : memref<1x128xi32, #tpu.memory_space<vmem>> -> memref<128xi32, #tpu.memory_space<vmem>>
          %dma_start3A_345 = arith.constant 0 : i32
          %dma_start3A_346 = tpu.memref_slice %arg5[%add3A_321, %dma_start3A_345] : memref<2560x128xi32, #tpu.memory_space<hbm>> -> memref<1x128xi32, #tpu.memory_space<hbm>>
          %dma_start3A_347 = tpu.memref_squeeze %dma_start3A_346 : memref<1x128xi32, #tpu.memory_space<hbm>> -> memref<128xi32, #tpu.memory_space<hbm>>
          tpu.enqueue_dma source(%dma_start3A_347 : memref<128xi32, #tpu.memory_space<hbm>>) target(%dma_start3A_344 : memref<128xi32, #tpu.memory_space<vmem>>) target_semaphore(%arg17 : memref<!tpu.dma_semaphore, #tpu.memory_space<semaphore_mem>>)
        } else {
        }
      }
      %scan3A_60 = arith.constant 40 : i32
    } else {
    }
    %eq3A_3 = arith.constant 1 : i32
    %eq3A_4 = arith.cmpi eq, %arg0, %eq3A_3 : i32
    %convert_element_type3A_5 = arith.extui %eq3A_4 : i1 to i32
    %cond3A_6 = arith.constant 0 : i32
    %cond3A_7 = arith.cmpi ne, %convert_element_type3A_5, %cond3A_6 : i32
    scf.if %cond3A_7 {
      %add3A = arith.constant 0 : i32
      %add3A_19 = arith.addi %arg1, %add3A : i32
      %run_scoped3A = arith.constant 0 : i32
      "tpu.region"() ({
        %run_scoped3A_61 = tpu.sem_alloc : memref<!tpu.dma_semaphore, #tpu.memory_space<semaphore_mem>>
        %dma_start3A_62 = arith.constant 0 : i32
        %dma_start3A_63 = tpu.memref_slice %arg11[%run_scoped3A, %dma_start3A_62] : memref<4x128xi32, #tpu.memory_space<vmem>> -> memref<1x128xi32, #tpu.memory_space<vmem>>
        %dma_start3A_64 = tpu.memref_squeeze %dma_start3A_63 : memref<1x128xi32, #tpu.memory_space<vmem>> -> memref<128xi32, #tpu.memory_space<vmem>>
        %dma_start3A_65 = arith.constant 0 : i32
        %dma_start3A_66 = tpu.memref_slice %arg6[%add3A_19, %dma_start3A_65] : memref<2560x128xi32, #tpu.memory_space<hbm>> -> memref<1x128xi32, #tpu.memory_space<hbm>>
        %dma_start3A_67 = tpu.memref_squeeze %dma_start3A_66 : memref<1x128xi32, #tpu.memory_space<hbm>> -> memref<128xi32, #tpu.memory_space<hbm>>
        %dma_start3A_68 = arith.constant 0 : i32
        %dma_start3A_69 = tpu.memref_slice %arg11[%run_scoped3A, %dma_start3A_68] : memref<4x128xi32, #tpu.memory_space<vmem>> -> memref<1x128xi32, #tpu.memory_space<vmem>>
        %dma_start3A_70 = tpu.memref_squeeze %dma_start3A_69 : memref<1x128xi32, #tpu.memory_space<vmem>> -> memref<128xi32, #tpu.memory_space<vmem>>
        %dma_start3A_71 = arith.constant 0 : i32
        %dma_start3A_72 = tpu.memref_slice %arg6[%add3A_19, %dma_start3A_71] : memref<2560x128xi32, #tpu.memory_space<hbm>> -> memref<1x128xi32, #tpu.memory_space<hbm>>
        %dma_start3A_73 = tpu.memref_squeeze %dma_start3A_72 : memref<1x128xi32, #tpu.memory_space<hbm>> -> memref<128xi32, #tpu.memory_space<hbm>>
        tpu.enqueue_dma source(%dma_start3A_73 : memref<128xi32, #tpu.memory_space<hbm>>) target(%dma_start3A_70 : memref<128xi32, #tpu.memory_space<vmem>>) target_semaphore(%run_scoped3A_61 : memref<!tpu.dma_semaphore, #tpu.memory_space<semaphore_mem>>)
        %dma_wait3A = arith.constant 0 : i32
        %dma_wait3A_74 = tpu.memref_slice %arg11[%run_scoped3A, %dma_wait3A] : memref<4x128xi32, #tpu.memory_space<vmem>> -> memref<1x128xi32, #tpu.memory_space<vmem>>
        %dma_wait3A_75 = tpu.memref_squeeze %dma_wait3A_74 : memref<1x128xi32, #tpu.memory_space<vmem>> -> memref<128xi32, #tpu.memory_space<vmem>>
        %dma_wait3A_76 = arith.constant 0 : i32
        %dma_wait3A_77 = tpu.memref_slice %arg6[%add3A_19, %dma_wait3A_76] : memref<2560x128xi32, #tpu.memory_space<hbm>> -> memref<1x128xi32, #tpu.memory_space<hbm>>
        %dma_wait3A_78 = tpu.memref_squeeze %dma_wait3A_77 : memref<1x128xi32, #tpu.memory_space<hbm>> -> memref<128xi32, #tpu.memory_space<hbm>>
        %dma_wait3A_79 = arith.constant 0 : i32
        %dma_wait3A_80 = tpu.memref_slice %arg11[%run_scoped3A, %dma_wait3A_79] : memref<4x128xi32, #tpu.memory_space<vmem>> -> memref<1x128xi32, #tpu.memory_space<vmem>>
        %dma_wait3A_81 = tpu.memref_squeeze %dma_wait3A_80 : memref<1x128xi32, #tpu.memory_space<vmem>> -> memref<128xi32, #tpu.memory_space<vmem>>
        %dma_wait3A_82 = arith.constant 0 : i32
        %dma_wait3A_83 = tpu.memref_slice %arg6[%add3A_19, %dma_wait3A_82] : memref<2560x128xi32, #tpu.memory_space<hbm>> -> memref<1x128xi32, #tpu.memory_space<hbm>>
        %dma_wait3A_84 = tpu.memref_squeeze %dma_wait3A_83 : memref<1x128xi32, #tpu.memory_space<hbm>> -> memref<128xi32, #tpu.memory_space<hbm>>
        tpu.wait_dma2 semaphore(%run_scoped3A_61 : memref<!tpu.dma_semaphore, #tpu.memory_space<semaphore_mem>>) src(%dma_wait3A_84 : memref<128xi32, #tpu.memory_space<hbm>>) dst(%dma_wait3A_81 : memref<128xi32, #tpu.memory_space<vmem>>)
        tpu.yield
      }) : () -> ()
      %run_scoped3A_20 = arith.constant 0 : i32
      "tpu.region"() ({
        %run_scoped3A_61 = tpu.sem_alloc : memref<!tpu.dma_semaphore, #tpu.memory_space<semaphore_mem>>
        %dma_start3A_62 = arith.constant 0 : i32
        %dma_start3A_63 = tpu.memref_slice %arg12[%run_scoped3A_20, %dma_start3A_62] : memref<4x128xi32, #tpu.memory_space<vmem>> -> memref<1x128xi32, #tpu.memory_space<vmem>>
        %dma_start3A_64 = tpu.memref_squeeze %dma_start3A_63 : memref<1x128xi32, #tpu.memory_space<vmem>> -> memref<128xi32, #tpu.memory_space<vmem>>
        %dma_start3A_65 = arith.constant 0 : i32
        %dma_start3A_66 = tpu.memref_slice %arg7[%add3A_19, %dma_start3A_65] : memref<2560x128xi32, #tpu.memory_space<hbm>> -> memref<1x128xi32, #tpu.memory_space<hbm>>
        %dma_start3A_67 = tpu.memref_squeeze %dma_start3A_66 : memref<1x128xi32, #tpu.memory_space<hbm>> -> memref<128xi32, #tpu.memory_space<hbm>>
        %dma_start3A_68 = arith.constant 0 : i32
        %dma_start3A_69 = tpu.memref_slice %arg12[%run_scoped3A_20, %dma_start3A_68] : memref<4x128xi32, #tpu.memory_space<vmem>> -> memref<1x128xi32, #tpu.memory_space<vmem>>
        %dma_start3A_70 = tpu.memref_squeeze %dma_start3A_69 : memref<1x128xi32, #tpu.memory_space<vmem>> -> memref<128xi32, #tpu.memory_space<vmem>>
        %dma_start3A_71 = arith.constant 0 : i32
        %dma_start3A_72 = tpu.memref_slice %arg7[%add3A_19, %dma_start3A_71] : memref<2560x128xi32, #tpu.memory_space<hbm>> -> memref<1x128xi32, #tpu.memory_space<hbm>>
        %dma_start3A_73 = tpu.memref_squeeze %dma_start3A_72 : memref<1x128xi32, #tpu.memory_space<hbm>> -> memref<128xi32, #tpu.memory_space<hbm>>
        tpu.enqueue_dma source(%dma_start3A_73 : memref<128xi32, #tpu.memory_space<hbm>>) target(%dma_start3A_70 : memref<128xi32, #tpu.memory_space<vmem>>) target_semaphore(%run_scoped3A_61 : memref<!tpu.dma_semaphore, #tpu.memory_space<semaphore_mem>>)
        %dma_wait3A = arith.constant 0 : i32
        %dma_wait3A_74 = tpu.memref_slice %arg12[%run_scoped3A_20, %dma_wait3A] : memref<4x128xi32, #tpu.memory_space<vmem>> -> memref<1x128xi32, #tpu.memory_space<vmem>>
        %dma_wait3A_75 = tpu.memref_squeeze %dma_wait3A_74 : memref<1x128xi32, #tpu.memory_space<vmem>> -> memref<128xi32, #tpu.memory_space<vmem>>
        %dma_wait3A_76 = arith.constant 0 : i32
        %dma_wait3A_77 = tpu.memref_slice %arg7[%add3A_19, %dma_wait3A_76] : memref<2560x128xi32, #tpu.memory_space<hbm>> -> memref<1x128xi32, #tpu.memory_space<hbm>>
        %dma_wait3A_78 = tpu.memref_squeeze %dma_wait3A_77 : memref<1x128xi32, #tpu.memory_space<hbm>> -> memref<128xi32, #tpu.memory_space<hbm>>
        %dma_wait3A_79 = arith.constant 0 : i32
        %dma_wait3A_80 = tpu.memref_slice %arg12[%run_scoped3A_20, %dma_wait3A_79] : memref<4x128xi32, #tpu.memory_space<vmem>> -> memref<1x128xi32, #tpu.memory_space<vmem>>
        %dma_wait3A_81 = tpu.memref_squeeze %dma_wait3A_80 : memref<1x128xi32, #tpu.memory_space<vmem>> -> memref<128xi32, #tpu.memory_space<vmem>>
        %dma_wait3A_82 = arith.constant 0 : i32
        %dma_wait3A_83 = tpu.memref_slice %arg7[%add3A_19, %dma_wait3A_82] : memref<2560x128xi32, #tpu.memory_space<hbm>> -> memref<1x128xi32, #tpu.memory_space<hbm>>
        %dma_wait3A_84 = tpu.memref_squeeze %dma_wait3A_83 : memref<1x128xi32, #tpu.memory_space<hbm>> -> memref<128xi32, #tpu.memory_space<hbm>>
        tpu.wait_dma2 semaphore(%run_scoped3A_61 : memref<!tpu.dma_semaphore, #tpu.memory_space<semaphore_mem>>) src(%dma_wait3A_84 : memref<128xi32, #tpu.memory_space<hbm>>) dst(%dma_wait3A_81 : memref<128xi32, #tpu.memory_space<vmem>>)
        tpu.yield
      }) : () -> ()
      %add3A_21 = arith.constant 16 : i32
      %add3A_22 = arith.addi %arg1, %add3A_21 : i32
      %run_scoped3A_23 = arith.constant 1 : i32
      "tpu.region"() ({
        %run_scoped3A_61 = tpu.sem_alloc : memref<!tpu.dma_semaphore, #tpu.memory_space<semaphore_mem>>
        %dma_start3A_62 = arith.constant 0 : i32
        %dma_start3A_63 = tpu.memref_slice %arg11[%run_scoped3A_23, %dma_start3A_62] : memref<4x128xi32, #tpu.memory_space<vmem>> -> memref<1x128xi32, #tpu.memory_space<vmem>>
        %dma_start3A_64 = tpu.memref_squeeze %dma_start3A_63 : memref<1x128xi32, #tpu.memory_space<vmem>> -> memref<128xi32, #tpu.memory_space<vmem>>
        %dma_start3A_65 = arith.constant 0 : i32
        %dma_start3A_66 = tpu.memref_slice %arg6[%add3A_22, %dma_start3A_65] : memref<2560x128xi32, #tpu.memory_space<hbm>> -> memref<1x128xi32, #tpu.memory_space<hbm>>
        %dma_start3A_67 = tpu.memref_squeeze %dma_start3A_66 : memref<1x128xi32, #tpu.memory_space<hbm>> -> memref<128xi32, #tpu.memory_space<hbm>>
        %dma_start3A_68 = arith.constant 0 : i32
        %dma_start3A_69 = tpu.memref_slice %arg11[%run_scoped3A_23, %dma_start3A_68] : memref<4x128xi32, #tpu.memory_space<vmem>> -> memref<1x128xi32, #tpu.memory_space<vmem>>
        %dma_start3A_70 = tpu.memref_squeeze %dma_start3A_69 : memref<1x128xi32, #tpu.memory_space<vmem>> -> memref<128xi32, #tpu.memory_space<vmem>>
        %dma_start3A_71 = arith.constant 0 : i32
        %dma_start3A_72 = tpu.memref_slice %arg6[%add3A_22, %dma_start3A_71] : memref<2560x128xi32, #tpu.memory_space<hbm>> -> memref<1x128xi32, #tpu.memory_space<hbm>>
        %dma_start3A_73 = tpu.memref_squeeze %dma_start3A_72 : memref<1x128xi32, #tpu.memory_space<hbm>> -> memref<128xi32, #tpu.memory_space<hbm>>
        tpu.enqueue_dma source(%dma_start3A_73 : memref<128xi32, #tpu.memory_space<hbm>>) target(%dma_start3A_70 : memref<128xi32, #tpu.memory_space<vmem>>) target_semaphore(%run_scoped3A_61 : memref<!tpu.dma_semaphore, #tpu.memory_space<semaphore_mem>>)
        %dma_wait3A = arith.constant 0 : i32
        %dma_wait3A_74 = tpu.memref_slice %arg11[%run_scoped3A_23, %dma_wait3A] : memref<4x128xi32, #tpu.memory_space<vmem>> -> memref<1x128xi32, #tpu.memory_space<vmem>>
        %dma_wait3A_75 = tpu.memref_squeeze %dma_wait3A_74 : memref<1x128xi32, #tpu.memory_space<vmem>> -> memref<128xi32, #tpu.memory_space<vmem>>
        %dma_wait3A_76 = arith.constant 0 : i32
        %dma_wait3A_77 = tpu.memref_slice %arg6[%add3A_22, %dma_wait3A_76] : memref<2560x128xi32, #tpu.memory_space<hbm>> -> memref<1x128xi32, #tpu.memory_space<hbm>>
        %dma_wait3A_78 = tpu.memref_squeeze %dma_wait3A_77 : memref<1x128xi32, #tpu.memory_space<hbm>> -> memref<128xi32, #tpu.memory_space<hbm>>
        %dma_wait3A_79 = arith.constant 0 : i32
        %dma_wait3A_80 = tpu.memref_slice %arg11[%run_scoped3A_23, %dma_wait3A_79] : memref<4x128xi32, #tpu.memory_space<vmem>> -> memref<1x128xi32, #tpu.memory_space<vmem>>
        %dma_wait3A_81 = tpu.memref_squeeze %dma_wait3A_80 : memref<1x128xi32, #tpu.memory_space<vmem>> -> memref<128xi32, #tpu.memory_space<vmem>>
        %dma_wait3A_82 = arith.constant 0 : i32
        %dma_wait3A_83 = tpu.memref_slice %arg6[%add3A_22, %dma_wait3A_82] : memref<2560x128xi32, #tpu.memory_space<hbm>> -> memref<1x128xi32, #tpu.memory_space<hbm>>
        %dma_wait3A_84 = tpu.memref_squeeze %dma_wait3A_83 : memref<1x128xi32, #tpu.memory_space<hbm>> -> memref<128xi32, #tpu.memory_space<hbm>>
        tpu.wait_dma2 semaphore(%run_scoped3A_61 : memref<!tpu.dma_semaphore, #tpu.memory_space<semaphore_mem>>) src(%dma_wait3A_84 : memref<128xi32, #tpu.memory_space<hbm>>) dst(%dma_wait3A_81 : memref<128xi32, #tpu.memory_space<vmem>>)
        tpu.yield
      }) : () -> ()
      %run_scoped3A_24 = arith.constant 1 : i32
      "tpu.region"() ({
        %run_scoped3A_61 = tpu.sem_alloc : memref<!tpu.dma_semaphore, #tpu.memory_space<semaphore_mem>>
        %dma_start3A_62 = arith.constant 0 : i32
        %dma_start3A_63 = tpu.memref_slice %arg12[%run_scoped3A_24, %dma_start3A_62] : memref<4x128xi32, #tpu.memory_space<vmem>> -> memref<1x128xi32, #tpu.memory_space<vmem>>
        %dma_start3A_64 = tpu.memref_squeeze %dma_start3A_63 : memref<1x128xi32, #tpu.memory_space<vmem>> -> memref<128xi32, #tpu.memory_space<vmem>>
        %dma_start3A_65 = arith.constant 0 : i32
        %dma_start3A_66 = tpu.memref_slice %arg7[%add3A_22, %dma_start3A_65] : memref<2560x128xi32, #tpu.memory_space<hbm>> -> memref<1x128xi32, #tpu.memory_space<hbm>>
        %dma_start3A_67 = tpu.memref_squeeze %dma_start3A_66 : memref<1x128xi32, #tpu.memory_space<hbm>> -> memref<128xi32, #tpu.memory_space<hbm>>
        %dma_start3A_68 = arith.constant 0 : i32
        %dma_start3A_69 = tpu.memref_slice %arg12[%run_scoped3A_24, %dma_start3A_68] : memref<4x128xi32, #tpu.memory_space<vmem>> -> memref<1x128xi32, #tpu.memory_space<vmem>>
        %dma_start3A_70 = tpu.memref_squeeze %dma_start3A_69 : memref<1x128xi32, #tpu.memory_space<vmem>> -> memref<128xi32, #tpu.memory_space<vmem>>
        %dma_start3A_71 = arith.constant 0 : i32
        %dma_start3A_72 = tpu.memref_slice %arg7[%add3A_22, %dma_start3A_71] : memref<2560x128xi32, #tpu.memory_space<hbm>> -> memref<1x128xi32, #tpu.memory_space<hbm>>
        %dma_start3A_73 = tpu.memref_squeeze %dma_start3A_72 : memref<1x128xi32, #tpu.memory_space<hbm>> -> memref<128xi32, #tpu.memory_space<hbm>>
        tpu.enqueue_dma source(%dma_start3A_73 : memref<128xi32, #tpu.memory_space<hbm>>) target(%dma_start3A_70 : memref<128xi32, #tpu.memory_space<vmem>>) target_semaphore(%run_scoped3A_61 : memref<!tpu.dma_semaphore, #tpu.memory_space<semaphore_mem>>)
        %dma_wait3A = arith.constant 0 : i32
        %dma_wait3A_74 = tpu.memref_slice %arg12[%run_scoped3A_24, %dma_wait3A] : memref<4x128xi32, #tpu.memory_space<vmem>> -> memref<1x128xi32, #tpu.memory_space<vmem>>
        %dma_wait3A_75 = tpu.memref_squeeze %dma_wait3A_74 : memref<1x128xi32, #tpu.memory_space<vmem>> -> memref<128xi32, #tpu.memory_space<vmem>>
        %dma_wait3A_76 = arith.constant 0 : i32
        %dma_wait3A_77 = tpu.memref_slice %arg7[%add3A_22, %dma_wait3A_76] : memref<2560x128xi32, #tpu.memory_space<hbm>> -> memref<1x128xi32, #tpu.memory_space<hbm>>
        %dma_wait3A_78 = tpu.memref_squeeze %dma_wait3A_77 : memref<1x128xi32, #tpu.memory_space<hbm>> -> memref<128xi32, #tpu.memory_space<hbm>>
        %dma_wait3A_79 = arith.constant 0 : i32
        %dma_wait3A_80 = tpu.memref_slice %arg12[%run_scoped3A_24, %dma_wait3A_79] : memref<4x128xi32, #tpu.memory_space<vmem>> -> memref<1x128xi32, #tpu.memory_space<vmem>>
        %dma_wait3A_81 = tpu.memref_squeeze %dma_wait3A_80 : memref<1x128xi32, #tpu.memory_space<vmem>> -> memref<128xi32, #tpu.memory_space<vmem>>
        %dma_wait3A_82 = arith.constant 0 : i32
        %dma_wait3A_83 = tpu.memref_slice %arg7[%add3A_22, %dma_wait3A_82] : memref<2560x128xi32, #tpu.memory_space<hbm>> -> memref<1x128xi32, #tpu.memory_space<hbm>>
        %dma_wait3A_84 = tpu.memref_squeeze %dma_wait3A_83 : memref<1x128xi32, #tpu.memory_space<hbm>> -> memref<128xi32, #tpu.memory_space<hbm>>
        tpu.wait_dma2 semaphore(%run_scoped3A_61 : memref<!tpu.dma_semaphore, #tpu.memory_space<semaphore_mem>>) src(%dma_wait3A_84 : memref<128xi32, #tpu.memory_space<hbm>>) dst(%dma_wait3A_81 : memref<128xi32, #tpu.memory_space<vmem>>)
        tpu.yield
      }) : () -> ()
      %add3A_25 = arith.constant 32 : i32
      %add3A_26 = arith.addi %arg1, %add3A_25 : i32
      %run_scoped3A_27 = arith.constant 2 : i32
      "tpu.region"() ({
        %run_scoped3A_61 = tpu.sem_alloc : memref<!tpu.dma_semaphore, #tpu.memory_space<semaphore_mem>>
        %dma_start3A_62 = arith.constant 0 : i32
        %dma_start3A_63 = tpu.memref_slice %arg11[%run_scoped3A_27, %dma_start3A_62] : memref<4x128xi32, #tpu.memory_space<vmem>> -> memref<1x128xi32, #tpu.memory_space<vmem>>
        %dma_start3A_64 = tpu.memref_squeeze %dma_start3A_63 : memref<1x128xi32, #tpu.memory_space<vmem>> -> memref<128xi32, #tpu.memory_space<vmem>>
        %dma_start3A_65 = arith.constant 0 : i32
        %dma_start3A_66 = tpu.memref_slice %arg6[%add3A_26, %dma_start3A_65] : memref<2560x128xi32, #tpu.memory_space<hbm>> -> memref<1x128xi32, #tpu.memory_space<hbm>>
        %dma_start3A_67 = tpu.memref_squeeze %dma_start3A_66 : memref<1x128xi32, #tpu.memory_space<hbm>> -> memref<128xi32, #tpu.memory_space<hbm>>
        %dma_start3A_68 = arith.constant 0 : i32
        %dma_start3A_69 = tpu.memref_slice %arg11[%run_scoped3A_27, %dma_start3A_68] : memref<4x128xi32, #tpu.memory_space<vmem>> -> memref<1x128xi32, #tpu.memory_space<vmem>>
        %dma_start3A_70 = tpu.memref_squeeze %dma_start3A_69 : memref<1x128xi32, #tpu.memory_space<vmem>> -> memref<128xi32, #tpu.memory_space<vmem>>
        %dma_start3A_71 = arith.constant 0 : i32
        %dma_start3A_72 = tpu.memref_slice %arg6[%add3A_26, %dma_start3A_71] : memref<2560x128xi32, #tpu.memory_space<hbm>> -> memref<1x128xi32, #tpu.memory_space<hbm>>
        %dma_start3A_73 = tpu.memref_squeeze %dma_start3A_72 : memref<1x128xi32, #tpu.memory_space<hbm>> -> memref<128xi32, #tpu.memory_space<hbm>>
        tpu.enqueue_dma source(%dma_start3A_73 : memref<128xi32, #tpu.memory_space<hbm>>) target(%dma_start3A_70 : memref<128xi32, #tpu.memory_space<vmem>>) target_semaphore(%run_scoped3A_61 : memref<!tpu.dma_semaphore, #tpu.memory_space<semaphore_mem>>)
        %dma_wait3A = arith.constant 0 : i32
        %dma_wait3A_74 = tpu.memref_slice %arg11[%run_scoped3A_27, %dma_wait3A] : memref<4x128xi32, #tpu.memory_space<vmem>> -> memref<1x128xi32, #tpu.memory_space<vmem>>
        %dma_wait3A_75 = tpu.memref_squeeze %dma_wait3A_74 : memref<1x128xi32, #tpu.memory_space<vmem>> -> memref<128xi32, #tpu.memory_space<vmem>>
        %dma_wait3A_76 = arith.constant 0 : i32
        %dma_wait3A_77 = tpu.memref_slice %arg6[%add3A_26, %dma_wait3A_76] : memref<2560x128xi32, #tpu.memory_space<hbm>> -> memref<1x128xi32, #tpu.memory_space<hbm>>
        %dma_wait3A_78 = tpu.memref_squeeze %dma_wait3A_77 : memref<1x128xi32, #tpu.memory_space<hbm>> -> memref<128xi32, #tpu.memory_space<hbm>>
        %dma_wait3A_79 = arith.constant 0 : i32
        %dma_wait3A_80 = tpu.memref_slice %arg11[%run_scoped3A_27, %dma_wait3A_79] : memref<4x128xi32, #tpu.memory_space<vmem>> -> memref<1x128xi32, #tpu.memory_space<vmem>>
        %dma_wait3A_81 = tpu.memref_squeeze %dma_wait3A_80 : memref<1x128xi32, #tpu.memory_space<vmem>> -> memref<128xi32, #tpu.memory_space<vmem>>
        %dma_wait3A_82 = arith.constant 0 : i32
        %dma_wait3A_83 = tpu.memref_slice %arg6[%add3A_26, %dma_wait3A_82] : memref<2560x128xi32, #tpu.memory_space<hbm>> -> memref<1x128xi32, #tpu.memory_space<hbm>>
        %dma_wait3A_84 = tpu.memref_squeeze %dma_wait3A_83 : memref<1x128xi32, #tpu.memory_space<hbm>> -> memref<128xi32, #tpu.memory_space<hbm>>
        tpu.wait_dma2 semaphore(%run_scoped3A_61 : memref<!tpu.dma_semaphore, #tpu.memory_space<semaphore_mem>>) src(%dma_wait3A_84 : memref<128xi32, #tpu.memory_space<hbm>>) dst(%dma_wait3A_81 : memref<128xi32, #tpu.memory_space<vmem>>)
        tpu.yield
      }) : () -> ()
      %run_scoped3A_28 = arith.constant 2 : i32
      "tpu.region"() ({
        %run_scoped3A_61 = tpu.sem_alloc : memref<!tpu.dma_semaphore, #tpu.memory_space<semaphore_mem>>
        %dma_start3A_62 = arith.constant 0 : i32
        %dma_start3A_63 = tpu.memref_slice %arg12[%run_scoped3A_28, %dma_start3A_62] : memref<4x128xi32, #tpu.memory_space<vmem>> -> memref<1x128xi32, #tpu.memory_space<vmem>>
        %dma_start3A_64 = tpu.memref_squeeze %dma_start3A_63 : memref<1x128xi32, #tpu.memory_space<vmem>> -> memref<128xi32, #tpu.memory_space<vmem>>
        %dma_start3A_65 = arith.constant 0 : i32
        %dma_start3A_66 = tpu.memref_slice %arg7[%add3A_26, %dma_start3A_65] : memref<2560x128xi32, #tpu.memory_space<hbm>> -> memref<1x128xi32, #tpu.memory_space<hbm>>
        %dma_start3A_67 = tpu.memref_squeeze %dma_start3A_66 : memref<1x128xi32, #tpu.memory_space<hbm>> -> memref<128xi32, #tpu.memory_space<hbm>>
        %dma_start3A_68 = arith.constant 0 : i32
        %dma_start3A_69 = tpu.memref_slice %arg12[%run_scoped3A_28, %dma_start3A_68] : memref<4x128xi32, #tpu.memory_space<vmem>> -> memref<1x128xi32, #tpu.memory_space<vmem>>
        %dma_start3A_70 = tpu.memref_squeeze %dma_start3A_69 : memref<1x128xi32, #tpu.memory_space<vmem>> -> memref<128xi32, #tpu.memory_space<vmem>>
        %dma_start3A_71 = arith.constant 0 : i32
        %dma_start3A_72 = tpu.memref_slice %arg7[%add3A_26, %dma_start3A_71] : memref<2560x128xi32, #tpu.memory_space<hbm>> -> memref<1x128xi32, #tpu.memory_space<hbm>>
        %dma_start3A_73 = tpu.memref_squeeze %dma_start3A_72 : memref<1x128xi32, #tpu.memory_space<hbm>> -> memref<128xi32, #tpu.memory_space<hbm>>
        tpu.enqueue_dma source(%dma_start3A_73 : memref<128xi32, #tpu.memory_space<hbm>>) target(%dma_start3A_70 : memref<128xi32, #tpu.memory_space<vmem>>) target_semaphore(%run_scoped3A_61 : memref<!tpu.dma_semaphore, #tpu.memory_space<semaphore_mem>>)
        %dma_wait3A = arith.constant 0 : i32
        %dma_wait3A_74 = tpu.memref_slice %arg12[%run_scoped3A_28, %dma_wait3A] : memref<4x128xi32, #tpu.memory_space<vmem>> -> memref<1x128xi32, #tpu.memory_space<vmem>>
        %dma_wait3A_75 = tpu.memref_squeeze %dma_wait3A_74 : memref<1x128xi32, #tpu.memory_space<vmem>> -> memref<128xi32, #tpu.memory_space<vmem>>
        %dma_wait3A_76 = arith.constant 0 : i32
        %dma_wait3A_77 = tpu.memref_slice %arg7[%add3A_26, %dma_wait3A_76] : memref<2560x128xi32, #tpu.memory_space<hbm>> -> memref<1x128xi32, #tpu.memory_space<hbm>>
        %dma_wait3A_78 = tpu.memref_squeeze %dma_wait3A_77 : memref<1x128xi32, #tpu.memory_space<hbm>> -> memref<128xi32, #tpu.memory_space<hbm>>
        %dma_wait3A_79 = arith.constant 0 : i32
        %dma_wait3A_80 = tpu.memref_slice %arg12[%run_scoped3A_28, %dma_wait3A_79] : memref<4x128xi32, #tpu.memory_space<vmem>> -> memref<1x128xi32, #tpu.memory_space<vmem>>
        %dma_wait3A_81 = tpu.memref_squeeze %dma_wait3A_80 : memref<1x128xi32, #tpu.memory_space<vmem>> -> memref<128xi32, #tpu.memory_space<vmem>>
        %dma_wait3A_82 = arith.constant 0 : i32
        %dma_wait3A_83 = tpu.memref_slice %arg7[%add3A_26, %dma_wait3A_82] : memref<2560x128xi32, #tpu.memory_space<hbm>> -> memref<1x128xi32, #tpu.memory_space<hbm>>
        %dma_wait3A_84 = tpu.memref_squeeze %dma_wait3A_83 : memref<1x128xi32, #tpu.memory_space<hbm>> -> memref<128xi32, #tpu.memory_space<hbm>>
        tpu.wait_dma2 semaphore(%run_scoped3A_61 : memref<!tpu.dma_semaphore, #tpu.memory_space<semaphore_mem>>) src(%dma_wait3A_84 : memref<128xi32, #tpu.memory_space<hbm>>) dst(%dma_wait3A_81 : memref<128xi32, #tpu.memory_space<vmem>>)
        tpu.yield
      }) : () -> ()
      %add3A_29 = arith.constant 48 : i32
      %add3A_30 = arith.addi %arg1, %add3A_29 : i32
      %run_scoped3A_31 = arith.constant 3 : i32
      "tpu.region"() ({
        %run_scoped3A_61 = tpu.sem_alloc : memref<!tpu.dma_semaphore, #tpu.memory_space<semaphore_mem>>
        %dma_start3A_62 = arith.constant 0 : i32
        %dma_start3A_63 = tpu.memref_slice %arg11[%run_scoped3A_31, %dma_start3A_62] : memref<4x128xi32, #tpu.memory_space<vmem>> -> memref<1x128xi32, #tpu.memory_space<vmem>>
        %dma_start3A_64 = tpu.memref_squeeze %dma_start3A_63 : memref<1x128xi32, #tpu.memory_space<vmem>> -> memref<128xi32, #tpu.memory_space<vmem>>
        %dma_start3A_65 = arith.constant 0 : i32
        %dma_start3A_66 = tpu.memref_slice %arg6[%add3A_30, %dma_start3A_65] : memref<2560x128xi32, #tpu.memory_space<hbm>> -> memref<1x128xi32, #tpu.memory_space<hbm>>
        %dma_start3A_67 = tpu.memref_squeeze %dma_start3A_66 : memref<1x128xi32, #tpu.memory_space<hbm>> -> memref<128xi32, #tpu.memory_space<hbm>>
        %dma_start3A_68 = arith.constant 0 : i32
        %dma_start3A_69 = tpu.memref_slice %arg11[%run_scoped3A_31, %dma_start3A_68] : memref<4x128xi32, #tpu.memory_space<vmem>> -> memref<1x128xi32, #tpu.memory_space<vmem>>
        %dma_start3A_70 = tpu.memref_squeeze %dma_start3A_69 : memref<1x128xi32, #tpu.memory_space<vmem>> -> memref<128xi32, #tpu.memory_space<vmem>>
        %dma_start3A_71 = arith.constant 0 : i32
        %dma_start3A_72 = tpu.memref_slice %arg6[%add3A_30, %dma_start3A_71] : memref<2560x128xi32, #tpu.memory_space<hbm>> -> memref<1x128xi32, #tpu.memory_space<hbm>>
        %dma_start3A_73 = tpu.memref_squeeze %dma_start3A_72 : memref<1x128xi32, #tpu.memory_space<hbm>> -> memref<128xi32, #tpu.memory_space<hbm>>
        tpu.enqueue_dma source(%dma_start3A_73 : memref<128xi32, #tpu.memory_space<hbm>>) target(%dma_start3A_70 : memref<128xi32, #tpu.memory_space<vmem>>) target_semaphore(%run_scoped3A_61 : memref<!tpu.dma_semaphore, #tpu.memory_space<semaphore_mem>>)
        %dma_wait3A = arith.constant 0 : i32
        %dma_wait3A_74 = tpu.memref_slice %arg11[%run_scoped3A_31, %dma_wait3A] : memref<4x128xi32, #tpu.memory_space<vmem>> -> memref<1x128xi32, #tpu.memory_space<vmem>>
        %dma_wait3A_75 = tpu.memref_squeeze %dma_wait3A_74 : memref<1x128xi32, #tpu.memory_space<vmem>> -> memref<128xi32, #tpu.memory_space<vmem>>
        %dma_wait3A_76 = arith.constant 0 : i32
        %dma_wait3A_77 = tpu.memref_slice %arg6[%add3A_30, %dma_wait3A_76] : memref<2560x128xi32, #tpu.memory_space<hbm>> -> memref<1x128xi32, #tpu.memory_space<hbm>>
        %dma_wait3A_78 = tpu.memref_squeeze %dma_wait3A_77 : memref<1x128xi32, #tpu.memory_space<hbm>> -> memref<128xi32, #tpu.memory_space<hbm>>
        %dma_wait3A_79 = arith.constant 0 : i32
        %dma_wait3A_80 = tpu.memref_slice %arg11[%run_scoped3A_31, %dma_wait3A_79] : memref<4x128xi32, #tpu.memory_space<vmem>> -> memref<1x128xi32, #tpu.memory_space<vmem>>
        %dma_wait3A_81 = tpu.memref_squeeze %dma_wait3A_80 : memref<1x128xi32, #tpu.memory_space<vmem>> -> memref<128xi32, #tpu.memory_space<vmem>>
        %dma_wait3A_82 = arith.constant 0 : i32
        %dma_wait3A_83 = tpu.memref_slice %arg6[%add3A_30, %dma_wait3A_82] : memref<2560x128xi32, #tpu.memory_space<hbm>> -> memref<1x128xi32, #tpu.memory_space<hbm>>
        %dma_wait3A_84 = tpu.memref_squeeze %dma_wait3A_83 : memref<1x128xi32, #tpu.memory_space<hbm>> -> memref<128xi32, #tpu.memory_space<hbm>>
        tpu.wait_dma2 semaphore(%run_scoped3A_61 : memref<!tpu.dma_semaphore, #tpu.memory_space<semaphore_mem>>) src(%dma_wait3A_84 : memref<128xi32, #tpu.memory_space<hbm>>) dst(%dma_wait3A_81 : memref<128xi32, #tpu.memory_space<vmem>>)
        tpu.yield
      }) : () -> ()
      %run_scoped3A_32 = arith.constant 3 : i32
      "tpu.region"() ({
        %run_scoped3A_61 = tpu.sem_alloc : memref<!tpu.dma_semaphore, #tpu.memory_space<semaphore_mem>>
        %dma_start3A_62 = arith.constant 0 : i32
        %dma_start3A_63 = tpu.memref_slice %arg12[%run_scoped3A_32, %dma_start3A_62] : memref<4x128xi32, #tpu.memory_space<vmem>> -> memref<1x128xi32, #tpu.memory_space<vmem>>
        %dma_start3A_64 = tpu.memref_squeeze %dma_start3A_63 : memref<1x128xi32, #tpu.memory_space<vmem>> -> memref<128xi32, #tpu.memory_space<vmem>>
        %dma_start3A_65 = arith.constant 0 : i32
        %dma_start3A_66 = tpu.memref_slice %arg7[%add3A_30, %dma_start3A_65] : memref<2560x128xi32, #tpu.memory_space<hbm>> -> memref<1x128xi32, #tpu.memory_space<hbm>>
        %dma_start3A_67 = tpu.memref_squeeze %dma_start3A_66 : memref<1x128xi32, #tpu.memory_space<hbm>> -> memref<128xi32, #tpu.memory_space<hbm>>
        %dma_start3A_68 = arith.constant 0 : i32
        %dma_start3A_69 = tpu.memref_slice %arg12[%run_scoped3A_32, %dma_start3A_68] : memref<4x128xi32, #tpu.memory_space<vmem>> -> memref<1x128xi32, #tpu.memory_space<vmem>>
        %dma_start3A_70 = tpu.memref_squeeze %dma_start3A_69 : memref<1x128xi32, #tpu.memory_space<vmem>> -> memref<128xi32, #tpu.memory_space<vmem>>
        %dma_start3A_71 = arith.constant 0 : i32
        %dma_start3A_72 = tpu.memref_slice %arg7[%add3A_30, %dma_start3A_71] : memref<2560x128xi32, #tpu.memory_space<hbm>> -> memref<1x128xi32, #tpu.memory_space<hbm>>
        %dma_start3A_73 = tpu.memref_squeeze %dma_start3A_72 : memref<1x128xi32, #tpu.memory_space<hbm>> -> memref<128xi32, #tpu.memory_space<hbm>>
        tpu.enqueue_dma source(%dma_start3A_73 : memref<128xi32, #tpu.memory_space<hbm>>) target(%dma_start3A_70 : memref<128xi32, #tpu.memory_space<vmem>>) target_semaphore(%run_scoped3A_61 : memref<!tpu.dma_semaphore, #tpu.memory_space<semaphore_mem>>)
        %dma_wait3A = arith.constant 0 : i32
        %dma_wait3A_74 = tpu.memref_slice %arg12[%run_scoped3A_32, %dma_wait3A] : memref<4x128xi32, #tpu.memory_space<vmem>> -> memref<1x128xi32, #tpu.memory_space<vmem>>
        %dma_wait3A_75 = tpu.memref_squeeze %dma_wait3A_74 : memref<1x128xi32, #tpu.memory_space<vmem>> -> memref<128xi32, #tpu.memory_space<vmem>>
        %dma_wait3A_76 = arith.constant 0 : i32
        %dma_wait3A_77 = tpu.memref_slice %arg7[%add3A_30, %dma_wait3A_76] : memref<2560x128xi32, #tpu.memory_space<hbm>> -> memref<1x128xi32, #tpu.memory_space<hbm>>
        %dma_wait3A_78 = tpu.memref_squeeze %dma_wait3A_77 : memref<1x128xi32, #tpu.memory_space<hbm>> -> memref<128xi32, #tpu.memory_space<hbm>>
        %dma_wait3A_79 = arith.constant 0 : i32
        %dma_wait3A_80 = tpu.memref_slice %arg12[%run_scoped3A_32, %dma_wait3A_79] : memref<4x128xi32, #tpu.memory_space<vmem>> -> memref<1x128xi32, #tpu.memory_space<vmem>>
        %dma_wait3A_81 = tpu.memref_squeeze %dma_wait3A_80 : memref<1x128xi32, #tpu.memory_space<vmem>> -> memref<128xi32, #tpu.memory_space<vmem>>
        %dma_wait3A_82 = arith.constant 0 : i32
        %dma_wait3A_83 = tpu.memref_slice %arg7[%add3A_30, %dma_wait3A_82] : memref<2560x128xi32, #tpu.memory_space<hbm>> -> memref<1x128xi32, #tpu.memory_space<hbm>>
        %dma_wait3A_84 = tpu.memref_squeeze %dma_wait3A_83 : memref<1x128xi32, #tpu.memory_space<hbm>> -> memref<128xi32, #tpu.memory_space<hbm>>
        tpu.wait_dma2 semaphore(%run_scoped3A_61 : memref<!tpu.dma_semaphore, #tpu.memory_space<semaphore_mem>>) src(%dma_wait3A_84 : memref<128xi32, #tpu.memory_space<hbm>>) dst(%dma_wait3A_81 : memref<128xi32, #tpu.memory_space<vmem>>)
        tpu.yield
      }) : () -> ()
      %dma_start3A = arith.constant 0 : i32
      %dma_start3A_33 = arith.constant 0 : i32
      %dma_start3A_34 = arith.constant 0 : i32
      %dma_start3A_35 = arith.constant 0 : i32
      %dma_start3A_36 = tpu.memref_slice %arg13[%dma_start3A_33, %dma_start3A_34, %dma_start3A_35] : memref<2x128x128xf32, #tpu.memory_space<vmem>> -> memref<1x128x128xf32, #tpu.memory_space<vmem>>
      %dma_start3A_37 = tpu.memref_squeeze %dma_start3A_36 : memref<1x128x128xf32, #tpu.memory_space<vmem>> -> memref<128x128xf32, #tpu.memory_space<vmem>>
      %dma_start3A_38 = arith.constant 0 : i32
      %dma_start3A_39 = tpu.memref_slice %arg11[%dma_start3A, %dma_start3A_38] : memref<4x128xi32, #tpu.memory_space<vmem>> -> memref<1x128xi32, #tpu.memory_space<vmem>>
      %dma_start3A_40 = tpu.memref_squeeze %dma_start3A_39 : memref<1x128xi32, #tpu.memory_space<vmem>> -> memref<128xi32, #tpu.memory_space<vmem>>
      %dma_start3A_41 = arith.constant 0 : i32
      %dma_start3A_42 = arith.constant 0 : i32
      %dma_start3A_43 = tpu.memref_slice %arg3[%dma_start3A_41, %dma_start3A_42] : memref<10240x128xf32, #tpu.memory_space<hbm>> -> memref<10240x128xf32, #tpu.memory_space<hbm>>
      tpu.enqueue_indirect_dma source(%dma_start3A_43 : memref<10240x128xf32, #tpu.memory_space<hbm>>) target(%dma_start3A_37 : memref<128x128xf32, #tpu.memory_space<vmem>>) offsets(%dma_start3A_40 : memref<128xi32, #tpu.memory_space<vmem>>) semaphore(%arg14 : memref<!tpu.dma_semaphore, #tpu.memory_space<semaphore_mem>>)
      %dma_start3A_44 = arith.constant 1 : i32
      %dma_start3A_45 = arith.constant 1 : i32
      %dma_start3A_46 = arith.constant 0 : i32
      %dma_start3A_47 = arith.constant 0 : i32
      %dma_start3A_48 = tpu.memref_slice %arg13[%dma_start3A_45, %dma_start3A_46, %dma_start3A_47] : memref<2x128x128xf32, #tpu.memory_space<vmem>> -> memref<1x128x128xf32, #tpu.memory_space<vmem>>
      %dma_start3A_49 = tpu.memref_squeeze %dma_start3A_48 : memref<1x128x128xf32, #tpu.memory_space<vmem>> -> memref<128x128xf32, #tpu.memory_space<vmem>>
      %dma_start3A_50 = arith.constant 0 : i32
      %dma_start3A_51 = tpu.memref_slice %arg11[%dma_start3A_44, %dma_start3A_50] : memref<4x128xi32, #tpu.memory_space<vmem>> -> memref<1x128xi32, #tpu.memory_space<vmem>>
      %dma_start3A_52 = tpu.memref_squeeze %dma_start3A_51 : memref<1x128xi32, #tpu.memory_space<vmem>> -> memref<128xi32, #tpu.memory_space<vmem>>
      %dma_start3A_53 = arith.constant 0 : i32
      %dma_start3A_54 = arith.constant 0 : i32
      %dma_start3A_55 = tpu.memref_slice %arg3[%dma_start3A_53, %dma_start3A_54] : memref<10240x128xf32, #tpu.memory_space<hbm>> -> memref<10240x128xf32, #tpu.memory_space<hbm>>
      tpu.enqueue_indirect_dma source(%dma_start3A_55 : memref<10240x128xf32, #tpu.memory_space<hbm>>) target(%dma_start3A_49 : memref<128x128xf32, #tpu.memory_space<vmem>>) offsets(%dma_start3A_52 : memref<128xi32, #tpu.memory_space<vmem>>) semaphore(%arg15 : memref<!tpu.dma_semaphore, #tpu.memory_space<semaphore_mem>>)
      %scan3A = arith.constant 0 : i32
      %scan3A_56 = arith.constant 0 : i32
      %scan3A_57 = arith.constant 40 : i32
      %scan3A_58 = arith.addi %scan3A_56, %scan3A_57 : i32
      %scan3A_59 = arith.constant 1 : i32
      scf.for %scan3A_61 = %scan3A_56 to %scan3A_58 step %scan3A_59  : i32 {
        %mul3A_62 = arith.constant 4 : i32
        %mul3A_63 = arith.muli %mul3A_62, %scan3A_61 : i32
        %gt3A = arith.constant 0 : i32
        %gt3A_64 = arith.cmpi sgt, %mul3A_63, %gt3A : i32
        %convert_element_type3A_65 = arith.extui %gt3A_64 : i1 to i32
        %cond3A_66 = arith.constant 0 : i32
        %cond3A_67 = arith.cmpi ne, %convert_element_type3A_65, %cond3A_66 : i32
        scf.if %cond3A_67 {
          %dma_wait3A_286 = arith.constant 0 : i32
          %dma_wait3A_287 = arith.constant 0 : i32
          %dma_wait3A_288 = arith.constant 0 : i32
          %dma_wait3A_289 = tpu.memref_slice %arg11[%dma_wait3A_287, %dma_wait3A_288] : memref<4x128xi32, #tpu.memory_space<vmem>> -> memref<1x128xi32, #tpu.memory_space<vmem>>
          %dma_wait3A_290 = tpu.memref_squeeze %dma_wait3A_289 : memref<1x128xi32, #tpu.memory_space<vmem>> -> memref<128xi32, #tpu.memory_space<vmem>>
          %dma_wait3A_291 = arith.constant 0 : i32
          %dma_wait3A_292 = tpu.memref_slice %arg6[%dma_wait3A_286, %dma_wait3A_291] : memref<2560x128xi32, #tpu.memory_space<hbm>> -> memref<1x128xi32, #tpu.memory_space<hbm>>
          %dma_wait3A_293 = tpu.memref_squeeze %dma_wait3A_292 : memref<1x128xi32, #tpu.memory_space<hbm>> -> memref<128xi32, #tpu.memory_space<hbm>>
          %dma_wait3A_294 = arith.constant 0 : i32
          %dma_wait3A_295 = tpu.memref_slice %arg11[%dma_wait3A_287, %dma_wait3A_294] : memref<4x128xi32, #tpu.memory_space<vmem>> -> memref<1x128xi32, #tpu.memory_space<vmem>>
          %dma_wait3A_296 = tpu.memref_squeeze %dma_wait3A_295 : memref<1x128xi32, #tpu.memory_space<vmem>> -> memref<128xi32, #tpu.memory_space<vmem>>
          %dma_wait3A_297 = arith.constant 0 : i32
          %dma_wait3A_298 = tpu.memref_slice %arg6[%dma_wait3A_286, %dma_wait3A_297] : memref<2560x128xi32, #tpu.memory_space<hbm>> -> memref<1x128xi32, #tpu.memory_space<hbm>>
          %dma_wait3A_299 = tpu.memref_squeeze %dma_wait3A_298 : memref<1x128xi32, #tpu.memory_space<hbm>> -> memref<128xi32, #tpu.memory_space<hbm>>
          tpu.wait_dma2 semaphore(%arg17 : memref<!tpu.dma_semaphore, #tpu.memory_space<semaphore_mem>>) src(%dma_wait3A_299 : memref<128xi32, #tpu.memory_space<hbm>>) dst(%dma_wait3A_296 : memref<128xi32, #tpu.memory_space<vmem>>)
          %dma_wait3A_300 = arith.constant 0 : i32
          %dma_wait3A_301 = arith.constant 0 : i32
          %dma_wait3A_302 = arith.constant 0 : i32
          %dma_wait3A_303 = tpu.memref_slice %arg11[%dma_wait3A_301, %dma_wait3A_302] : memref<4x128xi32, #tpu.memory_space<vmem>> -> memref<1x128xi32, #tpu.memory_space<vmem>>
          %dma_wait3A_304 = tpu.memref_squeeze %dma_wait3A_303 : memref<1x128xi32, #tpu.memory_space<vmem>> -> memref<128xi32, #tpu.memory_space<vmem>>
          %dma_wait3A_305 = arith.constant 0 : i32
          %dma_wait3A_306 = tpu.memref_slice %arg6[%dma_wait3A_300, %dma_wait3A_305] : memref<2560x128xi32, #tpu.memory_space<hbm>> -> memref<1x128xi32, #tpu.memory_space<hbm>>
          %dma_wait3A_307 = tpu.memref_squeeze %dma_wait3A_306 : memref<1x128xi32, #tpu.memory_space<hbm>> -> memref<128xi32, #tpu.memory_space<hbm>>
          %dma_wait3A_308 = arith.constant 0 : i32
          %dma_wait3A_309 = tpu.memref_slice %arg11[%dma_wait3A_301, %dma_wait3A_308] : memref<4x128xi32, #tpu.memory_space<vmem>> -> memref<1x128xi32, #tpu.memory_space<vmem>>
          %dma_wait3A_310 = tpu.memref_squeeze %dma_wait3A_309 : memref<1x128xi32, #tpu.memory_space<vmem>> -> memref<128xi32, #tpu.memory_space<vmem>>
          %dma_wait3A_311 = arith.constant 0 : i32
          %dma_wait3A_312 = tpu.memref_slice %arg6[%dma_wait3A_300, %dma_wait3A_311] : memref<2560x128xi32, #tpu.memory_space<hbm>> -> memref<1x128xi32, #tpu.memory_space<hbm>>
          %dma_wait3A_313 = tpu.memref_squeeze %dma_wait3A_312 : memref<1x128xi32, #tpu.memory_space<hbm>> -> memref<128xi32, #tpu.memory_space<hbm>>
          tpu.wait_dma2 semaphore(%arg17 : memref<!tpu.dma_semaphore, #tpu.memory_space<semaphore_mem>>) src(%dma_wait3A_313 : memref<128xi32, #tpu.memory_space<hbm>>) dst(%dma_wait3A_310 : memref<128xi32, #tpu.memory_space<vmem>>)
          %dma_wait3A_314 = arith.constant 0 : i32
          %dma_wait3A_315 = arith.constant 0 : i32
          %dma_wait3A_316 = arith.constant 0 : i32
          %dma_wait3A_317 = tpu.memref_slice %arg11[%dma_wait3A_315, %dma_wait3A_316] : memref<4x128xi32, #tpu.memory_space<vmem>> -> memref<1x128xi32, #tpu.memory_space<vmem>>
          %dma_wait3A_318 = tpu.memref_squeeze %dma_wait3A_317 : memref<1x128xi32, #tpu.memory_space<vmem>> -> memref<128xi32, #tpu.memory_space<vmem>>
          %dma_wait3A_319 = arith.constant 0 : i32
          %dma_wait3A_320 = tpu.memref_slice %arg6[%dma_wait3A_314, %dma_wait3A_319] : memref<2560x128xi32, #tpu.memory_space<hbm>> -> memref<1x128xi32, #tpu.memory_space<hbm>>
          %dma_wait3A_321 = tpu.memref_squeeze %dma_wait3A_320 : memref<1x128xi32, #tpu.memory_space<hbm>> -> memref<128xi32, #tpu.memory_space<hbm>>
          %dma_wait3A_322 = arith.constant 0 : i32
          %dma_wait3A_323 = tpu.memref_slice %arg11[%dma_wait3A_315, %dma_wait3A_322] : memref<4x128xi32, #tpu.memory_space<vmem>> -> memref<1x128xi32, #tpu.memory_space<vmem>>
          %dma_wait3A_324 = tpu.memref_squeeze %dma_wait3A_323 : memref<1x128xi32, #tpu.memory_space<vmem>> -> memref<128xi32, #tpu.memory_space<vmem>>
          %dma_wait3A_325 = arith.constant 0 : i32
          %dma_wait3A_326 = tpu.memref_slice %arg6[%dma_wait3A_314, %dma_wait3A_325] : memref<2560x128xi32, #tpu.memory_space<hbm>> -> memref<1x128xi32, #tpu.memory_space<hbm>>
          %dma_wait3A_327 = tpu.memref_squeeze %dma_wait3A_326 : memref<1x128xi32, #tpu.memory_space<hbm>> -> memref<128xi32, #tpu.memory_space<hbm>>
          tpu.wait_dma2 semaphore(%arg17 : memref<!tpu.dma_semaphore, #tpu.memory_space<semaphore_mem>>) src(%dma_wait3A_327 : memref<128xi32, #tpu.memory_space<hbm>>) dst(%dma_wait3A_324 : memref<128xi32, #tpu.memory_space<vmem>>)
          %dma_wait3A_328 = arith.constant 0 : i32
          %dma_wait3A_329 = arith.constant 0 : i32
          %dma_wait3A_330 = arith.constant 0 : i32
          %dma_wait3A_331 = tpu.memref_slice %arg11[%dma_wait3A_329, %dma_wait3A_330] : memref<4x128xi32, #tpu.memory_space<vmem>> -> memref<1x128xi32, #tpu.memory_space<vmem>>
          %dma_wait3A_332 = tpu.memref_squeeze %dma_wait3A_331 : memref<1x128xi32, #tpu.memory_space<vmem>> -> memref<128xi32, #tpu.memory_space<vmem>>
          %dma_wait3A_333 = arith.constant 0 : i32
          %dma_wait3A_334 = tpu.memref_slice %arg6[%dma_wait3A_328, %dma_wait3A_333] : memref<2560x128xi32, #tpu.memory_space<hbm>> -> memref<1x128xi32, #tpu.memory_space<hbm>>
          %dma_wait3A_335 = tpu.memref_squeeze %dma_wait3A_334 : memref<1x128xi32, #tpu.memory_space<hbm>> -> memref<128xi32, #tpu.memory_space<hbm>>
          %dma_wait3A_336 = arith.constant 0 : i32
          %dma_wait3A_337 = tpu.memref_slice %arg11[%dma_wait3A_329, %dma_wait3A_336] : memref<4x128xi32, #tpu.memory_space<vmem>> -> memref<1x128xi32, #tpu.memory_space<vmem>>
          %dma_wait3A_338 = tpu.memref_squeeze %dma_wait3A_337 : memref<1x128xi32, #tpu.memory_space<vmem>> -> memref<128xi32, #tpu.memory_space<vmem>>
          %dma_wait3A_339 = arith.constant 0 : i32
          %dma_wait3A_340 = tpu.memref_slice %arg6[%dma_wait3A_328, %dma_wait3A_339] : memref<2560x128xi32, #tpu.memory_space<hbm>> -> memref<1x128xi32, #tpu.memory_space<hbm>>
          %dma_wait3A_341 = tpu.memref_squeeze %dma_wait3A_340 : memref<1x128xi32, #tpu.memory_space<hbm>> -> memref<128xi32, #tpu.memory_space<hbm>>
          tpu.wait_dma2 semaphore(%arg17 : memref<!tpu.dma_semaphore, #tpu.memory_space<semaphore_mem>>) src(%dma_wait3A_341 : memref<128xi32, #tpu.memory_space<hbm>>) dst(%dma_wait3A_338 : memref<128xi32, #tpu.memory_space<vmem>>)
        } else {
        }
        %dma_wait3A = arith.constant 0 : i32
        %dma_wait3A_68 = arith.constant 0 : i32
        %dma_wait3A_69 = arith.constant 0 : i32
        %dma_wait3A_70 = tpu.memref_slice %arg13[%dma_wait3A, %dma_wait3A_68, %dma_wait3A_69] : memref<2x128x128xf32, #tpu.memory_space<vmem>> -> memref<1x128x128xf32, #tpu.memory_space<vmem>>
        %dma_wait3A_71 = tpu.memref_squeeze %dma_wait3A_70 : memref<1x128x128xf32, #tpu.memory_space<vmem>> -> memref<128x128xf32, #tpu.memory_space<vmem>>
        %dma_wait3A_72 = arith.constant 0 : i32
        %dma_wait3A_73 = arith.constant 0 : i32
        %dma_wait3A_74 = tpu.memref_slice %arg3[%dma_wait3A_72, %dma_wait3A_73] : memref<10240x128xf32, #tpu.memory_space<hbm>> -> memref<128x128xf32, #tpu.memory_space<hbm>>
        %dma_wait3A_75 = arith.constant 0 : i32
        %dma_wait3A_76 = arith.constant 0 : i32
        %dma_wait3A_77 = tpu.memref_slice %arg13[%dma_wait3A, %dma_wait3A_75, %dma_wait3A_76] : memref<2x128x128xf32, #tpu.memory_space<vmem>> -> memref<1x128x128xf32, #tpu.memory_space<vmem>>
        %dma_wait3A_78 = tpu.memref_squeeze %dma_wait3A_77 : memref<1x128x128xf32, #tpu.memory_space<vmem>> -> memref<128x128xf32, #tpu.memory_space<vmem>>
        %dma_wait3A_79 = arith.constant 0 : i32
        %dma_wait3A_80 = arith.constant 0 : i32
        %dma_wait3A_81 = tpu.memref_slice %arg3[%dma_wait3A_79, %dma_wait3A_80] : memref<10240x128xf32, #tpu.memory_space<hbm>> -> memref<128x128xf32, #tpu.memory_space<hbm>>
        tpu.wait_dma2 semaphore(%arg14 : memref<!tpu.dma_semaphore, #tpu.memory_space<semaphore_mem>>) src(%dma_wait3A_81 : memref<128x128xf32, #tpu.memory_space<hbm>>) dst(%dma_wait3A_78 : memref<128x128xf32, #tpu.memory_space<vmem>>)
        %dma_start3A_82 = arith.constant 0 : i32
        %dma_start3A_83 = arith.constant 0 : i32
        %dma_start3A_84 = arith.constant 0 : i32
        %dma_start3A_85 = arith.constant 0 : i32
        %dma_start3A_86 = tpu.memref_slice %arg13[%dma_start3A_82, %dma_start3A_84, %dma_start3A_85] : memref<2x128x128xf32, #tpu.memory_space<vmem>> -> memref<1x128x128xf32, #tpu.memory_space<vmem>>
        %dma_start3A_87 = tpu.memref_squeeze %dma_start3A_86 : memref<1x128x128xf32, #tpu.memory_space<vmem>> -> memref<128x128xf32, #tpu.memory_space<vmem>>
        %dma_start3A_88 = arith.constant 0 : i32
        %dma_start3A_89 = tpu.memref_slice %arg12[%dma_start3A_83, %dma_start3A_88] : memref<4x128xi32, #tpu.memory_space<vmem>> -> memref<1x128xi32, #tpu.memory_space<vmem>>
        %dma_start3A_90 = tpu.memref_squeeze %dma_start3A_89 : memref<1x128xi32, #tpu.memory_space<vmem>> -> memref<128xi32, #tpu.memory_space<vmem>>
        %dma_start3A_91 = arith.constant 0 : i32
        %dma_start3A_92 = arith.constant 0 : i32
        %dma_start3A_93 = tpu.memref_slice %arg10[%dma_start3A_91, %dma_start3A_92] : memref<10240x128xf32, #tpu.memory_space<vmem_shared>> -> memref<10240x128xf32, #tpu.memory_space<vmem_shared>>
        tpu.enqueue_indirect_dma source(%dma_start3A_87 : memref<128x128xf32, #tpu.memory_space<vmem>>) target(%dma_start3A_93 : memref<10240x128xf32, #tpu.memory_space<vmem_shared>>) offsets(%dma_start3A_90 : memref<128xi32, #tpu.memory_space<vmem>>) semaphore(%arg18 : memref<!tpu.dma_semaphore, #tpu.memory_space<semaphore_mem>>) {add = true}
        %dma_wait3A_94 = arith.constant 1 : i32
        %dma_wait3A_95 = arith.constant 0 : i32
        %dma_wait3A_96 = arith.constant 0 : i32
        %dma_wait3A_97 = tpu.memref_slice %arg13[%dma_wait3A_94, %dma_wait3A_95, %dma_wait3A_96] : memref<2x128x128xf32, #tpu.memory_space<vmem>> -> memref<1x128x128xf32, #tpu.memory_space<vmem>>
        %dma_wait3A_98 = tpu.memref_squeeze %dma_wait3A_97 : memref<1x128x128xf32, #tpu.memory_space<vmem>> -> memref<128x128xf32, #tpu.memory_space<vmem>>
        %dma_wait3A_99 = arith.constant 0 : i32
        %dma_wait3A_100 = arith.constant 0 : i32
        %dma_wait3A_101 = tpu.memref_slice %arg3[%dma_wait3A_99, %dma_wait3A_100] : memref<10240x128xf32, #tpu.memory_space<hbm>> -> memref<128x128xf32, #tpu.memory_space<hbm>>
        %dma_wait3A_102 = arith.constant 0 : i32
        %dma_wait3A_103 = arith.constant 0 : i32
        %dma_wait3A_104 = tpu.memref_slice %arg13[%dma_wait3A_94, %dma_wait3A_102, %dma_wait3A_103] : memref<2x128x128xf32, #tpu.memory_space<vmem>> -> memref<1x128x128xf32, #tpu.memory_space<vmem>>
        %dma_wait3A_105 = tpu.memref_squeeze %dma_wait3A_104 : memref<1x128x128xf32, #tpu.memory_space<vmem>> -> memref<128x128xf32, #tpu.memory_space<vmem>>
        %dma_wait3A_106 = arith.constant 0 : i32
        %dma_wait3A_107 = arith.constant 0 : i32
        %dma_wait3A_108 = tpu.memref_slice %arg3[%dma_wait3A_106, %dma_wait3A_107] : memref<10240x128xf32, #tpu.memory_space<hbm>> -> memref<128x128xf32, #tpu.memory_space<hbm>>
        tpu.wait_dma2 semaphore(%arg15 : memref<!tpu.dma_semaphore, #tpu.memory_space<semaphore_mem>>) src(%dma_wait3A_108 : memref<128x128xf32, #tpu.memory_space<hbm>>) dst(%dma_wait3A_105 : memref<128x128xf32, #tpu.memory_space<vmem>>)
        %dma_start3A_109 = arith.constant 1 : i32
        %dma_start3A_110 = arith.constant 1 : i32
        %dma_start3A_111 = arith.constant 0 : i32
        %dma_start3A_112 = arith.constant 0 : i32
        %dma_start3A_113 = tpu.memref_slice %arg13[%dma_start3A_109, %dma_start3A_111, %dma_start3A_112] : memref<2x128x128xf32, #tpu.memory_space<vmem>> -> memref<1x128x128xf32, #tpu.memory_space<vmem>>
        %dma_start3A_114 = tpu.memref_squeeze %dma_start3A_113 : memref<1x128x128xf32, #tpu.memory_space<vmem>> -> memref<128x128xf32, #tpu.memory_space<vmem>>
        %dma_start3A_115 = arith.constant 0 : i32
        %dma_start3A_116 = tpu.memref_slice %arg12[%dma_start3A_110, %dma_start3A_115] : memref<4x128xi32, #tpu.memory_space<vmem>> -> memref<1x128xi32, #tpu.memory_space<vmem>>
        %dma_start3A_117 = tpu.memref_squeeze %dma_start3A_116 : memref<1x128xi32, #tpu.memory_space<vmem>> -> memref<128xi32, #tpu.memory_space<vmem>>
        %dma_start3A_118 = arith.constant 0 : i32
        %dma_start3A_119 = arith.constant 0 : i32
        %dma_start3A_120 = tpu.memref_slice %arg10[%dma_start3A_118, %dma_start3A_119] : memref<10240x128xf32, #tpu.memory_space<vmem_shared>> -> memref<10240x128xf32, #tpu.memory_space<vmem_shared>>
        tpu.enqueue_indirect_dma source(%dma_start3A_114 : memref<128x128xf32, #tpu.memory_space<vmem>>) target(%dma_start3A_120 : memref<10240x128xf32, #tpu.memory_space<vmem_shared>>) offsets(%dma_start3A_117 : memref<128xi32, #tpu.memory_space<vmem>>) semaphore(%arg19 : memref<!tpu.dma_semaphore, #tpu.memory_space<semaphore_mem>>) {add = true}
        %dma_wait3A_121 = arith.constant 0 : i32
        %dma_wait3A_122 = arith.constant 0 : i32
        %dma_wait3A_123 = arith.constant 0 : i32
        %dma_wait3A_124 = tpu.memref_slice %arg13[%dma_wait3A_121, %dma_wait3A_122, %dma_wait3A_123] : memref<2x128x128xf32, #tpu.memory_space<vmem>> -> memref<1x128x128xf32, #tpu.memory_space<vmem>>
        %dma_wait3A_125 = tpu.memref_squeeze %dma_wait3A_124 : memref<1x128x128xf32, #tpu.memory_space<vmem>> -> memref<128x128xf32, #tpu.memory_space<vmem>>
        %dma_wait3A_126 = arith.constant 0 : i32
        %dma_wait3A_127 = arith.constant 0 : i32
        %dma_wait3A_128 = tpu.memref_slice %arg10[%dma_wait3A_126, %dma_wait3A_127] : memref<10240x128xf32, #tpu.memory_space<vmem_shared>> -> memref<128x128xf32, #tpu.memory_space<vmem_shared>>
        %dma_wait3A_129 = arith.constant 0 : i32
        %dma_wait3A_130 = arith.constant 0 : i32
        %dma_wait3A_131 = tpu.memref_slice %arg10[%dma_wait3A_129, %dma_wait3A_130] : memref<10240x128xf32, #tpu.memory_space<vmem_shared>> -> memref<128x128xf32, #tpu.memory_space<vmem_shared>>
        %dma_wait3A_132 = arith.constant 0 : i32
        %dma_wait3A_133 = arith.constant 0 : i32
        %dma_wait3A_134 = tpu.memref_slice %arg13[%dma_wait3A_121, %dma_wait3A_132, %dma_wait3A_133] : memref<2x128x128xf32, #tpu.memory_space<vmem>> -> memref<1x128x128xf32, #tpu.memory_space<vmem>>
        %dma_wait3A_135 = tpu.memref_squeeze %dma_wait3A_134 : memref<1x128x128xf32, #tpu.memory_space<vmem>> -> memref<128x128xf32, #tpu.memory_space<vmem>>
        tpu.wait_dma2 semaphore(%arg18 : memref<!tpu.dma_semaphore, #tpu.memory_space<semaphore_mem>>) src(%dma_wait3A_135 : memref<128x128xf32, #tpu.memory_space<vmem>>) dst(%dma_wait3A_131 : memref<128x128xf32, #tpu.memory_space<vmem_shared>>)
        %dma_start3A_136 = arith.constant 2 : i32
        %dma_start3A_137 = arith.constant 0 : i32
        %dma_start3A_138 = arith.constant 0 : i32
        %dma_start3A_139 = arith.constant 0 : i32
        %dma_start3A_140 = tpu.memref_slice %arg13[%dma_start3A_137, %dma_start3A_138, %dma_start3A_139] : memref<2x128x128xf32, #tpu.memory_space<vmem>> -> memref<1x128x128xf32, #tpu.memory_space<vmem>>
        %dma_start3A_141 = tpu.memref_squeeze %dma_start3A_140 : memref<1x128x128xf32, #tpu.memory_space<vmem>> -> memref<128x128xf32, #tpu.memory_space<vmem>>
        %dma_start3A_142 = arith.constant 0 : i32
        %dma_start3A_143 = tpu.memref_slice %arg11[%dma_start3A_136, %dma_start3A_142] : memref<4x128xi32, #tpu.memory_space<vmem>> -> memref<1x128xi32, #tpu.memory_space<vmem>>
        %dma_start3A_144 = tpu.memref_squeeze %dma_start3A_143 : memref<1x128xi32, #tpu.memory_space<vmem>> -> memref<128xi32, #tpu.memory_space<vmem>>
        %dma_start3A_145 = arith.constant 0 : i32
        %dma_start3A_146 = arith.constant 0 : i32
        %dma_start3A_147 = tpu.memref_slice %arg3[%dma_start3A_145, %dma_start3A_146] : memref<10240x128xf32, #tpu.memory_space<hbm>> -> memref<10240x128xf32, #tpu.memory_space<hbm>>
        tpu.enqueue_indirect_dma source(%dma_start3A_147 : memref<10240x128xf32, #tpu.memory_space<hbm>>) target(%dma_start3A_141 : memref<128x128xf32, #tpu.memory_space<vmem>>) offsets(%dma_start3A_144 : memref<128xi32, #tpu.memory_space<vmem>>) semaphore(%arg14 : memref<!tpu.dma_semaphore, #tpu.memory_space<semaphore_mem>>)
        %dma_wait3A_148 = arith.constant 1 : i32
        %dma_wait3A_149 = arith.constant 0 : i32
        %dma_wait3A_150 = arith.constant 0 : i32
        %dma_wait3A_151 = tpu.memref_slice %arg13[%dma_wait3A_148, %dma_wait3A_149, %dma_wait3A_150] : memref<2x128x128xf32, #tpu.memory_space<vmem>> -> memref<1x128x128xf32, #tpu.memory_space<vmem>>
        %dma_wait3A_152 = tpu.memref_squeeze %dma_wait3A_151 : memref<1x128x128xf32, #tpu.memory_space<vmem>> -> memref<128x128xf32, #tpu.memory_space<vmem>>
        %dma_wait3A_153 = arith.constant 0 : i32
        %dma_wait3A_154 = arith.constant 0 : i32
        %dma_wait3A_155 = tpu.memref_slice %arg10[%dma_wait3A_153, %dma_wait3A_154] : memref<10240x128xf32, #tpu.memory_space<vmem_shared>> -> memref<128x128xf32, #tpu.memory_space<vmem_shared>>
        %dma_wait3A_156 = arith.constant 0 : i32
        %dma_wait3A_157 = arith.constant 0 : i32
        %dma_wait3A_158 = tpu.memref_slice %arg10[%dma_wait3A_156, %dma_wait3A_157] : memref<10240x128xf32, #tpu.memory_space<vmem_shared>> -> memref<128x128xf32, #tpu.memory_space<vmem_shared>>
        %dma_wait3A_159 = arith.constant 0 : i32
        %dma_wait3A_160 = arith.constant 0 : i32
        %dma_wait3A_161 = tpu.memref_slice %arg13[%dma_wait3A_148, %dma_wait3A_159, %dma_wait3A_160] : memref<2x128x128xf32, #tpu.memory_space<vmem>> -> memref<1x128x128xf32, #tpu.memory_space<vmem>>
        %dma_wait3A_162 = tpu.memref_squeeze %dma_wait3A_161 : memref<1x128x128xf32, #tpu.memory_space<vmem>> -> memref<128x128xf32, #tpu.memory_space<vmem>>
        tpu.wait_dma2 semaphore(%arg19 : memref<!tpu.dma_semaphore, #tpu.memory_space<semaphore_mem>>) src(%dma_wait3A_162 : memref<128x128xf32, #tpu.memory_space<vmem>>) dst(%dma_wait3A_158 : memref<128x128xf32, #tpu.memory_space<vmem_shared>>)
        %dma_start3A_163 = arith.constant 3 : i32
        %dma_start3A_164 = arith.constant 1 : i32
        %dma_start3A_165 = arith.constant 0 : i32
        %dma_start3A_166 = arith.constant 0 : i32
        %dma_start3A_167 = tpu.memref_slice %arg13[%dma_start3A_164, %dma_start3A_165, %dma_start3A_166] : memref<2x128x128xf32, #tpu.memory_space<vmem>> -> memref<1x128x128xf32, #tpu.memory_space<vmem>>
        %dma_start3A_168 = tpu.memref_squeeze %dma_start3A_167 : memref<1x128x128xf32, #tpu.memory_space<vmem>> -> memref<128x128xf32, #tpu.memory_space<vmem>>
        %dma_start3A_169 = arith.constant 0 : i32
        %dma_start3A_170 = tpu.memref_slice %arg11[%dma_start3A_163, %dma_start3A_169] : memref<4x128xi32, #tpu.memory_space<vmem>> -> memref<1x128xi32, #tpu.memory_space<vmem>>
        %dma_start3A_171 = tpu.memref_squeeze %dma_start3A_170 : memref<1x128xi32, #tpu.memory_space<vmem>> -> memref<128xi32, #tpu.memory_space<vmem>>
        %dma_start3A_172 = arith.constant 0 : i32
        %dma_start3A_173 = arith.constant 0 : i32
        %dma_start3A_174 = tpu.memref_slice %arg3[%dma_start3A_172, %dma_start3A_173] : memref<10240x128xf32, #tpu.memory_space<hbm>> -> memref<10240x128xf32, #tpu.memory_space<hbm>>
        tpu.enqueue_indirect_dma source(%dma_start3A_174 : memref<10240x128xf32, #tpu.memory_space<hbm>>) target(%dma_start3A_168 : memref<128x128xf32, #tpu.memory_space<vmem>>) offsets(%dma_start3A_171 : memref<128xi32, #tpu.memory_space<vmem>>) semaphore(%arg15 : memref<!tpu.dma_semaphore, #tpu.memory_space<semaphore_mem>>)
        %add3A_175 = arith.constant 4 : i32
        %add3A_176 = arith.addi %mul3A_63, %add3A_175 : i32
        %lt3A = arith.constant 160 : i32
        %lt3A_177 = arith.cmpi slt, %add3A_176, %lt3A : i32
        %convert_element_type3A_178 = arith.extui %lt3A_177 : i1 to i32
        %cond3A_179 = arith.constant 0 : i32
        %cond3A_180 = arith.cmpi ne, %convert_element_type3A_178, %cond3A_179 : i32
        scf.if %cond3A_180 {
          %add3A_286 = arith.constant 4 : i32
          %add3A_287 = arith.addi %mul3A_63, %add3A_286 : i32
          %mul3A_288 = arith.constant 16 : i32
          %mul3A_289 = arith.muli %add3A_287, %mul3A_288 : i32
          %add3A_290 = arith.addi %arg1, %mul3A_289 : i32
          %dma_start3A_291 = arith.constant 0 : i32
          %dma_start3A_292 = arith.constant 0 : i32
          %dma_start3A_293 = tpu.memref_slice %arg11[%dma_start3A_291, %dma_start3A_292] : memref<4x128xi32, #tpu.memory_space<vmem>> -> memref<1x128xi32, #tpu.memory_space<vmem>>
          %dma_start3A_294 = tpu.memref_squeeze %dma_start3A_293 : memref<1x128xi32, #tpu.memory_space<vmem>> -> memref<128xi32, #tpu.memory_space<vmem>>
          %dma_start3A_295 = arith.constant 0 : i32
          %dma_start3A_296 = tpu.memref_slice %arg6[%add3A_290, %dma_start3A_295] : memref<2560x128xi32, #tpu.memory_space<hbm>> -> memref<1x128xi32, #tpu.memory_space<hbm>>
          %dma_start3A_297 = tpu.memref_squeeze %dma_start3A_296 : memref<1x128xi32, #tpu.memory_space<hbm>> -> memref<128xi32, #tpu.memory_space<hbm>>
          %dma_start3A_298 = arith.constant 0 : i32
          %dma_start3A_299 = tpu.memref_slice %arg11[%dma_start3A_291, %dma_start3A_298] : memref<4x128xi32, #tpu.memory_space<vmem>> -> memref<1x128xi32, #tpu.memory_space<vmem>>
          %dma_start3A_300 = tpu.memref_squeeze %dma_start3A_299 : memref<1x128xi32, #tpu.memory_space<vmem>> -> memref<128xi32, #tpu.memory_space<vmem>>
          %dma_start3A_301 = arith.constant 0 : i32
          %dma_start3A_302 = tpu.memref_slice %arg6[%add3A_290, %dma_start3A_301] : memref<2560x128xi32, #tpu.memory_space<hbm>> -> memref<1x128xi32, #tpu.memory_space<hbm>>
          %dma_start3A_303 = tpu.memref_squeeze %dma_start3A_302 : memref<1x128xi32, #tpu.memory_space<hbm>> -> memref<128xi32, #tpu.memory_space<hbm>>
          tpu.enqueue_dma source(%dma_start3A_303 : memref<128xi32, #tpu.memory_space<hbm>>) target(%dma_start3A_300 : memref<128xi32, #tpu.memory_space<vmem>>) target_semaphore(%arg16 : memref<!tpu.dma_semaphore, #tpu.memory_space<semaphore_mem>>)
          %dma_start3A_304 = arith.constant 0 : i32
          %dma_start3A_305 = arith.constant 0 : i32
          %dma_start3A_306 = tpu.memref_slice %arg12[%dma_start3A_304, %dma_start3A_305] : memref<4x128xi32, #tpu.memory_space<vmem>> -> memref<1x128xi32, #tpu.memory_space<vmem>>
          %dma_start3A_307 = tpu.memref_squeeze %dma_start3A_306 : memref<1x128xi32, #tpu.memory_space<vmem>> -> memref<128xi32, #tpu.memory_space<vmem>>
          %dma_start3A_308 = arith.constant 0 : i32
          %dma_start3A_309 = tpu.memref_slice %arg7[%add3A_290, %dma_start3A_308] : memref<2560x128xi32, #tpu.memory_space<hbm>> -> memref<1x128xi32, #tpu.memory_space<hbm>>
          %dma_start3A_310 = tpu.memref_squeeze %dma_start3A_309 : memref<1x128xi32, #tpu.memory_space<hbm>> -> memref<128xi32, #tpu.memory_space<hbm>>
          %dma_start3A_311 = arith.constant 0 : i32
          %dma_start3A_312 = tpu.memref_slice %arg12[%dma_start3A_304, %dma_start3A_311] : memref<4x128xi32, #tpu.memory_space<vmem>> -> memref<1x128xi32, #tpu.memory_space<vmem>>
          %dma_start3A_313 = tpu.memref_squeeze %dma_start3A_312 : memref<1x128xi32, #tpu.memory_space<vmem>> -> memref<128xi32, #tpu.memory_space<vmem>>
          %dma_start3A_314 = arith.constant 0 : i32
          %dma_start3A_315 = tpu.memref_slice %arg7[%add3A_290, %dma_start3A_314] : memref<2560x128xi32, #tpu.memory_space<hbm>> -> memref<1x128xi32, #tpu.memory_space<hbm>>
          %dma_start3A_316 = tpu.memref_squeeze %dma_start3A_315 : memref<1x128xi32, #tpu.memory_space<hbm>> -> memref<128xi32, #tpu.memory_space<hbm>>
          tpu.enqueue_dma source(%dma_start3A_316 : memref<128xi32, #tpu.memory_space<hbm>>) target(%dma_start3A_313 : memref<128xi32, #tpu.memory_space<vmem>>) target_semaphore(%arg16 : memref<!tpu.dma_semaphore, #tpu.memory_space<semaphore_mem>>)
          %add3A_317 = arith.constant 5 : i32
          %add3A_318 = arith.addi %mul3A_63, %add3A_317 : i32
          %mul3A_319 = arith.constant 16 : i32
          %mul3A_320 = arith.muli %add3A_318, %mul3A_319 : i32
          %add3A_321 = arith.addi %arg1, %mul3A_320 : i32
          %dma_start3A_322 = arith.constant 1 : i32
          %dma_start3A_323 = arith.constant 0 : i32
          %dma_start3A_324 = tpu.memref_slice %arg11[%dma_start3A_322, %dma_start3A_323] : memref<4x128xi32, #tpu.memory_space<vmem>> -> memref<1x128xi32, #tpu.memory_space<vmem>>
          %dma_start3A_325 = tpu.memref_squeeze %dma_start3A_324 : memref<1x128xi32, #tpu.memory_space<vmem>> -> memref<128xi32, #tpu.memory_space<vmem>>
          %dma_start3A_326 = arith.constant 0 : i32
          %dma_start3A_327 = tpu.memref_slice %arg6[%add3A_321, %dma_start3A_326] : memref<2560x128xi32, #tpu.memory_space<hbm>> -> memref<1x128xi32, #tpu.memory_space<hbm>>
          %dma_start3A_328 = tpu.memref_squeeze %dma_start3A_327 : memref<1x128xi32, #tpu.memory_space<hbm>> -> memref<128xi32, #tpu.memory_space<hbm>>
          %dma_start3A_329 = arith.constant 0 : i32
          %dma_start3A_330 = tpu.memref_slice %arg11[%dma_start3A_322, %dma_start3A_329] : memref<4x128xi32, #tpu.memory_space<vmem>> -> memref<1x128xi32, #tpu.memory_space<vmem>>
          %dma_start3A_331 = tpu.memref_squeeze %dma_start3A_330 : memref<1x128xi32, #tpu.memory_space<vmem>> -> memref<128xi32, #tpu.memory_space<vmem>>
          %dma_start3A_332 = arith.constant 0 : i32
          %dma_start3A_333 = tpu.memref_slice %arg6[%add3A_321, %dma_start3A_332] : memref<2560x128xi32, #tpu.memory_space<hbm>> -> memref<1x128xi32, #tpu.memory_space<hbm>>
          %dma_start3A_334 = tpu.memref_squeeze %dma_start3A_333 : memref<1x128xi32, #tpu.memory_space<hbm>> -> memref<128xi32, #tpu.memory_space<hbm>>
          tpu.enqueue_dma source(%dma_start3A_334 : memref<128xi32, #tpu.memory_space<hbm>>) target(%dma_start3A_331 : memref<128xi32, #tpu.memory_space<vmem>>) target_semaphore(%arg16 : memref<!tpu.dma_semaphore, #tpu.memory_space<semaphore_mem>>)
          %dma_start3A_335 = arith.constant 1 : i32
          %dma_start3A_336 = arith.constant 0 : i32
          %dma_start3A_337 = tpu.memref_slice %arg12[%dma_start3A_335, %dma_start3A_336] : memref<4x128xi32, #tpu.memory_space<vmem>> -> memref<1x128xi32, #tpu.memory_space<vmem>>
          %dma_start3A_338 = tpu.memref_squeeze %dma_start3A_337 : memref<1x128xi32, #tpu.memory_space<vmem>> -> memref<128xi32, #tpu.memory_space<vmem>>
          %dma_start3A_339 = arith.constant 0 : i32
          %dma_start3A_340 = tpu.memref_slice %arg7[%add3A_321, %dma_start3A_339] : memref<2560x128xi32, #tpu.memory_space<hbm>> -> memref<1x128xi32, #tpu.memory_space<hbm>>
          %dma_start3A_341 = tpu.memref_squeeze %dma_start3A_340 : memref<1x128xi32, #tpu.memory_space<hbm>> -> memref<128xi32, #tpu.memory_space<hbm>>
          %dma_start3A_342 = arith.constant 0 : i32
          %dma_start3A_343 = tpu.memref_slice %arg12[%dma_start3A_335, %dma_start3A_342] : memref<4x128xi32, #tpu.memory_space<vmem>> -> memref<1x128xi32, #tpu.memory_space<vmem>>
          %dma_start3A_344 = tpu.memref_squeeze %dma_start3A_343 : memref<1x128xi32, #tpu.memory_space<vmem>> -> memref<128xi32, #tpu.memory_space<vmem>>
          %dma_start3A_345 = arith.constant 0 : i32
          %dma_start3A_346 = tpu.memref_slice %arg7[%add3A_321, %dma_start3A_345] : memref<2560x128xi32, #tpu.memory_space<hbm>> -> memref<1x128xi32, #tpu.memory_space<hbm>>
          %dma_start3A_347 = tpu.memref_squeeze %dma_start3A_346 : memref<1x128xi32, #tpu.memory_space<hbm>> -> memref<128xi32, #tpu.memory_space<hbm>>
          tpu.enqueue_dma source(%dma_start3A_347 : memref<128xi32, #tpu.memory_space<hbm>>) target(%dma_start3A_344 : memref<128xi32, #tpu.memory_space<vmem>>) target_semaphore(%arg16 : memref<!tpu.dma_semaphore, #tpu.memory_space<semaphore_mem>>)
        } else {
        }
        %dma_wait3A_181 = arith.constant 0 : i32
        %dma_wait3A_182 = arith.constant 0 : i32
        %dma_wait3A_183 = arith.constant 0 : i32
        %dma_wait3A_184 = tpu.memref_slice %arg13[%dma_wait3A_181, %dma_wait3A_182, %dma_wait3A_183] : memref<2x128x128xf32, #tpu.memory_space<vmem>> -> memref<1x128x128xf32, #tpu.memory_space<vmem>>
        %dma_wait3A_185 = tpu.memref_squeeze %dma_wait3A_184 : memref<1x128x128xf32, #tpu.memory_space<vmem>> -> memref<128x128xf32, #tpu.memory_space<vmem>>
        %dma_wait3A_186 = arith.constant 0 : i32
        %dma_wait3A_187 = arith.constant 0 : i32
        %dma_wait3A_188 = tpu.memref_slice %arg3[%dma_wait3A_186, %dma_wait3A_187] : memref<10240x128xf32, #tpu.memory_space<hbm>> -> memref<128x128xf32, #tpu.memory_space<hbm>>
        %dma_wait3A_189 = arith.constant 0 : i32
        %dma_wait3A_190 = arith.constant 0 : i32
        %dma_wait3A_191 = tpu.memref_slice %arg13[%dma_wait3A_181, %dma_wait3A_189, %dma_wait3A_190] : memref<2x128x128xf32, #tpu.memory_space<vmem>> -> memref<1x128x128xf32, #tpu.memory_space<vmem>>
        %dma_wait3A_192 = tpu.memref_squeeze %dma_wait3A_191 : memref<1x128x128xf32, #tpu.memory_space<vmem>> -> memref<128x128xf32, #tpu.memory_space<vmem>>
        %dma_wait3A_193 = arith.constant 0 : i32
        %dma_wait3A_194 = arith.constant 0 : i32
        %dma_wait3A_195 = tpu.memref_slice %arg3[%dma_wait3A_193, %dma_wait3A_194] : memref<10240x128xf32, #tpu.memory_space<hbm>> -> memref<128x128xf32, #tpu.memory_space<hbm>>
        tpu.wait_dma2 semaphore(%arg14 : memref<!tpu.dma_semaphore, #tpu.memory_space<semaphore_mem>>) src(%dma_wait3A_195 : memref<128x128xf32, #tpu.memory_space<hbm>>) dst(%dma_wait3A_192 : memref<128x128xf32, #tpu.memory_space<vmem>>)
        %dma_start3A_196 = arith.constant 0 : i32
        %dma_start3A_197 = arith.constant 2 : i32
        %dma_start3A_198 = arith.constant 0 : i32
        %dma_start3A_199 = arith.constant 0 : i32
        %dma_start3A_200 = tpu.memref_slice %arg13[%dma_start3A_196, %dma_start3A_198, %dma_start3A_199] : memref<2x128x128xf32, #tpu.memory_space<vmem>> -> memref<1x128x128xf32, #tpu.memory_space<vmem>>
        %dma_start3A_201 = tpu.memref_squeeze %dma_start3A_200 : memref<1x128x128xf32, #tpu.memory_space<vmem>> -> memref<128x128xf32, #tpu.memory_space<vmem>>
        %dma_start3A_202 = arith.constant 0 : i32
        %dma_start3A_203 = tpu.memref_slice %arg12[%dma_start3A_197, %dma_start3A_202] : memref<4x128xi32, #tpu.memory_space<vmem>> -> memref<1x128xi32, #tpu.memory_space<vmem>>
        %dma_start3A_204 = tpu.memref_squeeze %dma_start3A_203 : memref<1x128xi32, #tpu.memory_space<vmem>> -> memref<128xi32, #tpu.memory_space<vmem>>
        %dma_start3A_205 = arith.constant 0 : i32
        %dma_start3A_206 = arith.constant 0 : i32
        %dma_start3A_207 = tpu.memref_slice %arg10[%dma_start3A_205, %dma_start3A_206] : memref<10240x128xf32, #tpu.memory_space<vmem_shared>> -> memref<10240x128xf32, #tpu.memory_space<vmem_shared>>
        tpu.enqueue_indirect_dma source(%dma_start3A_201 : memref<128x128xf32, #tpu.memory_space<vmem>>) target(%dma_start3A_207 : memref<10240x128xf32, #tpu.memory_space<vmem_shared>>) offsets(%dma_start3A_204 : memref<128xi32, #tpu.memory_space<vmem>>) semaphore(%arg18 : memref<!tpu.dma_semaphore, #tpu.memory_space<semaphore_mem>>) {add = true}
        %dma_wait3A_208 = arith.constant 1 : i32
        %dma_wait3A_209 = arith.constant 0 : i32
        %dma_wait3A_210 = arith.constant 0 : i32
        %dma_wait3A_211 = tpu.memref_slice %arg13[%dma_wait3A_208, %dma_wait3A_209, %dma_wait3A_210] : memref<2x128x128xf32, #tpu.memory_space<vmem>> -> memref<1x128x128xf32, #tpu.memory_space<vmem>>
        %dma_wait3A_212 = tpu.memref_squeeze %dma_wait3A_211 : memref<1x128x128xf32, #tpu.memory_space<vmem>> -> memref<128x128xf32, #tpu.memory_space<vmem>>
        %dma_wait3A_213 = arith.constant 0 : i32
        %dma_wait3A_214 = arith.constant 0 : i32
        %dma_wait3A_215 = tpu.memref_slice %arg3[%dma_wait3A_213, %dma_wait3A_214] : memref<10240x128xf32, #tpu.memory_space<hbm>> -> memref<128x128xf32, #tpu.memory_space<hbm>>
        %dma_wait3A_216 = arith.constant 0 : i32
        %dma_wait3A_217 = arith.constant 0 : i32
        %dma_wait3A_218 = tpu.memref_slice %arg13[%dma_wait3A_208, %dma_wait3A_216, %dma_wait3A_217] : memref<2x128x128xf32, #tpu.memory_space<vmem>> -> memref<1x128x128xf32, #tpu.memory_space<vmem>>
        %dma_wait3A_219 = tpu.memref_squeeze %dma_wait3A_218 : memref<1x128x128xf32, #tpu.memory_space<vmem>> -> memref<128x128xf32, #tpu.memory_space<vmem>>
        %dma_wait3A_220 = arith.constant 0 : i32
        %dma_wait3A_221 = arith.constant 0 : i32
        %dma_wait3A_222 = tpu.memref_slice %arg3[%dma_wait3A_220, %dma_wait3A_221] : memref<10240x128xf32, #tpu.memory_space<hbm>> -> memref<128x128xf32, #tpu.memory_space<hbm>>
        tpu.wait_dma2 semaphore(%arg15 : memref<!tpu.dma_semaphore, #tpu.memory_space<semaphore_mem>>) src(%dma_wait3A_222 : memref<128x128xf32, #tpu.memory_space<hbm>>) dst(%dma_wait3A_219 : memref<128x128xf32, #tpu.memory_space<vmem>>)
        %dma_start3A_223 = arith.constant 1 : i32
        %dma_start3A_224 = arith.constant 3 : i32
        %dma_start3A_225 = arith.constant 0 : i32
        %dma_start3A_226 = arith.constant 0 : i32
        %dma_start3A_227 = tpu.memref_slice %arg13[%dma_start3A_223, %dma_start3A_225, %dma_start3A_226] : memref<2x128x128xf32, #tpu.memory_space<vmem>> -> memref<1x128x128xf32, #tpu.memory_space<vmem>>
        %dma_start3A_228 = tpu.memref_squeeze %dma_start3A_227 : memref<1x128x128xf32, #tpu.memory_space<vmem>> -> memref<128x128xf32, #tpu.memory_space<vmem>>
        %dma_start3A_229 = arith.constant 0 : i32
        %dma_start3A_230 = tpu.memref_slice %arg12[%dma_start3A_224, %dma_start3A_229] : memref<4x128xi32, #tpu.memory_space<vmem>> -> memref<1x128xi32, #tpu.memory_space<vmem>>
        %dma_start3A_231 = tpu.memref_squeeze %dma_start3A_230 : memref<1x128xi32, #tpu.memory_space<vmem>> -> memref<128xi32, #tpu.memory_space<vmem>>
        %dma_start3A_232 = arith.constant 0 : i32
        %dma_start3A_233 = arith.constant 0 : i32
        %dma_start3A_234 = tpu.memref_slice %arg10[%dma_start3A_232, %dma_start3A_233] : memref<10240x128xf32, #tpu.memory_space<vmem_shared>> -> memref<10240x128xf32, #tpu.memory_space<vmem_shared>>
        tpu.enqueue_indirect_dma source(%dma_start3A_228 : memref<128x128xf32, #tpu.memory_space<vmem>>) target(%dma_start3A_234 : memref<10240x128xf32, #tpu.memory_space<vmem_shared>>) offsets(%dma_start3A_231 : memref<128xi32, #tpu.memory_space<vmem>>) semaphore(%arg19 : memref<!tpu.dma_semaphore, #tpu.memory_space<semaphore_mem>>) {add = true}
        %dma_wait3A_235 = arith.constant 0 : i32
        %dma_wait3A_236 = arith.constant 0 : i32
        %dma_wait3A_237 = arith.constant 0 : i32
        %dma_wait3A_238 = tpu.memref_slice %arg13[%dma_wait3A_235, %dma_wait3A_236, %dma_wait3A_237] : memref<2x128x128xf32, #tpu.memory_space<vmem>> -> memref<1x128x128xf32, #tpu.memory_space<vmem>>
        %dma_wait3A_239 = tpu.memref_squeeze %dma_wait3A_238 : memref<1x128x128xf32, #tpu.memory_space<vmem>> -> memref<128x128xf32, #tpu.memory_space<vmem>>
        %dma_wait3A_240 = arith.constant 0 : i32
        %dma_wait3A_241 = arith.constant 0 : i32
        %dma_wait3A_242 = tpu.memref_slice %arg10[%dma_wait3A_240, %dma_wait3A_241] : memref<10240x128xf32, #tpu.memory_space<vmem_shared>> -> memref<128x128xf32, #tpu.memory_space<vmem_shared>>
        %dma_wait3A_243 = arith.constant 0 : i32
        %dma_wait3A_244 = arith.constant 0 : i32
        %dma_wait3A_245 = tpu.memref_slice %arg10[%dma_wait3A_243, %dma_wait3A_244] : memref<10240x128xf32, #tpu.memory_space<vmem_shared>> -> memref<128x128xf32, #tpu.memory_space<vmem_shared>>
        %dma_wait3A_246 = arith.constant 0 : i32
        %dma_wait3A_247 = arith.constant 0 : i32
        %dma_wait3A_248 = tpu.memref_slice %arg13[%dma_wait3A_235, %dma_wait3A_246, %dma_wait3A_247] : memref<2x128x128xf32, #tpu.memory_space<vmem>> -> memref<1x128x128xf32, #tpu.memory_space<vmem>>
        %dma_wait3A_249 = tpu.memref_squeeze %dma_wait3A_248 : memref<1x128x128xf32, #tpu.memory_space<vmem>> -> memref<128x128xf32, #tpu.memory_space<vmem>>
        tpu.wait_dma2 semaphore(%arg18 : memref<!tpu.dma_semaphore, #tpu.memory_space<semaphore_mem>>) src(%dma_wait3A_249 : memref<128x128xf32, #tpu.memory_space<vmem>>) dst(%dma_wait3A_245 : memref<128x128xf32, #tpu.memory_space<vmem_shared>>)
        %add3A_250 = arith.constant 4 : i32
        %add3A_251 = arith.addi %mul3A_63, %add3A_250 : i32
        %lt3A_252 = arith.constant 160 : i32
        %lt3A_253 = arith.cmpi slt, %add3A_251, %lt3A_252 : i32
        %convert_element_type3A_254 = arith.extui %lt3A_253 : i1 to i32
        %cond3A_255 = arith.constant 0 : i32
        %cond3A_256 = arith.cmpi ne, %convert_element_type3A_254, %cond3A_255 : i32
        scf.if %cond3A_256 {
          %dma_wait3A_286 = arith.constant 0 : i32
          %dma_wait3A_287 = arith.constant 0 : i32
          %dma_wait3A_288 = arith.constant 0 : i32
          %dma_wait3A_289 = tpu.memref_slice %arg11[%dma_wait3A_287, %dma_wait3A_288] : memref<4x128xi32, #tpu.memory_space<vmem>> -> memref<1x128xi32, #tpu.memory_space<vmem>>
          %dma_wait3A_290 = tpu.memref_squeeze %dma_wait3A_289 : memref<1x128xi32, #tpu.memory_space<vmem>> -> memref<128xi32, #tpu.memory_space<vmem>>
          %dma_wait3A_291 = arith.constant 0 : i32
          %dma_wait3A_292 = tpu.memref_slice %arg6[%dma_wait3A_286, %dma_wait3A_291] : memref<2560x128xi32, #tpu.memory_space<hbm>> -> memref<1x128xi32, #tpu.memory_space<hbm>>
          %dma_wait3A_293 = tpu.memref_squeeze %dma_wait3A_292 : memref<1x128xi32, #tpu.memory_space<hbm>> -> memref<128xi32, #tpu.memory_space<hbm>>
          %dma_wait3A_294 = arith.constant 0 : i32
          %dma_wait3A_295 = tpu.memref_slice %arg11[%dma_wait3A_287, %dma_wait3A_294] : memref<4x128xi32, #tpu.memory_space<vmem>> -> memref<1x128xi32, #tpu.memory_space<vmem>>
          %dma_wait3A_296 = tpu.memref_squeeze %dma_wait3A_295 : memref<1x128xi32, #tpu.memory_space<vmem>> -> memref<128xi32, #tpu.memory_space<vmem>>
          %dma_wait3A_297 = arith.constant 0 : i32
          %dma_wait3A_298 = tpu.memref_slice %arg6[%dma_wait3A_286, %dma_wait3A_297] : memref<2560x128xi32, #tpu.memory_space<hbm>> -> memref<1x128xi32, #tpu.memory_space<hbm>>
          %dma_wait3A_299 = tpu.memref_squeeze %dma_wait3A_298 : memref<1x128xi32, #tpu.memory_space<hbm>> -> memref<128xi32, #tpu.memory_space<hbm>>
          tpu.wait_dma2 semaphore(%arg16 : memref<!tpu.dma_semaphore, #tpu.memory_space<semaphore_mem>>) src(%dma_wait3A_299 : memref<128xi32, #tpu.memory_space<hbm>>) dst(%dma_wait3A_296 : memref<128xi32, #tpu.memory_space<vmem>>)
          %dma_wait3A_300 = arith.constant 0 : i32
          %dma_wait3A_301 = arith.constant 0 : i32
          %dma_wait3A_302 = arith.constant 0 : i32
          %dma_wait3A_303 = tpu.memref_slice %arg11[%dma_wait3A_301, %dma_wait3A_302] : memref<4x128xi32, #tpu.memory_space<vmem>> -> memref<1x128xi32, #tpu.memory_space<vmem>>
          %dma_wait3A_304 = tpu.memref_squeeze %dma_wait3A_303 : memref<1x128xi32, #tpu.memory_space<vmem>> -> memref<128xi32, #tpu.memory_space<vmem>>
          %dma_wait3A_305 = arith.constant 0 : i32
          %dma_wait3A_306 = tpu.memref_slice %arg6[%dma_wait3A_300, %dma_wait3A_305] : memref<2560x128xi32, #tpu.memory_space<hbm>> -> memref<1x128xi32, #tpu.memory_space<hbm>>
          %dma_wait3A_307 = tpu.memref_squeeze %dma_wait3A_306 : memref<1x128xi32, #tpu.memory_space<hbm>> -> memref<128xi32, #tpu.memory_space<hbm>>
          %dma_wait3A_308 = arith.constant 0 : i32
          %dma_wait3A_309 = tpu.memref_slice %arg11[%dma_wait3A_301, %dma_wait3A_308] : memref<4x128xi32, #tpu.memory_space<vmem>> -> memref<1x128xi32, #tpu.memory_space<vmem>>
          %dma_wait3A_310 = tpu.memref_squeeze %dma_wait3A_309 : memref<1x128xi32, #tpu.memory_space<vmem>> -> memref<128xi32, #tpu.memory_space<vmem>>
          %dma_wait3A_311 = arith.constant 0 : i32
          %dma_wait3A_312 = tpu.memref_slice %arg6[%dma_wait3A_300, %dma_wait3A_311] : memref<2560x128xi32, #tpu.memory_space<hbm>> -> memref<1x128xi32, #tpu.memory_space<hbm>>
          %dma_wait3A_313 = tpu.memref_squeeze %dma_wait3A_312 : memref<1x128xi32, #tpu.memory_space<hbm>> -> memref<128xi32, #tpu.memory_space<hbm>>
          tpu.wait_dma2 semaphore(%arg16 : memref<!tpu.dma_semaphore, #tpu.memory_space<semaphore_mem>>) src(%dma_wait3A_313 : memref<128xi32, #tpu.memory_space<hbm>>) dst(%dma_wait3A_310 : memref<128xi32, #tpu.memory_space<vmem>>)
          %dma_wait3A_314 = arith.constant 0 : i32
          %dma_wait3A_315 = arith.constant 0 : i32
          %dma_wait3A_316 = arith.constant 0 : i32
          %dma_wait3A_317 = tpu.memref_slice %arg11[%dma_wait3A_315, %dma_wait3A_316] : memref<4x128xi32, #tpu.memory_space<vmem>> -> memref<1x128xi32, #tpu.memory_space<vmem>>
          %dma_wait3A_318 = tpu.memref_squeeze %dma_wait3A_317 : memref<1x128xi32, #tpu.memory_space<vmem>> -> memref<128xi32, #tpu.memory_space<vmem>>
          %dma_wait3A_319 = arith.constant 0 : i32
          %dma_wait3A_320 = tpu.memref_slice %arg6[%dma_wait3A_314, %dma_wait3A_319] : memref<2560x128xi32, #tpu.memory_space<hbm>> -> memref<1x128xi32, #tpu.memory_space<hbm>>
          %dma_wait3A_321 = tpu.memref_squeeze %dma_wait3A_320 : memref<1x128xi32, #tpu.memory_space<hbm>> -> memref<128xi32, #tpu.memory_space<hbm>>
          %dma_wait3A_322 = arith.constant 0 : i32
          %dma_wait3A_323 = tpu.memref_slice %arg11[%dma_wait3A_315, %dma_wait3A_322] : memref<4x128xi32, #tpu.memory_space<vmem>> -> memref<1x128xi32, #tpu.memory_space<vmem>>
          %dma_wait3A_324 = tpu.memref_squeeze %dma_wait3A_323 : memref<1x128xi32, #tpu.memory_space<vmem>> -> memref<128xi32, #tpu.memory_space<vmem>>
          %dma_wait3A_325 = arith.constant 0 : i32
          %dma_wait3A_326 = tpu.memref_slice %arg6[%dma_wait3A_314, %dma_wait3A_325] : memref<2560x128xi32, #tpu.memory_space<hbm>> -> memref<1x128xi32, #tpu.memory_space<hbm>>
          %dma_wait3A_327 = tpu.memref_squeeze %dma_wait3A_326 : memref<1x128xi32, #tpu.memory_space<hbm>> -> memref<128xi32, #tpu.memory_space<hbm>>
          tpu.wait_dma2 semaphore(%arg16 : memref<!tpu.dma_semaphore, #tpu.memory_space<semaphore_mem>>) src(%dma_wait3A_327 : memref<128xi32, #tpu.memory_space<hbm>>) dst(%dma_wait3A_324 : memref<128xi32, #tpu.memory_space<vmem>>)
          %dma_wait3A_328 = arith.constant 0 : i32
          %dma_wait3A_329 = arith.constant 0 : i32
          %dma_wait3A_330 = arith.constant 0 : i32
          %dma_wait3A_331 = tpu.memref_slice %arg11[%dma_wait3A_329, %dma_wait3A_330] : memref<4x128xi32, #tpu.memory_space<vmem>> -> memref<1x128xi32, #tpu.memory_space<vmem>>
          %dma_wait3A_332 = tpu.memref_squeeze %dma_wait3A_331 : memref<1x128xi32, #tpu.memory_space<vmem>> -> memref<128xi32, #tpu.memory_space<vmem>>
          %dma_wait3A_333 = arith.constant 0 : i32
          %dma_wait3A_334 = tpu.memref_slice %arg6[%dma_wait3A_328, %dma_wait3A_333] : memref<2560x128xi32, #tpu.memory_space<hbm>> -> memref<1x128xi32, #tpu.memory_space<hbm>>
          %dma_wait3A_335 = tpu.memref_squeeze %dma_wait3A_334 : memref<1x128xi32, #tpu.memory_space<hbm>> -> memref<128xi32, #tpu.memory_space<hbm>>
          %dma_wait3A_336 = arith.constant 0 : i32
          %dma_wait3A_337 = tpu.memref_slice %arg11[%dma_wait3A_329, %dma_wait3A_336] : memref<4x128xi32, #tpu.memory_space<vmem>> -> memref<1x128xi32, #tpu.memory_space<vmem>>
          %dma_wait3A_338 = tpu.memref_squeeze %dma_wait3A_337 : memref<1x128xi32, #tpu.memory_space<vmem>> -> memref<128xi32, #tpu.memory_space<vmem>>
          %dma_wait3A_339 = arith.constant 0 : i32
          %dma_wait3A_340 = tpu.memref_slice %arg6[%dma_wait3A_328, %dma_wait3A_339] : memref<2560x128xi32, #tpu.memory_space<hbm>> -> memref<1x128xi32, #tpu.memory_space<hbm>>
          %dma_wait3A_341 = tpu.memref_squeeze %dma_wait3A_340 : memref<1x128xi32, #tpu.memory_space<hbm>> -> memref<128xi32, #tpu.memory_space<hbm>>
          tpu.wait_dma2 semaphore(%arg16 : memref<!tpu.dma_semaphore, #tpu.memory_space<semaphore_mem>>) src(%dma_wait3A_341 : memref<128xi32, #tpu.memory_space<hbm>>) dst(%dma_wait3A_338 : memref<128xi32, #tpu.memory_space<vmem>>)
          %dma_start3A_342 = arith.constant 0 : i32
          %dma_start3A_343 = arith.constant 0 : i32
          %dma_start3A_344 = arith.constant 0 : i32
          %dma_start3A_345 = arith.constant 0 : i32
          %dma_start3A_346 = tpu.memref_slice %arg13[%dma_start3A_343, %dma_start3A_344, %dma_start3A_345] : memref<2x128x128xf32, #tpu.memory_space<vmem>> -> memref<1x128x128xf32, #tpu.memory_space<vmem>>
          %dma_start3A_347 = tpu.memref_squeeze %dma_start3A_346 : memref<1x128x128xf32, #tpu.memory_space<vmem>> -> memref<128x128xf32, #tpu.memory_space<vmem>>
          %dma_start3A_348 = arith.constant 0 : i32
          %dma_start3A_349 = tpu.memref_slice %arg11[%dma_start3A_342, %dma_start3A_348] : memref<4x128xi32, #tpu.memory_space<vmem>> -> memref<1x128xi32, #tpu.memory_space<vmem>>
          %dma_start3A_350 = tpu.memref_squeeze %dma_start3A_349 : memref<1x128xi32, #tpu.memory_space<vmem>> -> memref<128xi32, #tpu.memory_space<vmem>>
          %dma_start3A_351 = arith.constant 0 : i32
          %dma_start3A_352 = arith.constant 0 : i32
          %dma_start3A_353 = tpu.memref_slice %arg3[%dma_start3A_351, %dma_start3A_352] : memref<10240x128xf32, #tpu.memory_space<hbm>> -> memref<10240x128xf32, #tpu.memory_space<hbm>>
          tpu.enqueue_indirect_dma source(%dma_start3A_353 : memref<10240x128xf32, #tpu.memory_space<hbm>>) target(%dma_start3A_347 : memref<128x128xf32, #tpu.memory_space<vmem>>) offsets(%dma_start3A_350 : memref<128xi32, #tpu.memory_space<vmem>>) semaphore(%arg14 : memref<!tpu.dma_semaphore, #tpu.memory_space<semaphore_mem>>)
        } else {
        }
        %dma_wait3A_257 = arith.constant 1 : i32
        %dma_wait3A_258 = arith.constant 0 : i32
        %dma_wait3A_259 = arith.constant 0 : i32
        %dma_wait3A_260 = tpu.memref_slice %arg13[%dma_wait3A_257, %dma_wait3A_258, %dma_wait3A_259] : memref<2x128x128xf32, #tpu.memory_space<vmem>> -> memref<1x128x128xf32, #tpu.memory_space<vmem>>
        %dma_wait3A_261 = tpu.memref_squeeze %dma_wait3A_260 : memref<1x128x128xf32, #tpu.memory_space<vmem>> -> memref<128x128xf32, #tpu.memory_space<vmem>>
        %dma_wait3A_262 = arith.constant 0 : i32
        %dma_wait3A_263 = arith.constant 0 : i32
        %dma_wait3A_264 = tpu.memref_slice %arg10[%dma_wait3A_262, %dma_wait3A_263] : memref<10240x128xf32, #tpu.memory_space<vmem_shared>> -> memref<128x128xf32, #tpu.memory_space<vmem_shared>>
        %dma_wait3A_265 = arith.constant 0 : i32
        %dma_wait3A_266 = arith.constant 0 : i32
        %dma_wait3A_267 = tpu.memref_slice %arg10[%dma_wait3A_265, %dma_wait3A_266] : memref<10240x128xf32, #tpu.memory_space<vmem_shared>> -> memref<128x128xf32, #tpu.memory_space<vmem_shared>>
        %dma_wait3A_268 = arith.constant 0 : i32
        %dma_wait3A_269 = arith.constant 0 : i32
        %dma_wait3A_270 = tpu.memref_slice %arg13[%dma_wait3A_257, %dma_wait3A_268, %dma_wait3A_269] : memref<2x128x128xf32, #tpu.memory_space<vmem>> -> memref<1x128x128xf32, #tpu.memory_space<vmem>>
        %dma_wait3A_271 = tpu.memref_squeeze %dma_wait3A_270 : memref<1x128x128xf32, #tpu.memory_space<vmem>> -> memref<128x128xf32, #tpu.memory_space<vmem>>
        tpu.wait_dma2 semaphore(%arg19 : memref<!tpu.dma_semaphore, #tpu.memory_space<semaphore_mem>>) src(%dma_wait3A_271 : memref<128x128xf32, #tpu.memory_space<vmem>>) dst(%dma_wait3A_267 : memref<128x128xf32, #tpu.memory_space<vmem_shared>>)
        %add3A_272 = arith.constant 5 : i32
        %add3A_273 = arith.addi %mul3A_63, %add3A_272 : i32
        %lt3A_274 = arith.constant 160 : i32
        %lt3A_275 = arith.cmpi slt, %add3A_273, %lt3A_274 : i32
        %convert_element_type3A_276 = arith.extui %lt3A_275 : i1 to i32
        %cond3A_277 = arith.constant 0 : i32
        %cond3A_278 = arith.cmpi ne, %convert_element_type3A_276, %cond3A_277 : i32
        scf.if %cond3A_278 {
          %dma_start3A_286 = arith.constant 1 : i32
          %dma_start3A_287 = arith.constant 1 : i32
          %dma_start3A_288 = arith.constant 0 : i32
          %dma_start3A_289 = arith.constant 0 : i32
          %dma_start3A_290 = tpu.memref_slice %arg13[%dma_start3A_287, %dma_start3A_288, %dma_start3A_289] : memref<2x128x128xf32, #tpu.memory_space<vmem>> -> memref<1x128x128xf32, #tpu.memory_space<vmem>>
          %dma_start3A_291 = tpu.memref_squeeze %dma_start3A_290 : memref<1x128x128xf32, #tpu.memory_space<vmem>> -> memref<128x128xf32, #tpu.memory_space<vmem>>
          %dma_start3A_292 = arith.constant 0 : i32
          %dma_start3A_293 = tpu.memref_slice %arg11[%dma_start3A_286, %dma_start3A_292] : memref<4x128xi32, #tpu.memory_space<vmem>> -> memref<1x128xi32, #tpu.memory_space<vmem>>
          %dma_start3A_294 = tpu.memref_squeeze %dma_start3A_293 : memref<1x128xi32, #tpu.memory_space<vmem>> -> memref<128xi32, #tpu.memory_space<vmem>>
          %dma_start3A_295 = arith.constant 0 : i32
          %dma_start3A_296 = arith.constant 0 : i32
          %dma_start3A_297 = tpu.memref_slice %arg3[%dma_start3A_295, %dma_start3A_296] : memref<10240x128xf32, #tpu.memory_space<hbm>> -> memref<10240x128xf32, #tpu.memory_space<hbm>>
          tpu.enqueue_indirect_dma source(%dma_start3A_297 : memref<10240x128xf32, #tpu.memory_space<hbm>>) target(%dma_start3A_291 : memref<128x128xf32, #tpu.memory_space<vmem>>) offsets(%dma_start3A_294 : memref<128xi32, #tpu.memory_space<vmem>>) semaphore(%arg15 : memref<!tpu.dma_semaphore, #tpu.memory_space<semaphore_mem>>)
        } else {
        }
        %add3A_279 = arith.constant 6 : i32
        %add3A_280 = arith.addi %mul3A_63, %add3A_279 : i32
        %lt3A_281 = arith.constant 160 : i32
        %lt3A_282 = arith.cmpi slt, %add3A_280, %lt3A_281 : i32
        %convert_element_type3A_283 = arith.extui %lt3A_282 : i1 to i32
        %cond3A_284 = arith.constant 0 : i32
        %cond3A_285 = arith.cmpi ne, %convert_element_type3A_283, %cond3A_284 : i32
        scf.if %cond3A_285 {
          %add3A_286 = arith.constant 6 : i32
          %add3A_287 = arith.addi %mul3A_63, %add3A_286 : i32
          %mul3A_288 = arith.constant 16 : i32
          %mul3A_289 = arith.muli %add3A_287, %mul3A_288 : i32
          %add3A_290 = arith.addi %arg1, %mul3A_289 : i32
          %dma_start3A_291 = arith.constant 2 : i32
          %dma_start3A_292 = arith.constant 0 : i32
          %dma_start3A_293 = tpu.memref_slice %arg11[%dma_start3A_291, %dma_start3A_292] : memref<4x128xi32, #tpu.memory_space<vmem>> -> memref<1x128xi32, #tpu.memory_space<vmem>>
          %dma_start3A_294 = tpu.memref_squeeze %dma_start3A_293 : memref<1x128xi32, #tpu.memory_space<vmem>> -> memref<128xi32, #tpu.memory_space<vmem>>
          %dma_start3A_295 = arith.constant 0 : i32
          %dma_start3A_296 = tpu.memref_slice %arg6[%add3A_290, %dma_start3A_295] : memref<2560x128xi32, #tpu.memory_space<hbm>> -> memref<1x128xi32, #tpu.memory_space<hbm>>
          %dma_start3A_297 = tpu.memref_squeeze %dma_start3A_296 : memref<1x128xi32, #tpu.memory_space<hbm>> -> memref<128xi32, #tpu.memory_space<hbm>>
          %dma_start3A_298 = arith.constant 0 : i32
          %dma_start3A_299 = tpu.memref_slice %arg11[%dma_start3A_291, %dma_start3A_298] : memref<4x128xi32, #tpu.memory_space<vmem>> -> memref<1x128xi32, #tpu.memory_space<vmem>>
          %dma_start3A_300 = tpu.memref_squeeze %dma_start3A_299 : memref<1x128xi32, #tpu.memory_space<vmem>> -> memref<128xi32, #tpu.memory_space<vmem>>
          %dma_start3A_301 = arith.constant 0 : i32
          %dma_start3A_302 = tpu.memref_slice %arg6[%add3A_290, %dma_start3A_301] : memref<2560x128xi32, #tpu.memory_space<hbm>> -> memref<1x128xi32, #tpu.memory_space<hbm>>
          %dma_start3A_303 = tpu.memref_squeeze %dma_start3A_302 : memref<1x128xi32, #tpu.memory_space<hbm>> -> memref<128xi32, #tpu.memory_space<hbm>>
          tpu.enqueue_dma source(%dma_start3A_303 : memref<128xi32, #tpu.memory_space<hbm>>) target(%dma_start3A_300 : memref<128xi32, #tpu.memory_space<vmem>>) target_semaphore(%arg17 : memref<!tpu.dma_semaphore, #tpu.memory_space<semaphore_mem>>)
          %dma_start3A_304 = arith.constant 2 : i32
          %dma_start3A_305 = arith.constant 0 : i32
          %dma_start3A_306 = tpu.memref_slice %arg12[%dma_start3A_304, %dma_start3A_305] : memref<4x128xi32, #tpu.memory_space<vmem>> -> memref<1x128xi32, #tpu.memory_space<vmem>>
          %dma_start3A_307 = tpu.memref_squeeze %dma_start3A_306 : memref<1x128xi32, #tpu.memory_space<vmem>> -> memref<128xi32, #tpu.memory_space<vmem>>
          %dma_start3A_308 = arith.constant 0 : i32
          %dma_start3A_309 = tpu.memref_slice %arg7[%add3A_290, %dma_start3A_308] : memref<2560x128xi32, #tpu.memory_space<hbm>> -> memref<1x128xi32, #tpu.memory_space<hbm>>
          %dma_start3A_310 = tpu.memref_squeeze %dma_start3A_309 : memref<1x128xi32, #tpu.memory_space<hbm>> -> memref<128xi32, #tpu.memory_space<hbm>>
          %dma_start3A_311 = arith.constant 0 : i32
          %dma_start3A_312 = tpu.memref_slice %arg12[%dma_start3A_304, %dma_start3A_311] : memref<4x128xi32, #tpu.memory_space<vmem>> -> memref<1x128xi32, #tpu.memory_space<vmem>>
          %dma_start3A_313 = tpu.memref_squeeze %dma_start3A_312 : memref<1x128xi32, #tpu.memory_space<vmem>> -> memref<128xi32, #tpu.memory_space<vmem>>
          %dma_start3A_314 = arith.constant 0 : i32
          %dma_start3A_315 = tpu.memref_slice %arg7[%add3A_290, %dma_start3A_314] : memref<2560x128xi32, #tpu.memory_space<hbm>> -> memref<1x128xi32, #tpu.memory_space<hbm>>
          %dma_start3A_316 = tpu.memref_squeeze %dma_start3A_315 : memref<1x128xi32, #tpu.memory_space<hbm>> -> memref<128xi32, #tpu.memory_space<hbm>>
          tpu.enqueue_dma source(%dma_start3A_316 : memref<128xi32, #tpu.memory_space<hbm>>) target(%dma_start3A_313 : memref<128xi32, #tpu.memory_space<vmem>>) target_semaphore(%arg17 : memref<!tpu.dma_semaphore, #tpu.memory_space<semaphore_mem>>)
          %add3A_317 = arith.constant 7 : i32
          %add3A_318 = arith.addi %mul3A_63, %add3A_317 : i32
          %mul3A_319 = arith.constant 16 : i32
          %mul3A_320 = arith.muli %add3A_318, %mul3A_319 : i32
          %add3A_321 = arith.addi %arg1, %mul3A_320 : i32
          %dma_start3A_322 = arith.constant 3 : i32
          %dma_start3A_323 = arith.constant 0 : i32
          %dma_start3A_324 = tpu.memref_slice %arg11[%dma_start3A_322, %dma_start3A_323] : memref<4x128xi32, #tpu.memory_space<vmem>> -> memref<1x128xi32, #tpu.memory_space<vmem>>
          %dma_start3A_325 = tpu.memref_squeeze %dma_start3A_324 : memref<1x128xi32, #tpu.memory_space<vmem>> -> memref<128xi32, #tpu.memory_space<vmem>>
          %dma_start3A_326 = arith.constant 0 : i32
          %dma_start3A_327 = tpu.memref_slice %arg6[%add3A_321, %dma_start3A_326] : memref<2560x128xi32, #tpu.memory_space<hbm>> -> memref<1x128xi32, #tpu.memory_space<hbm>>
          %dma_start3A_328 = tpu.memref_squeeze %dma_start3A_327 : memref<1x128xi32, #tpu.memory_space<hbm>> -> memref<128xi32, #tpu.memory_space<hbm>>
          %dma_start3A_329 = arith.constant 0 : i32
          %dma_start3A_330 = tpu.memref_slice %arg11[%dma_start3A_322, %dma_start3A_329] : memref<4x128xi32, #tpu.memory_space<vmem>> -> memref<1x128xi32, #tpu.memory_space<vmem>>
          %dma_start3A_331 = tpu.memref_squeeze %dma_start3A_330 : memref<1x128xi32, #tpu.memory_space<vmem>> -> memref<128xi32, #tpu.memory_space<vmem>>
          %dma_start3A_332 = arith.constant 0 : i32
          %dma_start3A_333 = tpu.memref_slice %arg6[%add3A_321, %dma_start3A_332] : memref<2560x128xi32, #tpu.memory_space<hbm>> -> memref<1x128xi32, #tpu.memory_space<hbm>>
          %dma_start3A_334 = tpu.memref_squeeze %dma_start3A_333 : memref<1x128xi32, #tpu.memory_space<hbm>> -> memref<128xi32, #tpu.memory_space<hbm>>
          tpu.enqueue_dma source(%dma_start3A_334 : memref<128xi32, #tpu.memory_space<hbm>>) target(%dma_start3A_331 : memref<128xi32, #tpu.memory_space<vmem>>) target_semaphore(%arg17 : memref<!tpu.dma_semaphore, #tpu.memory_space<semaphore_mem>>)
          %dma_start3A_335 = arith.constant 3 : i32
          %dma_start3A_336 = arith.constant 0 : i32
          %dma_start3A_337 = tpu.memref_slice %arg12[%dma_start3A_335, %dma_start3A_336] : memref<4x128xi32, #tpu.memory_space<vmem>> -> memref<1x128xi32, #tpu.memory_space<vmem>>
          %dma_start3A_338 = tpu.memref_squeeze %dma_start3A_337 : memref<1x128xi32, #tpu.memory_space<vmem>> -> memref<128xi32, #tpu.memory_space<vmem>>
          %dma_start3A_339 = arith.constant 0 : i32
          %dma_start3A_340 = tpu.memref_slice %arg7[%add3A_321, %dma_start3A_339] : memref<2560x128xi32, #tpu.memory_space<hbm>> -> memref<1x128xi32, #tpu.memory_space<hbm>>
          %dma_start3A_341 = tpu.memref_squeeze %dma_start3A_340 : memref<1x128xi32, #tpu.memory_space<hbm>> -> memref<128xi32, #tpu.memory_space<hbm>>
          %dma_start3A_342 = arith.constant 0 : i32
          %dma_start3A_343 = tpu.memref_slice %arg12[%dma_start3A_335, %dma_start3A_342] : memref<4x128xi32, #tpu.memory_space<vmem>> -> memref<1x128xi32, #tpu.memory_space<vmem>>
          %dma_start3A_344 = tpu.memref_squeeze %dma_start3A_343 : memref<1x128xi32, #tpu.memory_space<vmem>> -> memref<128xi32, #tpu.memory_space<vmem>>
          %dma_start3A_345 = arith.constant 0 : i32
          %dma_start3A_346 = tpu.memref_slice %arg7[%add3A_321, %dma_start3A_345] : memref<2560x128xi32, #tpu.memory_space<hbm>> -> memref<1x128xi32, #tpu.memory_space<hbm>>
          %dma_start3A_347 = tpu.memref_squeeze %dma_start3A_346 : memref<1x128xi32, #tpu.memory_space<hbm>> -> memref<128xi32, #tpu.memory_space<hbm>>
          tpu.enqueue_dma source(%dma_start3A_347 : memref<128xi32, #tpu.memory_space<hbm>>) target(%dma_start3A_344 : memref<128xi32, #tpu.memory_space<vmem>>) target_semaphore(%arg17 : memref<!tpu.dma_semaphore, #tpu.memory_space<semaphore_mem>>)
        } else {
        }
      }
      %scan3A_60 = arith.constant 40 : i32
    } else {
    }
    %barrier3A_8 = arith.constant 0 : index
    tpu.barrier barrier_id(%barrier3A_8)
    %eq3A_9 = arith.constant 0 : i32
    %eq3A_10 = arith.cmpi eq, %arg0, %eq3A_9 : i32
    %convert_element_type3A_11 = arith.extui %eq3A_10 : i1 to i32
    %cond3A_12 = arith.constant 0 : i32
    %cond3A_13 = arith.cmpi ne, %convert_element_type3A_11, %cond3A_12 : i32
    scf.if %cond3A_13 {
      %run_scoped3A = arith.constant 0 : i32
      "tpu.region"() ({
        %run_scoped3A_19 = tpu.sem_alloc : memref<!tpu.dma_semaphore, #tpu.memory_space<semaphore_mem>>
        %dma_start3A = arith.constant 0 : i32
        %dma_start3A_20 = tpu.memref_slice %arg9[%run_scoped3A, %mul3A_0, %dma_start3A] : memref<2x10240x128xf32, #tpu.memory_space<hbm>> -> memref<1x640x128xf32, #tpu.memory_space<hbm>>
        %dma_start3A_21 = tpu.memref_squeeze %dma_start3A_20 : memref<1x640x128xf32, #tpu.memory_space<hbm>> -> memref<640x128xf32, #tpu.memory_space<hbm>>
        %dma_start3A_22 = arith.constant 0 : i32
        %dma_start3A_23 = tpu.memref_slice %arg10[%mul3A_0, %dma_start3A_22] : memref<10240x128xf32, #tpu.memory_space<vmem_shared>> -> memref<640x128xf32, #tpu.memory_space<vmem_shared>>
        tpu.enqueue_dma source(%dma_start3A_23 : memref<640x128xf32, #tpu.memory_space<vmem_shared>>) target(%dma_start3A_21 : memref<640x128xf32, #tpu.memory_space<hbm>>) target_semaphore(%run_scoped3A_19 : memref<!tpu.dma_semaphore, #tpu.memory_space<semaphore_mem>>)
        %dma_wait3A = arith.constant 0 : i32
        %dma_wait3A_24 = tpu.memref_slice %arg9[%run_scoped3A, %mul3A_0, %dma_wait3A] : memref<2x10240x128xf32, #tpu.memory_space<hbm>> -> memref<1x640x128xf32, #tpu.memory_space<hbm>>
        %dma_wait3A_25 = tpu.memref_squeeze %dma_wait3A_24 : memref<1x640x128xf32, #tpu.memory_space<hbm>> -> memref<640x128xf32, #tpu.memory_space<hbm>>
        %dma_wait3A_26 = arith.constant 0 : i32
        %dma_wait3A_27 = tpu.memref_slice %arg10[%mul3A_0, %dma_wait3A_26] : memref<10240x128xf32, #tpu.memory_space<vmem_shared>> -> memref<640x128xf32, #tpu.memory_space<vmem_shared>>
        tpu.wait_dma2 semaphore(%run_scoped3A_19 : memref<!tpu.dma_semaphore, #tpu.memory_space<semaphore_mem>>) src(%dma_wait3A_27 : memref<640x128xf32, #tpu.memory_space<vmem_shared>>) dst(%dma_wait3A_25 : memref<640x128xf32, #tpu.memory_space<hbm>>)
        tpu.yield
      }) : () -> ()
    } else {
    }
    %eq3A_14 = arith.constant 1 : i32
    %eq3A_15 = arith.cmpi eq, %arg0, %eq3A_14 : i32
    %convert_element_type3A_16 = arith.extui %eq3A_15 : i1 to i32
    %cond3A_17 = arith.constant 0 : i32
    %cond3A_18 = arith.cmpi ne, %convert_element_type3A_16, %cond3A_17 : i32
    scf.if %cond3A_18 {
      %run_scoped3A = arith.constant 1 : i32
      "tpu.region"() ({
        %run_scoped3A_19 = tpu.sem_alloc : memref<!tpu.dma_semaphore, #tpu.memory_space<semaphore_mem>>
        %dma_start3A = arith.constant 0 : i32
        %dma_start3A_20 = tpu.memref_slice %arg9[%run_scoped3A, %mul3A_0, %dma_start3A] : memref<2x10240x128xf32, #tpu.memory_space<hbm>> -> memref<1x640x128xf32, #tpu.memory_space<hbm>>
        %dma_start3A_21 = tpu.memref_squeeze %dma_start3A_20 : memref<1x640x128xf32, #tpu.memory_space<hbm>> -> memref<640x128xf32, #tpu.memory_space<hbm>>
        %dma_start3A_22 = arith.constant 0 : i32
        %dma_start3A_23 = tpu.memref_slice %arg10[%mul3A_0, %dma_start3A_22] : memref<10240x128xf32, #tpu.memory_space<vmem_shared>> -> memref<640x128xf32, #tpu.memory_space<vmem_shared>>
        tpu.enqueue_dma source(%dma_start3A_23 : memref<640x128xf32, #tpu.memory_space<vmem_shared>>) target(%dma_start3A_21 : memref<640x128xf32, #tpu.memory_space<hbm>>) target_semaphore(%run_scoped3A_19 : memref<!tpu.dma_semaphore, #tpu.memory_space<semaphore_mem>>)
        %dma_wait3A = arith.constant 0 : i32
        %dma_wait3A_24 = tpu.memref_slice %arg9[%run_scoped3A, %mul3A_0, %dma_wait3A] : memref<2x10240x128xf32, #tpu.memory_space<hbm>> -> memref<1x640x128xf32, #tpu.memory_space<hbm>>
        %dma_wait3A_25 = tpu.memref_squeeze %dma_wait3A_24 : memref<1x640x128xf32, #tpu.memory_space<hbm>> -> memref<640x128xf32, #tpu.memory_space<hbm>>
        %dma_wait3A_26 = arith.constant 0 : i32
        %dma_wait3A_27 = tpu.memref_slice %arg10[%mul3A_0, %dma_wait3A_26] : memref<10240x128xf32, #tpu.memory_space<vmem_shared>> -> memref<640x128xf32, #tpu.memory_space<vmem_shared>>
        tpu.wait_dma2 semaphore(%run_scoped3A_19 : memref<!tpu.dma_semaphore, #tpu.memory_space<semaphore_mem>>) src(%dma_wait3A_27 : memref<640x128xf32, #tpu.memory_space<vmem_shared>>) dst(%dma_wait3A_25 : memref<640x128xf32, #tpu.memory_space<hbm>>)
        tpu.yield
      }) : () -> ()
    } else {
    }
    return
  }
}

module attributes {stable_mosaic.version = 14 : i64} {
  func.func @_h_body(%arg0: i32, %arg1: memref<1280x128xf32, #tpu.memory_space<vmem>>, %arg2: memref<128x128xf32, #tpu.memory_space<vmem>>, %arg3: memref<128x128xf32, #tpu.memory_space<vmem>>, %arg4: memref<1280x1xf32, #tpu.memory_space<vmem>>, %arg5: memref<1280x1xf32, #tpu.memory_space<vmem>>, %arg6: memref<1280x128xf32, #tpu.memory_space<vmem>>, %arg7: memref<1280x128xf32, #tpu.memory_space<vmem>>) attributes {dimension_semantics = [#tpu.dimension_semantics<arbitrary>], iteration_bounds = array<i64: 8>, scalar_prefetch = 0 : i64, scratch_operands = 0 : i64, tpu.core_type = #tpu.core_type<tc>, window_params = [{transform_indices = @transform_0, window_bounds = array<i64: 1280, 128>}, {pipeline_mode = #tpu.pipeline_mode<synchronous>, transform_indices = @transform_1, window_bounds = array<i64: 128, 128>}, {pipeline_mode = #tpu.pipeline_mode<synchronous>, transform_indices = @transform_2, window_bounds = array<i64: 128, 128>}, {transform_indices = @transform_3, window_bounds = array<i64: 1280, 1>}, {transform_indices = @transform_4, window_bounds = array<i64: 1280, 1>}, {transform_indices = @transform_5, window_bounds = array<i64: 1280, 128>}, {transform_indices = @transform_6, window_bounds = array<i64: 1280, 128>}]} {
    %get3A = arith.constant 0 : index
    %get3A_0 = arith.constant 0 : index
    %get3A_1 = vector.load %arg1[%get3A, %get3A_0] : memref<1280x128xf32, #tpu.memory_space<vmem>>, vector<1280x128xf32>
    %get3A_2 = arith.constant 0 : index
    %get3A_3 = arith.constant 0 : index
    %get3A_4 = vector.load %arg2[%get3A_2, %get3A_3] : memref<128x128xf32, #tpu.memory_space<vmem>>, vector<128x128xf32>
    %dot_general3A = arith.constant dense<0.000000e+00> : vector<1280x128xf32>
    %dot_general3A_5 = tpu.matmul %get3A_1, %get3A_4, %dot_general3A {dimension_numbers = #tpu.dot_dimension_numbers<[1], [0], [0], [1], [0, 0, 1, 1], [], []>, transpose_lhs_hint = false} : vector<1280x128xf32>, vector<128x128xf32>, vector<1280x128xf32> -> vector<1280x128xf32>
    %get3A_6 = arith.constant 0 : index
    %get3A_7 = arith.constant 0 : index
    %get3A_8 = vector.load %arg4[%get3A_6, %get3A_7] : memref<1280x1xf32, #tpu.memory_space<vmem>>, vector<1280x1xf32>
    %mul3A = vector.broadcast %get3A_8 : vector<1280x1xf32> to vector<1280x128xf32>
    %mul3A_9 = arith.mulf %dot_general3A_5, %mul3A : vector<1280x128xf32>
    %swap3A = arith.constant 0 : index
    %swap3A_10 = arith.constant 0 : index
    %swap3A_11 = vector.load %arg6[%swap3A, %swap3A_10] : memref<1280x128xf32, #tpu.memory_space<vmem>>, vector<1280x128xf32>
    tpu.vector_store %arg6[%swap3A, %swap3A_10], %mul3A_9 {strides = array<i32>} : memref<1280x128xf32, #tpu.memory_space<vmem>>, vector<1280x128xf32>,
    %get3A_12 = arith.constant 0 : index
    %get3A_13 = arith.constant 0 : index
    %get3A_14 = vector.load %arg3[%get3A_12, %get3A_13] : memref<128x128xf32, #tpu.memory_space<vmem>>, vector<128x128xf32>
    %dot_general3A_15 = arith.constant dense<0.000000e+00> : vector<1280x128xf32>
    %dot_general3A_16 = tpu.matmul %get3A_1, %get3A_14, %dot_general3A_15 {dimension_numbers = #tpu.dot_dimension_numbers<[1], [0], [0], [1], [0, 0, 1, 1], [], []>, transpose_lhs_hint = false} : vector<1280x128xf32>, vector<128x128xf32>, vector<1280x128xf32> -> vector<1280x128xf32>
    %get3A_17 = arith.constant 0 : index
    %get3A_18 = arith.constant 0 : index
    %get3A_19 = vector.load %arg5[%get3A_17, %get3A_18] : memref<1280x1xf32, #tpu.memory_space<vmem>>, vector<1280x1xf32>
    %mul3A_20 = vector.broadcast %get3A_19 : vector<1280x1xf32> to vector<1280x128xf32>
    %mul3A_21 = arith.mulf %dot_general3A_16, %mul3A_20 : vector<1280x128xf32>
    %swap3A_22 = arith.constant 0 : index
    %swap3A_23 = arith.constant 0 : index
    %swap3A_24 = vector.load %arg7[%swap3A_22, %swap3A_23] : memref<1280x128xf32, #tpu.memory_space<vmem>>, vector<1280x128xf32>
    tpu.vector_store %arg7[%swap3A_22, %swap3A_23], %mul3A_21 {strides = array<i32>} : memref<1280x128xf32, #tpu.memory_space<vmem>>, vector<1280x128xf32>,
    return
  }
  func.func @transform_0(%arg0: i32) -> (i32, i32) {
    %c0_i32 = arith.constant 0 : i32
    %c0_i32_0 = arith.constant 0 : i32
    return %arg0, %c0_i32 : i32, i32
  }
  func.func @transform_1(%arg0: i32) -> (i32, i32) {
    %c0_i32 = arith.constant 0 : i32
    %c0_i32_0 = arith.constant 0 : i32
    %c0_i32_1 = arith.constant 0 : i32
    return %c0_i32, %c0_i32_0 : i32, i32
  }
  func.func @transform_2(%arg0: i32) -> (i32, i32) {
    %c0_i32 = arith.constant 0 : i32
    %c0_i32_0 = arith.constant 0 : i32
    %c0_i32_1 = arith.constant 0 : i32
    return %c0_i32, %c0_i32_0 : i32, i32
  }
  func.func @transform_3(%arg0: i32) -> (i32, i32) {
    %c0_i32 = arith.constant 0 : i32
    %c0_i32_0 = arith.constant 0 : i32
    return %arg0, %c0_i32 : i32, i32
  }
  func.func @transform_4(%arg0: i32) -> (i32, i32) {
    %c0_i32 = arith.constant 0 : i32
    %c0_i32_0 = arith.constant 0 : i32
    return %arg0, %c0_i32 : i32, i32
  }
  func.func @transform_5(%arg0: i32) -> (i32, i32) {
    %c0_i32 = arith.constant 0 : i32
    %c0_i32_0 = arith.constant 0 : i32
    return %arg0, %c0_i32 : i32, i32
  }
  func.func @transform_6(%arg0: i32) -> (i32, i32) {
    %c0_i32 = arith.constant 0 : i32
    %c0_i32_0 = arith.constant 0 : i32
    return %arg0, %c0_i32 : i32, i32
  }
}

module attributes {stable_mosaic.version = 14 : i64} {
  func.func @_fin_body(%arg0: i32, %arg1: memref<1000x128xf32, #tpu.memory_space<vmem>>, %arg2: memref<1000x128xf32, #tpu.memory_space<vmem>>, %arg3: memref<1000x1xf32, #tpu.memory_space<vmem>>, %arg4: memref<1000x1xf32, #tpu.memory_space<vmem>>, %arg5: memref<1x128xf32, #tpu.memory_space<vmem>>, %arg6: memref<1x128xf32, #tpu.memory_space<vmem>>, %arg7: memref<1000x128xf32, #tpu.memory_space<vmem>>) attributes {dimension_semantics = [#tpu.dimension_semantics<arbitrary>], iteration_bounds = array<i64: 10>, scalar_prefetch = 0 : i64, scratch_operands = 0 : i64, tpu.core_type = #tpu.core_type<tc>, window_params = [{transform_indices = @transform_0, window_bounds = array<i64: 1000, 128>}, {transform_indices = @transform_1, window_bounds = array<i64: 1000, 128>}, {transform_indices = @transform_2, window_bounds = array<i64: 1000, 1>}, {transform_indices = @transform_3, window_bounds = array<i64: 1000, 1>}, {pipeline_mode = #tpu.pipeline_mode<synchronous>, transform_indices = @transform_4, window_bounds = array<i64: 1, 128>}, {pipeline_mode = #tpu.pipeline_mode<synchronous>, transform_indices = @transform_5, window_bounds = array<i64: 1, 128>}, {transform_indices = @transform_6, window_bounds = array<i64: 1000, 128>}]} {
    %get3A = arith.constant 0 : index
    %get3A_0 = arith.constant 0 : index
    %get3A_1 = vector.load %arg1[%get3A, %get3A_0] : memref<1000x128xf32, #tpu.memory_space<vmem>>, vector<1000x128xf32>
    %get3A_2 = arith.constant 0 : index
    %get3A_3 = arith.constant 0 : index
    %get3A_4 = vector.load %arg3[%get3A_2, %get3A_3] : memref<1000x1xf32, #tpu.memory_space<vmem>>, vector<1000x1xf32>
    %mul3A = vector.broadcast %get3A_4 : vector<1000x1xf32> to vector<1000x128xf32>
    %mul3A_5 = arith.mulf %get3A_1, %mul3A : vector<1000x128xf32>
    %get3A_6 = arith.constant 0 : index
    %get3A_7 = arith.constant 0 : index
    %get3A_8 = vector.load %arg5[%get3A_6, %get3A_7] : memref<1x128xf32, #tpu.memory_space<vmem>>, vector<1x128xf32>
    %add3A = vector.broadcast %get3A_8 : vector<1x128xf32> to vector<1000x128xf32>
    %add3A_9 = arith.addf %mul3A_5, %add3A : vector<1000x128xf32>
    %get3A_10 = arith.constant 0 : index
    %get3A_11 = arith.constant 0 : index
    %get3A_12 = vector.load %arg2[%get3A_10, %get3A_11] : memref<1000x128xf32, #tpu.memory_space<vmem>>, vector<1000x128xf32>
    %get3A_13 = arith.constant 0 : index
    %get3A_14 = arith.constant 0 : index
    %get3A_15 = vector.load %arg4[%get3A_13, %get3A_14] : memref<1000x1xf32, #tpu.memory_space<vmem>>, vector<1000x1xf32>
    %mul3A_16 = vector.broadcast %get3A_15 : vector<1000x1xf32> to vector<1000x128xf32>
    %mul3A_17 = arith.mulf %get3A_12, %mul3A_16 : vector<1000x128xf32>
    %get3A_18 = arith.constant 0 : index
    %get3A_19 = arith.constant 0 : index
    %get3A_20 = vector.load %arg6[%get3A_18, %get3A_19] : memref<1x128xf32, #tpu.memory_space<vmem>>, vector<1x128xf32>
    %add3A_21 = vector.broadcast %get3A_20 : vector<1x128xf32> to vector<1000x128xf32>
    %add3A_22 = arith.addf %mul3A_17, %add3A_21 : vector<1000x128xf32>
    %add3A_23 = arith.addf %add3A_9, %add3A_22 : vector<1000x128xf32>
    %mul3A_24 = arith.constant 5.000000e-01 : f32
    %mul3A_25 = vector.broadcast %mul3A_24 : f32 to vector<1000x128xf32>
    %mul3A_26 = arith.mulf %mul3A_25, %add3A_23 : vector<1000x128xf32>
    %swap3A = arith.constant 0 : index
    %swap3A_27 = arith.constant 0 : index
    %swap3A_28 = vector.load %arg7[%swap3A, %swap3A_27] : memref<1000x128xf32, #tpu.memory_space<vmem>>, vector<1000x128xf32>
    tpu.vector_store %arg7[%swap3A, %swap3A_27], %mul3A_26 {strides = array<i32>} : memref<1000x128xf32, #tpu.memory_space<vmem>>, vector<1000x128xf32>,
    return
  }
  func.func @transform_0(%arg0: i32) -> (i32, i32) {
    %c0_i32 = arith.constant 0 : i32
    %c0_i32_0 = arith.constant 0 : i32
    return %arg0, %c0_i32 : i32, i32
  }
  func.func @transform_1(%arg0: i32) -> (i32, i32) {
    %c0_i32 = arith.constant 0 : i32
    %c0_i32_0 = arith.constant 0 : i32
    return %arg0, %c0_i32 : i32, i32
  }
  func.func @transform_2(%arg0: i32) -> (i32, i32) {
    %c0_i32 = arith.constant 0 : i32
    %c0_i32_0 = arith.constant 0 : i32
    return %arg0, %c0_i32 : i32, i32
  }
  func.func @transform_3(%arg0: i32) -> (i32, i32) {
    %c0_i32 = arith.constant 0 : i32
    %c0_i32_0 = arith.constant 0 : i32
    return %arg0, %c0_i32 : i32, i32
  }
  func.func @transform_4(%arg0: i32) -> (i32, i32) {
    %c0_i32 = arith.constant 0 : i32
    %c0_i32_0 = arith.constant 0 : i32
    %c0_i32_1 = arith.constant 0 : i32
    return %c0_i32, %c0_i32_0 : i32, i32
  }
  func.func @transform_5(%arg0: i32) -> (i32, i32) {
    %c0_i32 = arith.constant 0 : i32
    %c0_i32_0 = arith.constant 0 : i32
    %c0_i32_1 = arith.constant 0 : i32
    return %c0_i32, %c0_i32_0 : i32, i32
  }
  func.func @transform_6(%arg0: i32) -> (i32, i32) {
    %c0_i32 = arith.constant 0 : i32
    %c0_i32_0 = arith.constant 0 : i32
    return %arg0, %c0_i32 : i32, i32
  }
}

</mosaic_0001>

<sc_bundles>
// kernel: kernel.6.cloned.1.call-start
scs
__scs_entry_jumppad:
0x0: {  	(pc) =	sbr.rel $0x88, $3  }
0x1: {  	(tag) =	ssettag $0x0;
	lr =	simm.s32 $0x1  }
0x2: {  	[smem:$0x3F9A] =	sst lr;
	_ =	strace $0xD0000000  }
0x3: {  	_ = 	snop  }
0x4: {  	_ = 	snop  }
0x5: {  	_ = 	snop  }
0x6: {  	_ = 	snop  }
0x7: {  	_ = 	snop  }
__scs_overlays_trampoline_lowered:
0x8: {  	[smem:$0x3FA9] =	sst s0  }
0x9: {  	[smem:$0x3FAA] =	sst s1  }
0xa: {  	[smem:$0x3FAB] =	sst s2  }
0xb: {  	[smem:$0x3FAC] =	sst s3  }
0xc: {  	[smem:$0x3FAD] =	sst s4  }
0xd: {  	[smem:$0x3FAE] =	sst s5  }
0xe: {  	[smem:$0x3FAF] =	sst s6  }
0xf: {  	[smem:$0x3FB0] =	sst s7  }
0x10: {  	[smem:$0x3FB1] =	sst s8  }
0x11: {  	[smem:$0x3FB2] =	sst s9;
	s0 =	simm.s32 @!p0 $0x0  }
0x12: {  	s1 =	sld [smem:$0x3F98];
	s0 =	simm.s32 @p0 $0x1  }
0x13: {  	[smem:$0x3FB3] =	sst s0;
	s0 =	simm.s32 @!p1 $0x0  }
0x14: {  	s2 =	sld [smem:$0x3F97];
	s0 =	simm.s32 @p1 $0x1  }
0x15: {  	[smem:$0x3FB4] =	sst s0;
	s0 =	simm.s32 @!p2 $0x0  }
0x16: {  	s3 =	sld [smem:$0x3FDB];
	s0 =	simm.s32 @p2 $0x1  }
0x17: {  	s4 =	simm.s32 $0x1BF5;
	[smem:$0x3FB6] =	sst s0  }
0x18: {  	s0 =	sld [smem:$0x3F99];
	_ =	swait.ge [sflag:s4], $0x0  }
0x19: {  	s7 =	sld [smem:$0x3F9A]  }
0x1a: {  	s8 =	sadd.s32 $0xFFFFE003, lr  }
0x1b: {  	s9 =	sadd.s32 $0xFFFFFEF7, lr;
	s5 =	simm.s32 $0xFFFFFFFF;
	p2 =	slt.u32 s8, $0xFFFFF086  }
0x1c: {  	p1 =	slt.u32 s9, $0xF7A;
	s5 =	simm.s32 @!p2 $0x0  }
0x1d: {  	s5 =	simm.s32 @p1 $0x1;
	p0 =	seq.s32 s7, s2  }
0x1e: {  	s7 =	smul.u32 @!p0 $0xF7A, s2;
	p2 =	seq.s32 @!p0 s5, $0x0  }
0x1f: {  	s9 =	smul.u32 $0xF7A, s1;
	s8 =	simm.s32 @!p0 $0x1BF5;
	p2 =	por !p2, p0  }
0x20: {  	[sflag:s8] =	ssyncset.s32 @!p0 $0xFFFFF086;
	s6 =	sadd.s32 @!p0 s3, s7;
	s7 =	simm.s32 @!p0 $0x108  }
0x21: {  	s3 =	sadd.s32 s3, s9;
	s6 =	sadd.s32 @!p0 $0x88, s6;
	s7 =	simm.s32 @p2 $0x1082  }
0x22: {  	[simem:s7], [sflag:s8] =	dma.local @!p0 [hbm:s6], $0xF7A  }
0x23: {  	s9 =	sor.u32 $0xD0000000, s2;
	s6 =	simm.s32 $0x108;
	_ =	swait.ge @!p0 [sflag:s8], $0x0  }
0x24: {  	s3 =	sadd.s32 $0x88, s3;
	s6 =	simm.s32 @!p1 $0x1082;
	[sflag:s4] =	ssyncset.s32 $0xFFFFF086  }
0x25: {  	[simem:s6], [sflag:s4] =	dma.local [hbm:s3], $0xF7A  }
0x26: {  	[smem:$0x3F9A] =	sst s1;
	(tag) =	ssettag s2;
	_ =	strace s9  }
0x27: {  	s1 =	sld [smem:$0x3FAA]  }
0x28: {  	s2 =	sld [smem:$0x3FAB]  }
0x29: {  	s4 =	sld [smem:$0x3FAD]  }
0x2a: {  	p0 =	seq.s32 s5, $0x0;
	s5 =	sld [smem:$0x3FAE]  }
0x2b: {  	s6 =	sld [smem:$0x3FAF]  }
0x2c: {  	s7 =	sld [smem:$0x3FB0]  }
0x2d: {  	s3 =	simm.s32 $0x108;
	s8 =	sld [smem:$0x3FB1]  }
0x2e: {  	s3 =	simm.s32 @!p0 $0x1082;
	s9 =	sld [smem:$0x3FB2]  }
0x2f: {  	lr =	sadd.s32 s0, s3;
	s0 =	sld [smem:$0x3FA9]  }
0x30: {  	s3 =	sld [smem:$0x3FAC]  }
0x31: {  	[smem:$0x3FB5] =	sst s10  }
0x32: {  	s10 =	sld [smem:$0x3FB3];
	_ =	sdelay $0x3  }
0x33: {  	p0 =	seq.s32 s10, $0x1;
	s10 =	sld [smem:$0x3FB5];
	_ =	sdelay $0x3  }
0x34: {  	[smem:$0x3FB5] =	sst s10  }
0x35: {  	s10 =	sld [smem:$0x3FB4];
	_ =	sdelay $0x3  }
0x36: {  	p1 =	seq.s32 s10, $0x1;
	s10 =	sld [smem:$0x3FB5];
	_ =	sdelay $0x3  }
0x37: {  	[smem:$0x3FB5] =	sst s10  }
0x38: {  	s10 =	sld [smem:$0x3FB6]  }
0x39: {  	_ = 	snop;
	(pc) =	sbr.ind lr, $3  }
0x3a: {  	_ = 	snop  }
0x3b: {  	_ = 	snop  }
0x3c: {  	p2 =	seq.s32 s10, $0x1;
	s10 =	sld [smem:$0x3FB5]  }
0x3d: {  	_ =	shalt  }
0x3e: {  	_ =	shalt  }
0x3f: {  	_ =	shalt  }
0x40: {  	_ =	shalt  }
0x41: {  	_ =	shalt  }
0x42: {  	_ =	shalt  }
0x43: {  	_ =	shalt  }
0x44: {  	_ =	shalt  }
0x45: {  	_ =	shalt  }
0x46: {  	_ =	shalt  }
0x47: {  	_ =	shalt  }
0x48: {  	_ =	shalt  }
0x49: {  	_ =	shalt  }
0x4a: {  	_ =	shalt  }
0x4b: {  	_ =	shalt  }
0x4c: {  	_ =	shalt  }
0x4d: {  	_ =	shalt  }
0x4e: {  	_ =	shalt  }
0x4f: {  	_ =	shalt  }
0x50: {  	_ =	shalt  }
0x51: {  	_ =	shalt  }
0x52: {  	_ =	shalt  }
0x53: {  	_ =	shalt  }
0x54: {  	_ =	shalt  }
0x55: {  	_ =	shalt  }
0x56: {  	_ =	shalt  }
0x57: {  	_ =	shalt  }
0x58: {  	_ =	shalt  }
0x59: {  	_ =	shalt  }
0x5a: {  	_ =	shalt  }
0x5b: {  	_ =	shalt  }
0x5c: {  	_ =	shalt  }
0x5d: {  	_ =	shalt  }
0x5e: {  	_ =	shalt  }
0x5f: {  	_ =	shalt  }
0x60: {  	_ =	shalt  }
0x61: {  	_ =	shalt  }
0x62: {  	_ =	shalt  }
0x63: {  	_ =	shalt  }
0x64: {  	_ =	shalt  }
0x65: {  	_ =	shalt  }
0x66: {  	_ =	shalt  }
0x67: {  	_ =	shalt  }
0x68: {  	_ =	shalt  }
0x69: {  	_ =	shalt  }
0x6a: {  	_ =	shalt  }
0x6b: {  	_ =	shalt  }
0x6c: {  	_ =	shalt  }
0x6d: {  	_ =	shalt  }
0x6e: {  	_ =	shalt  }
0x6f: {  	_ =	shalt  }
0x70: {  	_ =	shalt  }
0x71: {  	_ =	shalt  }
0x72: {  	_ =	shalt  }
0x73: {  	_ =	shalt  }
0x74: {  	_ =	shalt  }
0x75: {  	_ =	shalt  }
0x76: {  	_ =	shalt  }
0x77: {  	_ =	shalt  }
0x78: {  	_ =	shalt  }
0x79: {  	_ =	shalt  }
0x7a: {  	_ =	shalt  }
0x7b: {  	_ =	shalt  }
0x7c: {  	_ =	shalt  }
0x7d: {  	_ =	shalt  }
0x7e: {  	_ =	shalt  }
0x7f: {  	_ =	shalt  }
0x80: {  	_ =	shalt  }
0x81: {  	_ =	shalt  }
0x82: {  	_ =	shalt  }
0x83: {  	_ =	shalt  }
0x84: {  	_ =	shalt  }
0x85: {  	_ =	shalt  }
0x86: {  	_ =	shalt  }
0x87: {  	_ =	shalt  }
.Lfunc_end0:
.L_simem_size_0:
called_computation_lowered:
.L_overlay_start_0:
0x88: {  	s2 =	sld [smem:$0x3FD9]  }
0x89: {  	s3 =	sld [smem:$0x3FFE];
	_ =	sdelay $0x1  }
0x8a: {  	s1 =	srdreg.scid  }
0x8b: {  	s0 =	sand.u32 $0x1, s1  }
0x8c: {  	s17 =	sshll.u32 s0, $0xA;
	s2 =	sadd.s32 s3, s2  }
0x8d: {  	s2 =	sadd.s32 s2, s17  }
0x8e: {  	[smem:$0x3FC1] =	sst s2  }
0x8f: {  	_ = 	snop  }
0x90: {  	s2 =	sld [smem:$0x3FD0];
	(tm) =	ssettm $0x1  }
0x91: {  	s18 =	sld [smem:$0x3FFB];
	_ =	sdelay $0x3  }
0x92: {  	_ =	strace s18  }
0x93: {  	s3 =	sld [smem:$0x3FFC];
	_ =	sdelay $0x3  }
0x94: {  	_ =	strace s3  }
0x95: {  	s3 =	sld [smem:$0x3FFD];
	_ =	sdelay $0x3  }
0x96: {  	_ =	strace s3  }
0x97: {  	_ =	strace $0x8FFFFFFF  }
0x98: {  	s19 =	sld [smem:$0x3FDB];
	_ =	sdelay $0x1  }
0x99: {  	s4 =	simm.s32 $_scs_section_size  }
0x9a: {  	s5 =	simm.s32 $_size__tile_overlayer_lowered;
	s6 =	simm.s32 $_tile_overlayer_lowered  }
0x9b: {  	s22 =	simm.s32 $0x1BFF;
	s21 =	sshll.u32 s6, $0x1;
	s3 =	sadd.s32 s4, s19  }
0x9c: {  	s7 =	simm.s32 $0x0;
	s20 =	sshll.u32 s5, $0x1;
	s5 =	sadd.s32 s21, s3  }
0x9d: {  	[timem:s7], [sflag:s22] =	dma.local [hbm:s5], s20  }
0x9e: {  	_ =	swait.ge [sflag:s22], s20  }
0x9f: {  	s4 =	ssub.s32 $0x0, s20;
	[sflag:s22] =	ssyncset.done $0x0  }
0xa0: {  	[sflag:s22] =	ssyncadd.s32 s4;
	_ =	sdelay $0x1  }
0xa1: {  	s23 =	simm.s32 $0x1B8B  }
0xa2: {  	_ =	swait.ge [sflag:s23], $0x1  }
0xa3: {  	[sflag:s23] =	ssyncset.done $0x0  }
0xa4: {  	s25 =	simm.s32 $0x1B8E;
	s24 =	sld [smem:$0x3FFE];
	[sflag:s23] =	ssyncadd.s32 $0xFFFFFFFF  }
0xa5: {  	s26 =	simm.s32 $execute0_lowered;
	[smem:$0x3FD2] =	sst s25  }
0xa6: {  	s5 =	sshll.u32 s26, $0x1;
	_ =	strace $0x80000046;
	[dreg:$0x1] =	wrdreg $0xFFFFFFFF  }
0xa7: {  	s28 =	simm.s32 $_size_execute0_lowered;
	s3 =	sadd.s32 s3, s5;
	[dreg:$0x0] =	wrdreg $0x0  }
0xa8: {  	s5 =	sshll.u32 s28, $0x1;
	[dreg:$0x2] =	wrdreg s3  }
0xa9: {  	[dreg:$0x3] =	wrdreg s5  }
0xaa: {  	[dreg:$0x4] =	wrdreg $0xC0  }
0xab: {  	_ =	task [dreg:s7], $0x5FFFF  }
0xac: {  	[dreg:$0x1] =	wrdreg $0xFFFFFFFF  }
0xad: {  	[dreg:$0x0] =	wrdreg $0x60  }
0xae: {  	[dreg:$0x2] =	wrdreg s24  }
0xaf: {  	[dreg:$0x3] =	wrdreg s2  }
0xb0: {  	[dreg:$0x4] =	wrdreg $0x0  }
0xb1: {  	[dreg:$0x5] =	wrdreg $0x2800  }
0xb2: {  	[dreg:$0x6] =	wrdreg $0x9  }
0xb3: {  	_ =	task.clear_ibuf [dreg:s7], $0x7FFFF;
	_ =	strace $0x90000046  }
0xb4: {  	s29 =	simm.s32 $0x9;
	_ =	strace $0x80000048  }
0xb5: {  	_ =	swait.ge [sflag:s29], $0x1  }
0xb6: {  	[sflag:s29] =	ssyncadd.s32 $0xFFFFFFFF  }
0xb7: {  	_ =	strace $0x90000048  }
0xb8: {  	_ =	sfence  }
0xb9: {  	s30 =	sld [smem:$0x0];
	_ =	sdelay $0x2  }
0xba: {  	s31 =	sshll.u32 s1, $0xD;
	s1 =	sshrl.u32 s1, $0x2  }
0xbb: {  	s3 =	sand.u32 $0x4000, s31;
	s1 =	sadd.s32 s1, s30  }
0xbc: {  	s0 =	sor.u32 s3, s0;
	s1 =	sshll.u32 s1, $0x11  }
0xbd: {  	s0 =	sor.u32 s1, s0  }
0xbe: {  	s0 =	sadd.s32 $0x8F2B, s0  }
0xbf: {  	[sflag:s0] =	ssyncadd.remote.s32 $0x1  }
0xc0: {  	_ =	sfence.sel $0xFFFF  }
0xc1: {  	[dreg:$0x0] =	wrdreg $0xFFFFFFFF;
	(pc) =	sbr.abs _section_cstart, $3  }
0xc2: {  	[dreg:$0x1] =	wrdreg $0xFFFFFFFF  }
0xc3: {  	_ =	task.clear_ibuf [dreg:s7], $0x2FFFF;
	_ =	strace $0x9FFFFFFF  }
0xc4: {  	(tm) =	ssettm $0x7FFFFFFF  }
0xc5: {  	_ =	shalt  }
tec
execute0_lowered:
.L_overlay_start_1:
0x0: {  	(tag) =	ssettag $0x1  }
0x1: {  	s0 =	rddreg [dreg:$0x0]  }
0x2: {  	s4 =	rddreg [dreg:$0x1]  }
0x3: {  	s1 =	rddreg [dreg:$0x2]  }
0x4: {  	s2 =	rddreg [dreg:$0x3];
	s3 =	simm.s32 $0x0;
	s12 =	stileid.u32  }
0x5: {  	s7 =	srdreg.scid;
	s29 =	simm.s32 $0x980;
	s30 =	simm.s32 $0x1180  }
0x6: {  	s31 =	simm.s32 $0x1;
	s28 =	simm.s32 $0xD00;
	[smem:$0x7FF] =	sst s3  }
0x7: {  	s5 =	sadd.s32 $0x15200, s0;
	s6 =	sadd.s32 $0x1200, s0;
	s8 =	sadd.s32 $0xB200, s0  }
0x8: {  	s11 =	smul.u32 $0x140, s12;
	s7 =	sand.u32 $0x1, s7;
	s9 =	sadd.s32 $0x1F400, s0  }
0x9: {  	s10 =	smul.u32 $0x280, s12;
	s13 =	sadd.s32 $0x1F200, s0;
	s18 =	sshll.u32 s12, $0x6  }
0xa: {  	s19 =	sshll.u32 s12, $0x7;
	_ =	strace $0x80000047;
	[dreg:$0x6] =	wrdreg s9  }
0xb: {  	s21 =	sadd.s32 $0x1F630, s0;
	s14 =	ssub.s32 $0x2, s7;
	[dreg:$0x7] =	wrdreg s13  }
0xc: {  	s23 =	sor.u32 $0x1C05, s18;
	s12 =	sadd.s32 s4, s19;
	[dreg:$0xe] =	wrdreg s21  }
0xd: {  	s18 =	sadd.s32 s6, s19;
	p0 =	sne.s32 s7, $0x0;
	s7 =	simm.s32 $0x2  }
0xe: {  	s13 =	simm.s32 $0x1280;
	s21 =	simm.s32 $0x1400;
	[dreg:$0x5] =	wrdreg s11  }
0xf: {  	s15 =	sadd.s32 s11, s0;
	s16 =	sshrl.u32 s14, $0x1;
	s17 =	sadd.s32 s10, s1  }
0x10: {  	s10 =	sadd.s32 s10, s2;
	s11 =	sadd.s32 s8, s19;
	[dreg:$0x9] =	wrdreg s23  }
0x11: {  	s0 =	sadd.s32 $0x1F610, s0;
	s9 =	ssub.s32 s14, s16;
	[dreg:$0x8] =	wrdreg s17  }
0x12: {  	[dreg:$0xa] =	wrdreg s10;
	s14 =	sor.u32 $0x800, s19;
	s20 =	sadd.s32 $0x1F620, s15  }
0x13: {  	s17 =	sadd.s32 s5, s19;
	s25 =	sadd.s32 $0x1F600, s15;
	[dreg:$0x12] =	wrdreg s0  }
0x14: {  	s0 =	simm.s32 $0x80;
	s19 =	simm.s32 $0x1300;
	s15 =	simm.s32 $0xB80  }
0x15: {  	s16 =	simm.s32 $0xC00;
	s10 =	simm.s32 $0x4;
	[dreg:$0xd] =	wrdreg s20  }
0x16: {  	s8 =	sadd.s32 s8, s14;
	s4 =	sadd.s32 s4, s14;
	[dreg:$0x11] =	wrdreg s25  }
0x17: {  	s22 =	sadd.s32 s5, s14;
	s24 =	sadd.s32 s6, s14;
	[dreg:$0xb] =	wrdreg s8  }
.Ltmp0:
0x18: {  	s26 =	smax.u32 s9, $0x1;
	[dreg:$0xc] =	wrdreg s4;
	(pc) =	sbr.rel .LBB2_1-.Ltmp0, $4  }
0x19: {  	s25 =	simm.s32 $0x500;
	s20 =	simm.s32 $0x1380;
	[dreg:$0xf] =	wrdreg s22  }
0x1a: {  	s6 =	simm.s32 $0x1500;
	s14 =	simm.s32 $0x0;
	[dreg:$0x10] =	wrdreg s24  }
0x1b: {  	[dreg:$0x13] =	wrdreg s26;
	s24 =	simm.s32 $0x5;
	s4 =	simm.s32 $0xA80  }
0x1c: {  	s26 =	simm.s32 $0xC80;
	s22 =	simm.s32 $0x1480;
	s8 =	simm.s32 $0x3  }
.LBB2_8:
0x1d: {  	s23 =	rddreg [dreg:$0xd]  }
0x1e: {  	s5 =	rddreg [dreg:$0xe]  }
0x1f: {  	s24 =	simm.s32 $0x5;
	s14 =	rddreg [dreg:$0x14]  }
.LBB2_9:
0x20: {  	[bflag:$0x0] =	sbarrier.arrive $0xFFFF  }
0x21: {  	s9 =	rddreg [dreg:$0x9]  }
0x22: {  	s4 =	simm.s32 $0x40;
	s13 =	simm.s32 $0x10;
	s19 =	rddreg [dreg:$0x15]  }
0x23: {  	[hbm:s23@s4], [sflag:s9] =	dma.strided [spmem:s19@s13], $0x50, s31, $0x10   }
0x24: {  	_ =	swait.ge [sflag:s24], $0x50  }
0x25: {  	s23 =	smov.u32 s9;
	[sflag:s24] =	ssyncset.done $0x0;
	s19 =	rddreg [dreg:$0x5]  }
0x26: {  	s5 =	sadd.s32 s19, s5;
	[sflag:s24] =	ssyncadd.s32 $0xFFFFFFB0;
	s19 =	rddreg [dreg:$0x16]  }
0x27: {  	[hbm:s5@s4], [sflag:s23] =	dma.strided [spmem:s19@s13], $0x50, s31, $0x10   }
0x28: {  	_ =	swait.ge [sflag:s24], $0x50  }
0x29: {  	s14 =	sadd.s32 $0x1, s14;
	s19 =	rddreg [dreg:$0x13]  }
0x2a: {  	p1 =	sne.s32 s14, s19  }
.Ltmp1:
0x2b: {  	_ = 	snop;
	(pc) =	sbr.rel @!p1 .LBB2_10-.Ltmp1, $3  }
0x2c: {  	_ =	sdelay $0x1  }
0x2d: {  	s4 =	simm.s32 $0xA80;
	[sflag:s24] =	ssyncset.done $0x0  }
0x2e: {  	s13 =	simm.s32 $0x1280;
	[sflag:s24] =	ssyncadd.s32 $0xFFFFFFB0;
	s19 =	simm.s32 $0x1300  }
.LBB2_1:
0x2f: {  	[dreg:$0x14] =	wrdreg s14  }
0x30: {  	s5 =	rddreg [dreg:$0x8]  }
0x31: {  	s9 =	sshrl.u32 s5, $0x3;
	s5 =	rddreg [dreg:$0x7]  }
0x32: {  	[dreg:$0x15] =	wrdreg s9  }
0x33: {  	[spmem:s9], [sflag:s23] =	dma.local [hbm:s5], $0x50  }
0x34: {  	_ =	swait.ge [sflag:s24], $0x50  }
0x35: {  	s14 =	rddreg [dreg:$0xa]  }
0x36: {  	[sflag:s24] =	ssyncset.done $0x0;
	s9 =	sshrl.u32 s14, $0x3  }
0x37: {  	[sflag:s24] =	ssyncadd.s32 $0xFFFFFFB0;
	[dreg:$0x16] =	wrdreg s9  }
0x38: {  	[spmem:s9], [sflag:s23] =	dma.local [hbm:s5], $0x50  }
0x39: {  	_ =	swait.ge [sflag:s24], $0x50  }
0x3a: {  	[sflag:s24] =	ssyncset.done $0x0  }
0x3b: {  	s23 =	rddreg [dreg:$0x6];
	[sflag:s24] =	ssyncadd.s32 $0xFFFFFFB0  }
0x3c: {  	[tilespmem:s25], [sflag:$0x5] =	stream.linear.gather [hbm4b:s23+s3], $0x80, $0x38;
	[tilespmem:$0x1580] =	vst v63  }
.Ltmp2:
0x3d: {  	_ =	swait.ge [sflag:s24], $0x80;
	(pc) =	sbr.rel @p0 .LBB2_6-.Ltmp2, $4  }
0x3e: {  	[sflag:s24] =	ssyncset.done $0x0  }
0x3f: {  	[sflag:s24] =	ssyncadd.s32 $0xFFFFFF80  }
0x40: {  	[bflag:$0x0] =	sbarrier.arrive $0xFFFF  }
0x41: {  	s5 =	simm.s32 $0x580  }
0x42: {  	[tilespmem:s5], [sflag:$0x1] =	stream.linear.gather [hbm4b:s17+s3], $0x400, $0x38;
	[tilespmem:$0x1580] =	vst v63  }
0x43: {  	s14 =	simm.s32 $0xD80  }
0x44: {  	[tilespmem:s14], [sflag:$0x1] =	stream.linear.gather [hbm4b:s18+s3], $0x400, $0x38;
	[tilespmem:$0x1580] =	vst v63  }
0x45: {  	s23 =	rddreg [dreg:$0xf]  }
0x46: {  	[tilespmem:s29], [sflag:$0x2] =	stream.linear.gather [hbm4b:s23+s3], $0x400, $0x38;
	[tilespmem:$0x1580] =	vst v63  }
0x47: {  	s24 =	rddreg [dreg:$0x10];
	s5 =	simm.s32 $0xFFFF7000;
	s14 =	simm.s32 $0xB00  }
0x48: {  	[tilespmem:s30], [sflag:$0x2] =	stream.linear.gather [hbm4b:s24+s3], $0x400, $0x38;
	[tilespmem:$0x1580] =	vst v63  }
.LBB2_3:
0x49: {  	_ =	swait.ge [sflag:s31], $0x400  }
0x4a: {  	[sflag:s31] =	ssyncset.done $0x0  }
0x4b: {  	[sflag:s31] =	ssyncadd.s32 $0xFFFFFC00  }
0x4c: {  	_ =	swait.ge [sflag:s31], $0x400  }
0x4d: {  	[sflag:s31] =	ssyncset.done $0x0  }
0x4e: {  	s9 =	simm.s32 $0x580;
	[sflag:s31] =	ssyncadd.s32 $0xFFFFFC00  }
0x4f: {  	[spmem:s1] =	stream.indirect.scatter.add.f32 [tilespmem:s25], [sflag:$0x3], $0x1, s9, s0, $0xb8;
	[tilespmem:$0x1580] =	vst v63  }
0x50: {  	s24 =	simm.s32 $0xD80  }
0x51: {  	[spmem:s2] =	stream.indirect.scatter.add.f32 [tilespmem:s25], [sflag:$0x3], $0x1, s24, s0, $0xb8;
	[tilespmem:$0x1580] =	vst v63  }
0x52: {  	s23 =	simm.s32 $0x600  }
0x53: {  	[spmem:s1] =	stream.indirect.scatter.add.f32 [tilespmem:s25], [sflag:$0x3], $0x1, s23, s0, $0xb8;
	[tilespmem:$0x1580] =	vst v63  }
0x54: {  	s24 =	simm.s32 $0xE00  }
0x55: {  	[spmem:s2] =	stream.indirect.scatter.add.f32 [tilespmem:s25], [sflag:$0x3], $0x1, s24, s0, $0xb8;
	[tilespmem:$0x1580] =	vst v63  }
0x56: {  	s23 =	simm.s32 $0x680  }
0x57: {  	[spmem:s1] =	stream.indirect.scatter.add.f32 [tilespmem:s25], [sflag:$0x3], $0x1, s23, s0, $0xb8;
	[tilespmem:$0x1580] =	vst v63  }
0x58: {  	s24 =	simm.s32 $0xE80  }
0x59: {  	[spmem:s2] =	stream.indirect.scatter.add.f32 [tilespmem:s25], [sflag:$0x3], $0x1, s24, s0, $0xb8;
	[tilespmem:$0x1580] =	vst v63  }
0x5a: {  	s23 =	simm.s32 $0x700  }
0x5b: {  	[spmem:s1] =	stream.indirect.scatter.add.f32 [tilespmem:s25], [sflag:$0x3], $0x1, s23, s0, $0xb8;
	[tilespmem:$0x1580] =	vst v63  }
0x5c: {  	s24 =	simm.s32 $0xF00  }
0x5d: {  	[spmem:s2] =	stream.indirect.scatter.add.f32 [tilespmem:s25], [sflag:$0x3], $0x1, s24, s0, $0xb8;
	[tilespmem:$0x1580] =	vst v63  }
0x5e: {  	s23 =	simm.s32 $0x780  }
0x5f: {  	[spmem:s1] =	stream.indirect.scatter.add.f32 [tilespmem:s25], [sflag:$0x3], $0x1, s23, s0, $0xb8;
	[tilespmem:$0x1580] =	vst v63  }
0x60: {  	s24 =	simm.s32 $0xF80  }
0x61: {  	[spmem:s2] =	stream.indirect.scatter.add.f32 [tilespmem:s25], [sflag:$0x3], $0x1, s24, s0, $0xb8;
	[tilespmem:$0x1580] =	vst v63  }
0x62: {  	s23 =	simm.s32 $0x800  }
0x63: {  	[spmem:s1] =	stream.indirect.scatter.add.f32 [tilespmem:s25], [sflag:$0x3], $0x1, s23, s0, $0xb8;
	[tilespmem:$0x1580] =	vst v63  }
0x64: {  	s24 =	simm.s32 $0x1000  }
0x65: {  	[spmem:s2] =	stream.indirect.scatter.add.f32 [tilespmem:s25], [sflag:$0x3], $0x1, s24, s0, $0xb8;
	[tilespmem:$0x1580] =	vst v63  }
0x66: {  	s23 =	simm.s32 $0x880  }
0x67: {  	[spmem:s1] =	stream.indirect.scatter.add.f32 [tilespmem:s25], [sflag:$0x3], $0x1, s23, s0, $0xb8;
	[tilespmem:$0x1580] =	vst v63  }
0x68: {  	s24 =	simm.s32 $0x1080  }
0x69: {  	[spmem:s2] =	stream.indirect.scatter.add.f32 [tilespmem:s25], [sflag:$0x3], $0x1, s24, s0, $0xb8;
	[tilespmem:$0x1580] =	vst v63  }
0x6a: {  	s23 =	simm.s32 $0x900  }
0x6b: {  	[spmem:s1] =	stream.indirect.scatter.add.f32 [tilespmem:s25], [sflag:$0x3], $0x1, s23, s0, $0xb8;
	[tilespmem:$0x1580] =	vst v63  }
0x6c: {  	s24 =	simm.s32 $0x1100  }
0x6d: {  	[spmem:s2] =	stream.indirect.scatter.add.f32 [tilespmem:s25], [sflag:$0x3], $0x1, s24, s0, $0xb8;
	[tilespmem:$0x1580] =	vst v63  }
0x6e: {  	_ =	swait.ge [sflag:s7], $0x400  }
0x6f: {  	[sflag:s7] =	ssyncset.done $0x0  }
0x70: {  	[sflag:s7] =	ssyncadd.s32 $0xFFFFFC00  }
0x71: {  	_ =	swait.ge [sflag:s7], $0x400  }
0x72: {  	[sflag:s7] =	ssyncset.done $0x0  }
0x73: {  	[sflag:s7] =	ssyncadd.s32 $0xFFFFFC00  }
0x74: {  	[spmem:s1] =	stream.indirect.scatter.add.f32 [tilespmem:s25], [sflag:$0x4], $0x1, s29, s0, $0xb8;
	[tilespmem:$0x1580] =	vst v63  }
0x75: {  	_ = 	snop  }
0x76: {  	[spmem:s2] =	stream.indirect.scatter.add.f32 [tilespmem:s25], [sflag:$0x4], $0x1, s30, s0, $0xb8;
	[tilespmem:$0x1580] =	vst v63  }
0x77: {  	s23 =	simm.s32 $0xA00  }
0x78: {  	[spmem:s1] =	stream.indirect.scatter.add.f32 [tilespmem:s25], [sflag:$0x4], $0x1, s23, s0, $0xb8;
	[tilespmem:$0x1580] =	vst v63  }
0x79: {  	s24 =	simm.s32 $0x1200  }
0x7a: {  	[spmem:s2] =	stream.indirect.scatter.add.f32 [tilespmem:s25], [sflag:$0x4], $0x1, s24, s0, $0xb8;
	[tilespmem:$0x1580] =	vst v63  }
0x7b: {  	_ = 	snop  }
0x7c: {  	[spmem:s1] =	stream.indirect.scatter.add.f32 [tilespmem:s25], [sflag:$0x4], $0x1, s4, s0, $0xb8;
	[tilespmem:$0x1580] =	vst v63  }
0x7d: {  	_ = 	snop  }
0x7e: {  	[spmem:s2] =	stream.indirect.scatter.add.f32 [tilespmem:s25], [sflag:$0x4], $0x1, s13, s0, $0xb8;
	[tilespmem:$0x1580] =	vst v63  }
0x7f: {  	_ = 	snop  }
0x80: {  	[spmem:s1] =	stream.indirect.scatter.add.f32 [tilespmem:s25], [sflag:$0x4], $0x1, s14, s0, $0xb8;
	[tilespmem:$0x1580] =	vst v63  }
0x81: {  	_ = 	snop  }
0x82: {  	[spmem:s2] =	stream.indirect.scatter.add.f32 [tilespmem:s25], [sflag:$0x4], $0x1, s19, s0, $0xb8;
	[tilespmem:$0x1580] =	vst v63  }
0x83: {  	_ = 	snop  }
0x84: {  	[spmem:s1] =	stream.indirect.scatter.add.f32 [tilespmem:s25], [sflag:$0x4], $0x1, s15, s0, $0xb8;
	[tilespmem:$0x1580] =	vst v63  }
0x85: {  	_ = 	snop  }
0x86: {  	[spmem:s2] =	stream.indirect.scatter.add.f32 [tilespmem:s25], [sflag:$0x4], $0x1, s20, s0, $0xb8;
	[tilespmem:$0x1580] =	vst v63  }
0x87: {  	_ = 	snop  }
0x88: {  	[spmem:s1] =	stream.indirect.scatter.add.f32 [tilespmem:s25], [sflag:$0x4], $0x1, s16, s0, $0xb8;
	[tilespmem:$0x1580] =	vst v63  }
0x89: {  	_ = 	snop  }
0x8a: {  	[spmem:s2] =	stream.indirect.scatter.add.f32 [tilespmem:s25], [sflag:$0x4], $0x1, s21, s0, $0xb8;
	[tilespmem:$0x1580] =	vst v63  }
0x8b: {  	_ = 	snop  }
0x8c: {  	[spmem:s1] =	stream.indirect.scatter.add.f32 [tilespmem:s25], [sflag:$0x4], $0x1, s26, s0, $0xb8;
	[tilespmem:$0x1580] =	vst v63  }
0x8d: {  	_ = 	snop  }
0x8e: {  	[spmem:s2] =	stream.indirect.scatter.add.f32 [tilespmem:s25], [sflag:$0x4], $0x1, s22, s0, $0xb8;
	[tilespmem:$0x1580] =	vst v63  }
0x8f: {  	_ = 	snop  }
0x90: {  	[spmem:s1] =	stream.indirect.scatter.add.f32 [tilespmem:s25], [sflag:$0x4], $0x1, s28, s0, $0xb8;
	[tilespmem:$0x1580] =	vst v63  }
0x91: {  	_ = 	snop  }
0x92: {  	[spmem:s2] =	stream.indirect.scatter.add.f32 [tilespmem:s25], [sflag:$0x4], $0x1, s6, s0, $0xb8;
	[tilespmem:$0x1580] =	vst v63  }
0x93: {  	_ =	swait.ge [sflag:s8], $0x80  }
0x94: {  	[sflag:s8] =	ssyncset.done $0x0  }
0x95: {  	[sflag:s8] =	ssyncadd.s32 $0xFFFFFF80  }
0x96: {  	_ =	swait.ge [sflag:s8], $0x80  }
0x97: {  	[sflag:s8] =	ssyncset.done $0x0  }
0x98: {  	[sflag:s8] =	ssyncadd.s32 $0xFFFFFF80  }
0x99: {  	_ =	swait.ge [sflag:s8], $0x80  }
0x9a: {  	[sflag:s8] =	ssyncset.done $0x0  }
0x9b: {  	[sflag:s8] =	ssyncadd.s32 $0xFFFFFF80  }
0x9c: {  	_ =	swait.ge [sflag:s8], $0x80  }
0x9d: {  	[sflag:s8] =	ssyncset.done $0x0  }
0x9e: {  	[sflag:s8] =	ssyncadd.s32 $0xFFFFFF80  }
0x9f: {  	_ =	swait.ge [sflag:s8], $0x80  }
0xa0: {  	[sflag:s8] =	ssyncset.done $0x0  }
0xa1: {  	[sflag:s8] =	ssyncadd.s32 $0xFFFFFF80  }
0xa2: {  	_ =	swait.ge [sflag:s8], $0x80  }
0xa3: {  	[sflag:s8] =	ssyncset.done $0x0  }
0xa4: {  	[sflag:s8] =	ssyncadd.s32 $0xFFFFFF80  }
0xa5: {  	_ =	swait.ge [sflag:s8], $0x80  }
0xa6: {  	[sflag:s8] =	ssyncset.done $0x0  }
0xa7: {  	[sflag:s8] =	ssyncadd.s32 $0xFFFFFF80  }
0xa8: {  	_ =	swait.ge [sflag:s8], $0x80  }
0xa9: {  	[sflag:s8] =	ssyncset.done $0x0  }
0xaa: {  	[sflag:s8] =	ssyncadd.s32 $0xFFFFFF80  }
0xab: {  	_ =	swait.ge [sflag:s8], $0x80  }
0xac: {  	[sflag:s8] =	ssyncset.done $0x0  }
0xad: {  	[sflag:s8] =	ssyncadd.s32 $0xFFFFFF80  }
0xae: {  	_ =	swait.ge [sflag:s8], $0x80  }
0xaf: {  	[sflag:s8] =	ssyncset.done $0x0  }
0xb0: {  	[sflag:s8] =	ssyncadd.s32 $0xFFFFFF80  }
0xb1: {  	_ =	swait.ge [sflag:s8], $0x80  }
0xb2: {  	[sflag:s8] =	ssyncset.done $0x0  }
0xb3: {  	[sflag:s8] =	ssyncadd.s32 $0xFFFFFF80  }
0xb4: {  	_ =	swait.ge [sflag:s8], $0x80  }
0xb5: {  	[sflag:s8] =	ssyncset.done $0x0  }
0xb6: {  	[sflag:s8] =	ssyncadd.s32 $0xFFFFFF80  }
0xb7: {  	_ =	swait.ge [sflag:s8], $0x80  }
0xb8: {  	[sflag:s8] =	ssyncset.done $0x0  }
0xb9: {  	[sflag:s8] =	ssyncadd.s32 $0xFFFFFF80  }
0xba: {  	_ =	swait.ge [sflag:s8], $0x80  }
0xbb: {  	[sflag:s8] =	ssyncset.done $0x0  }
0xbc: {  	[sflag:s8] =	ssyncadd.s32 $0xFFFFFF80  }
0xbd: {  	_ =	swait.ge [sflag:s8], $0x80  }
0xbe: {  	[sflag:s8] =	ssyncset.done $0x0  }
0xbf: {  	[sflag:s8] =	ssyncadd.s32 $0xFFFFFF80  }
0xc0: {  	p1 =	seq.s32 s5, $0x0;
	_ =	swait.ge [sflag:s8], $0x80  }
0xc1: {  	s9 =	simm.s32 @!p1 $0x0;
	s23 =	sadd.s32 @!p1 s5, s17;
	[sflag:s8] =	ssyncset.done $0x0  }
0xc2: {  	s23 =	sadd.s32 @!p1 $0xA000, s23;
	s24 =	simm.s32 @!p1 $0x580;
	[sflag:s8] =	ssyncadd.s32 $0xFFFFFF80  }
0xc3: {  	[tilespmem:s24], [sflag:$0x1] =	stream.linear.gather @!p1 [hbm4b:s23+s9], $0x400, $0x38;
	[tilespmem:$0x1580] =	vst v63  }
0xc4: {  	s23 =	sadd.s32 @!p1 s5, s18  }
0xc5: {  	s24 =	simm.s32 @!p1 $0xD80;
	s23 =	sadd.s32 @!p1 $0xA000, s23  }
0xc6: {  	[tilespmem:s24], [sflag:$0x1] =	stream.linear.gather @!p1 [hbm4b:s23+s9], $0x400, $0x38;
	[tilespmem:$0x1580] =	vst v63  }
0xc7: {  	_ =	swait.ge [sflag:s10], $0x80  }
0xc8: {  	[sflag:s10] =	ssyncset.done $0x0  }
0xc9: {  	[sflag:s10] =	ssyncadd.s32 $0xFFFFFF80  }
0xca: {  	_ =	swait.ge [sflag:s10], $0x80  }
0xcb: {  	[sflag:s10] =	ssyncset.done $0x0  }
0xcc: {  	[sflag:s10] =	ssyncadd.s32 $0xFFFFFF80  }
0xcd: {  	_ =	swait.ge [sflag:s10], $0x80  }
0xce: {  	[sflag:s10] =	ssyncset.done $0x0  }
0xcf: {  	[sflag:s10] =	ssyncadd.s32 $0xFFFFFF80  }
0xd0: {  	_ =	swait.ge [sflag:s10], $0x80  }
0xd1: {  	[sflag:s10] =	ssyncset.done $0x0  }
0xd2: {  	[sflag:s10] =	ssyncadd.s32 $0xFFFFFF80  }
0xd3: {  	_ =	swait.ge [sflag:s10], $0x80  }
0xd4: {  	[sflag:s10] =	ssyncset.done $0x0  }
0xd5: {  	[sflag:s10] =	ssyncadd.s32 $0xFFFFFF80  }
0xd6: {  	_ =	swait.ge [sflag:s10], $0x80  }
0xd7: {  	[sflag:s10] =	ssyncset.done $0x0  }
0xd8: {  	[sflag:s10] =	ssyncadd.s32 $0xFFFFFF80  }
0xd9: {  	_ =	swait.ge [sflag:s10], $0x80  }
0xda: {  	[sflag:s10] =	ssyncset.done $0x0  }
0xdb: {  	[sflag:s10] =	ssyncadd.s32 $0xFFFFFF80  }
0xdc: {  	_ =	swait.ge [sflag:s10], $0x80  }
0xdd: {  	[sflag:s10] =	ssyncset.done $0x0  }
0xde: {  	[sflag:s10] =	ssyncadd.s32 $0xFFFFFF80  }
0xdf: {  	_ =	swait.ge [sflag:s10], $0x80  }
0xe0: {  	[sflag:s10] =	ssyncset.done $0x0  }
0xe1: {  	[sflag:s10] =	ssyncadd.s32 $0xFFFFFF80  }
0xe2: {  	_ =	swait.ge [sflag:s10], $0x80  }
0xe3: {  	[sflag:s10] =	ssyncset.done $0x0  }
0xe4: {  	[sflag:s10] =	ssyncadd.s32 $0xFFFFFF80  }
0xe5: {  	_ =	swait.ge [sflag:s10], $0x80  }
0xe6: {  	[sflag:s10] =	ssyncset.done $0x0  }
0xe7: {  	[sflag:s10] =	ssyncadd.s32 $0xFFFFFF80  }
0xe8: {  	_ =	swait.ge [sflag:s10], $0x80  }
0xe9: {  	[sflag:s10] =	ssyncset.done $0x0  }
0xea: {  	[sflag:s10] =	ssyncadd.s32 $0xFFFFFF80  }
0xeb: {  	_ =	swait.ge [sflag:s10], $0x80  }
0xec: {  	[sflag:s10] =	ssyncset.done $0x0  }
0xed: {  	[sflag:s10] =	ssyncadd.s32 $0xFFFFFF80  }
0xee: {  	_ =	swait.ge [sflag:s10], $0x80  }
0xef: {  	[sflag:s10] =	ssyncset.done $0x0  }
0xf0: {  	[sflag:s10] =	ssyncadd.s32 $0xFFFFFF80  }
0xf1: {  	_ =	swait.ge [sflag:s10], $0x80  }
.Ltmp3:
0xf2: {  	[sflag:s10] =	ssyncset.done $0x0;
	(pc) =	sbr.rel @p1 .LBB2_4-.Ltmp3, $4  }
0xf3: {  	[sflag:s10] =	ssyncadd.s32 $0xFFFFFF80  }
0xf4: {  	_ =	swait.ge [sflag:s10], $0x80  }
0xf5: {  	[sflag:s10] =	ssyncset.done $0x0  }
0xf6: {  	[sflag:s10] =	ssyncadd.s32 $0xFFFFFF80  }
.Ltmp4:
0xf7: {  	s9 =	sadd.s32 s5, s17;
	(pc) =	sbr.rel .LBB2_3-.Ltmp4, $4  }
0xf8: {  	s24 =	sadd.s32 s5, s18;
	s9 =	sadd.s32 $0xA800, s9  }
0xf9: {  	[tilespmem:s29], [sflag:$0x2] =	stream.linear.gather [hbm4b:s9+s3], $0x400, $0x38;
	[tilespmem:$0x1580] =	vst v63  }
0xfa: {  	s5 =	sadd.s32 $0x1000, s5;
	s9 =	sadd.s32 $0xA800, s24  }
0xfb: {  	[tilespmem:s30], [sflag:$0x2] =	stream.linear.gather [hbm4b:s9+s3], $0x400, $0x38;
	[tilespmem:$0x1580] =	vst v63  }
.LBB2_6:
0xfc: {  	[tilespmem:s5], [sflag:$0x1] =	stream.linear.gather [hbm4b:s11+s3], $0x400, $0x38;
	[tilespmem:$0x1580] =	vst v63  }
0xfd: {  	s14 =	simm.s32 $0xD80  }
0xfe: {  	[tilespmem:s14], [sflag:$0x1] =	stream.linear.gather [hbm4b:s12+s3], $0x400, $0x38;
	[tilespmem:$0x1580] =	vst v63  }
0xff: {  	s23 =	rddreg [dreg:$0xb]  }
0x100: {  	[tilespmem:s29], [sflag:$0x2] =	stream.linear.gather [hbm4b:s23+s3], $0x400, $0x38;
	[tilespmem:$0x1580] =	vst v63  }
0x101: {  	s24 =	rddreg [dreg:$0xc];
	s5 =	simm.s32 $0xFFFF7000;
	s14 =	simm.s32 $0xB00  }
0x102: {  	[tilespmem:s30], [sflag:$0x2] =	stream.linear.gather [hbm4b:s24+s3], $0x400, $0x38;
	[tilespmem:$0x1580] =	vst v63  }
.LBB2_7:
0x103: {  	_ =	swait.ge [sflag:s31], $0x400  }
0x104: {  	[sflag:s31] =	ssyncset.done $0x0  }
0x105: {  	[sflag:s31] =	ssyncadd.s32 $0xFFFFFC00  }
0x106: {  	_ =	swait.ge [sflag:s31], $0x400  }
0x107: {  	[sflag:s31] =	ssyncset.done $0x0  }
0x108: {  	s9 =	simm.s32 $0x580;
	[sflag:s31] =	ssyncadd.s32 $0xFFFFFC00  }
0x109: {  	[spmem:s1] =	stream.indirect.scatter.add.f32 [tilespmem:s25], [sflag:$0x3], $0x1, s9, s0, $0xb8;
	[tilespmem:$0x1580] =	vst v63  }
0x10a: {  	s24 =	simm.s32 $0xD80  }
0x10b: {  	[spmem:s2] =	stream.indirect.scatter.add.f32 [tilespmem:s25], [sflag:$0x3], $0x1, s24, s0, $0xb8;
	[tilespmem:$0x1580] =	vst v63  }
0x10c: {  	s23 =	simm.s32 $0x600  }
0x10d: {  	[spmem:s1] =	stream.indirect.scatter.add.f32 [tilespmem:s25], [sflag:$0x3], $0x1, s23, s0, $0xb8;
	[tilespmem:$0x1580] =	vst v63  }
0x10e: {  	s24 =	simm.s32 $0xE00  }
0x10f: {  	[spmem:s2] =	stream.indirect.scatter.add.f32 [tilespmem:s25], [sflag:$0x3], $0x1, s24, s0, $0xb8;
	[tilespmem:$0x1580] =	vst v63  }
0x110: {  	s23 =	simm.s32 $0x680  }
0x111: {  	[spmem:s1] =	stream.indirect.scatter.add.f32 [tilespmem:s25], [sflag:$0x3], $0x1, s23, s0, $0xb8;
	[tilespmem:$0x1580] =	vst v63  }
0x112: {  	s24 =	simm.s32 $0xE80  }
0x113: {  	[spmem:s2] =	stream.indirect.scatter.add.f32 [tilespmem:s25], [sflag:$0x3], $0x1, s24, s0, $0xb8;
	[tilespmem:$0x1580] =	vst v63  }
0x114: {  	s23 =	simm.s32 $0x700  }
0x115: {  	[spmem:s1] =	stream.indirect.scatter.add.f32 [tilespmem:s25], [sflag:$0x3], $0x1, s23, s0, $0xb8;
	[tilespmem:$0x1580] =	vst v63  }
0x116: {  	s24 =	simm.s32 $0xF00  }
0x117: {  	[spmem:s2] =	stream.indirect.scatter.add.f32 [tilespmem:s25], [sflag:$0x3], $0x1, s24, s0, $0xb8;
	[tilespmem:$0x1580] =	vst v63  }
0x118: {  	s23 =	simm.s32 $0x780  }
0x119: {  	[spmem:s1] =	stream.indirect.scatter.add.f32 [tilespmem:s25], [sflag:$0x3], $0x1, s23, s0, $0xb8;
	[tilespmem:$0x1580] =	vst v63  }
0x11a: {  	s24 =	simm.s32 $0xF80  }
0x11b: {  	[spmem:s2] =	stream.indirect.scatter.add.f32 [tilespmem:s25], [sflag:$0x3], $0x1, s24, s0, $0xb8;
	[tilespmem:$0x1580] =	vst v63  }
0x11c: {  	s23 =	simm.s32 $0x800  }
0x11d: {  	[spmem:s1] =	stream.indirect.scatter.add.f32 [tilespmem:s25], [sflag:$0x3], $0x1, s23, s0, $0xb8;
	[tilespmem:$0x1580] =	vst v63  }
0x11e: {  	s24 =	simm.s32 $0x1000  }
0x11f: {  	[spmem:s2] =	stream.indirect.scatter.add.f32 [tilespmem:s25], [sflag:$0x3], $0x1, s24, s0, $0xb8;
	[tilespmem:$0x1580] =	vst v63  }
0x120: {  	s23 =	simm.s32 $0x880  }
0x121: {  	[spmem:s1] =	stream.indirect.scatter.add.f32 [tilespmem:s25], [sflag:$0x3], $0x1, s23, s0, $0xb8;
	[tilespmem:$0x1580] =	vst v63  }
0x122: {  	s24 =	simm.s32 $0x1080  }
0x123: {  	[spmem:s2] =	stream.indirect.scatter.add.f32 [tilespmem:s25], [sflag:$0x3], $0x1, s24, s0, $0xb8;
	[tilespmem:$0x1580] =	vst v63  }
0x124: {  	s23 =	simm.s32 $0x900  }
0x125: {  	[spmem:s1] =	stream.indirect.scatter.add.f32 [tilespmem:s25], [sflag:$0x3], $0x1, s23, s0, $0xb8;
	[tilespmem:$0x1580] =	vst v63  }
0x126: {  	s24 =	simm.s32 $0x1100  }
0x127: {  	[spmem:s2] =	stream.indirect.scatter.add.f32 [tilespmem:s25], [sflag:$0x3], $0x1, s24, s0, $0xb8;
	[tilespmem:$0x1580] =	vst v63  }
0x128: {  	_ =	swait.ge [sflag:s7], $0x400  }
0x129: {  	[sflag:s7] =	ssyncset.done $0x0  }
0x12a: {  	[sflag:s7] =	ssyncadd.s32 $0xFFFFFC00  }
0x12b: {  	_ =	swait.ge [sflag:s7], $0x400  }
0x12c: {  	[sflag:s7] =	ssyncset.done $0x0  }
0x12d: {  	[sflag:s7] =	ssyncadd.s32 $0xFFFFFC00  }
0x12e: {  	[spmem:s1] =	stream.indirect.scatter.add.f32 [tilespmem:s25], [sflag:$0x4], $0x1, s29, s0, $0xb8;
	[tilespmem:$0x1580] =	vst v63  }
0x12f: {  	_ = 	snop  }
0x130: {  	[spmem:s2] =	stream.indirect.scatter.add.f32 [tilespmem:s25], [sflag:$0x4], $0x1, s30, s0, $0xb8;
	[tilespmem:$0x1580] =	vst v63  }
0x131: {  	s23 =	simm.s32 $0xA00  }
0x132: {  	[spmem:s1] =	stream.indirect.scatter.add.f32 [tilespmem:s25], [sflag:$0x4], $0x1, s23, s0, $0xb8;
	[tilespmem:$0x1580] =	vst v63  }
0x133: {  	s24 =	simm.s32 $0x1200  }
0x134: {  	[spmem:s2] =	stream.indirect.scatter.add.f32 [tilespmem:s25], [sflag:$0x4], $0x1, s24, s0, $0xb8;
	[tilespmem:$0x1580] =	vst v63  }
0x135: {  	_ = 	snop  }
0x136: {  	[spmem:s1] =	stream.indirect.scatter.add.f32 [tilespmem:s25], [sflag:$0x4], $0x1, s4, s0, $0xb8;
	[tilespmem:$0x1580] =	vst v63  }
0x137: {  	_ = 	snop  }
0x138: {  	[spmem:s2] =	stream.indirect.scatter.add.f32 [tilespmem:s25], [sflag:$0x4], $0x1, s13, s0, $0xb8;
	[tilespmem:$0x1580] =	vst v63  }
0x139: {  	_ = 	snop  }
0x13a: {  	[spmem:s1] =	stream.indirect.scatter.add.f32 [tilespmem:s25], [sflag:$0x4], $0x1, s14, s0, $0xb8;
	[tilespmem:$0x1580] =	vst v63  }
0x13b: {  	_ = 	snop  }
0x13c: {  	[spmem:s2] =	stream.indirect.scatter.add.f32 [tilespmem:s25], [sflag:$0x4], $0x1, s19, s0, $0xb8;
	[tilespmem:$0x1580] =	vst v63  }
0x13d: {  	_ = 	snop  }
0x13e: {  	[spmem:s1] =	stream.indirect.scatter.add.f32 [tilespmem:s25], [sflag:$0x4], $0x1, s15, s0, $0xb8;
	[tilespmem:$0x1580] =	vst v63  }
0x13f: {  	_ = 	snop  }
0x140: {  	[spmem:s2] =	stream.indirect.scatter.add.f32 [tilespmem:s25], [sflag:$0x4], $0x1, s20, s0, $0xb8;
	[tilespmem:$0x1580] =	vst v63  }
0x141: {  	_ = 	snop  }
0x142: {  	[spmem:s1] =	stream.indirect.scatter.add.f32 [tilespmem:s25], [sflag:$0x4], $0x1, s16, s0, $0xb8;
	[tilespmem:$0x1580] =	vst v63  }
0x143: {  	_ = 	snop  }
0x144: {  	[spmem:s2] =	stream.indirect.scatter.add.f32 [tilespmem:s25], [sflag:$0x4], $0x1, s21, s0, $0xb8;
	[tilespmem:$0x1580] =	vst v63  }
0x145: {  	_ = 	snop  }
0x146: {  	[spmem:s1] =	stream.indirect.scatter.add.f32 [tilespmem:s25], [sflag:$0x4], $0x1, s26, s0, $0xb8;
	[tilespmem:$0x1580] =	vst v63  }
0x147: {  	_ = 	snop  }
0x148: {  	[spmem:s2] =	stream.indirect.scatter.add.f32 [tilespmem:s25], [sflag:$0x4], $0x1, s22, s0, $0xb8;
	[tilespmem:$0x1580] =	vst v63  }
0x149: {  	_ = 	snop  }
0x14a: {  	[spmem:s1] =	stream.indirect.scatter.add.f32 [tilespmem:s25], [sflag:$0x4], $0x1, s28, s0, $0xb8;
	[tilespmem:$0x1580] =	vst v63  }
0x14b: {  	_ = 	snop  }
0x14c: {  	[spmem:s2] =	stream.indirect.scatter.add.f32 [tilespmem:s25], [sflag:$0x4], $0x1, s6, s0, $0xb8;
	[tilespmem:$0x1580] =	vst v63  }
0x14d: {  	_ =	swait.ge [sflag:s8], $0x80  }
0x14e: {  	[sflag:s8] =	ssyncset.done $0x0  }
0x14f: {  	[sflag:s8] =	ssyncadd.s32 $0xFFFFFF80  }
0x150: {  	_ =	swait.ge [sflag:s8], $0x80  }
0x151: {  	[sflag:s8] =	ssyncset.done $0x0  }
0x152: {  	[sflag:s8] =	ssyncadd.s32 $0xFFFFFF80  }
0x153: {  	_ =	swait.ge [sflag:s8], $0x80  }
0x154: {  	[sflag:s8] =	ssyncset.done $0x0  }
0x155: {  	[sflag:s8] =	ssyncadd.s32 $0xFFFFFF80  }
0x156: {  	_ =	swait.ge [sflag:s8], $0x80  }
0x157: {  	[sflag:s8] =	ssyncset.done $0x0  }
0x158: {  	[sflag:s8] =	ssyncadd.s32 $0xFFFFFF80  }
0x159: {  	_ =	swait.ge [sflag:s8], $0x80  }
0x15a: {  	[sflag:s8] =	ssyncset.done $0x0  }
0x15b: {  	[sflag:s8] =	ssyncadd.s32 $0xFFFFFF80  }
0x15c: {  	_ =	swait.ge [sflag:s8], $0x80  }
0x15d: {  	[sflag:s8] =	ssyncset.done $0x0  }
0x15e: {  	[sflag:s8] =	ssyncadd.s32 $0xFFFFFF80  }
0x15f: {  	_ =	swait.ge [sflag:s8], $0x80  }
0x160: {  	[sflag:s8] =	ssyncset.done $0x0  }
0x161: {  	[sflag:s8] =	ssyncadd.s32 $0xFFFFFF80  }
0x162: {  	_ =	swait.ge [sflag:s8], $0x80  }
0x163: {  	[sflag:s8] =	ssyncset.done $0x0  }
0x164: {  	[sflag:s8] =	ssyncadd.s32 $0xFFFFFF80  }
0x165: {  	_ =	swait.ge [sflag:s8], $0x80  }
0x166: {  	[sflag:s8] =	ssyncset.done $0x0  }
0x167: {  	[sflag:s8] =	ssyncadd.s32 $0xFFFFFF80  }
0x168: {  	_ =	swait.ge [sflag:s8], $0x80  }
0x169: {  	[sflag:s8] =	ssyncset.done $0x0  }
0x16a: {  	[sflag:s8] =	ssyncadd.s32 $0xFFFFFF80  }
0x16b: {  	_ =	swait.ge [sflag:s8], $0x80  }
0x16c: {  	[sflag:s8] =	ssyncset.done $0x0  }
0x16d: {  	[sflag:s8] =	ssyncadd.s32 $0xFFFFFF80  }
0x16e: {  	_ =	swait.ge [sflag:s8], $0x80  }
0x16f: {  	[sflag:s8] =	ssyncset.done $0x0  }
0x170: {  	[sflag:s8] =	ssyncadd.s32 $0xFFFFFF80  }
0x171: {  	_ =	swait.ge [sflag:s8], $0x80  }
0x172: {  	[sflag:s8] =	ssyncset.done $0x0  }
0x173: {  	[sflag:s8] =	ssyncadd.s32 $0xFFFFFF80  }
0x174: {  	_ =	swait.ge [sflag:s8], $0x80  }
0x175: {  	[sflag:s8] =	ssyncset.done $0x0  }
0x176: {  	[sflag:s8] =	ssyncadd.s32 $0xFFFFFF80  }
0x177: {  	_ =	swait.ge [sflag:s8], $0x80  }
0x178: {  	[sflag:s8] =	ssyncset.done $0x0  }
0x179: {  	p1 =	seq.s32 s5, $0x0;
	[sflag:s8] =	ssyncadd.s32 $0xFFFFFF80  }
0x17a: {  	s9 =	sadd.s32 @!p1 s5, s11;
	_ =	swait.ge [sflag:s8], $0x80  }
0x17b: {  	s9 =	sadd.s32 @!p1 $0xA000, s9;
	[sflag:s8] =	ssyncset.done $0x0  }
0x17c: {  	s23 =	simm.s32 @!p1 $0x0;
	s24 =	simm.s32 @!p1 $0x580;
	[sflag:s8] =	ssyncadd.s32 $0xFFFFFF80  }
0x17d: {  	[tilespmem:s24], [sflag:$0x1] =	stream.linear.gather @!p1 [hbm4b:s9+s23], $0x400, $0x38;
	[tilespmem:$0x1580] =	vst v63  }
0x17e: {  	s9 =	sadd.s32 @!p1 s5, s12  }
0x17f: {  	s24 =	simm.s32 @!p1 $0xD80;
	s9 =	sadd.s32 @!p1 $0xA000, s9  }
0x180: {  	[tilespmem:s24], [sflag:$0x1] =	stream.linear.gather @!p1 [hbm4b:s9+s23], $0x400, $0x38;
	[tilespmem:$0x1580] =	vst v63  }
0x181: {  	_ =	swait.ge [sflag:s10], $0x80  }
0x182: {  	[sflag:s10] =	ssyncset.done $0x0  }
0x183: {  	[sflag:s10] =	ssyncadd.s32 $0xFFFFFF80  }
0x184: {  	_ =	swait.ge [sflag:s10], $0x80  }
0x185: {  	[sflag:s10] =	ssyncset.done $0x0  }
0x186: {  	[sflag:s10] =	ssyncadd.s32 $0xFFFFFF80  }
0x187: {  	_ =	swait.ge [sflag:s10], $0x80  }
0x188: {  	[sflag:s10] =	ssyncset.done $0x0  }
0x189: {  	[sflag:s10] =	ssyncadd.s32 $0xFFFFFF80  }
0x18a: {  	_ =	swait.ge [sflag:s10], $0x80  }
0x18b: {  	[sflag:s10] =	ssyncset.done $0x0  }
0x18c: {  	[sflag:s10] =	ssyncadd.s32 $0xFFFFFF80  }
0x18d: {  	_ =	swait.ge [sflag:s10], $0x80  }
0x18e: {  	[sflag:s10] =	ssyncset.done $0x0  }
0x18f: {  	[sflag:s10] =	ssyncadd.s32 $0xFFFFFF80  }
0x190: {  	_ =	swait.ge [sflag:s10], $0x80  }
0x191: {  	[sflag:s10] =	ssyncset.done $0x0  }
0x192: {  	[sflag:s10] =	ssyncadd.s32 $0xFFFFFF80  }
0x193: {  	_ =	swait.ge [sflag:s10], $0x80  }
0x194: {  	[sflag:s10] =	ssyncset.done $0x0  }
0x195: {  	[sflag:s10] =	ssyncadd.s32 $0xFFFFFF80  }
0x196: {  	_ =	swait.ge [sflag:s10], $0x80  }
0x197: {  	[sflag:s10] =	ssyncset.done $0x0  }
0x198: {  	[sflag:s10] =	ssyncadd.s32 $0xFFFFFF80  }
0x199: {  	_ =	swait.ge [sflag:s10], $0x80  }
0x19a: {  	[sflag:s10] =	ssyncset.done $0x0  }
0x19b: {  	[sflag:s10] =	ssyncadd.s32 $0xFFFFFF80  }
0x19c: {  	_ =	swait.ge [sflag:s10], $0x80  }
0x19d: {  	[sflag:s10] =	ssyncset.done $0x0  }
0x19e: {  	[sflag:s10] =	ssyncadd.s32 $0xFFFFFF80  }
0x19f: {  	_ =	swait.ge [sflag:s10], $0x80  }
0x1a0: {  	[sflag:s10] =	ssyncset.done $0x0  }
0x1a1: {  	[sflag:s10] =	ssyncadd.s32 $0xFFFFFF80  }
0x1a2: {  	_ =	swait.ge [sflag:s10], $0x80  }
0x1a3: {  	[sflag:s10] =	ssyncset.done $0x0  }
0x1a4: {  	[sflag:s10] =	ssyncadd.s32 $0xFFFFFF80  }
0x1a5: {  	_ =	swait.ge [sflag:s10], $0x80  }
0x1a6: {  	[sflag:s10] =	ssyncset.done $0x0  }
0x1a7: {  	[sflag:s10] =	ssyncadd.s32 $0xFFFFFF80  }
0x1a8: {  	_ =	swait.ge [sflag:s10], $0x80  }
0x1a9: {  	[sflag:s10] =	ssyncset.done $0x0  }
0x1aa: {  	[sflag:s10] =	ssyncadd.s32 $0xFFFFFF80  }
0x1ab: {  	_ =	swait.ge [sflag:s10], $0x80  }
.Ltmp5:
0x1ac: {  	[sflag:s10] =	ssyncset.done $0x0;
	(pc) =	sbr.rel @p1 .LBB2_8-.Ltmp5, $4  }
0x1ad: {  	[sflag:s10] =	ssyncadd.s32 $0xFFFFFF80  }
0x1ae: {  	_ =	swait.ge [sflag:s10], $0x80  }
0x1af: {  	[sflag:s10] =	ssyncset.done $0x0  }
0x1b0: {  	[sflag:s10] =	ssyncadd.s32 $0xFFFFFF80  }
.Ltmp6:
0x1b1: {  	s9 =	sadd.s32 s5, s11;
	(pc) =	sbr.rel .LBB2_7-.Ltmp6, $4  }
0x1b2: {  	s24 =	sadd.s32 s5, s12;
	s9 =	sadd.s32 $0xA800, s9  }
0x1b3: {  	[tilespmem:s29], [sflag:$0x2] =	stream.linear.gather [hbm4b:s9+s3], $0x400, $0x38;
	[tilespmem:$0x1580] =	vst v63  }
0x1b4: {  	s5 =	sadd.s32 $0x1000, s5;
	s9 =	sadd.s32 $0xA800, s24  }
0x1b5: {  	[tilespmem:s30], [sflag:$0x2] =	stream.linear.gather [hbm4b:s9+s3], $0x400, $0x38;
	[tilespmem:$0x1580] =	vst v63  }
.LBB2_4:
.Ltmp7:
0x1b6: {  	(pc) =	sbr.rel .LBB2_9-.Ltmp7, $4  }
0x1b7: {  	_ = 	snop  }
0x1b8: {  	s23 =	rddreg [dreg:$0x11]  }
0x1b9: {  	s5 =	rddreg [dreg:$0x12]  }
0x1ba: {  	s24 =	simm.s32 $0x5;
	s14 =	rddreg [dreg:$0x14]  }
.LBB2_10:
0x1bb: {  	_ =	sfence.sel $0x180000  }
0x1bc: {  	[bflag:$0x0] =	sbarrier.arrive $0xFFFF  }
0x1bd: {  	_ =	strace $0x90000047  }
0x1be: {  	s0 =	stileid.u32;
	[bflag:$0x2] =	sbarrier.arrive $0xFFFF  }
0x1bf: {  	p0 =	sne.s32 s0, $0x0;
	s0 =	rddreg [dreg:$0x4]  }
0x1c0: {  	s0 =	sadd.s32 @!p0 $0x100000, s0  }
0x1c1: {  	[sflag:s0] =	ssyncadd.tile.s32 @!p0 $0x1;
	_ =	shalt  }
.Lfunc_end2:
_tile_overlayer_lowered:
.L_overlay_start_2:
0x1c2: {  	(tag) =	ssettag $0x2  }
0x1c3: {  	s0 =	rddreg [dreg:$0x0];
	s2 =	stileid.u32  }
0x1c4: {  	s1 =	rddreg [dreg:$0x1];
	p0 =	sne.s32 s2, $0x0  }
0x1c5: {  	s3 =	rddreg [dreg:$0x2];
	[bflag:$0x3] =	sbarrier.arrive $0xFFFF;
	s2 =	simm.s32 @!p0 $0x1C05  }
0x1c6: {  	[timem:s3], [sflag:s2] =	dma.local @!p0 [hbm:s0], s1  }
0x1c7: {  	s0 =	simm.s32 @!p0 $0x5  }
0x1c8: {  	_ =	swait.ge @!p0 [sflag:s0], s1  }
0x1c9: {  	s1 =	ssub.s32 @!p0 $0x0, s1;
	[sflag:s0] =	ssyncset.done @!p0 $0x0  }
0x1ca: {  	[sflag:s0] =	ssyncadd.s32 @!p0 s1  }
0x1cb: {  	[bflag:$0x3] =	sbarrier.arrive $0xFFFF  }
0x1cc: {  	_ =	shalt  }

// kernel: kernel.9.cloned.1.call-start
scs
__scs_entry_jumppad:
0x0: {  	(pc) =	sbr.rel $0x88, $3  }
0x1: {  	(tag) =	ssettag $0x0;
	lr =	simm.s32 $0x1  }
0x2: {  	[smem:$0x3F9A] =	sst lr;
	_ =	strace $0xD0000000  }
0x3: {  	_ = 	snop  }
0x4: {  	_ = 	snop  }
0x5: {  	_ = 	snop  }
0x6: {  	_ = 	snop  }
0x7: {  	_ = 	snop  }
__scs_overlays_trampoline_lowered:
0x8: {  	[smem:$0x3FA9] =	sst s0  }
0x9: {  	[smem:$0x3FAA] =	sst s1  }
0xa: {  	[smem:$0x3FAB] =	sst s2  }
0xb: {  	[smem:$0x3FAC] =	sst s3  }
0xc: {  	[smem:$0x3FAD] =	sst s4  }
0xd: {  	[smem:$0x3FAE] =	sst s5  }
0xe: {  	[smem:$0x3FAF] =	sst s6  }
0xf: {  	[smem:$0x3FB0] =	sst s7  }
0x10: {  	[smem:$0x3FB1] =	sst s8  }
0x11: {  	[smem:$0x3FB2] =	sst s9;
	s0 =	simm.s32 @!p0 $0x0  }
0x12: {  	s1 =	sld [smem:$0x3F98];
	s0 =	simm.s32 @p0 $0x1  }
0x13: {  	[smem:$0x3FB3] =	sst s0;
	s0 =	simm.s32 @!p1 $0x0  }
0x14: {  	s2 =	sld [smem:$0x3F97];
	s0 =	simm.s32 @p1 $0x1  }
0x15: {  	[smem:$0x3FB4] =	sst s0;
	s0 =	simm.s32 @!p2 $0x0  }
0x16: {  	s3 =	sld [smem:$0x3FDB];
	s0 =	simm.s32 @p2 $0x1  }
0x17: {  	s4 =	simm.s32 $0x1BF5;
	[smem:$0x3FB6] =	sst s0  }
0x18: {  	s0 =	sld [smem:$0x3F99];
	_ =	swait.ge [sflag:s4], $0x0  }
0x19: {  	s7 =	sld [smem:$0x3F9A]  }
0x1a: {  	s8 =	sadd.s32 $0xFFFFE003, lr  }
0x1b: {  	s9 =	sadd.s32 $0xFFFFFEF7, lr;
	s5 =	simm.s32 $0xFFFFFFFF;
	p2 =	slt.u32 s8, $0xFFFFF086  }
0x1c: {  	p1 =	slt.u32 s9, $0xF7A;
	s5 =	simm.s32 @!p2 $0x0  }
0x1d: {  	s5 =	simm.s32 @p1 $0x1;
	p0 =	seq.s32 s7, s2  }
0x1e: {  	s7 =	smul.u32 @!p0 $0xF7A, s2;
	p2 =	seq.s32 @!p0 s5, $0x0  }
0x1f: {  	s9 =	smul.u32 $0xF7A, s1;
	s8 =	simm.s32 @!p0 $0x1BF5;
	p2 =	por !p2, p0  }
0x20: {  	[sflag:s8] =	ssyncset.s32 @!p0 $0xFFFFF086;
	s6 =	sadd.s32 @!p0 s3, s7;
	s7 =	simm.s32 @!p0 $0x108  }
0x21: {  	s3 =	sadd.s32 s3, s9;
	s6 =	sadd.s32 @!p0 $0x88, s6;
	s7 =	simm.s32 @p2 $0x1082  }
0x22: {  	[simem:s7], [sflag:s8] =	dma.local @!p0 [hbm:s6], $0xF7A  }
0x23: {  	s9 =	sor.u32 $0xD0000000, s2;
	s6 =	simm.s32 $0x108;
	_ =	swait.ge @!p0 [sflag:s8], $0x0  }
0x24: {  	s3 =	sadd.s32 $0x88, s3;
	s6 =	simm.s32 @!p1 $0x1082;
	[sflag:s4] =	ssyncset.s32 $0xFFFFF086  }
0x25: {  	[simem:s6], [sflag:s4] =	dma.local [hbm:s3], $0xF7A  }
0x26: {  	[smem:$0x3F9A] =	sst s1;
	(tag) =	ssettag s2;
	_ =	strace s9  }
0x27: {  	s1 =	sld [smem:$0x3FAA]  }
0x28: {  	s2 =	sld [smem:$0x3FAB]  }
0x29: {  	s4 =	sld [smem:$0x3FAD]  }
0x2a: {  	p0 =	seq.s32 s5, $0x0;
	s5 =	sld [smem:$0x3FAE]  }
0x2b: {  	s6 =	sld [smem:$0x3FAF]  }
0x2c: {  	s7 =	sld [smem:$0x3FB0]  }
0x2d: {  	s3 =	simm.s32 $0x108;
	s8 =	sld [smem:$0x3FB1]  }
0x2e: {  	s3 =	simm.s32 @!p0 $0x1082;
	s9 =	sld [smem:$0x3FB2]  }
0x2f: {  	lr =	sadd.s32 s0, s3;
	s0 =	sld [smem:$0x3FA9]  }
0x30: {  	s3 =	sld [smem:$0x3FAC]  }
0x31: {  	[smem:$0x3FB5] =	sst s10  }
0x32: {  	s10 =	sld [smem:$0x3FB3];
	_ =	sdelay $0x3  }
0x33: {  	p0 =	seq.s32 s10, $0x1;
	s10 =	sld [smem:$0x3FB5];
	_ =	sdelay $0x3  }
0x34: {  	[smem:$0x3FB5] =	sst s10  }
0x35: {  	s10 =	sld [smem:$0x3FB4];
	_ =	sdelay $0x3  }
0x36: {  	p1 =	seq.s32 s10, $0x1;
	s10 =	sld [smem:$0x3FB5];
	_ =	sdelay $0x3  }
0x37: {  	[smem:$0x3FB5] =	sst s10  }
0x38: {  	s10 =	sld [smem:$0x3FB6]  }
0x39: {  	_ = 	snop;
	(pc) =	sbr.ind lr, $3  }
0x3a: {  	_ = 	snop  }
0x3b: {  	_ = 	snop  }
0x3c: {  	p2 =	seq.s32 s10, $0x1;
	s10 =	sld [smem:$0x3FB5]  }
0x3d: {  	_ =	shalt  }
0x3e: {  	_ =	shalt  }
0x3f: {  	_ =	shalt  }
0x40: {  	_ =	shalt  }
0x41: {  	_ =	shalt  }
0x42: {  	_ =	shalt  }
0x43: {  	_ =	shalt  }
0x44: {  	_ =	shalt  }
0x45: {  	_ =	shalt  }
0x46: {  	_ =	shalt  }
0x47: {  	_ =	shalt  }
0x48: {  	_ =	shalt  }
0x49: {  	_ =	shalt  }
0x4a: {  	_ =	shalt  }
0x4b: {  	_ =	shalt  }
0x4c: {  	_ =	shalt  }
0x4d: {  	_ =	shalt  }
0x4e: {  	_ =	shalt  }
0x4f: {  	_ =	shalt  }
0x50: {  	_ =	shalt  }
0x51: {  	_ =	shalt  }
0x52: {  	_ =	shalt  }
0x53: {  	_ =	shalt  }
0x54: {  	_ =	shalt  }
0x55: {  	_ =	shalt  }
0x56: {  	_ =	shalt  }
0x57: {  	_ =	shalt  }
0x58: {  	_ =	shalt  }
0x59: {  	_ =	shalt  }
0x5a: {  	_ =	shalt  }
0x5b: {  	_ =	shalt  }
0x5c: {  	_ =	shalt  }
0x5d: {  	_ =	shalt  }
0x5e: {  	_ =	shalt  }
0x5f: {  	_ =	shalt  }
0x60: {  	_ =	shalt  }
0x61: {  	_ =	shalt  }
0x62: {  	_ =	shalt  }
0x63: {  	_ =	shalt  }
0x64: {  	_ =	shalt  }
0x65: {  	_ =	shalt  }
0x66: {  	_ =	shalt  }
0x67: {  	_ =	shalt  }
0x68: {  	_ =	shalt  }
0x69: {  	_ =	shalt  }
0x6a: {  	_ =	shalt  }
0x6b: {  	_ =	shalt  }
0x6c: {  	_ =	shalt  }
0x6d: {  	_ =	shalt  }
0x6e: {  	_ =	shalt  }
0x6f: {  	_ =	shalt  }
0x70: {  	_ =	shalt  }
0x71: {  	_ =	shalt  }
0x72: {  	_ =	shalt  }
0x73: {  	_ =	shalt  }
0x74: {  	_ =	shalt  }
0x75: {  	_ =	shalt  }
0x76: {  	_ =	shalt  }
0x77: {  	_ =	shalt  }
0x78: {  	_ =	shalt  }
0x79: {  	_ =	shalt  }
0x7a: {  	_ =	shalt  }
0x7b: {  	_ =	shalt  }
0x7c: {  	_ =	shalt  }
0x7d: {  	_ =	shalt  }
0x7e: {  	_ =	shalt  }
0x7f: {  	_ =	shalt  }
0x80: {  	_ =	shalt  }
0x81: {  	_ =	shalt  }
0x82: {  	_ =	shalt  }
0x83: {  	_ =	shalt  }
0x84: {  	_ =	shalt  }
0x85: {  	_ =	shalt  }
0x86: {  	_ =	shalt  }
0x87: {  	_ =	shalt  }
.Lfunc_end0:
.L_simem_size_0:
called_computation.1_lowered:
.L_overlay_start_0:
0x88: {  	s2 =	sld [smem:$0x3FD9]  }
0x89: {  	s3 =	sld [smem:$0x3FFE];
	_ =	sdelay $0x1  }
0x8a: {  	s1 =	srdreg.scid  }
0x8b: {  	s0 =	sand.u32 $0x1, s1  }
0x8c: {  	s17 =	sshll.u32 s0, $0xA;
	s2 =	sadd.s32 s3, s2  }
0x8d: {  	s2 =	sadd.s32 s2, s17  }
0x8e: {  	[smem:$0x3FC1] =	sst s2  }
0x8f: {  	_ = 	snop  }
0x90: {  	s2 =	sld [smem:$0x3FD0];
	(tm) =	ssettm $0x1  }
0x91: {  	s18 =	sld [smem:$0x3FFB];
	_ =	sdelay $0x3  }
0x92: {  	_ =	strace s18  }
0x93: {  	s3 =	sld [smem:$0x3FFC];
	_ =	sdelay $0x3  }
0x94: {  	_ =	strace s3  }
0x95: {  	s3 =	sld [smem:$0x3FFD];
	_ =	sdelay $0x3  }
0x96: {  	_ =	strace s3  }
0x97: {  	_ =	strace $0x8FFFFFFF  }
0x98: {  	s19 =	sld [smem:$0x3FDB];
	_ =	sdelay $0x1  }
0x99: {  	s4 =	simm.s32 $_scs_section_size  }
0x9a: {  	s5 =	simm.s32 $_size__tile_overlayer_lowered;
	s6 =	simm.s32 $_tile_overlayer_lowered  }
0x9b: {  	s22 =	simm.s32 $0x1BFF;
	s21 =	sshll.u32 s6, $0x1;
	s3 =	sadd.s32 s4, s19  }
0x9c: {  	s7 =	simm.s32 $0x0;
	s20 =	sshll.u32 s5, $0x1;
	s5 =	sadd.s32 s21, s3  }
0x9d: {  	[timem:s7], [sflag:s22] =	dma.local [hbm:s5], s20  }
0x9e: {  	_ =	swait.ge [sflag:s22], s20  }
0x9f: {  	s4 =	ssub.s32 $0x0, s20;
	[sflag:s22] =	ssyncset.done $0x0  }
0xa0: {  	[sflag:s22] =	ssyncadd.s32 s4;
	_ =	sdelay $0x1  }
0xa1: {  	s23 =	simm.s32 $0x1B8B  }
0xa2: {  	_ =	swait.ge [sflag:s23], $0x1  }
0xa3: {  	[sflag:s23] =	ssyncset.done $0x0  }
0xa4: {  	s25 =	simm.s32 $0x1B8E;
	s24 =	sld [smem:$0x3FFE];
	[sflag:s23] =	ssyncadd.s32 $0xFFFFFFFF  }
0xa5: {  	s26 =	simm.s32 $execute0_lowered;
	[smem:$0x3FD2] =	sst s25  }
0xa6: {  	s5 =	sshll.u32 s26, $0x1;
	_ =	strace $0x80000049;
	[dreg:$0x1] =	wrdreg $0xFFFFFFFF  }
0xa7: {  	s28 =	simm.s32 $_size_execute0_lowered;
	s3 =	sadd.s32 s3, s5;
	[dreg:$0x0] =	wrdreg $0x0  }
0xa8: {  	s5 =	sshll.u32 s28, $0x1;
	[dreg:$0x2] =	wrdreg s3  }
0xa9: {  	[dreg:$0x3] =	wrdreg s5  }
0xaa: {  	[dreg:$0x4] =	wrdreg $0xC0  }
0xab: {  	_ =	task [dreg:s7], $0x5FFFF  }
0xac: {  	[dreg:$0x1] =	wrdreg $0xFFFFFFFF  }
0xad: {  	[dreg:$0x0] =	wrdreg $0x60  }
0xae: {  	[dreg:$0x2] =	wrdreg s24  }
0xaf: {  	[dreg:$0x3] =	wrdreg s2  }
0xb0: {  	[dreg:$0x4] =	wrdreg $0x0  }
0xb1: {  	[dreg:$0x5] =	wrdreg $0x9  }
0xb2: {  	_ =	task.clear_ibuf [dreg:s7], $0x6FFFF;
	_ =	strace $0x90000049  }
0xb3: {  	s29 =	simm.s32 $0x9;
	_ =	strace $0x8000004B  }
0xb4: {  	_ =	swait.ge [sflag:s29], $0x1  }
0xb5: {  	[sflag:s29] =	ssyncadd.s32 $0xFFFFFFFF  }
0xb6: {  	_ =	strace $0x9000004B  }
0xb7: {  	_ =	sfence  }
0xb8: {  	s30 =	sld [smem:$0x0];
	_ =	sdelay $0x2  }
0xb9: {  	s31 =	sshll.u32 s1, $0xD;
	s1 =	sshrl.u32 s1, $0x2  }
0xba: {  	s3 =	sand.u32 $0x4000, s31;
	s1 =	sadd.s32 s1, s30  }
0xbb: {  	s0 =	sor.u32 s3, s0;
	s1 =	sshll.u32 s1, $0x11  }
0xbc: {  	s0 =	sor.u32 s1, s0  }
0xbd: {  	s0 =	sadd.s32 $0x8F2B, s0  }
0xbe: {  	[sflag:s0] =	ssyncadd.remote.s32 $0x1  }
0xbf: {  	_ =	sfence.sel $0xFFFF  }
0xc0: {  	[dreg:$0x0] =	wrdreg $0xFFFFFFFF;
	(pc) =	sbr.abs _section_cstart, $3  }
0xc1: {  	[dreg:$0x1] =	wrdreg $0xFFFFFFFF  }
0xc2: {  	_ =	task.clear_ibuf [dreg:s7], $0x2FFFF;
	_ =	strace $0x9FFFFFFF  }
0xc3: {  	(tm) =	ssettm $0x7FFFFFFF  }
tec
execute0_lowered:
.L_overlay_start_1:
0x0: {  	(tag) =	ssettag $0x1  }
0x1: {  	s0 =	srdreg.scid;
	s3 =	rddreg [dreg:$0x0]  }
0x2: {  	s4 =	rddreg [dreg:$0x1];
	s18 =	stileid.u32  }
0x3: {  	s31 =	simm.s32 $0x14400;
	s0 =	sand.u32 $0x1, s0;
	s9 =	sshll.u32 s18, $0x4  }
0x4: {  	s5 =	sadd.s32 $0x15200, s3;
	s7 =	sadd.s32 $0xB200, s3;
	s10 =	sor.u32 $0x100, s9  }
0x5: {  	s6 =	sadd.s32 $0x1200, s3;
	s29 =	sadd.s32 $0x1F200, s3;
	s11 =	sadd.s32 s7, s10  }
0x6: {  	s24 =	sor.u32 $0x200, s9;
	s23 =	sadd.s32 s4, s10;
	[dreg:$0x4] =	wrdreg s11  }
0x7: {  	s30 =	sadd.s32 $0x47200, s3;
	s12 =	sadd.s32 s7, s24;
	[dreg:$0x5] =	wrdreg s23  }
0x8: {  	s26 =	sor.u32 $0x300, s9;
	s25 =	sadd.s32 s4, s24;
	[dreg:$0x6] =	wrdreg s12  }
0x9: {  	s1 =	ssub.s32 $0x2, s0;
	s13 =	sadd.s32 s7, s26;
	[dreg:$0x7] =	wrdreg s25  }
0xa: {  	s20 =	sor.u32 $0x700, s9;
	s14 =	sadd.s32 s4, s26;
	[dreg:$0x8] =	wrdreg s13  }
0xb: {  	s21 =	sor.u32 $0x500, s9;
	s15 =	sadd.s32 s5, s10;
	[dreg:$0x9] =	wrdreg s14  }
0xc: {  	p0 =	sne.s32 s0, $0x0;
	s10 =	sadd.s32 s6, s10;
	[dreg:$0xa] =	wrdreg s15  }
0xd: {  	s2 =	sshrl.u32 s1, $0x1;
	s16 =	sadd.s32 s5, s24;
	[dreg:$0xb] =	wrdreg s10  }
0xe: {  	s17 =	sadd.s32 s6, s24;
	s19 =	sadd.s32 s5, s26;
	[dreg:$0xc] =	wrdreg s16  }
0xf: {  	s24 =	sand.u32 $0x70, s9;
	s8 =	ssub.s32 s1, s2;
	[dreg:$0xd] =	wrdreg s17  }
0x10: {  	s1 =	sadd.s32 s7, s9;
	s2 =	sadd.s32 s4, s9;
	[dreg:$0xe] =	wrdreg s19  }
0x11: {  	s12 =	sadd.s32 s6, s26;
	s10 =	sand.u32 $0x780, s20;
	s11 =	sand.u32 $0x580, s21  }
0x12: {  	s15 =	sadd.s32 s5, s9;
	s16 =	sadd.s32 s6, s9;
	s17 =	simm.s32 $0x0  }
0x13: {  	s19 =	sadd.s32 $0x6F200, s3;
	s20 =	smul.u32 $0x14000, s18;
	s3 =	sadd.s32 $0x71A00, s3  }
0x14: {  	s21 =	sshll.u32 s18, $0x6;
	[dreg:$0xf] =	wrdreg s12;
	s22 =	sadd.s32 s10, s7  }
0x15: {  	s7 =	sadd.s32 s11, s7;
	s23 =	sadd.s32 s10, s4;
	s4 =	sadd.s32 s11, s4  }
0x16: {  	s14 =	sadd.s32 s10, s5;
	s10 =	sadd.s32 s10, s6;
	s5 =	sadd.s32 s11, s5  }
0x17: {  	s11 =	sadd.s32 s11, s6;
	[smem:$0x7FF] =	sst s17;
	s21 =	sor.u32 $0x1C07, s21  }
0x18: {  	s6 =	simm.s32 $0x80;
	s9 =	sadd.s32 s24, s22;
	s26 =	sadd.s32 s24, s23  }
0x19: {  	s7 =	sadd.s32 s24, s7;
	s4 =	sadd.s32 s24, s4;
	s12 =	sadd.s32 s24, s14  }
0x1a: {  	s13 =	sadd.s32 s24, s10;
	s25 =	sadd.s32 s24, s5;
	[dreg:$0x10] =	wrdreg s9  }
0x1b: {  	s28 =	sadd.s32 s24, s11;
	s14 =	smul.u32 $0x50000, s18;
	[dreg:$0x11] =	wrdreg s26  }
0x1c: {  	s22 =	sshrl.u32 s20, $0x3;
	s23 =	smax.u32 s8, $0x1;
	[dreg:$0x12] =	wrdreg s7  }
0x1d: {  	s24 =	smul.u32 $0x2800, s18;
	s8 =	simm.s32 $0x14000;
	[dreg:$0x13] =	wrdreg s4  }
0x1e: {  	s10 =	simm.s32 $0x14080;
	s11 =	simm.s32 $0x14280;
	[dreg:$0x14] =	wrdreg s12  }
0x1f: {  	s5 =	simm.s32 $0x2;
	s18 =	simm.s32 $0x6;
	[dreg:$0x15] =	wrdreg s13  }
0x20: {  	s26 =	rddreg [dreg:$0x2];
	s7 =	simm.s32 $0x7;
	s9 =	simm.s32 $0x14200  }
0x21: {  	s12 =	simm.s32 $0x14100;
	_ =	strace $0x8000004A;
	[dreg:$0x16] =	wrdreg s19  }
0x22: {  	s13 =	simm.s32 $0x14300;
	s4 =	simm.s32 $0x14380;
	[dreg:$0x17] =	wrdreg s3  }
.Ltmp0:
0x23: {  	s0 =	sshrl.u32 s14, $0x2;
	[dreg:$0x1b] =	wrdreg s23;
	(pc) =	sbr.rel .LBB2_1-.Ltmp0, $4  }
0x24: {  	[dreg:$0x1c] =	wrdreg s24;
	s14 =	simm.s32 $0x14180;
	s3 =	simm.s32 $0x5  }
0x25: {  	s19 =	simm.s32 $0x3;
	[dreg:$0x19] =	wrdreg s21;
	s0 =	sadd.s32 s0, s26  }
0x26: {  	s24 =	simm.s32 $0x0;
	[dreg:$0x18] =	wrdreg s0;
	s0 =	sadd.s32 $0x28000, s22  }
0x27: {  	s22 =	simm.s32 $0x18400;
	[dreg:$0x1a] =	wrdreg s0;
	s0 =	simm.s32 $0x1  }
.LBB2_8:
0x28: {  	s23 =	rddreg [dreg:$0x1a]  }
0x29: {  	s21 =	rddreg [dreg:$0x19]  }
0x2a: {  	s24 =	rddreg [dreg:$0x1d]  }
.LBB2_9:
0x2b: {  	_ =	swait.ge [sflag:s18], $0x4000  }
0x2c: {  	[sflag:s18] =	ssyncset.done $0x0  }
0x2d: {  	[sflag:s18] =	ssyncadd.s32 $0xFFFFC000  }
0x2e: {  	s20 =	rddreg [dreg:$0x17];
	[bflag:$0x0] =	sbarrier.arrive $0xFFFF  }
0x2f: {  	s20 =	sadd.s32 s20, s23;
	s23 =	rddreg [dreg:$0x1e]  }
0x30: {  	[hbm:s20], [sflag:s21] =	dma.local [spmem:s23], $0x2800  }
0x31: {  	_ =	swait.ge [sflag:s7], $0x2800  }
0x32: {  	s24 =	sadd.s32 $0x1, s24;
	s23 =	rddreg [dreg:$0x1b]  }
0x33: {  	p1 =	sne.s32 s24, s23  }
.Ltmp1:
0x34: {  	_ = 	snop;
	(pc) =	sbr.rel @!p1 .LBB2_10-.Ltmp1, $3  }
0x35: {  	_ =	sdelay $0x1  }
0x36: {  	[sflag:s7] =	ssyncset.done $0x0  }
0x37: {  	[sflag:s7] =	ssyncadd.s32 $0xFFFFD800  }
.LBB2_1:
0x38: {  	[dreg:$0x1d] =	wrdreg s24  }
0x39: {  	s20 =	rddreg [dreg:$0x18]  }
0x3a: {  	s24 =	rddreg [dreg:$0x16];
	s23 =	sshrl.u32 s20, $0x3  }
0x3b: {  	[dreg:$0x1e] =	wrdreg s23  }
0x3c: {  	[spmem:s23], [sflag:s21] =	dma.local [hbm:s24], $0x2800  }
.Ltmp2:
0x3d: {  	_ =	swait.ge [sflag:s7], $0x2800;
	(pc) =	sbr.rel @p0 .LBB2_6-.Ltmp2, $4  }
0x3e: {  	[sflag:s7] =	ssyncset.done $0x0  }
0x3f: {  	[sflag:s7] =	ssyncadd.s32 $0xFFFFD800  }
0x40: {  	[bflag:$0x0] =	sbarrier.arrive $0xFFFF  }
0x41: {  	s23 =	simm.s32 $0x0  }
0x42: {  	[tilespmem:s8], [sflag:$0x7] =	stream.linear.gather [hbm4b:s15+s23], $0x80, $0x38;
	[tilespmem:$0x1C400] =	vst v63  }
0x43: {  	_ =	swait.ge [sflag:s7], $0x80  }
0x44: {  	[sflag:s7] =	ssyncset.done $0x0  }
0x45: {  	[sflag:s7] =	ssyncadd.s32 $0xFFFFFF80  }
0x46: {  	[tilespmem:s9], [sflag:$0x7] =	stream.linear.gather [hbm4b:s16+s23], $0x80, $0x38;
	[tilespmem:$0x1C400] =	vst v63  }
0x47: {  	_ =	swait.ge [sflag:s7], $0x80  }
0x48: {  	[sflag:s7] =	ssyncset.done $0x0  }
0x49: {  	s20 =	rddreg [dreg:$0xa];
	[sflag:s7] =	ssyncadd.s32 $0xFFFFFF80  }
0x4a: {  	[tilespmem:s10], [sflag:$0x7] =	stream.linear.gather [hbm4b:s20+s23], $0x80, $0x38;
	[tilespmem:$0x1C400] =	vst v63  }
0x4b: {  	_ =	swait.ge [sflag:s7], $0x80  }
0x4c: {  	[sflag:s7] =	ssyncset.done $0x0  }
0x4d: {  	s24 =	rddreg [dreg:$0xb];
	[sflag:s7] =	ssyncadd.s32 $0xFFFFFF80  }
0x4e: {  	[tilespmem:s11], [sflag:$0x7] =	stream.linear.gather [hbm4b:s24+s23], $0x80, $0x38;
	[tilespmem:$0x1C400] =	vst v63  }
0x4f: {  	_ =	swait.ge [sflag:s7], $0x80  }
0x50: {  	[sflag:s7] =	ssyncset.done $0x0  }
0x51: {  	s21 =	rddreg [dreg:$0xc];
	[sflag:s7] =	ssyncadd.s32 $0xFFFFFF80  }
0x52: {  	[tilespmem:s12], [sflag:$0x7] =	stream.linear.gather [hbm4b:s21+s23], $0x80, $0x38;
	[tilespmem:$0x1C400] =	vst v63  }
0x53: {  	_ =	swait.ge [sflag:s7], $0x80  }
0x54: {  	[sflag:s7] =	ssyncset.done $0x0  }
0x55: {  	s24 =	rddreg [dreg:$0xd];
	[sflag:s7] =	ssyncadd.s32 $0xFFFFFF80  }
0x56: {  	[tilespmem:s13], [sflag:$0x7] =	stream.linear.gather [hbm4b:s24+s23], $0x80, $0x38;
	[tilespmem:$0x1C400] =	vst v63  }
0x57: {  	_ =	swait.ge [sflag:s7], $0x80  }
0x58: {  	[sflag:s7] =	ssyncset.done $0x0  }
0x59: {  	s21 =	rddreg [dreg:$0xe];
	[sflag:s7] =	ssyncadd.s32 $0xFFFFFF80  }
0x5a: {  	[tilespmem:s14], [sflag:$0x7] =	stream.linear.gather [hbm4b:s21+s23], $0x80, $0x38;
	[tilespmem:$0x1C400] =	vst v63  }
0x5b: {  	_ =	swait.ge [sflag:s7], $0x80  }
0x5c: {  	[sflag:s7] =	ssyncset.done $0x0  }
0x5d: {  	s24 =	rddreg [dreg:$0xf];
	[sflag:s7] =	ssyncadd.s32 $0xFFFFFF80  }
0x5e: {  	[tilespmem:s4], [sflag:$0x7] =	stream.linear.gather [hbm4b:s24+s23], $0x80, $0x38;
	[tilespmem:$0x1C400] =	vst v63  }
0x5f: {  	_ =	swait.ge [sflag:s7], $0x80  }
0x60: {  	[sflag:s7] =	ssyncset.done $0x0  }
0x61: {  	[sflag:s7] =	ssyncadd.s32 $0xFFFFFF80  }
0x62: {  	[tilespmem:s31], [sflag:$0x1] =	stream.indirect.gather [hbm4b:s29+s6], $0x80, s8, s6, $0xb8;
	[tilespmem:$0x1C400] =	vst v63  }
0x63: {  	_ = 	snop  }
0x64: {  	[tilespmem:s22], [sflag:$0x2] =	stream.indirect.gather [hbm4b:s29+s6], $0x80, s10, s6, $0xb8;
	[tilespmem:$0x1C400] =	vst v63  }
.LBB2_3:
0x65: {  	p1 =	seq.s32 s23, $0x0  }
0x66: {  	s24 =	simm.s32 @!p1 $0x4  }
0x67: {  	_ =	swait.ge @!p1 [sflag:s24], $0x80  }
0x68: {  	[sflag:s24] =	ssyncset.done @!p1 $0x0  }
0x69: {  	[sflag:s24] =	ssyncadd.s32 @!p1 $0xFFFFFF80  }
0x6a: {  	_ =	swait.ge @!p1 [sflag:s24], $0x80  }
0x6b: {  	[sflag:s24] =	ssyncset.done @!p1 $0x0  }
0x6c: {  	[sflag:s24] =	ssyncadd.s32 @!p1 $0xFFFFFF80  }
0x6d: {  	_ =	swait.ge @!p1 [sflag:s24], $0x80  }
0x6e: {  	[sflag:s24] =	ssyncset.done @!p1 $0x0  }
0x6f: {  	[sflag:s24] =	ssyncadd.s32 @!p1 $0xFFFFFF80  }
0x70: {  	_ =	swait.ge @!p1 [sflag:s24], $0x80  }
0x71: {  	[sflag:s24] =	ssyncset.done @!p1 $0x0  }
0x72: {  	[sflag:s24] =	ssyncadd.s32 @!p1 $0xFFFFFF80  }
0x73: {  	_ =	swait.ge [sflag:s0], $0x4000  }
0x74: {  	[sflag:s0] =	ssyncset.done $0x0  }
0x75: {  	[sflag:s0] =	ssyncadd.s32 $0xFFFFC000  }
0x76: {  	[spmem:s26] =	stream.indirect.scatter.add.f32 [tilespmem:s31], [sflag:$0x5], $0x80, s9, s6, $0xb8;
	[tilespmem:$0x1C400] =	vst v63  }
0x77: {  	_ =	swait.ge [sflag:s5], $0x4000  }
0x78: {  	[sflag:s5] =	ssyncset.done $0x0  }
0x79: {  	[sflag:s5] =	ssyncadd.s32 $0xFFFFC000  }
0x7a: {  	[spmem:s26] =	stream.indirect.scatter.add.f32 [tilespmem:s22], [sflag:$0x6], $0x80, s11, s6, $0xb8;
	[tilespmem:$0x1C400] =	vst v63  }
0x7b: {  	_ =	swait.ge [sflag:s3], $0x4000  }
0x7c: {  	[sflag:s3] =	ssyncset.done $0x0  }
0x7d: {  	[sflag:s3] =	ssyncadd.s32 $0xFFFFC000  }
0x7e: {  	[tilespmem:s31], [sflag:$0x1] =	stream.indirect.gather [hbm4b:s29+s6], $0x80, s12, s6, $0xb8;
	[tilespmem:$0x1C400] =	vst v63  }
0x7f: {  	_ =	swait.ge [sflag:s18], $0x4000  }
0x80: {  	p1 =	seq.s32 s23, $0x9C00;
	[sflag:s18] =	ssyncset.done $0x0  }
0x81: {  	s24 =	sadd.s32 @!p1 s23, s15;
	[sflag:s18] =	ssyncadd.s32 $0xFFFFC000  }
0x82: {  	[tilespmem:s22], [sflag:$0x2] =	stream.indirect.gather [hbm4b:s29+s6], $0x80, s14, s6, $0xb8;
	[tilespmem:$0x1C400] =	vst v63  }
0x83: {  	s20 =	simm.s32 @!p1 $0x0;
	s21 =	simm.s32 @!p1 $0x14000;
	s24 =	sadd.s32 @!p1 $0x400, s24  }
0x84: {  	[tilespmem:s21], [sflag:$0x3] =	stream.linear.gather @!p1 [hbm4b:s24+s20], $0x80, $0x38;
	[tilespmem:$0x1C400] =	vst v63  }
0x85: {  	s21 =	sadd.s32 @!p1 s23, s16  }
0x86: {  	s24 =	simm.s32 @!p1 $0x14200;
	s21 =	sadd.s32 @!p1 $0x400, s21  }
0x87: {  	[tilespmem:s24], [sflag:$0x3] =	stream.linear.gather @!p1 [hbm4b:s21+s20], $0x80, $0x38;
	[tilespmem:$0x1C400] =	vst v63  }
0x88: {  	s21 =	sadd.s32 @!p1 s23, s25;
	s24 =	simm.s32 @!p1 $0x14080  }
0x89: {  	[tilespmem:s24], [sflag:$0x3] =	stream.linear.gather @!p1 [hbm4b:s21+s20], $0x80, $0x38;
	[tilespmem:$0x1C400] =	vst v63  }
0x8a: {  	s21 =	sadd.s32 @!p1 s23, s28;
	s24 =	simm.s32 @!p1 $0x14280  }
0x8b: {  	[tilespmem:s24], [sflag:$0x3] =	stream.linear.gather @!p1 [hbm4b:s21+s20], $0x80, $0x38;
	[tilespmem:$0x1C400] =	vst v63  }
0x8c: {  	_ =	swait.ge [sflag:s0], $0x4000  }
0x8d: {  	[sflag:s0] =	ssyncset.done $0x0  }
0x8e: {  	[sflag:s0] =	ssyncadd.s32 $0xFFFFC000  }
0x8f: {  	[spmem:s26] =	stream.indirect.scatter.add.f32 [tilespmem:s31], [sflag:$0x5], $0x80, s13, s6, $0xb8;
	[tilespmem:$0x1C400] =	vst v63  }
0x90: {  	_ =	swait.ge [sflag:s5], $0x4000  }
0x91: {  	[sflag:s5] =	ssyncset.done $0x0  }
.Ltmp3:
0x92: {  	[sflag:s5] =	ssyncadd.s32 $0xFFFFC000;
	(pc) =	sbr.rel @p1 .LBB2_4-.Ltmp3, $4  }
0x93: {  	[spmem:s26] =	stream.indirect.scatter.add.f32 [tilespmem:s22], [sflag:$0x6], $0x80, s4, s6, $0xb8;
	[tilespmem:$0x1C400] =	vst v63  }
0x94: {  	_ =	swait.ge [sflag:s3], $0x4000  }
0x95: {  	[sflag:s3] =	ssyncset.done $0x0  }
0x96: {  	[sflag:s3] =	ssyncadd.s32 $0xFFFFC000  }
0x97: {  	_ =	swait.ge [sflag:s19], $0x80  }
0x98: {  	[sflag:s19] =	ssyncset.done $0x0  }
0x99: {  	[sflag:s19] =	ssyncadd.s32 $0xFFFFFF80  }
0x9a: {  	_ =	swait.ge [sflag:s19], $0x80  }
0x9b: {  	[sflag:s19] =	ssyncset.done $0x0  }
0x9c: {  	[sflag:s19] =	ssyncadd.s32 $0xFFFFFF80  }
0x9d: {  	_ =	swait.ge [sflag:s19], $0x80  }
0x9e: {  	[sflag:s19] =	ssyncset.done $0x0  }
0x9f: {  	[sflag:s19] =	ssyncadd.s32 $0xFFFFFF80  }
0xa0: {  	_ =	swait.ge [sflag:s19], $0x80  }
0xa1: {  	[sflag:s19] =	ssyncset.done $0x0  }
0xa2: {  	[sflag:s19] =	ssyncadd.s32 $0xFFFFFF80  }
0xa3: {  	[tilespmem:s31], [sflag:$0x1] =	stream.indirect.gather [hbm4b:s29+s6], $0x80, s8, s6, $0xb8;
	[tilespmem:$0x1C400] =	vst v63  }
0xa4: {  	_ =	swait.ge [sflag:s18], $0x4000  }
0xa5: {  	[sflag:s18] =	ssyncset.done $0x0  }
0xa6: {  	s20 =	sadd.s32 s23, s15;
	[sflag:s18] =	ssyncadd.s32 $0xFFFFC000  }
0xa7: {  	[tilespmem:s22], [sflag:$0x2] =	stream.indirect.gather [hbm4b:s29+s6], $0x80, s10, s6, $0xb8;
	[tilespmem:$0x1C400] =	vst v63  }
0xa8: {  	s24 =	sadd.s32 s23, s16;
	s20 =	sadd.s32 $0x600, s20  }
0xa9: {  	[tilespmem:s12], [sflag:$0x4] =	stream.linear.gather [hbm4b:s20+s17], $0x80, $0x38;
	[tilespmem:$0x1C400] =	vst v63  }
0xaa: {  	s20 =	sadd.s32 $0x600, s24  }
0xab: {  	[tilespmem:s13], [sflag:$0x4] =	stream.linear.gather [hbm4b:s20+s17], $0x80, $0x38;
	[tilespmem:$0x1C400] =	vst v63  }
.Ltmp4:
0xac: {  	s21 =	rddreg [dreg:$0x14];
	(pc) =	sbr.rel .LBB2_3-.Ltmp4, $4  }
0xad: {  	s24 =	rddreg [dreg:$0x15];
	s20 =	sadd.s32 s23, s21  }
0xae: {  	[tilespmem:s14], [sflag:$0x4] =	stream.linear.gather [hbm4b:s20+s17], $0x80, $0x38;
	[tilespmem:$0x1C400] =	vst v63  }
0xaf: {  	s20 =	sadd.s32 s23, s24;
	s23 =	sadd.s32 $0x400, s23  }
0xb0: {  	[tilespmem:s4], [sflag:$0x4] =	stream.linear.gather [hbm4b:s20+s17], $0x80, $0x38;
	[tilespmem:$0x1C400] =	vst v63  }
.LBB2_6:
0xb1: {  	[tilespmem:s8], [sflag:$0x7] =	stream.linear.gather [hbm4b:s1+s23], $0x80, $0x38;
	[tilespmem:$0x1C400] =	vst v63  }
0xb2: {  	_ =	swait.ge [sflag:s7], $0x80  }
0xb3: {  	[sflag:s7] =	ssyncset.done $0x0  }
0xb4: {  	[sflag:s7] =	ssyncadd.s32 $0xFFFFFF80  }
0xb5: {  	[tilespmem:s9], [sflag:$0x7] =	stream.linear.gather [hbm4b:s2+s23], $0x80, $0x38;
	[tilespmem:$0x1C400] =	vst v63  }
0xb6: {  	_ =	swait.ge [sflag:s7], $0x80  }
0xb7: {  	[sflag:s7] =	ssyncset.done $0x0  }
0xb8: {  	s20 =	rddreg [dreg:$0x4];
	[sflag:s7] =	ssyncadd.s32 $0xFFFFFF80  }
0xb9: {  	[tilespmem:s10], [sflag:$0x7] =	stream.linear.gather [hbm4b:s20+s23], $0x80, $0x38;
	[tilespmem:$0x1C400] =	vst v63  }
0xba: {  	_ =	swait.ge [sflag:s7], $0x80  }
0xbb: {  	[sflag:s7] =	ssyncset.done $0x0  }
0xbc: {  	s24 =	rddreg [dreg:$0x5];
	[sflag:s7] =	ssyncadd.s32 $0xFFFFFF80  }
0xbd: {  	[tilespmem:s11], [sflag:$0x7] =	stream.linear.gather [hbm4b:s24+s23], $0x80, $0x38;
	[tilespmem:$0x1C400] =	vst v63  }
0xbe: {  	_ =	swait.ge [sflag:s7], $0x80  }
0xbf: {  	[sflag:s7] =	ssyncset.done $0x0  }
0xc0: {  	s21 =	rddreg [dreg:$0x6];
	[sflag:s7] =	ssyncadd.s32 $0xFFFFFF80  }
0xc1: {  	[tilespmem:s12], [sflag:$0x7] =	stream.linear.gather [hbm4b:s21+s23], $0x80, $0x38;
	[tilespmem:$0x1C400] =	vst v63  }
0xc2: {  	_ =	swait.ge [sflag:s7], $0x80  }
0xc3: {  	[sflag:s7] =	ssyncset.done $0x0  }
0xc4: {  	s24 =	rddreg [dreg:$0x7];
	[sflag:s7] =	ssyncadd.s32 $0xFFFFFF80  }
0xc5: {  	[tilespmem:s13], [sflag:$0x7] =	stream.linear.gather [hbm4b:s24+s23], $0x80, $0x38;
	[tilespmem:$0x1C400] =	vst v63  }
0xc6: {  	_ =	swait.ge [sflag:s7], $0x80  }
0xc7: {  	[sflag:s7] =	ssyncset.done $0x0  }
0xc8: {  	s21 =	rddreg [dreg:$0x8];
	[sflag:s7] =	ssyncadd.s32 $0xFFFFFF80  }
0xc9: {  	[tilespmem:s14], [sflag:$0x7] =	stream.linear.gather [hbm4b:s21+s23], $0x80, $0x38;
	[tilespmem:$0x1C400] =	vst v63  }
0xca: {  	_ =	swait.ge [sflag:s7], $0x80  }
0xcb: {  	[sflag:s7] =	ssyncset.done $0x0  }
0xcc: {  	s24 =	rddreg [dreg:$0x9];
	[sflag:s7] =	ssyncadd.s32 $0xFFFFFF80  }
0xcd: {  	[tilespmem:s4], [sflag:$0x7] =	stream.linear.gather [hbm4b:s24+s23], $0x80, $0x38;
	[tilespmem:$0x1C400] =	vst v63  }
0xce: {  	_ =	swait.ge [sflag:s7], $0x80  }
0xcf: {  	[sflag:s7] =	ssyncset.done $0x0  }
0xd0: {  	[sflag:s7] =	ssyncadd.s32 $0xFFFFFF80  }
0xd1: {  	[tilespmem:s31], [sflag:$0x1] =	stream.indirect.gather [hbm4b:s30+s6], $0x80, s8, s6, $0xb8;
	[tilespmem:$0x1C400] =	vst v63  }
0xd2: {  	_ = 	snop  }
0xd3: {  	[tilespmem:s22], [sflag:$0x2] =	stream.indirect.gather [hbm4b:s30+s6], $0x80, s10, s6, $0xb8;
	[tilespmem:$0x1C400] =	vst v63  }
.LBB2_7:
0xd4: {  	p1 =	seq.s32 s23, $0x0  }
0xd5: {  	s20 =	simm.s32 @!p1 $0x4  }
0xd6: {  	_ =	swait.ge @!p1 [sflag:s20], $0x80  }
0xd7: {  	[sflag:s20] =	ssyncset.done @!p1 $0x0  }
0xd8: {  	[sflag:s20] =	ssyncadd.s32 @!p1 $0xFFFFFF80  }
0xd9: {  	_ =	swait.ge @!p1 [sflag:s20], $0x80  }
0xda: {  	[sflag:s20] =	ssyncset.done @!p1 $0x0  }
0xdb: {  	[sflag:s20] =	ssyncadd.s32 @!p1 $0xFFFFFF80  }
0xdc: {  	_ =	swait.ge @!p1 [sflag:s20], $0x80  }
0xdd: {  	[sflag:s20] =	ssyncset.done @!p1 $0x0  }
0xde: {  	[sflag:s20] =	ssyncadd.s32 @!p1 $0xFFFFFF80  }
0xdf: {  	_ =	swait.ge @!p1 [sflag:s20], $0x80  }
0xe0: {  	[sflag:s20] =	ssyncset.done @!p1 $0x0  }
0xe1: {  	[sflag:s20] =	ssyncadd.s32 @!p1 $0xFFFFFF80  }
0xe2: {  	_ =	swait.ge [sflag:s0], $0x4000  }
0xe3: {  	[sflag:s0] =	ssyncset.done $0x0  }
0xe4: {  	[sflag:s0] =	ssyncadd.s32 $0xFFFFC000  }
0xe5: {  	[spmem:s26] =	stream.indirect.scatter.add.f32 [tilespmem:s31], [sflag:$0x5], $0x80, s9, s6, $0xb8;
	[tilespmem:$0x1C400] =	vst v63  }
0xe6: {  	_ =	swait.ge [sflag:s5], $0x4000  }
0xe7: {  	[sflag:s5] =	ssyncset.done $0x0  }
0xe8: {  	[sflag:s5] =	ssyncadd.s32 $0xFFFFC000  }
0xe9: {  	[spmem:s26] =	stream.indirect.scatter.add.f32 [tilespmem:s22], [sflag:$0x6], $0x80, s11, s6, $0xb8;
	[tilespmem:$0x1C400] =	vst v63  }
0xea: {  	_ =	swait.ge [sflag:s3], $0x4000  }
0xeb: {  	[sflag:s3] =	ssyncset.done $0x0  }
0xec: {  	[sflag:s3] =	ssyncadd.s32 $0xFFFFC000  }
0xed: {  	[tilespmem:s31], [sflag:$0x1] =	stream.indirect.gather [hbm4b:s30+s6], $0x80, s12, s6, $0xb8;
	[tilespmem:$0x1C400] =	vst v63  }
0xee: {  	_ =	swait.ge [sflag:s18], $0x4000  }
0xef: {  	p1 =	seq.s32 s23, $0x9C00;
	[sflag:s18] =	ssyncset.done $0x0  }
0xf0: {  	s20 =	sadd.s32 @!p1 s23, s1;
	[sflag:s18] =	ssyncadd.s32 $0xFFFFC000  }
0xf1: {  	[tilespmem:s22], [sflag:$0x2] =	stream.indirect.gather [hbm4b:s30+s6], $0x80, s14, s6, $0xb8;
	[tilespmem:$0x1C400] =	vst v63  }
0xf2: {  	s21 =	simm.s32 @!p1 $0x0;
	s24 =	simm.s32 @!p1 $0x14000;
	s20 =	sadd.s32 @!p1 $0x400, s20  }
0xf3: {  	[tilespmem:s24], [sflag:$0x3] =	stream.linear.gather @!p1 [hbm4b:s20+s21], $0x80, $0x38;
	[tilespmem:$0x1C400] =	vst v63  }
0xf4: {  	s20 =	sadd.s32 @!p1 s23, s2  }
0xf5: {  	s24 =	simm.s32 @!p1 $0x14200;
	s20 =	sadd.s32 @!p1 $0x400, s20  }
0xf6: {  	[tilespmem:s24], [sflag:$0x3] =	stream.linear.gather @!p1 [hbm4b:s20+s21], $0x80, $0x38;
	[tilespmem:$0x1C400] =	vst v63  }
0xf7: {  	s20 =	rddreg [dreg:$0x12]  }
0xf8: {  	s24 =	simm.s32 @!p1 $0x14080;
	s20 =	sadd.s32 @!p1 s23, s20  }
0xf9: {  	[tilespmem:s24], [sflag:$0x3] =	stream.linear.gather @!p1 [hbm4b:s20+s21], $0x80, $0x38;
	[tilespmem:$0x1C400] =	vst v63  }
0xfa: {  	s20 =	rddreg [dreg:$0x13]  }
0xfb: {  	s24 =	simm.s32 @!p1 $0x14280;
	s20 =	sadd.s32 @!p1 s23, s20  }
0xfc: {  	[tilespmem:s24], [sflag:$0x3] =	stream.linear.gather @!p1 [hbm4b:s20+s21], $0x80, $0x38;
	[tilespmem:$0x1C400] =	vst v63  }
0xfd: {  	_ =	swait.ge [sflag:s0], $0x4000  }
0xfe: {  	[sflag:s0] =	ssyncset.done $0x0  }
0xff: {  	[sflag:s0] =	ssyncadd.s32 $0xFFFFC000  }
0x100: {  	[spmem:s26] =	stream.indirect.scatter.add.f32 [tilespmem:s31], [sflag:$0x5], $0x80, s13, s6, $0xb8;
	[tilespmem:$0x1C400] =	vst v63  }
0x101: {  	_ =	swait.ge [sflag:s5], $0x4000  }
0x102: {  	[sflag:s5] =	ssyncset.done $0x0  }
.Ltmp5:
0x103: {  	[sflag:s5] =	ssyncadd.s32 $0xFFFFC000;
	(pc) =	sbr.rel @p1 .LBB2_8-.Ltmp5, $4  }
0x104: {  	[spmem:s26] =	stream.indirect.scatter.add.f32 [tilespmem:s22], [sflag:$0x6], $0x80, s4, s6, $0xb8;
	[tilespmem:$0x1C400] =	vst v63  }
0x105: {  	_ =	swait.ge [sflag:s3], $0x4000  }
0x106: {  	[sflag:s3] =	ssyncset.done $0x0  }
0x107: {  	[sflag:s3] =	ssyncadd.s32 $0xFFFFC000  }
0x108: {  	_ =	swait.ge [sflag:s19], $0x80  }
0x109: {  	[sflag:s19] =	ssyncset.done $0x0  }
0x10a: {  	[sflag:s19] =	ssyncadd.s32 $0xFFFFFF80  }
0x10b: {  	_ =	swait.ge [sflag:s19], $0x80  }
0x10c: {  	[sflag:s19] =	ssyncset.done $0x0  }
0x10d: {  	[sflag:s19] =	ssyncadd.s32 $0xFFFFFF80  }
0x10e: {  	_ =	swait.ge [sflag:s19], $0x80  }
0x10f: {  	[sflag:s19] =	ssyncset.done $0x0  }
0x110: {  	[sflag:s19] =	ssyncadd.s32 $0xFFFFFF80  }
0x111: {  	_ =	swait.ge [sflag:s19], $0x80  }
0x112: {  	[sflag:s19] =	ssyncset.done $0x0  }
0x113: {  	[sflag:s19] =	ssyncadd.s32 $0xFFFFFF80  }
0x114: {  	[tilespmem:s31], [sflag:$0x1] =	stream.indirect.gather [hbm4b:s30+s6], $0x80, s8, s6, $0xb8;
	[tilespmem:$0x1C400] =	vst v63  }
0x115: {  	_ =	swait.ge [sflag:s18], $0x4000  }
0x116: {  	[sflag:s18] =	ssyncset.done $0x0  }
0x117: {  	s20 =	sadd.s32 s23, s1;
	[sflag:s18] =	ssyncadd.s32 $0xFFFFC000  }
0x118: {  	[tilespmem:s22], [sflag:$0x2] =	stream.indirect.gather [hbm4b:s30+s6], $0x80, s10, s6, $0xb8;
	[tilespmem:$0x1C400] =	vst v63  }
0x119: {  	s24 =	sadd.s32 s23, s2;
	s20 =	sadd.s32 $0x600, s20  }
0x11a: {  	[tilespmem:s12], [sflag:$0x4] =	stream.linear.gather [hbm4b:s20+s17], $0x80, $0x38;
	[tilespmem:$0x1C400] =	vst v63  }
0x11b: {  	s20 =	sadd.s32 $0x600, s24  }
0x11c: {  	[tilespmem:s13], [sflag:$0x4] =	stream.linear.gather [hbm4b:s20+s17], $0x80, $0x38;
	[tilespmem:$0x1C400] =	vst v63  }
.Ltmp6:
0x11d: {  	s21 =	rddreg [dreg:$0x10];
	(pc) =	sbr.rel .LBB2_7-.Ltmp6, $4  }
0x11e: {  	s24 =	rddreg [dreg:$0x11];
	s20 =	sadd.s32 s23, s21  }
0x11f: {  	[tilespmem:s14], [sflag:$0x4] =	stream.linear.gather [hbm4b:s20+s17], $0x80, $0x38;
	[tilespmem:$0x1C400] =	vst v63  }
0x120: {  	s20 =	sadd.s32 s23, s24;
	s23 =	sadd.s32 $0x400, s23  }
0x121: {  	[tilespmem:s4], [sflag:$0x4] =	stream.linear.gather [hbm4b:s20+s17], $0x80, $0x38;
	[tilespmem:$0x1C400] =	vst v63  }
.LBB2_4:
.Ltmp7:
0x122: {  	(pc) =	sbr.rel .LBB2_9-.Ltmp7, $4  }
0x123: {  	_ = 	snop  }
0x124: {  	s23 =	rddreg [dreg:$0x1c]  }
0x125: {  	s21 =	rddreg [dreg:$0x19]  }
0x126: {  	s24 =	rddreg [dreg:$0x1d]  }
.LBB2_10:
0x127: {  	_ =	sfence.sel $0x180000  }
0x128: {  	[bflag:$0x0] =	sbarrier.arrive $0xFFFF  }
0x129: {  	_ =	strace $0x9000004A  }
0x12a: {  	s0 =	stileid.u32;
	[bflag:$0x2] =	sbarrier.arrive $0xFFFF  }
0x12b: {  	p0 =	sne.s32 s0, $0x0;
	s0 =	rddreg [dreg:$0x3]  }
0x12c: {  	s0 =	sadd.s32 @!p0 $0x100000, s0  }
0x12d: {  	[sflag:s0] =	ssyncadd.tile.s32 @!p0 $0x1;
	_ =	shalt  }
.Lfunc_end2:
_tile_overlayer_lowered:
.L_overlay_start_2:
0x12e: {  	(tag) =	ssettag $0x2  }
0x12f: {  	s0 =	rddreg [dreg:$0x0];
	s2 =	stileid.u32  }
0x130: {  	s1 =	rddreg [dreg:$0x1];
	p0 =	sne.s32 s2, $0x0  }
0x131: {  	s3 =	rddreg [dreg:$0x2];
	[bflag:$0x3] =	sbarrier.arrive $0xFFFF;
	s2 =	simm.s32 @!p0 $0x1C07  }
0x132: {  	[timem:s3], [sflag:s2] =	dma.local @!p0 [hbm:s0], s1  }
0x133: {  	s0 =	simm.s32 @!p0 $0x7  }
0x134: {  	_ =	swait.ge @!p0 [sflag:s0], s1  }
0x135: {  	s1 =	ssub.s32 @!p0 $0x0, s1;
	[sflag:s0] =	ssyncset.done @!p0 $0x0  }
0x136: {  	[sflag:s0] =	ssyncadd.s32 @!p0 s1  }
0x137: {  	[bflag:$0x3] =	sbarrier.arrive $0xFFFF  }
0x138: {  	_ =	shalt  }

</sc_bundles>
